<compile_context>
chip_gen: v7x
topology: tpu7x:2x2x1
jax: 0.10.2.dev20260603
libtpu: 0.0.44.dev20260713+nightly
codegen_flags: <defaults>
</compile_context>

<pallas_src>
import functools

import jax
import jax.numpy as jnp
from jax import lax
from jax.experimental import pallas as pl
from jax.experimental.pallas import tpu as pltpu
from jax.experimental.pallas import tpu_sc as plsc

_V = 100000
_BIG = jnp.iinfo(jnp.int32).max


_CH = 20000
_NCHUNK = _V // _CH
_VECS = _CH // 16
_NACC = 10
_LANES = 16
_NW = 32
_SC_ROWS = 64
_RPW = _SC_ROWS // _NW
_NBUF = 4


def _sc_argmax_tail(logits_par_flat, n_par_rows):
    mesh = plsc.VectorSubcoreMesh(core_axis_name="c", subcore_axis_name="s")
    row_lo = n_par_rows - _SC_ROWS

    @functools.partial(
        pl.kernel,
        out_type=jax.ShapeDtypeStruct((_NW * _LANES,), jnp.int32),
        mesh=mesh,
        scratch_types=[
            [pltpu.VMEM((_CH,), jnp.float32) for _ in range(_NBUF)],
            pltpu.VMEM((_LANES,), jnp.int32),
            [pltpu.SemaphoreType.DMA for _ in range(_NBUF)],
        ],
    )
    def run(par_hbm, out_hbm, bufs, res, sems):
        wid = lax.axis_index("c") * 16 + lax.axis_index("s")
        lane = lax.iota(jnp.int32, _LANES)

        def scan_chunk(buf, base, accs):
            def step(g, accs):
                out = list(accs)
                for k in range(_NACC):
                    j = g * _NACC + k
                    bv, bi = out[k]
                    x = buf[pl.ds(j * 16, 16)]
                    idx = lane + (base + j * 16)
                    m = x > bv
                    out[k] = (jnp.maximum(x, bv), jnp.where(m, idx, bi))
                return tuple(out)

            return lax.fori_loop(0, _VECS // _NACC, step, accs, unroll=5)

        def row_body(r, resvec):
            rbase = pl.multiple_of((row_lo + wid * _RPW + r) * _V, 16)
            cps = [
                pltpu.async_copy(
                    par_hbm.at[pl.ds(rbase + c * _CH, _CH)],
                    bufs[c % _NBUF],
                    sems[c % _NBUF],
                )
                for c in range(min(_NBUF, _NCHUNK))
            ]
            accs = tuple(
                (
                    jnp.full((_LANES,), -jnp.inf, jnp.float32),
                    jnp.zeros((_LANES,), jnp.int32),
                )
                for _ in range(_NACC)
            )
            for c in range(_NCHUNK):
                cps[c].wait()
                accs = scan_chunk(bufs[c % _NBUF], c * _CH, accs)
                if c + _NBUF < _NCHUNK:
                    cps.append(
                        pltpu.async_copy(
                            par_hbm.at[pl.ds(rbase + (c + _NBUF) * _CH, _CH)],
                            bufs[c % _NBUF],
                            sems[c % _NBUF],
                        )
                    )
            bv, bi = accs[0]
            for ov, oi in accs[1:]:
                take = (ov > bv) | ((ov == bv) & (oi < bi))
                bv = jnp.where(take, ov, bv)
                bi = jnp.where(take, oi, bi)
            sv, si = -jnp.inf, _BIG
            for l in range(_LANES):
                vl, il = bv[l], bi[l]
                take = (vl > sv) | ((vl == sv) & (il < si))
                sv = jnp.where(take, vl, sv)
                si = jnp.where(take, il, si)
            return jnp.where(lane == r, si, resvec)

        res[...] = lax.fori_loop(
            0, _RPW, row_body, jnp.zeros((_LANES,), jnp.int32)
        )
        pltpu.sync_copy(res, out_hbm.at[pl.ds(wid * _LANES, _LANES)])

    out = run(logits_par_flat)
    return out.reshape(_NW, _LANES)[:, :_RPW].reshape(_SC_ROWS)



_C = 14336
_NC = (_V + _C - 1) // _C
_R = 64
_NEG = float("-inf")


_RB = 16
_K = 7
_NR = _RB * _K


def _tc_argmax3d_body(x_ref, o_ref, mval, midx):
    cb = pl.program_id(1)

    @pl.when(cb == 0)
    def _init():
        mval[...] = jnp.full((_NR,), _NEG, jnp.float32)
        midx[...] = jnp.full((_NR,), 0, jnp.int32)

    x = x_ref[...].reshape(_NR, _C)
    ids = jax.lax.broadcasted_iota(jnp.int32, (_NR, _C), 1) + cb * _C
    x = jnp.where(ids < _V, x, _NEG)
    bmax = jnp.max(x, axis=1)
    bidx = jnp.min(jnp.where(x == bmax[:, None], ids, _BIG), axis=1)
    better = bmax > mval[...]
    midx[...] = jnp.where(better, bidx, midx[...])
    mval[...] = jnp.where(better, bmax, mval[...])

    @pl.when(cb == _NC - 1)
    def _out():
        o_ref[0, 0, :] = midx[...]


def _tc_rowwise_argmax3d(x):
    b, k, v = x.shape
    nrb = b // _RB
    out = pl.pallas_call(
        _tc_argmax3d_body,
        grid=(nrb, _NC),
        in_specs=[pl.BlockSpec((_RB, _K, _C), lambda rb, cb: (rb, 0, cb))],
        out_specs=pl.BlockSpec((1, 1, _NR), lambda rb, cb: (rb, 0, 0)),
        out_shape=jax.ShapeDtypeStruct((nrb, 1, _NR), jnp.int32),
        scratch_shapes=[
            pltpu.VMEM((_NR,), jnp.float32),
            pltpu.VMEM((_NR,), jnp.int32),
        ],
        compiler_params=pltpu.CompilerParams(
            dimension_semantics=("parallel", "arbitrary"),
        ),
    )(x)
    return out.reshape(b, k)


@jax.jit
def kernel(logits_ar, logits_parallel):
    b, ncm1, v = logits_parallel.shape
    token0 = _sc_argmax_tail(logits_ar.reshape(-1), b)
    rest = _tc_rowwise_argmax3d(logits_parallel)
    return jnp.concatenate([token0[:, None], rest], axis=1).astype(jnp.int32)

# --- scband reference (transcript-rebuilt; emitter-appended) ---
"""Pipeline reference for scband-uclmsampler-45698452029664 (READ-ONLY COPY).

The authoritative reference and input builder live on the scoring server;
editing this copy changes nothing except your own understanding.
"""

import jax, jax.numpy as jnp
import numpy as np

TEMPERATURE = 1.0
TOP_K = 50
VOCAB_SIZE = 100000
N_CODEBOOKS = 8
BATCH = 64


def setup_inputs(seed: int = 0) -> dict:
    key = jax.random.key(seed)
    k1, k2 = jax.random.split(key)
    logits_ar = jax.random.normal(k1, (BATCH, VOCAB_SIZE), dtype=jnp.float32)
    logits_parallel = jax.random.normal(k2, (BATCH, N_CODEBOOKS - 1, VOCAB_SIZE), dtype=jnp.float32)
    return {"logits_ar": logits_ar, "logits_parallel": logits_parallel}


def reference(logits_ar, logits_parallel):
    # Faithful translation of UCLMSampler.forward AFTER the UCLM backbone:
    # temperature scaling + top-k, then greedy pick (top_k_indices[:, 0]).
    la = logits_ar / TEMPERATURE
    if TOP_K < VOCAB_SIZE:
        _vals, idx = jax.lax.top_k(la, TOP_K)
        token_0 = idx[:, 0]
    else:
        token_0 = jnp.argmax(la, axis=-1)
    lp = logits_parallel / TEMPERATURE  # [B, n_codebooks-1, V]
    if TOP_K < VOCAB_SIZE:
        _valsp, idxp = jax.lax.top_k(lp, TOP_K)  # top-k over last axis
        tokens_rest = idxp[:, :, 0]
    else:
        tokens_rest = jnp.argmax(lp, axis=-1)
    tokens = jnp.concatenate([token_0[:, None], tokens_rest], axis=1)
    return tokens.astype(jnp.int32)

if __name__ == "__main__":
    import jax
    _d = setup_inputs()
    print(jax.jit(kernel)(*tuple(_d.values())))

</pallas_src>

<mosaic_0001>
#map = affine_map<(d0, d1) -> (0)>
module attributes {stable_mosaic.version = 14 : i64} {
  func.func @run(%arg0: i32, %arg1: i32, %arg2: memref<6400000xf32, #tpu.memory_space<hbm>>, %arg3: memref<512xi32, #tpu.memory_space<hbm>>, %arg4: memref<20000xf32, #tpu.memory_space<vmem>>, %arg5: memref<20000xf32, #tpu.memory_space<vmem>>, %arg6: memref<20000xf32, #tpu.memory_space<vmem>>, %arg7: memref<20000xf32, #tpu.memory_space<vmem>>, %arg8: memref<16xi32, #tpu.memory_space<vmem>>, %arg9: memref<!tpu.dma_semaphore, #tpu.memory_space<semaphore_mem>>, %arg10: memref<!tpu.dma_semaphore, #tpu.memory_space<semaphore_mem>>, %arg11: memref<!tpu.dma_semaphore, #tpu.memory_space<semaphore_mem>>, %arg12: memref<!tpu.dma_semaphore, #tpu.memory_space<semaphore_mem>>) attributes {dimension_semantics = [#tpu.dimension_semantics<core_parallel>, #tpu.dimension_semantics<subcore_parallel>], iteration_bounds = array<i64: 2, 16>, scalar_prefetch = 0 : i64, scratch_operands = 9 : i64, tpu.core_type = #tpu.core_type<sc_vector_subcore>, window_params = [{transform_indices = #map}, {transform_indices = #map}]} {
    %mul3A = arith.constant 16 : i32
    %mul3A_0 = arith.muli %arg0, %mul3A : i32
    %add3A = arith.addi %mul3A_0, %arg1 : i32
    %iota3A = tpu.iota {dimensions = array<i32: 0>} : vector<16xi32>
    %broadcast_in_dim3A = arith.constant 0 : i32
    %broadcast_in_dim3A_1 = vector.broadcast %broadcast_in_dim3A : i32 to vector<16xi32>
    %scan3A = arith.constant 0 : i32
    %scan3A_2 = arith.constant 2 : i32
    %scan3A_3 = arith.addi %scan3A, %scan3A_2 : i32
    %scan3A_4 = arith.constant 1 : i32
    %scan3A_5 = scf.for %scan3A_12 = %scan3A to %scan3A_3 step %scan3A_4 iter_args(%scan3A_13 = %broadcast_in_dim3A_1) -> (vector<16xi32>)  : i32 {
      %mul3A_14 = arith.constant 2 : i32
      %mul3A_15 = arith.muli %add3A, %mul3A_14 : i32
      %add3A_16 = arith.constant 0 : i32
      %add3A_17 = arith.addi %add3A_16, %mul3A_15 : i32
      %add3A_18 = arith.addi %add3A_17, %scan3A_12 : i32
      %mul3A_19 = arith.constant 100000 : i32
      %mul3A_20 = arith.muli %add3A_18, %mul3A_19 : i32
      %multiple_of3A = tpu.assume_multiple %mul3A_20, 16 : i32
      %add3A_21 = arith.constant 0 : i32
      %add3A_22 = arith.addi %multiple_of3A, %add3A_21 : i32
      %dma_start3A = tpu.memref_slice %arg2[%add3A_22] : memref<6400000xf32, #tpu.memory_space<hbm>> -> memref<20000xf32, #tpu.memory_space<hbm>>
      %dma_start3A_23 = tpu.memref_slice %arg2[%add3A_22] : memref<6400000xf32, #tpu.memory_space<hbm>> -> memref<20000xf32, #tpu.memory_space<hbm>>
      tpu.enqueue_dma source(%dma_start3A_23 : memref<20000xf32, #tpu.memory_space<hbm>>) target(%arg4 : memref<20000xf32, #tpu.memory_space<vmem>>) target_semaphore(%arg9 : memref<!tpu.dma_semaphore, #tpu.memory_space<semaphore_mem>>)
      %add3A_24 = arith.constant 20000 : i32
      %add3A_25 = arith.addi %multiple_of3A, %add3A_24 : i32
      %dma_start3A_26 = tpu.memref_slice %arg2[%add3A_25] : memref<6400000xf32, #tpu.memory_space<hbm>> -> memref<20000xf32, #tpu.memory_space<hbm>>
      %dma_start3A_27 = tpu.memref_slice %arg2[%add3A_25] : memref<6400000xf32, #tpu.memory_space<hbm>> -> memref<20000xf32, #tpu.memory_space<hbm>>
      tpu.enqueue_dma source(%dma_start3A_27 : memref<20000xf32, #tpu.memory_space<hbm>>) target(%arg5 : memref<20000xf32, #tpu.memory_space<vmem>>) target_semaphore(%arg10 : memref<!tpu.dma_semaphore, #tpu.memory_space<semaphore_mem>>)
      %add3A_28 = arith.constant 40000 : i32
      %add3A_29 = arith.addi %multiple_of3A, %add3A_28 : i32
      %dma_start3A_30 = tpu.memref_slice %arg2[%add3A_29] : memref<6400000xf32, #tpu.memory_space<hbm>> -> memref<20000xf32, #tpu.memory_space<hbm>>
      %dma_start3A_31 = tpu.memref_slice %arg2[%add3A_29] : memref<6400000xf32, #tpu.memory_space<hbm>> -> memref<20000xf32, #tpu.memory_space<hbm>>
      tpu.enqueue_dma source(%dma_start3A_31 : memref<20000xf32, #tpu.memory_space<hbm>>) target(%arg6 : memref<20000xf32, #tpu.memory_space<vmem>>) target_semaphore(%arg11 : memref<!tpu.dma_semaphore, #tpu.memory_space<semaphore_mem>>)
      %add3A_32 = arith.constant 60000 : i32
      %add3A_33 = arith.addi %multiple_of3A, %add3A_32 : i32
      %dma_start3A_34 = tpu.memref_slice %arg2[%add3A_33] : memref<6400000xf32, #tpu.memory_space<hbm>> -> memref<20000xf32, #tpu.memory_space<hbm>>
      %dma_start3A_35 = tpu.memref_slice %arg2[%add3A_33] : memref<6400000xf32, #tpu.memory_space<hbm>> -> memref<20000xf32, #tpu.memory_space<hbm>>
      tpu.enqueue_dma source(%dma_start3A_35 : memref<20000xf32, #tpu.memory_space<hbm>>) target(%arg7 : memref<20000xf32, #tpu.memory_space<vmem>>) target_semaphore(%arg12 : memref<!tpu.dma_semaphore, #tpu.memory_space<semaphore_mem>>)
      %broadcast_in_dim3A_36 = arith.constant 0xFF800000 : f32
      %broadcast_in_dim3A_37 = vector.broadcast %broadcast_in_dim3A_36 : f32 to vector<16xf32>
      %broadcast_in_dim3A_38 = arith.constant 0 : i32
      %broadcast_in_dim3A_39 = vector.broadcast %broadcast_in_dim3A_38 : i32 to vector<16xi32>
      %broadcast_in_dim3A_40 = arith.constant 0xFF800000 : f32
      %broadcast_in_dim3A_41 = vector.broadcast %broadcast_in_dim3A_40 : f32 to vector<16xf32>
      %broadcast_in_dim3A_42 = arith.constant 0 : i32
      %broadcast_in_dim3A_43 = vector.broadcast %broadcast_in_dim3A_42 : i32 to vector<16xi32>
      %broadcast_in_dim3A_44 = arith.constant 0xFF800000 : f32
      %broadcast_in_dim3A_45 = vector.broadcast %broadcast_in_dim3A_44 : f32 to vector<16xf32>
      %broadcast_in_dim3A_46 = arith.constant 0 : i32
      %broadcast_in_dim3A_47 = vector.broadcast %broadcast_in_dim3A_46 : i32 to vector<16xi32>
      %broadcast_in_dim3A_48 = arith.constant 0xFF800000 : f32
      %broadcast_in_dim3A_49 = vector.broadcast %broadcast_in_dim3A_48 : f32 to vector<16xf32>
      %broadcast_in_dim3A_50 = arith.constant 0 : i32
      %broadcast_in_dim3A_51 = vector.broadcast %broadcast_in_dim3A_50 : i32 to vector<16xi32>
      %broadcast_in_dim3A_52 = arith.constant 0xFF800000 : f32
      %broadcast_in_dim3A_53 = vector.broadcast %broadcast_in_dim3A_52 : f32 to vector<16xf32>
      %broadcast_in_dim3A_54 = arith.constant 0 : i32
      %broadcast_in_dim3A_55 = vector.broadcast %broadcast_in_dim3A_54 : i32 to vector<16xi32>
      %broadcast_in_dim3A_56 = arith.constant 0xFF800000 : f32
      %broadcast_in_dim3A_57 = vector.broadcast %broadcast_in_dim3A_56 : f32 to vector<16xf32>
      %broadcast_in_dim3A_58 = arith.constant 0 : i32
      %broadcast_in_dim3A_59 = vector.broadcast %broadcast_in_dim3A_58 : i32 to vector<16xi32>
      %broadcast_in_dim3A_60 = arith.constant 0xFF800000 : f32
      %broadcast_in_dim3A_61 = vector.broadcast %broadcast_in_dim3A_60 : f32 to vector<16xf32>
      %broadcast_in_dim3A_62 = arith.constant 0 : i32
      %broadcast_in_dim3A_63 = vector.broadcast %broadcast_in_dim3A_62 : i32 to vector<16xi32>
      %broadcast_in_dim3A_64 = arith.constant 0xFF800000 : f32
      %broadcast_in_dim3A_65 = vector.broadcast %broadcast_in_dim3A_64 : f32 to vector<16xf32>
      %broadcast_in_dim3A_66 = arith.constant 0 : i32
      %broadcast_in_dim3A_67 = vector.broadcast %broadcast_in_dim3A_66 : i32 to vector<16xi32>
      %broadcast_in_dim3A_68 = arith.constant 0xFF800000 : f32
      %broadcast_in_dim3A_69 = vector.broadcast %broadcast_in_dim3A_68 : f32 to vector<16xf32>
      %broadcast_in_dim3A_70 = arith.constant 0 : i32
      %broadcast_in_dim3A_71 = vector.broadcast %broadcast_in_dim3A_70 : i32 to vector<16xi32>
      %broadcast_in_dim3A_72 = arith.constant 0xFF800000 : f32
      %broadcast_in_dim3A_73 = vector.broadcast %broadcast_in_dim3A_72 : f32 to vector<16xf32>
      %broadcast_in_dim3A_74 = arith.constant 0 : i32
      %broadcast_in_dim3A_75 = vector.broadcast %broadcast_in_dim3A_74 : i32 to vector<16xi32>
      %dma_wait3A = tpu.memref_slice %arg2[%add3A_22] : memref<6400000xf32, #tpu.memory_space<hbm>> -> memref<20000xf32, #tpu.memory_space<hbm>>
      %dma_wait3A_76 = tpu.memref_slice %arg2[%add3A_22] : memref<6400000xf32, #tpu.memory_space<hbm>> -> memref<20000xf32, #tpu.memory_space<hbm>>
      tpu.wait_dma2 semaphore(%arg9 : memref<!tpu.dma_semaphore, #tpu.memory_space<semaphore_mem>>) src(%dma_wait3A_76 : memref<20000xf32, #tpu.memory_space<hbm>>) dst(%arg4 : memref<20000xf32, #tpu.memory_space<vmem>>)
      %scan3A_77 = arith.constant 0 : i32
      %scan3A_78 = arith.constant 125 : i32
      %scan3A_79 = arith.addi %scan3A_77, %scan3A_78 : i32
      %scan3A_80 = arith.constant 5 : i32
      %scan3A_81:20 = scf.for %scan3A_358 = %scan3A_77 to %scan3A_79 step %scan3A_80 iter_args(%scan3A_359 = %broadcast_in_dim3A_37, %scan3A_360 = %broadcast_in_dim3A_39, %scan3A_361 = %broadcast_in_dim3A_41, %scan3A_362 = %broadcast_in_dim3A_43, %scan3A_363 = %broadcast_in_dim3A_45, %scan3A_364 = %broadcast_in_dim3A_47, %scan3A_365 = %broadcast_in_dim3A_49, %scan3A_366 = %broadcast_in_dim3A_51, %scan3A_367 = %broadcast_in_dim3A_53, %scan3A_368 = %broadcast_in_dim3A_55, %scan3A_369 = %broadcast_in_dim3A_57, %scan3A_370 = %broadcast_in_dim3A_59, %scan3A_371 = %broadcast_in_dim3A_61, %scan3A_372 = %broadcast_in_dim3A_63, %scan3A_373 = %broadcast_in_dim3A_65, %scan3A_374 = %broadcast_in_dim3A_67, %scan3A_375 = %broadcast_in_dim3A_69, %scan3A_376 = %broadcast_in_dim3A_71, %scan3A_377 = %broadcast_in_dim3A_73, %scan3A_378 = %broadcast_in_dim3A_75) -> (vector<16xf32>, vector<16xi32>, vector<16xf32>, vector<16xi32>, vector<16xf32>, vector<16xi32>, vector<16xf32>, vector<16xi32>, vector<16xf32>, vector<16xi32>, vector<16xf32>, vector<16xi32>, vector<16xf32>, vector<16xi32>, vector<16xf32>, vector<16xi32>, vector<16xf32>, vector<16xi32>, vector<16xf32>, vector<16xi32>)  : i32 {
        %mul3A_379 = arith.constant 10 : i32
        %mul3A_380 = arith.muli %scan3A_358, %mul3A_379 : i32
        %add3A_381 = arith.constant 0 : i32
        %add3A_382 = arith.addi %mul3A_380, %add3A_381 : i32
        %mul3A_383 = arith.constant 16 : i32
        %mul3A_384 = arith.muli %add3A_382, %mul3A_383 : i32
        %get3A = arith.index_cast %mul3A_384 : i32 to index
        %get3A_385 = tpu.vector_load %arg4[%get3A] {strides = array<i32>} : memref<20000xf32, #tpu.memory_space<vmem>>, vector<16xf32>,
        %get3A_386 = vector.shape_cast %get3A_385 : vector<16xf32> to vector<16xf32>
        %mul3A_387 = arith.constant 16 : i32
        %mul3A_388 = arith.muli %add3A_382, %mul3A_387 : i32
        %add3A_389 = arith.constant 0 : i32
        %add3A_390 = arith.addi %add3A_389, %mul3A_388 : i32
        %add3A_391 = vector.broadcast %add3A_390 : i32 to vector<16xi32>
        %add3A_392 = arith.addi %iota3A, %add3A_391 : vector<16xi32>
        %gt3A_393 = arith.cmpf ogt, %get3A_386, %scan3A_359 : vector<16xf32>
        %max3A = arith.maximumf %get3A_386, %scan3A_359 : vector<16xf32>
        %select_n3A_394 = arith.select %gt3A_393, %add3A_392, %scan3A_360 : vector<16xi1>, vector<16xi32>
        %mul3A_395 = arith.constant 10 : i32
        %mul3A_396 = arith.muli %scan3A_358, %mul3A_395 : i32
        %add3A_397 = arith.constant 1 : i32
        %add3A_398 = arith.addi %mul3A_396, %add3A_397 : i32
        %mul3A_399 = arith.constant 16 : i32
        %mul3A_400 = arith.muli %add3A_398, %mul3A_399 : i32
        %get3A_401 = arith.index_cast %mul3A_400 : i32 to index
        %get3A_402 = tpu.vector_load %arg4[%get3A_401] {strides = array<i32>} : memref<20000xf32, #tpu.memory_space<vmem>>, vector<16xf32>,
        %get3A_403 = vector.shape_cast %get3A_402 : vector<16xf32> to vector<16xf32>
        %mul3A_404 = arith.constant 16 : i32
        %mul3A_405 = arith.muli %add3A_398, %mul3A_404 : i32
        %add3A_406 = arith.constant 0 : i32
        %add3A_407 = arith.addi %add3A_406, %mul3A_405 : i32
        %add3A_408 = vector.broadcast %add3A_407 : i32 to vector<16xi32>
        %add3A_409 = arith.addi %iota3A, %add3A_408 : vector<16xi32>
        %gt3A_410 = arith.cmpf ogt, %get3A_403, %scan3A_361 : vector<16xf32>
        %max3A_411 = arith.maximumf %get3A_403, %scan3A_361 : vector<16xf32>
        %select_n3A_412 = arith.select %gt3A_410, %add3A_409, %scan3A_362 : vector<16xi1>, vector<16xi32>
        %mul3A_413 = arith.constant 10 : i32
        %mul3A_414 = arith.muli %scan3A_358, %mul3A_413 : i32
        %add3A_415 = arith.constant 2 : i32
        %add3A_416 = arith.addi %mul3A_414, %add3A_415 : i32
        %mul3A_417 = arith.constant 16 : i32
        %mul3A_418 = arith.muli %add3A_416, %mul3A_417 : i32
        %get3A_419 = arith.index_cast %mul3A_418 : i32 to index
        %get3A_420 = tpu.vector_load %arg4[%get3A_419] {strides = array<i32>} : memref<20000xf32, #tpu.memory_space<vmem>>, vector<16xf32>,
        %get3A_421 = vector.shape_cast %get3A_420 : vector<16xf32> to vector<16xf32>
        %mul3A_422 = arith.constant 16 : i32
        %mul3A_423 = arith.muli %add3A_416, %mul3A_422 : i32
        %add3A_424 = arith.constant 0 : i32
        %add3A_425 = arith.addi %add3A_424, %mul3A_423 : i32
        %add3A_426 = vector.broadcast %add3A_425 : i32 to vector<16xi32>
        %add3A_427 = arith.addi %iota3A, %add3A_426 : vector<16xi32>
        %gt3A_428 = arith.cmpf ogt, %get3A_421, %scan3A_363 : vector<16xf32>
        %max3A_429 = arith.maximumf %get3A_421, %scan3A_363 : vector<16xf32>
        %select_n3A_430 = arith.select %gt3A_428, %add3A_427, %scan3A_364 : vector<16xi1>, vector<16xi32>
        %mul3A_431 = arith.constant 10 : i32
        %mul3A_432 = arith.muli %scan3A_358, %mul3A_431 : i32
        %add3A_433 = arith.constant 3 : i32
        %add3A_434 = arith.addi %mul3A_432, %add3A_433 : i32
        %mul3A_435 = arith.constant 16 : i32
        %mul3A_436 = arith.muli %add3A_434, %mul3A_435 : i32
        %get3A_437 = arith.index_cast %mul3A_436 : i32 to index
        %get3A_438 = tpu.vector_load %arg4[%get3A_437] {strides = array<i32>} : memref<20000xf32, #tpu.memory_space<vmem>>, vector<16xf32>,
        %get3A_439 = vector.shape_cast %get3A_438 : vector<16xf32> to vector<16xf32>
        %mul3A_440 = arith.constant 16 : i32
        %mul3A_441 = arith.muli %add3A_434, %mul3A_440 : i32
        %add3A_442 = arith.constant 0 : i32
        %add3A_443 = arith.addi %add3A_442, %mul3A_441 : i32
        %add3A_444 = vector.broadcast %add3A_443 : i32 to vector<16xi32>
        %add3A_445 = arith.addi %iota3A, %add3A_444 : vector<16xi32>
        %gt3A_446 = arith.cmpf ogt, %get3A_439, %scan3A_365 : vector<16xf32>
        %max3A_447 = arith.maximumf %get3A_439, %scan3A_365 : vector<16xf32>
        %select_n3A_448 = arith.select %gt3A_446, %add3A_445, %scan3A_366 : vector<16xi1>, vector<16xi32>
        %mul3A_449 = arith.constant 10 : i32
        %mul3A_450 = arith.muli %scan3A_358, %mul3A_449 : i32
        %add3A_451 = arith.constant 4 : i32
        %add3A_452 = arith.addi %mul3A_450, %add3A_451 : i32
        %mul3A_453 = arith.constant 16 : i32
        %mul3A_454 = arith.muli %add3A_452, %mul3A_453 : i32
        %get3A_455 = arith.index_cast %mul3A_454 : i32 to index
        %get3A_456 = tpu.vector_load %arg4[%get3A_455] {strides = array<i32>} : memref<20000xf32, #tpu.memory_space<vmem>>, vector<16xf32>,
        %get3A_457 = vector.shape_cast %get3A_456 : vector<16xf32> to vector<16xf32>
        %mul3A_458 = arith.constant 16 : i32
        %mul3A_459 = arith.muli %add3A_452, %mul3A_458 : i32
        %add3A_460 = arith.constant 0 : i32
        %add3A_461 = arith.addi %add3A_460, %mul3A_459 : i32
        %add3A_462 = vector.broadcast %add3A_461 : i32 to vector<16xi32>
        %add3A_463 = arith.addi %iota3A, %add3A_462 : vector<16xi32>
        %gt3A_464 = arith.cmpf ogt, %get3A_457, %scan3A_367 : vector<16xf32>
        %max3A_465 = arith.maximumf %get3A_457, %scan3A_367 : vector<16xf32>
        %select_n3A_466 = arith.select %gt3A_464, %add3A_463, %scan3A_368 : vector<16xi1>, vector<16xi32>
        %mul3A_467 = arith.constant 10 : i32
        %mul3A_468 = arith.muli %scan3A_358, %mul3A_467 : i32
        %add3A_469 = arith.constant 5 : i32
        %add3A_470 = arith.addi %mul3A_468, %add3A_469 : i32
        %mul3A_471 = arith.constant 16 : i32
        %mul3A_472 = arith.muli %add3A_470, %mul3A_471 : i32
        %get3A_473 = arith.index_cast %mul3A_472 : i32 to index
        %get3A_474 = tpu.vector_load %arg4[%get3A_473] {strides = array<i32>} : memref<20000xf32, #tpu.memory_space<vmem>>, vector<16xf32>,
        %get3A_475 = vector.shape_cast %get3A_474 : vector<16xf32> to vector<16xf32>
        %mul3A_476 = arith.constant 16 : i32
        %mul3A_477 = arith.muli %add3A_470, %mul3A_476 : i32
        %add3A_478 = arith.constant 0 : i32
        %add3A_479 = arith.addi %add3A_478, %mul3A_477 : i32
        %add3A_480 = vector.broadcast %add3A_479 : i32 to vector<16xi32>
        %add3A_481 = arith.addi %iota3A, %add3A_480 : vector<16xi32>
        %gt3A_482 = arith.cmpf ogt, %get3A_475, %scan3A_369 : vector<16xf32>
        %max3A_483 = arith.maximumf %get3A_475, %scan3A_369 : vector<16xf32>
        %select_n3A_484 = arith.select %gt3A_482, %add3A_481, %scan3A_370 : vector<16xi1>, vector<16xi32>
        %mul3A_485 = arith.constant 10 : i32
        %mul3A_486 = arith.muli %scan3A_358, %mul3A_485 : i32
        %add3A_487 = arith.constant 6 : i32
        %add3A_488 = arith.addi %mul3A_486, %add3A_487 : i32
        %mul3A_489 = arith.constant 16 : i32
        %mul3A_490 = arith.muli %add3A_488, %mul3A_489 : i32
        %get3A_491 = arith.index_cast %mul3A_490 : i32 to index
        %get3A_492 = tpu.vector_load %arg4[%get3A_491] {strides = array<i32>} : memref<20000xf32, #tpu.memory_space<vmem>>, vector<16xf32>,
        %get3A_493 = vector.shape_cast %get3A_492 : vector<16xf32> to vector<16xf32>
        %mul3A_494 = arith.constant 16 : i32
        %mul3A_495 = arith.muli %add3A_488, %mul3A_494 : i32
        %add3A_496 = arith.constant 0 : i32
        %add3A_497 = arith.addi %add3A_496, %mul3A_495 : i32
        %add3A_498 = vector.broadcast %add3A_497 : i32 to vector<16xi32>
        %add3A_499 = arith.addi %iota3A, %add3A_498 : vector<16xi32>
        %gt3A_500 = arith.cmpf ogt, %get3A_493, %scan3A_371 : vector<16xf32>
        %max3A_501 = arith.maximumf %get3A_493, %scan3A_371 : vector<16xf32>
        %select_n3A_502 = arith.select %gt3A_500, %add3A_499, %scan3A_372 : vector<16xi1>, vector<16xi32>
        %mul3A_503 = arith.constant 10 : i32
        %mul3A_504 = arith.muli %scan3A_358, %mul3A_503 : i32
        %add3A_505 = arith.constant 7 : i32
        %add3A_506 = arith.addi %mul3A_504, %add3A_505 : i32
        %mul3A_507 = arith.constant 16 : i32
        %mul3A_508 = arith.muli %add3A_506, %mul3A_507 : i32
        %get3A_509 = arith.index_cast %mul3A_508 : i32 to index
        %get3A_510 = tpu.vector_load %arg4[%get3A_509] {strides = array<i32>} : memref<20000xf32, #tpu.memory_space<vmem>>, vector<16xf32>,
        %get3A_511 = vector.shape_cast %get3A_510 : vector<16xf32> to vector<16xf32>
        %mul3A_512 = arith.constant 16 : i32
        %mul3A_513 = arith.muli %add3A_506, %mul3A_512 : i32
        %add3A_514 = arith.constant 0 : i32
        %add3A_515 = arith.addi %add3A_514, %mul3A_513 : i32
        %add3A_516 = vector.broadcast %add3A_515 : i32 to vector<16xi32>
        %add3A_517 = arith.addi %iota3A, %add3A_516 : vector<16xi32>
        %gt3A_518 = arith.cmpf ogt, %get3A_511, %scan3A_373 : vector<16xf32>
        %max3A_519 = arith.maximumf %get3A_511, %scan3A_373 : vector<16xf32>
        %select_n3A_520 = arith.select %gt3A_518, %add3A_517, %scan3A_374 : vector<16xi1>, vector<16xi32>
        %mul3A_521 = arith.constant 10 : i32
        %mul3A_522 = arith.muli %scan3A_358, %mul3A_521 : i32
        %add3A_523 = arith.constant 8 : i32
        %add3A_524 = arith.addi %mul3A_522, %add3A_523 : i32
        %mul3A_525 = arith.constant 16 : i32
        %mul3A_526 = arith.muli %add3A_524, %mul3A_525 : i32
        %get3A_527 = arith.index_cast %mul3A_526 : i32 to index
        %get3A_528 = tpu.vector_load %arg4[%get3A_527] {strides = array<i32>} : memref<20000xf32, #tpu.memory_space<vmem>>, vector<16xf32>,
        %get3A_529 = vector.shape_cast %get3A_528 : vector<16xf32> to vector<16xf32>
        %mul3A_530 = arith.constant 16 : i32
        %mul3A_531 = arith.muli %add3A_524, %mul3A_530 : i32
        %add3A_532 = arith.constant 0 : i32
        %add3A_533 = arith.addi %add3A_532, %mul3A_531 : i32
        %add3A_534 = vector.broadcast %add3A_533 : i32 to vector<16xi32>
        %add3A_535 = arith.addi %iota3A, %add3A_534 : vector<16xi32>
        %gt3A_536 = arith.cmpf ogt, %get3A_529, %scan3A_375 : vector<16xf32>
        %max3A_537 = arith.maximumf %get3A_529, %scan3A_375 : vector<16xf32>
        %select_n3A_538 = arith.select %gt3A_536, %add3A_535, %scan3A_376 : vector<16xi1>, vector<16xi32>
        %mul3A_539 = arith.constant 10 : i32
        %mul3A_540 = arith.muli %scan3A_358, %mul3A_539 : i32
        %add3A_541 = arith.constant 9 : i32
        %add3A_542 = arith.addi %mul3A_540, %add3A_541 : i32
        %mul3A_543 = arith.constant 16 : i32
        %mul3A_544 = arith.muli %add3A_542, %mul3A_543 : i32
        %get3A_545 = arith.index_cast %mul3A_544 : i32 to index
        %get3A_546 = tpu.vector_load %arg4[%get3A_545] {strides = array<i32>} : memref<20000xf32, #tpu.memory_space<vmem>>, vector<16xf32>,
        %get3A_547 = vector.shape_cast %get3A_546 : vector<16xf32> to vector<16xf32>
        %mul3A_548 = arith.constant 16 : i32
        %mul3A_549 = arith.muli %add3A_542, %mul3A_548 : i32
        %add3A_550 = arith.constant 0 : i32
        %add3A_551 = arith.addi %add3A_550, %mul3A_549 : i32
        %add3A_552 = vector.broadcast %add3A_551 : i32 to vector<16xi32>
        %add3A_553 = arith.addi %iota3A, %add3A_552 : vector<16xi32>
        %gt3A_554 = arith.cmpf ogt, %get3A_547, %scan3A_377 : vector<16xf32>
        %max3A_555 = arith.maximumf %get3A_547, %scan3A_377 : vector<16xf32>
        %select_n3A_556 = arith.select %gt3A_554, %add3A_553, %scan3A_378 : vector<16xi1>, vector<16xi32>
        %scan3A_557 = arith.constant 1 : i32
        %scan3A_558 = arith.addi %scan3A_358, %scan3A_557 : i32
        %mul3A_559 = arith.constant 10 : i32
        %mul3A_560 = arith.muli %scan3A_558, %mul3A_559 : i32
        %add3A_561 = arith.constant 0 : i32
        %add3A_562 = arith.addi %mul3A_560, %add3A_561 : i32
        %mul3A_563 = arith.constant 16 : i32
        %mul3A_564 = arith.muli %add3A_562, %mul3A_563 : i32
        %get3A_565 = arith.index_cast %mul3A_564 : i32 to index
        %get3A_566 = tpu.vector_load %arg4[%get3A_565] {strides = array<i32>} : memref<20000xf32, #tpu.memory_space<vmem>>, vector<16xf32>,
        %get3A_567 = vector.shape_cast %get3A_566 : vector<16xf32> to vector<16xf32>
        %mul3A_568 = arith.constant 16 : i32
        %mul3A_569 = arith.muli %add3A_562, %mul3A_568 : i32
        %add3A_570 = arith.constant 0 : i32
        %add3A_571 = arith.addi %add3A_570, %mul3A_569 : i32
        %add3A_572 = vector.broadcast %add3A_571 : i32 to vector<16xi32>
        %add3A_573 = arith.addi %iota3A, %add3A_572 : vector<16xi32>
        %gt3A_574 = arith.cmpf ogt, %get3A_567, %max3A : vector<16xf32>
        %max3A_575 = arith.maximumf %get3A_567, %max3A : vector<16xf32>
        %select_n3A_576 = arith.select %gt3A_574, %add3A_573, %select_n3A_394 : vector<16xi1>, vector<16xi32>
        %mul3A_577 = arith.constant 10 : i32
        %mul3A_578 = arith.muli %scan3A_558, %mul3A_577 : i32
        %add3A_579 = arith.constant 1 : i32
        %add3A_580 = arith.addi %mul3A_578, %add3A_579 : i32
        %mul3A_581 = arith.constant 16 : i32
        %mul3A_582 = arith.muli %add3A_580, %mul3A_581 : i32
        %get3A_583 = arith.index_cast %mul3A_582 : i32 to index
        %get3A_584 = tpu.vector_load %arg4[%get3A_583] {strides = array<i32>} : memref<20000xf32, #tpu.memory_space<vmem>>, vector<16xf32>,
        %get3A_585 = vector.shape_cast %get3A_584 : vector<16xf32> to vector<16xf32>
        %mul3A_586 = arith.constant 16 : i32
        %mul3A_587 = arith.muli %add3A_580, %mul3A_586 : i32
        %add3A_588 = arith.constant 0 : i32
        %add3A_589 = arith.addi %add3A_588, %mul3A_587 : i32
        %add3A_590 = vector.broadcast %add3A_589 : i32 to vector<16xi32>
        %add3A_591 = arith.addi %iota3A, %add3A_590 : vector<16xi32>
        %gt3A_592 = arith.cmpf ogt, %get3A_585, %max3A_411 : vector<16xf32>
        %max3A_593 = arith.maximumf %get3A_585, %max3A_411 : vector<16xf32>
        %select_n3A_594 = arith.select %gt3A_592, %add3A_591, %select_n3A_412 : vector<16xi1>, vector<16xi32>
        %mul3A_595 = arith.constant 10 : i32
        %mul3A_596 = arith.muli %scan3A_558, %mul3A_595 : i32
        %add3A_597 = arith.constant 2 : i32
        %add3A_598 = arith.addi %mul3A_596, %add3A_597 : i32
        %mul3A_599 = arith.constant 16 : i32
        %mul3A_600 = arith.muli %add3A_598, %mul3A_599 : i32
        %get3A_601 = arith.index_cast %mul3A_600 : i32 to index
        %get3A_602 = tpu.vector_load %arg4[%get3A_601] {strides = array<i32>} : memref<20000xf32, #tpu.memory_space<vmem>>, vector<16xf32>,
        %get3A_603 = vector.shape_cast %get3A_602 : vector<16xf32> to vector<16xf32>
        %mul3A_604 = arith.constant 16 : i32
        %mul3A_605 = arith.muli %add3A_598, %mul3A_604 : i32
        %add3A_606 = arith.constant 0 : i32
        %add3A_607 = arith.addi %add3A_606, %mul3A_605 : i32
        %add3A_608 = vector.broadcast %add3A_607 : i32 to vector<16xi32>
        %add3A_609 = arith.addi %iota3A, %add3A_608 : vector<16xi32>
        %gt3A_610 = arith.cmpf ogt, %get3A_603, %max3A_429 : vector<16xf32>
        %max3A_611 = arith.maximumf %get3A_603, %max3A_429 : vector<16xf32>
        %select_n3A_612 = arith.select %gt3A_610, %add3A_609, %select_n3A_430 : vector<16xi1>, vector<16xi32>
        %mul3A_613 = arith.constant 10 : i32
        %mul3A_614 = arith.muli %scan3A_558, %mul3A_613 : i32
        %add3A_615 = arith.constant 3 : i32
        %add3A_616 = arith.addi %mul3A_614, %add3A_615 : i32
        %mul3A_617 = arith.constant 16 : i32
        %mul3A_618 = arith.muli %add3A_616, %mul3A_617 : i32
        %get3A_619 = arith.index_cast %mul3A_618 : i32 to index
        %get3A_620 = tpu.vector_load %arg4[%get3A_619] {strides = array<i32>} : memref<20000xf32, #tpu.memory_space<vmem>>, vector<16xf32>,
        %get3A_621 = vector.shape_cast %get3A_620 : vector<16xf32> to vector<16xf32>
        %mul3A_622 = arith.constant 16 : i32
        %mul3A_623 = arith.muli %add3A_616, %mul3A_622 : i32
        %add3A_624 = arith.constant 0 : i32
        %add3A_625 = arith.addi %add3A_624, %mul3A_623 : i32
        %add3A_626 = vector.broadcast %add3A_625 : i32 to vector<16xi32>
        %add3A_627 = arith.addi %iota3A, %add3A_626 : vector<16xi32>
        %gt3A_628 = arith.cmpf ogt, %get3A_621, %max3A_447 : vector<16xf32>
        %max3A_629 = arith.maximumf %get3A_621, %max3A_447 : vector<16xf32>
        %select_n3A_630 = arith.select %gt3A_628, %add3A_627, %select_n3A_448 : vector<16xi1>, vector<16xi32>
        %mul3A_631 = arith.constant 10 : i32
        %mul3A_632 = arith.muli %scan3A_558, %mul3A_631 : i32
        %add3A_633 = arith.constant 4 : i32
        %add3A_634 = arith.addi %mul3A_632, %add3A_633 : i32
        %mul3A_635 = arith.constant 16 : i32
        %mul3A_636 = arith.muli %add3A_634, %mul3A_635 : i32
        %get3A_637 = arith.index_cast %mul3A_636 : i32 to index
        %get3A_638 = tpu.vector_load %arg4[%get3A_637] {strides = array<i32>} : memref<20000xf32, #tpu.memory_space<vmem>>, vector<16xf32>,
        %get3A_639 = vector.shape_cast %get3A_638 : vector<16xf32> to vector<16xf32>
        %mul3A_640 = arith.constant 16 : i32
        %mul3A_641 = arith.muli %add3A_634, %mul3A_640 : i32
        %add3A_642 = arith.constant 0 : i32
        %add3A_643 = arith.addi %add3A_642, %mul3A_641 : i32
        %add3A_644 = vector.broadcast %add3A_643 : i32 to vector<16xi32>
        %add3A_645 = arith.addi %iota3A, %add3A_644 : vector<16xi32>
        %gt3A_646 = arith.cmpf ogt, %get3A_639, %max3A_465 : vector<16xf32>
        %max3A_647 = arith.maximumf %get3A_639, %max3A_465 : vector<16xf32>
        %select_n3A_648 = arith.select %gt3A_646, %add3A_645, %select_n3A_466 : vector<16xi1>, vector<16xi32>
        %mul3A_649 = arith.constant 10 : i32
        %mul3A_650 = arith.muli %scan3A_558, %mul3A_649 : i32
        %add3A_651 = arith.constant 5 : i32
        %add3A_652 = arith.addi %mul3A_650, %add3A_651 : i32
        %mul3A_653 = arith.constant 16 : i32
        %mul3A_654 = arith.muli %add3A_652, %mul3A_653 : i32
        %get3A_655 = arith.index_cast %mul3A_654 : i32 to index
        %get3A_656 = tpu.vector_load %arg4[%get3A_655] {strides = array<i32>} : memref<20000xf32, #tpu.memory_space<vmem>>, vector<16xf32>,
        %get3A_657 = vector.shape_cast %get3A_656 : vector<16xf32> to vector<16xf32>
        %mul3A_658 = arith.constant 16 : i32
        %mul3A_659 = arith.muli %add3A_652, %mul3A_658 : i32
        %add3A_660 = arith.constant 0 : i32
        %add3A_661 = arith.addi %add3A_660, %mul3A_659 : i32
        %add3A_662 = vector.broadcast %add3A_661 : i32 to vector<16xi32>
        %add3A_663 = arith.addi %iota3A, %add3A_662 : vector<16xi32>
        %gt3A_664 = arith.cmpf ogt, %get3A_657, %max3A_483 : vector<16xf32>
        %max3A_665 = arith.maximumf %get3A_657, %max3A_483 : vector<16xf32>
        %select_n3A_666 = arith.select %gt3A_664, %add3A_663, %select_n3A_484 : vector<16xi1>, vector<16xi32>
        %mul3A_667 = arith.constant 10 : i32
        %mul3A_668 = arith.muli %scan3A_558, %mul3A_667 : i32
        %add3A_669 = arith.constant 6 : i32
        %add3A_670 = arith.addi %mul3A_668, %add3A_669 : i32
        %mul3A_671 = arith.constant 16 : i32
        %mul3A_672 = arith.muli %add3A_670, %mul3A_671 : i32
        %get3A_673 = arith.index_cast %mul3A_672 : i32 to index
        %get3A_674 = tpu.vector_load %arg4[%get3A_673] {strides = array<i32>} : memref<20000xf32, #tpu.memory_space<vmem>>, vector<16xf32>,
        %get3A_675 = vector.shape_cast %get3A_674 : vector<16xf32> to vector<16xf32>
        %mul3A_676 = arith.constant 16 : i32
        %mul3A_677 = arith.muli %add3A_670, %mul3A_676 : i32
        %add3A_678 = arith.constant 0 : i32
        %add3A_679 = arith.addi %add3A_678, %mul3A_677 : i32
        %add3A_680 = vector.broadcast %add3A_679 : i32 to vector<16xi32>
        %add3A_681 = arith.addi %iota3A, %add3A_680 : vector<16xi32>
        %gt3A_682 = arith.cmpf ogt, %get3A_675, %max3A_501 : vector<16xf32>
        %max3A_683 = arith.maximumf %get3A_675, %max3A_501 : vector<16xf32>
        %select_n3A_684 = arith.select %gt3A_682, %add3A_681, %select_n3A_502 : vector<16xi1>, vector<16xi32>
        %mul3A_685 = arith.constant 10 : i32
        %mul3A_686 = arith.muli %scan3A_558, %mul3A_685 : i32
        %add3A_687 = arith.constant 7 : i32
        %add3A_688 = arith.addi %mul3A_686, %add3A_687 : i32
        %mul3A_689 = arith.constant 16 : i32
        %mul3A_690 = arith.muli %add3A_688, %mul3A_689 : i32
        %get3A_691 = arith.index_cast %mul3A_690 : i32 to index
        %get3A_692 = tpu.vector_load %arg4[%get3A_691] {strides = array<i32>} : memref<20000xf32, #tpu.memory_space<vmem>>, vector<16xf32>,
        %get3A_693 = vector.shape_cast %get3A_692 : vector<16xf32> to vector<16xf32>
        %mul3A_694 = arith.constant 16 : i32
        %mul3A_695 = arith.muli %add3A_688, %mul3A_694 : i32
        %add3A_696 = arith.constant 0 : i32
        %add3A_697 = arith.addi %add3A_696, %mul3A_695 : i32
        %add3A_698 = vector.broadcast %add3A_697 : i32 to vector<16xi32>
        %add3A_699 = arith.addi %iota3A, %add3A_698 : vector<16xi32>
        %gt3A_700 = arith.cmpf ogt, %get3A_693, %max3A_519 : vector<16xf32>
        %max3A_701 = arith.maximumf %get3A_693, %max3A_519 : vector<16xf32>
        %select_n3A_702 = arith.select %gt3A_700, %add3A_699, %select_n3A_520 : vector<16xi1>, vector<16xi32>
        %mul3A_703 = arith.constant 10 : i32
        %mul3A_704 = arith.muli %scan3A_558, %mul3A_703 : i32
        %add3A_705 = arith.constant 8 : i32
        %add3A_706 = arith.addi %mul3A_704, %add3A_705 : i32
        %mul3A_707 = arith.constant 16 : i32
        %mul3A_708 = arith.muli %add3A_706, %mul3A_707 : i32
        %get3A_709 = arith.index_cast %mul3A_708 : i32 to index
        %get3A_710 = tpu.vector_load %arg4[%get3A_709] {strides = array<i32>} : memref<20000xf32, #tpu.memory_space<vmem>>, vector<16xf32>,
        %get3A_711 = vector.shape_cast %get3A_710 : vector<16xf32> to vector<16xf32>
        %mul3A_712 = arith.constant 16 : i32
        %mul3A_713 = arith.muli %add3A_706, %mul3A_712 : i32
        %add3A_714 = arith.constant 0 : i32
        %add3A_715 = arith.addi %add3A_714, %mul3A_713 : i32
        %add3A_716 = vector.broadcast %add3A_715 : i32 to vector<16xi32>
        %add3A_717 = arith.addi %iota3A, %add3A_716 : vector<16xi32>
        %gt3A_718 = arith.cmpf ogt, %get3A_711, %max3A_537 : vector<16xf32>
        %max3A_719 = arith.maximumf %get3A_711, %max3A_537 : vector<16xf32>
        %select_n3A_720 = arith.select %gt3A_718, %add3A_717, %select_n3A_538 : vector<16xi1>, vector<16xi32>
        %mul3A_721 = arith.constant 10 : i32
        %mul3A_722 = arith.muli %scan3A_558, %mul3A_721 : i32
        %add3A_723 = arith.constant 9 : i32
        %add3A_724 = arith.addi %mul3A_722, %add3A_723 : i32
        %mul3A_725 = arith.constant 16 : i32
        %mul3A_726 = arith.muli %add3A_724, %mul3A_725 : i32
        %get3A_727 = arith.index_cast %mul3A_726 : i32 to index
        %get3A_728 = tpu.vector_load %arg4[%get3A_727] {strides = array<i32>} : memref<20000xf32, #tpu.memory_space<vmem>>, vector<16xf32>,
        %get3A_729 = vector.shape_cast %get3A_728 : vector<16xf32> to vector<16xf32>
        %mul3A_730 = arith.constant 16 : i32
        %mul3A_731 = arith.muli %add3A_724, %mul3A_730 : i32
        %add3A_732 = arith.constant 0 : i32
        %add3A_733 = arith.addi %add3A_732, %mul3A_731 : i32
        %add3A_734 = vector.broadcast %add3A_733 : i32 to vector<16xi32>
        %add3A_735 = arith.addi %iota3A, %add3A_734 : vector<16xi32>
        %gt3A_736 = arith.cmpf ogt, %get3A_729, %max3A_555 : vector<16xf32>
        %max3A_737 = arith.maximumf %get3A_729, %max3A_555 : vector<16xf32>
        %select_n3A_738 = arith.select %gt3A_736, %add3A_735, %select_n3A_556 : vector<16xi1>, vector<16xi32>
        %scan3A_739 = arith.constant 2 : i32
        %scan3A_740 = arith.addi %scan3A_358, %scan3A_739 : i32
        %mul3A_741 = arith.constant 10 : i32
        %mul3A_742 = arith.muli %scan3A_740, %mul3A_741 : i32
        %add3A_743 = arith.constant 0 : i32
        %add3A_744 = arith.addi %mul3A_742, %add3A_743 : i32
        %mul3A_745 = arith.constant 16 : i32
        %mul3A_746 = arith.muli %add3A_744, %mul3A_745 : i32
        %get3A_747 = arith.index_cast %mul3A_746 : i32 to index
        %get3A_748 = tpu.vector_load %arg4[%get3A_747] {strides = array<i32>} : memref<20000xf32, #tpu.memory_space<vmem>>, vector<16xf32>,
        %get3A_749 = vector.shape_cast %get3A_748 : vector<16xf32> to vector<16xf32>
        %mul3A_750 = arith.constant 16 : i32
        %mul3A_751 = arith.muli %add3A_744, %mul3A_750 : i32
        %add3A_752 = arith.constant 0 : i32
        %add3A_753 = arith.addi %add3A_752, %mul3A_751 : i32
        %add3A_754 = vector.broadcast %add3A_753 : i32 to vector<16xi32>
        %add3A_755 = arith.addi %iota3A, %add3A_754 : vector<16xi32>
        %gt3A_756 = arith.cmpf ogt, %get3A_749, %max3A_575 : vector<16xf32>
        %max3A_757 = arith.maximumf %get3A_749, %max3A_575 : vector<16xf32>
        %select_n3A_758 = arith.select %gt3A_756, %add3A_755, %select_n3A_576 : vector<16xi1>, vector<16xi32>
        %mul3A_759 = arith.constant 10 : i32
        %mul3A_760 = arith.muli %scan3A_740, %mul3A_759 : i32
        %add3A_761 = arith.constant 1 : i32
        %add3A_762 = arith.addi %mul3A_760, %add3A_761 : i32
        %mul3A_763 = arith.constant 16 : i32
        %mul3A_764 = arith.muli %add3A_762, %mul3A_763 : i32
        %get3A_765 = arith.index_cast %mul3A_764 : i32 to index
        %get3A_766 = tpu.vector_load %arg4[%get3A_765] {strides = array<i32>} : memref<20000xf32, #tpu.memory_space<vmem>>, vector<16xf32>,
        %get3A_767 = vector.shape_cast %get3A_766 : vector<16xf32> to vector<16xf32>
        %mul3A_768 = arith.constant 16 : i32
        %mul3A_769 = arith.muli %add3A_762, %mul3A_768 : i32
        %add3A_770 = arith.constant 0 : i32
        %add3A_771 = arith.addi %add3A_770, %mul3A_769 : i32
        %add3A_772 = vector.broadcast %add3A_771 : i32 to vector<16xi32>
        %add3A_773 = arith.addi %iota3A, %add3A_772 : vector<16xi32>
        %gt3A_774 = arith.cmpf ogt, %get3A_767, %max3A_593 : vector<16xf32>
        %max3A_775 = arith.maximumf %get3A_767, %max3A_593 : vector<16xf32>
        %select_n3A_776 = arith.select %gt3A_774, %add3A_773, %select_n3A_594 : vector<16xi1>, vector<16xi32>
        %mul3A_777 = arith.constant 10 : i32
        %mul3A_778 = arith.muli %scan3A_740, %mul3A_777 : i32
        %add3A_779 = arith.constant 2 : i32
        %add3A_780 = arith.addi %mul3A_778, %add3A_779 : i32
        %mul3A_781 = arith.constant 16 : i32
        %mul3A_782 = arith.muli %add3A_780, %mul3A_781 : i32
        %get3A_783 = arith.index_cast %mul3A_782 : i32 to index
        %get3A_784 = tpu.vector_load %arg4[%get3A_783] {strides = array<i32>} : memref<20000xf32, #tpu.memory_space<vmem>>, vector<16xf32>,
        %get3A_785 = vector.shape_cast %get3A_784 : vector<16xf32> to vector<16xf32>
        %mul3A_786 = arith.constant 16 : i32
        %mul3A_787 = arith.muli %add3A_780, %mul3A_786 : i32
        %add3A_788 = arith.constant 0 : i32
        %add3A_789 = arith.addi %add3A_788, %mul3A_787 : i32
        %add3A_790 = vector.broadcast %add3A_789 : i32 to vector<16xi32>
        %add3A_791 = arith.addi %iota3A, %add3A_790 : vector<16xi32>
        %gt3A_792 = arith.cmpf ogt, %get3A_785, %max3A_611 : vector<16xf32>
        %max3A_793 = arith.maximumf %get3A_785, %max3A_611 : vector<16xf32>
        %select_n3A_794 = arith.select %gt3A_792, %add3A_791, %select_n3A_612 : vector<16xi1>, vector<16xi32>
        %mul3A_795 = arith.constant 10 : i32
        %mul3A_796 = arith.muli %scan3A_740, %mul3A_795 : i32
        %add3A_797 = arith.constant 3 : i32
        %add3A_798 = arith.addi %mul3A_796, %add3A_797 : i32
        %mul3A_799 = arith.constant 16 : i32
        %mul3A_800 = arith.muli %add3A_798, %mul3A_799 : i32
        %get3A_801 = arith.index_cast %mul3A_800 : i32 to index
        %get3A_802 = tpu.vector_load %arg4[%get3A_801] {strides = array<i32>} : memref<20000xf32, #tpu.memory_space<vmem>>, vector<16xf32>,
        %get3A_803 = vector.shape_cast %get3A_802 : vector<16xf32> to vector<16xf32>
        %mul3A_804 = arith.constant 16 : i32
        %mul3A_805 = arith.muli %add3A_798, %mul3A_804 : i32
        %add3A_806 = arith.constant 0 : i32
        %add3A_807 = arith.addi %add3A_806, %mul3A_805 : i32
        %add3A_808 = vector.broadcast %add3A_807 : i32 to vector<16xi32>
        %add3A_809 = arith.addi %iota3A, %add3A_808 : vector<16xi32>
        %gt3A_810 = arith.cmpf ogt, %get3A_803, %max3A_629 : vector<16xf32>
        %max3A_811 = arith.maximumf %get3A_803, %max3A_629 : vector<16xf32>
        %select_n3A_812 = arith.select %gt3A_810, %add3A_809, %select_n3A_630 : vector<16xi1>, vector<16xi32>
        %mul3A_813 = arith.constant 10 : i32
        %mul3A_814 = arith.muli %scan3A_740, %mul3A_813 : i32
        %add3A_815 = arith.constant 4 : i32
        %add3A_816 = arith.addi %mul3A_814, %add3A_815 : i32
        %mul3A_817 = arith.constant 16 : i32
        %mul3A_818 = arith.muli %add3A_816, %mul3A_817 : i32
        %get3A_819 = arith.index_cast %mul3A_818 : i32 to index
        %get3A_820 = tpu.vector_load %arg4[%get3A_819] {strides = array<i32>} : memref<20000xf32, #tpu.memory_space<vmem>>, vector<16xf32>,
        %get3A_821 = vector.shape_cast %get3A_820 : vector<16xf32> to vector<16xf32>
        %mul3A_822 = arith.constant 16 : i32
        %mul3A_823 = arith.muli %add3A_816, %mul3A_822 : i32
        %add3A_824 = arith.constant 0 : i32
        %add3A_825 = arith.addi %add3A_824, %mul3A_823 : i32
        %add3A_826 = vector.broadcast %add3A_825 : i32 to vector<16xi32>
        %add3A_827 = arith.addi %iota3A, %add3A_826 : vector<16xi32>
        %gt3A_828 = arith.cmpf ogt, %get3A_821, %max3A_647 : vector<16xf32>
        %max3A_829 = arith.maximumf %get3A_821, %max3A_647 : vector<16xf32>
        %select_n3A_830 = arith.select %gt3A_828, %add3A_827, %select_n3A_648 : vector<16xi1>, vector<16xi32>
        %mul3A_831 = arith.constant 10 : i32
        %mul3A_832 = arith.muli %scan3A_740, %mul3A_831 : i32
        %add3A_833 = arith.constant 5 : i32
        %add3A_834 = arith.addi %mul3A_832, %add3A_833 : i32
        %mul3A_835 = arith.constant 16 : i32
        %mul3A_836 = arith.muli %add3A_834, %mul3A_835 : i32
        %get3A_837 = arith.index_cast %mul3A_836 : i32 to index
        %get3A_838 = tpu.vector_load %arg4[%get3A_837] {strides = array<i32>} : memref<20000xf32, #tpu.memory_space<vmem>>, vector<16xf32>,
        %get3A_839 = vector.shape_cast %get3A_838 : vector<16xf32> to vector<16xf32>
        %mul3A_840 = arith.constant 16 : i32
        %mul3A_841 = arith.muli %add3A_834, %mul3A_840 : i32
        %add3A_842 = arith.constant 0 : i32
        %add3A_843 = arith.addi %add3A_842, %mul3A_841 : i32
        %add3A_844 = vector.broadcast %add3A_843 : i32 to vector<16xi32>
        %add3A_845 = arith.addi %iota3A, %add3A_844 : vector<16xi32>
        %gt3A_846 = arith.cmpf ogt, %get3A_839, %max3A_665 : vector<16xf32>
        %max3A_847 = arith.maximumf %get3A_839, %max3A_665 : vector<16xf32>
        %select_n3A_848 = arith.select %gt3A_846, %add3A_845, %select_n3A_666 : vector<16xi1>, vector<16xi32>
        %mul3A_849 = arith.constant 10 : i32
        %mul3A_850 = arith.muli %scan3A_740, %mul3A_849 : i32
        %add3A_851 = arith.constant 6 : i32
        %add3A_852 = arith.addi %mul3A_850, %add3A_851 : i32
        %mul3A_853 = arith.constant 16 : i32
        %mul3A_854 = arith.muli %add3A_852, %mul3A_853 : i32
        %get3A_855 = arith.index_cast %mul3A_854 : i32 to index
        %get3A_856 = tpu.vector_load %arg4[%get3A_855] {strides = array<i32>} : memref<20000xf32, #tpu.memory_space<vmem>>, vector<16xf32>,
        %get3A_857 = vector.shape_cast %get3A_856 : vector<16xf32> to vector<16xf32>
        %mul3A_858 = arith.constant 16 : i32
        %mul3A_859 = arith.muli %add3A_852, %mul3A_858 : i32
        %add3A_860 = arith.constant 0 : i32
        %add3A_861 = arith.addi %add3A_860, %mul3A_859 : i32
        %add3A_862 = vector.broadcast %add3A_861 : i32 to vector<16xi32>
        %add3A_863 = arith.addi %iota3A, %add3A_862 : vector<16xi32>
        %gt3A_864 = arith.cmpf ogt, %get3A_857, %max3A_683 : vector<16xf32>
        %max3A_865 = arith.maximumf %get3A_857, %max3A_683 : vector<16xf32>
        %select_n3A_866 = arith.select %gt3A_864, %add3A_863, %select_n3A_684 : vector<16xi1>, vector<16xi32>
        %mul3A_867 = arith.constant 10 : i32
        %mul3A_868 = arith.muli %scan3A_740, %mul3A_867 : i32
        %add3A_869 = arith.constant 7 : i32
        %add3A_870 = arith.addi %mul3A_868, %add3A_869 : i32
        %mul3A_871 = arith.constant 16 : i32
        %mul3A_872 = arith.muli %add3A_870, %mul3A_871 : i32
        %get3A_873 = arith.index_cast %mul3A_872 : i32 to index
        %get3A_874 = tpu.vector_load %arg4[%get3A_873] {strides = array<i32>} : memref<20000xf32, #tpu.memory_space<vmem>>, vector<16xf32>,
        %get3A_875 = vector.shape_cast %get3A_874 : vector<16xf32> to vector<16xf32>
        %mul3A_876 = arith.constant 16 : i32
        %mul3A_877 = arith.muli %add3A_870, %mul3A_876 : i32
        %add3A_878 = arith.constant 0 : i32
        %add3A_879 = arith.addi %add3A_878, %mul3A_877 : i32
        %add3A_880 = vector.broadcast %add3A_879 : i32 to vector<16xi32>
        %add3A_881 = arith.addi %iota3A, %add3A_880 : vector<16xi32>
        %gt3A_882 = arith.cmpf ogt, %get3A_875, %max3A_701 : vector<16xf32>
        %max3A_883 = arith.maximumf %get3A_875, %max3A_701 : vector<16xf32>
        %select_n3A_884 = arith.select %gt3A_882, %add3A_881, %select_n3A_702 : vector<16xi1>, vector<16xi32>
        %mul3A_885 = arith.constant 10 : i32
        %mul3A_886 = arith.muli %scan3A_740, %mul3A_885 : i32
        %add3A_887 = arith.constant 8 : i32
        %add3A_888 = arith.addi %mul3A_886, %add3A_887 : i32
        %mul3A_889 = arith.constant 16 : i32
        %mul3A_890 = arith.muli %add3A_888, %mul3A_889 : i32
        %get3A_891 = arith.index_cast %mul3A_890 : i32 to index
        %get3A_892 = tpu.vector_load %arg4[%get3A_891] {strides = array<i32>} : memref<20000xf32, #tpu.memory_space<vmem>>, vector<16xf32>,
        %get3A_893 = vector.shape_cast %get3A_892 : vector<16xf32> to vector<16xf32>
        %mul3A_894 = arith.constant 16 : i32
        %mul3A_895 = arith.muli %add3A_888, %mul3A_894 : i32
        %add3A_896 = arith.constant 0 : i32
        %add3A_897 = arith.addi %add3A_896, %mul3A_895 : i32
        %add3A_898 = vector.broadcast %add3A_897 : i32 to vector<16xi32>
        %add3A_899 = arith.addi %iota3A, %add3A_898 : vector<16xi32>
        %gt3A_900 = arith.cmpf ogt, %get3A_893, %max3A_719 : vector<16xf32>
        %max3A_901 = arith.maximumf %get3A_893, %max3A_719 : vector<16xf32>
        %select_n3A_902 = arith.select %gt3A_900, %add3A_899, %select_n3A_720 : vector<16xi1>, vector<16xi32>
        %mul3A_903 = arith.constant 10 : i32
        %mul3A_904 = arith.muli %scan3A_740, %mul3A_903 : i32
        %add3A_905 = arith.constant 9 : i32
        %add3A_906 = arith.addi %mul3A_904, %add3A_905 : i32
        %mul3A_907 = arith.constant 16 : i32
        %mul3A_908 = arith.muli %add3A_906, %mul3A_907 : i32
        %get3A_909 = arith.index_cast %mul3A_908 : i32 to index
        %get3A_910 = tpu.vector_load %arg4[%get3A_909] {strides = array<i32>} : memref<20000xf32, #tpu.memory_space<vmem>>, vector<16xf32>,
        %get3A_911 = vector.shape_cast %get3A_910 : vector<16xf32> to vector<16xf32>
        %mul3A_912 = arith.constant 16 : i32
        %mul3A_913 = arith.muli %add3A_906, %mul3A_912 : i32
        %add3A_914 = arith.constant 0 : i32
        %add3A_915 = arith.addi %add3A_914, %mul3A_913 : i32
        %add3A_916 = vector.broadcast %add3A_915 : i32 to vector<16xi32>
        %add3A_917 = arith.addi %iota3A, %add3A_916 : vector<16xi32>
        %gt3A_918 = arith.cmpf ogt, %get3A_911, %max3A_737 : vector<16xf32>
        %max3A_919 = arith.maximumf %get3A_911, %max3A_737 : vector<16xf32>
        %select_n3A_920 = arith.select %gt3A_918, %add3A_917, %select_n3A_738 : vector<16xi1>, vector<16xi32>
        %scan3A_921 = arith.constant 3 : i32
        %scan3A_922 = arith.addi %scan3A_358, %scan3A_921 : i32
        %mul3A_923 = arith.constant 10 : i32
        %mul3A_924 = arith.muli %scan3A_922, %mul3A_923 : i32
        %add3A_925 = arith.constant 0 : i32
        %add3A_926 = arith.addi %mul3A_924, %add3A_925 : i32
        %mul3A_927 = arith.constant 16 : i32
        %mul3A_928 = arith.muli %add3A_926, %mul3A_927 : i32
        %get3A_929 = arith.index_cast %mul3A_928 : i32 to index
        %get3A_930 = tpu.vector_load %arg4[%get3A_929] {strides = array<i32>} : memref<20000xf32, #tpu.memory_space<vmem>>, vector<16xf32>,
        %get3A_931 = vector.shape_cast %get3A_930 : vector<16xf32> to vector<16xf32>
        %mul3A_932 = arith.constant 16 : i32
        %mul3A_933 = arith.muli %add3A_926, %mul3A_932 : i32
        %add3A_934 = arith.constant 0 : i32
        %add3A_935 = arith.addi %add3A_934, %mul3A_933 : i32
        %add3A_936 = vector.broadcast %add3A_935 : i32 to vector<16xi32>
        %add3A_937 = arith.addi %iota3A, %add3A_936 : vector<16xi32>
        %gt3A_938 = arith.cmpf ogt, %get3A_931, %max3A_757 : vector<16xf32>
        %max3A_939 = arith.maximumf %get3A_931, %max3A_757 : vector<16xf32>
        %select_n3A_940 = arith.select %gt3A_938, %add3A_937, %select_n3A_758 : vector<16xi1>, vector<16xi32>
        %mul3A_941 = arith.constant 10 : i32
        %mul3A_942 = arith.muli %scan3A_922, %mul3A_941 : i32
        %add3A_943 = arith.constant 1 : i32
        %add3A_944 = arith.addi %mul3A_942, %add3A_943 : i32
        %mul3A_945 = arith.constant 16 : i32
        %mul3A_946 = arith.muli %add3A_944, %mul3A_945 : i32
        %get3A_947 = arith.index_cast %mul3A_946 : i32 to index
        %get3A_948 = tpu.vector_load %arg4[%get3A_947] {strides = array<i32>} : memref<20000xf32, #tpu.memory_space<vmem>>, vector<16xf32>,
        %get3A_949 = vector.shape_cast %get3A_948 : vector<16xf32> to vector<16xf32>
        %mul3A_950 = arith.constant 16 : i32
        %mul3A_951 = arith.muli %add3A_944, %mul3A_950 : i32
        %add3A_952 = arith.constant 0 : i32
        %add3A_953 = arith.addi %add3A_952, %mul3A_951 : i32
        %add3A_954 = vector.broadcast %add3A_953 : i32 to vector<16xi32>
        %add3A_955 = arith.addi %iota3A, %add3A_954 : vector<16xi32>
        %gt3A_956 = arith.cmpf ogt, %get3A_949, %max3A_775 : vector<16xf32>
        %max3A_957 = arith.maximumf %get3A_949, %max3A_775 : vector<16xf32>
        %select_n3A_958 = arith.select %gt3A_956, %add3A_955, %select_n3A_776 : vector<16xi1>, vector<16xi32>
        %mul3A_959 = arith.constant 10 : i32
        %mul3A_960 = arith.muli %scan3A_922, %mul3A_959 : i32
        %add3A_961 = arith.constant 2 : i32
        %add3A_962 = arith.addi %mul3A_960, %add3A_961 : i32
        %mul3A_963 = arith.constant 16 : i32
        %mul3A_964 = arith.muli %add3A_962, %mul3A_963 : i32
        %get3A_965 = arith.index_cast %mul3A_964 : i32 to index
        %get3A_966 = tpu.vector_load %arg4[%get3A_965] {strides = array<i32>} : memref<20000xf32, #tpu.memory_space<vmem>>, vector<16xf32>,
        %get3A_967 = vector.shape_cast %get3A_966 : vector<16xf32> to vector<16xf32>
        %mul3A_968 = arith.constant 16 : i32
        %mul3A_969 = arith.muli %add3A_962, %mul3A_968 : i32
        %add3A_970 = arith.constant 0 : i32
        %add3A_971 = arith.addi %add3A_970, %mul3A_969 : i32
        %add3A_972 = vector.broadcast %add3A_971 : i32 to vector<16xi32>
        %add3A_973 = arith.addi %iota3A, %add3A_972 : vector<16xi32>
        %gt3A_974 = arith.cmpf ogt, %get3A_967, %max3A_793 : vector<16xf32>
        %max3A_975 = arith.maximumf %get3A_967, %max3A_793 : vector<16xf32>
        %select_n3A_976 = arith.select %gt3A_974, %add3A_973, %select_n3A_794 : vector<16xi1>, vector<16xi32>
        %mul3A_977 = arith.constant 10 : i32
        %mul3A_978 = arith.muli %scan3A_922, %mul3A_977 : i32
        %add3A_979 = arith.constant 3 : i32
        %add3A_980 = arith.addi %mul3A_978, %add3A_979 : i32
        %mul3A_981 = arith.constant 16 : i32
        %mul3A_982 = arith.muli %add3A_980, %mul3A_981 : i32
        %get3A_983 = arith.index_cast %mul3A_982 : i32 to index
        %get3A_984 = tpu.vector_load %arg4[%get3A_983] {strides = array<i32>} : memref<20000xf32, #tpu.memory_space<vmem>>, vector<16xf32>,
        %get3A_985 = vector.shape_cast %get3A_984 : vector<16xf32> to vector<16xf32>
        %mul3A_986 = arith.constant 16 : i32
        %mul3A_987 = arith.muli %add3A_980, %mul3A_986 : i32
        %add3A_988 = arith.constant 0 : i32
        %add3A_989 = arith.addi %add3A_988, %mul3A_987 : i32
        %add3A_990 = vector.broadcast %add3A_989 : i32 to vector<16xi32>
        %add3A_991 = arith.addi %iota3A, %add3A_990 : vector<16xi32>
        %gt3A_992 = arith.cmpf ogt, %get3A_985, %max3A_811 : vector<16xf32>
        %max3A_993 = arith.maximumf %get3A_985, %max3A_811 : vector<16xf32>
        %select_n3A_994 = arith.select %gt3A_992, %add3A_991, %select_n3A_812 : vector<16xi1>, vector<16xi32>
        %mul3A_995 = arith.constant 10 : i32
        %mul3A_996 = arith.muli %scan3A_922, %mul3A_995 : i32
        %add3A_997 = arith.constant 4 : i32
        %add3A_998 = arith.addi %mul3A_996, %add3A_997 : i32
        %mul3A_999 = arith.constant 16 : i32
        %mul3A_1000 = arith.muli %add3A_998, %mul3A_999 : i32
        %get3A_1001 = arith.index_cast %mul3A_1000 : i32 to index
        %get3A_1002 = tpu.vector_load %arg4[%get3A_1001] {strides = array<i32>} : memref<20000xf32, #tpu.memory_space<vmem>>, vector<16xf32>,
        %get3A_1003 = vector.shape_cast %get3A_1002 : vector<16xf32> to vector<16xf32>
        %mul3A_1004 = arith.constant 16 : i32
        %mul3A_1005 = arith.muli %add3A_998, %mul3A_1004 : i32
        %add3A_1006 = arith.constant 0 : i32
        %add3A_1007 = arith.addi %add3A_1006, %mul3A_1005 : i32
        %add3A_1008 = vector.broadcast %add3A_1007 : i32 to vector<16xi32>
        %add3A_1009 = arith.addi %iota3A, %add3A_1008 : vector<16xi32>
        %gt3A_1010 = arith.cmpf ogt, %get3A_1003, %max3A_829 : vector<16xf32>
        %max3A_1011 = arith.maximumf %get3A_1003, %max3A_829 : vector<16xf32>
        %select_n3A_1012 = arith.select %gt3A_1010, %add3A_1009, %select_n3A_830 : vector<16xi1>, vector<16xi32>
        %mul3A_1013 = arith.constant 10 : i32
        %mul3A_1014 = arith.muli %scan3A_922, %mul3A_1013 : i32
        %add3A_1015 = arith.constant 5 : i32
        %add3A_1016 = arith.addi %mul3A_1014, %add3A_1015 : i32
        %mul3A_1017 = arith.constant 16 : i32
        %mul3A_1018 = arith.muli %add3A_1016, %mul3A_1017 : i32
        %get3A_1019 = arith.index_cast %mul3A_1018 : i32 to index
        %get3A_1020 = tpu.vector_load %arg4[%get3A_1019] {strides = array<i32>} : memref<20000xf32, #tpu.memory_space<vmem>>, vector<16xf32>,
        %get3A_1021 = vector.shape_cast %get3A_1020 : vector<16xf32> to vector<16xf32>
        %mul3A_1022 = arith.constant 16 : i32
        %mul3A_1023 = arith.muli %add3A_1016, %mul3A_1022 : i32
        %add3A_1024 = arith.constant 0 : i32
        %add3A_1025 = arith.addi %add3A_1024, %mul3A_1023 : i32
        %add3A_1026 = vector.broadcast %add3A_1025 : i32 to vector<16xi32>
        %add3A_1027 = arith.addi %iota3A, %add3A_1026 : vector<16xi32>
        %gt3A_1028 = arith.cmpf ogt, %get3A_1021, %max3A_847 : vector<16xf32>
        %max3A_1029 = arith.maximumf %get3A_1021, %max3A_847 : vector<16xf32>
        %select_n3A_1030 = arith.select %gt3A_1028, %add3A_1027, %select_n3A_848 : vector<16xi1>, vector<16xi32>
        %mul3A_1031 = arith.constant 10 : i32
        %mul3A_1032 = arith.muli %scan3A_922, %mul3A_1031 : i32
        %add3A_1033 = arith.constant 6 : i32
        %add3A_1034 = arith.addi %mul3A_1032, %add3A_1033 : i32
        %mul3A_1035 = arith.constant 16 : i32
        %mul3A_1036 = arith.muli %add3A_1034, %mul3A_1035 : i32
        %get3A_1037 = arith.index_cast %mul3A_1036 : i32 to index
        %get3A_1038 = tpu.vector_load %arg4[%get3A_1037] {strides = array<i32>} : memref<20000xf32, #tpu.memory_space<vmem>>, vector<16xf32>,
        %get3A_1039 = vector.shape_cast %get3A_1038 : vector<16xf32> to vector<16xf32>
        %mul3A_1040 = arith.constant 16 : i32
        %mul3A_1041 = arith.muli %add3A_1034, %mul3A_1040 : i32
        %add3A_1042 = arith.constant 0 : i32
        %add3A_1043 = arith.addi %add3A_1042, %mul3A_1041 : i32
        %add3A_1044 = vector.broadcast %add3A_1043 : i32 to vector<16xi32>
        %add3A_1045 = arith.addi %iota3A, %add3A_1044 : vector<16xi32>
        %gt3A_1046 = arith.cmpf ogt, %get3A_1039, %max3A_865 : vector<16xf32>
        %max3A_1047 = arith.maximumf %get3A_1039, %max3A_865 : vector<16xf32>
        %select_n3A_1048 = arith.select %gt3A_1046, %add3A_1045, %select_n3A_866 : vector<16xi1>, vector<16xi32>
        %mul3A_1049 = arith.constant 10 : i32
        %mul3A_1050 = arith.muli %scan3A_922, %mul3A_1049 : i32
        %add3A_1051 = arith.constant 7 : i32
        %add3A_1052 = arith.addi %mul3A_1050, %add3A_1051 : i32
        %mul3A_1053 = arith.constant 16 : i32
        %mul3A_1054 = arith.muli %add3A_1052, %mul3A_1053 : i32
        %get3A_1055 = arith.index_cast %mul3A_1054 : i32 to index
        %get3A_1056 = tpu.vector_load %arg4[%get3A_1055] {strides = array<i32>} : memref<20000xf32, #tpu.memory_space<vmem>>, vector<16xf32>,
        %get3A_1057 = vector.shape_cast %get3A_1056 : vector<16xf32> to vector<16xf32>
        %mul3A_1058 = arith.constant 16 : i32
        %mul3A_1059 = arith.muli %add3A_1052, %mul3A_1058 : i32
        %add3A_1060 = arith.constant 0 : i32
        %add3A_1061 = arith.addi %add3A_1060, %mul3A_1059 : i32
        %add3A_1062 = vector.broadcast %add3A_1061 : i32 to vector<16xi32>
        %add3A_1063 = arith.addi %iota3A, %add3A_1062 : vector<16xi32>
        %gt3A_1064 = arith.cmpf ogt, %get3A_1057, %max3A_883 : vector<16xf32>
        %max3A_1065 = arith.maximumf %get3A_1057, %max3A_883 : vector<16xf32>
        %select_n3A_1066 = arith.select %gt3A_1064, %add3A_1063, %select_n3A_884 : vector<16xi1>, vector<16xi32>
        %mul3A_1067 = arith.constant 10 : i32
        %mul3A_1068 = arith.muli %scan3A_922, %mul3A_1067 : i32
        %add3A_1069 = arith.constant 8 : i32
        %add3A_1070 = arith.addi %mul3A_1068, %add3A_1069 : i32
        %mul3A_1071 = arith.constant 16 : i32
        %mul3A_1072 = arith.muli %add3A_1070, %mul3A_1071 : i32
        %get3A_1073 = arith.index_cast %mul3A_1072 : i32 to index
        %get3A_1074 = tpu.vector_load %arg4[%get3A_1073] {strides = array<i32>} : memref<20000xf32, #tpu.memory_space<vmem>>, vector<16xf32>,
        %get3A_1075 = vector.shape_cast %get3A_1074 : vector<16xf32> to vector<16xf32>
        %mul3A_1076 = arith.constant 16 : i32
        %mul3A_1077 = arith.muli %add3A_1070, %mul3A_1076 : i32
        %add3A_1078 = arith.constant 0 : i32
        %add3A_1079 = arith.addi %add3A_1078, %mul3A_1077 : i32
        %add3A_1080 = vector.broadcast %add3A_1079 : i32 to vector<16xi32>
        %add3A_1081 = arith.addi %iota3A, %add3A_1080 : vector<16xi32>
        %gt3A_1082 = arith.cmpf ogt, %get3A_1075, %max3A_901 : vector<16xf32>
        %max3A_1083 = arith.maximumf %get3A_1075, %max3A_901 : vector<16xf32>
        %select_n3A_1084 = arith.select %gt3A_1082, %add3A_1081, %select_n3A_902 : vector<16xi1>, vector<16xi32>
        %mul3A_1085 = arith.constant 10 : i32
        %mul3A_1086 = arith.muli %scan3A_922, %mul3A_1085 : i32
        %add3A_1087 = arith.constant 9 : i32
        %add3A_1088 = arith.addi %mul3A_1086, %add3A_1087 : i32
        %mul3A_1089 = arith.constant 16 : i32
        %mul3A_1090 = arith.muli %add3A_1088, %mul3A_1089 : i32
        %get3A_1091 = arith.index_cast %mul3A_1090 : i32 to index
        %get3A_1092 = tpu.vector_load %arg4[%get3A_1091] {strides = array<i32>} : memref<20000xf32, #tpu.memory_space<vmem>>, vector<16xf32>,
        %get3A_1093 = vector.shape_cast %get3A_1092 : vector<16xf32> to vector<16xf32>
        %mul3A_1094 = arith.constant 16 : i32
        %mul3A_1095 = arith.muli %add3A_1088, %mul3A_1094 : i32
        %add3A_1096 = arith.constant 0 : i32
        %add3A_1097 = arith.addi %add3A_1096, %mul3A_1095 : i32
        %add3A_1098 = vector.broadcast %add3A_1097 : i32 to vector<16xi32>
        %add3A_1099 = arith.addi %iota3A, %add3A_1098 : vector<16xi32>
        %gt3A_1100 = arith.cmpf ogt, %get3A_1093, %max3A_919 : vector<16xf32>
        %max3A_1101 = arith.maximumf %get3A_1093, %max3A_919 : vector<16xf32>
        %select_n3A_1102 = arith.select %gt3A_1100, %add3A_1099, %select_n3A_920 : vector<16xi1>, vector<16xi32>
        %scan3A_1103 = arith.constant 4 : i32
        %scan3A_1104 = arith.addi %scan3A_358, %scan3A_1103 : i32
        %mul3A_1105 = arith.constant 10 : i32
        %mul3A_1106 = arith.muli %scan3A_1104, %mul3A_1105 : i32
        %add3A_1107 = arith.constant 0 : i32
        %add3A_1108 = arith.addi %mul3A_1106, %add3A_1107 : i32
        %mul3A_1109 = arith.constant 16 : i32
        %mul3A_1110 = arith.muli %add3A_1108, %mul3A_1109 : i32
        %get3A_1111 = arith.index_cast %mul3A_1110 : i32 to index
        %get3A_1112 = tpu.vector_load %arg4[%get3A_1111] {strides = array<i32>} : memref<20000xf32, #tpu.memory_space<vmem>>, vector<16xf32>,
        %get3A_1113 = vector.shape_cast %get3A_1112 : vector<16xf32> to vector<16xf32>
        %mul3A_1114 = arith.constant 16 : i32
        %mul3A_1115 = arith.muli %add3A_1108, %mul3A_1114 : i32
        %add3A_1116 = arith.constant 0 : i32
        %add3A_1117 = arith.addi %add3A_1116, %mul3A_1115 : i32
        %add3A_1118 = vector.broadcast %add3A_1117 : i32 to vector<16xi32>
        %add3A_1119 = arith.addi %iota3A, %add3A_1118 : vector<16xi32>
        %gt3A_1120 = arith.cmpf ogt, %get3A_1113, %max3A_939 : vector<16xf32>
        %max3A_1121 = arith.maximumf %get3A_1113, %max3A_939 : vector<16xf32>
        %select_n3A_1122 = arith.select %gt3A_1120, %add3A_1119, %select_n3A_940 : vector<16xi1>, vector<16xi32>
        %mul3A_1123 = arith.constant 10 : i32
        %mul3A_1124 = arith.muli %scan3A_1104, %mul3A_1123 : i32
        %add3A_1125 = arith.constant 1 : i32
        %add3A_1126 = arith.addi %mul3A_1124, %add3A_1125 : i32
        %mul3A_1127 = arith.constant 16 : i32
        %mul3A_1128 = arith.muli %add3A_1126, %mul3A_1127 : i32
        %get3A_1129 = arith.index_cast %mul3A_1128 : i32 to index
        %get3A_1130 = tpu.vector_load %arg4[%get3A_1129] {strides = array<i32>} : memref<20000xf32, #tpu.memory_space<vmem>>, vector<16xf32>,
        %get3A_1131 = vector.shape_cast %get3A_1130 : vector<16xf32> to vector<16xf32>
        %mul3A_1132 = arith.constant 16 : i32
        %mul3A_1133 = arith.muli %add3A_1126, %mul3A_1132 : i32
        %add3A_1134 = arith.constant 0 : i32
        %add3A_1135 = arith.addi %add3A_1134, %mul3A_1133 : i32
        %add3A_1136 = vector.broadcast %add3A_1135 : i32 to vector<16xi32>
        %add3A_1137 = arith.addi %iota3A, %add3A_1136 : vector<16xi32>
        %gt3A_1138 = arith.cmpf ogt, %get3A_1131, %max3A_957 : vector<16xf32>
        %max3A_1139 = arith.maximumf %get3A_1131, %max3A_957 : vector<16xf32>
        %select_n3A_1140 = arith.select %gt3A_1138, %add3A_1137, %select_n3A_958 : vector<16xi1>, vector<16xi32>
        %mul3A_1141 = arith.constant 10 : i32
        %mul3A_1142 = arith.muli %scan3A_1104, %mul3A_1141 : i32
        %add3A_1143 = arith.constant 2 : i32
        %add3A_1144 = arith.addi %mul3A_1142, %add3A_1143 : i32
        %mul3A_1145 = arith.constant 16 : i32
        %mul3A_1146 = arith.muli %add3A_1144, %mul3A_1145 : i32
        %get3A_1147 = arith.index_cast %mul3A_1146 : i32 to index
        %get3A_1148 = tpu.vector_load %arg4[%get3A_1147] {strides = array<i32>} : memref<20000xf32, #tpu.memory_space<vmem>>, vector<16xf32>,
        %get3A_1149 = vector.shape_cast %get3A_1148 : vector<16xf32> to vector<16xf32>
        %mul3A_1150 = arith.constant 16 : i32
        %mul3A_1151 = arith.muli %add3A_1144, %mul3A_1150 : i32
        %add3A_1152 = arith.constant 0 : i32
        %add3A_1153 = arith.addi %add3A_1152, %mul3A_1151 : i32
        %add3A_1154 = vector.broadcast %add3A_1153 : i32 to vector<16xi32>
        %add3A_1155 = arith.addi %iota3A, %add3A_1154 : vector<16xi32>
        %gt3A_1156 = arith.cmpf ogt, %get3A_1149, %max3A_975 : vector<16xf32>
        %max3A_1157 = arith.maximumf %get3A_1149, %max3A_975 : vector<16xf32>
        %select_n3A_1158 = arith.select %gt3A_1156, %add3A_1155, %select_n3A_976 : vector<16xi1>, vector<16xi32>
        %mul3A_1159 = arith.constant 10 : i32
        %mul3A_1160 = arith.muli %scan3A_1104, %mul3A_1159 : i32
        %add3A_1161 = arith.constant 3 : i32
        %add3A_1162 = arith.addi %mul3A_1160, %add3A_1161 : i32
        %mul3A_1163 = arith.constant 16 : i32
        %mul3A_1164 = arith.muli %add3A_1162, %mul3A_1163 : i32
        %get3A_1165 = arith.index_cast %mul3A_1164 : i32 to index
        %get3A_1166 = tpu.vector_load %arg4[%get3A_1165] {strides = array<i32>} : memref<20000xf32, #tpu.memory_space<vmem>>, vector<16xf32>,
        %get3A_1167 = vector.shape_cast %get3A_1166 : vector<16xf32> to vector<16xf32>
        %mul3A_1168 = arith.constant 16 : i32
        %mul3A_1169 = arith.muli %add3A_1162, %mul3A_1168 : i32
        %add3A_1170 = arith.constant 0 : i32
        %add3A_1171 = arith.addi %add3A_1170, %mul3A_1169 : i32
        %add3A_1172 = vector.broadcast %add3A_1171 : i32 to vector<16xi32>
        %add3A_1173 = arith.addi %iota3A, %add3A_1172 : vector<16xi32>
        %gt3A_1174 = arith.cmpf ogt, %get3A_1167, %max3A_993 : vector<16xf32>
        %max3A_1175 = arith.maximumf %get3A_1167, %max3A_993 : vector<16xf32>
        %select_n3A_1176 = arith.select %gt3A_1174, %add3A_1173, %select_n3A_994 : vector<16xi1>, vector<16xi32>
        %mul3A_1177 = arith.constant 10 : i32
        %mul3A_1178 = arith.muli %scan3A_1104, %mul3A_1177 : i32
        %add3A_1179 = arith.constant 4 : i32
        %add3A_1180 = arith.addi %mul3A_1178, %add3A_1179 : i32
        %mul3A_1181 = arith.constant 16 : i32
        %mul3A_1182 = arith.muli %add3A_1180, %mul3A_1181 : i32
        %get3A_1183 = arith.index_cast %mul3A_1182 : i32 to index
        %get3A_1184 = tpu.vector_load %arg4[%get3A_1183] {strides = array<i32>} : memref<20000xf32, #tpu.memory_space<vmem>>, vector<16xf32>,
        %get3A_1185 = vector.shape_cast %get3A_1184 : vector<16xf32> to vector<16xf32>
        %mul3A_1186 = arith.constant 16 : i32
        %mul3A_1187 = arith.muli %add3A_1180, %mul3A_1186 : i32
        %add3A_1188 = arith.constant 0 : i32
        %add3A_1189 = arith.addi %add3A_1188, %mul3A_1187 : i32
        %add3A_1190 = vector.broadcast %add3A_1189 : i32 to vector<16xi32>
        %add3A_1191 = arith.addi %iota3A, %add3A_1190 : vector<16xi32>
        %gt3A_1192 = arith.cmpf ogt, %get3A_1185, %max3A_1011 : vector<16xf32>
        %max3A_1193 = arith.maximumf %get3A_1185, %max3A_1011 : vector<16xf32>
        %select_n3A_1194 = arith.select %gt3A_1192, %add3A_1191, %select_n3A_1012 : vector<16xi1>, vector<16xi32>
        %mul3A_1195 = arith.constant 10 : i32
        %mul3A_1196 = arith.muli %scan3A_1104, %mul3A_1195 : i32
        %add3A_1197 = arith.constant 5 : i32
        %add3A_1198 = arith.addi %mul3A_1196, %add3A_1197 : i32
        %mul3A_1199 = arith.constant 16 : i32
        %mul3A_1200 = arith.muli %add3A_1198, %mul3A_1199 : i32
        %get3A_1201 = arith.index_cast %mul3A_1200 : i32 to index
        %get3A_1202 = tpu.vector_load %arg4[%get3A_1201] {strides = array<i32>} : memref<20000xf32, #tpu.memory_space<vmem>>, vector<16xf32>,
        %get3A_1203 = vector.shape_cast %get3A_1202 : vector<16xf32> to vector<16xf32>
        %mul3A_1204 = arith.constant 16 : i32
        %mul3A_1205 = arith.muli %add3A_1198, %mul3A_1204 : i32
        %add3A_1206 = arith.constant 0 : i32
        %add3A_1207 = arith.addi %add3A_1206, %mul3A_1205 : i32
        %add3A_1208 = vector.broadcast %add3A_1207 : i32 to vector<16xi32>
        %add3A_1209 = arith.addi %iota3A, %add3A_1208 : vector<16xi32>
        %gt3A_1210 = arith.cmpf ogt, %get3A_1203, %max3A_1029 : vector<16xf32>
        %max3A_1211 = arith.maximumf %get3A_1203, %max3A_1029 : vector<16xf32>
        %select_n3A_1212 = arith.select %gt3A_1210, %add3A_1209, %select_n3A_1030 : vector<16xi1>, vector<16xi32>
        %mul3A_1213 = arith.constant 10 : i32
        %mul3A_1214 = arith.muli %scan3A_1104, %mul3A_1213 : i32
        %add3A_1215 = arith.constant 6 : i32
        %add3A_1216 = arith.addi %mul3A_1214, %add3A_1215 : i32
        %mul3A_1217 = arith.constant 16 : i32
        %mul3A_1218 = arith.muli %add3A_1216, %mul3A_1217 : i32
        %get3A_1219 = arith.index_cast %mul3A_1218 : i32 to index
        %get3A_1220 = tpu.vector_load %arg4[%get3A_1219] {strides = array<i32>} : memref<20000xf32, #tpu.memory_space<vmem>>, vector<16xf32>,
        %get3A_1221 = vector.shape_cast %get3A_1220 : vector<16xf32> to vector<16xf32>
        %mul3A_1222 = arith.constant 16 : i32
        %mul3A_1223 = arith.muli %add3A_1216, %mul3A_1222 : i32
        %add3A_1224 = arith.constant 0 : i32
        %add3A_1225 = arith.addi %add3A_1224, %mul3A_1223 : i32
        %add3A_1226 = vector.broadcast %add3A_1225 : i32 to vector<16xi32>
        %add3A_1227 = arith.addi %iota3A, %add3A_1226 : vector<16xi32>
        %gt3A_1228 = arith.cmpf ogt, %get3A_1221, %max3A_1047 : vector<16xf32>
        %max3A_1229 = arith.maximumf %get3A_1221, %max3A_1047 : vector<16xf32>
        %select_n3A_1230 = arith.select %gt3A_1228, %add3A_1227, %select_n3A_1048 : vector<16xi1>, vector<16xi32>
        %mul3A_1231 = arith.constant 10 : i32
        %mul3A_1232 = arith.muli %scan3A_1104, %mul3A_1231 : i32
        %add3A_1233 = arith.constant 7 : i32
        %add3A_1234 = arith.addi %mul3A_1232, %add3A_1233 : i32
        %mul3A_1235 = arith.constant 16 : i32
        %mul3A_1236 = arith.muli %add3A_1234, %mul3A_1235 : i32
        %get3A_1237 = arith.index_cast %mul3A_1236 : i32 to index
        %get3A_1238 = tpu.vector_load %arg4[%get3A_1237] {strides = array<i32>} : memref<20000xf32, #tpu.memory_space<vmem>>, vector<16xf32>,
        %get3A_1239 = vector.shape_cast %get3A_1238 : vector<16xf32> to vector<16xf32>
        %mul3A_1240 = arith.constant 16 : i32
        %mul3A_1241 = arith.muli %add3A_1234, %mul3A_1240 : i32
        %add3A_1242 = arith.constant 0 : i32
        %add3A_1243 = arith.addi %add3A_1242, %mul3A_1241 : i32
        %add3A_1244 = vector.broadcast %add3A_1243 : i32 to vector<16xi32>
        %add3A_1245 = arith.addi %iota3A, %add3A_1244 : vector<16xi32>
        %gt3A_1246 = arith.cmpf ogt, %get3A_1239, %max3A_1065 : vector<16xf32>
        %max3A_1247 = arith.maximumf %get3A_1239, %max3A_1065 : vector<16xf32>
        %select_n3A_1248 = arith.select %gt3A_1246, %add3A_1245, %select_n3A_1066 : vector<16xi1>, vector<16xi32>
        %mul3A_1249 = arith.constant 10 : i32
        %mul3A_1250 = arith.muli %scan3A_1104, %mul3A_1249 : i32
        %add3A_1251 = arith.constant 8 : i32
        %add3A_1252 = arith.addi %mul3A_1250, %add3A_1251 : i32
        %mul3A_1253 = arith.constant 16 : i32
        %mul3A_1254 = arith.muli %add3A_1252, %mul3A_1253 : i32
        %get3A_1255 = arith.index_cast %mul3A_1254 : i32 to index
        %get3A_1256 = tpu.vector_load %arg4[%get3A_1255] {strides = array<i32>} : memref<20000xf32, #tpu.memory_space<vmem>>, vector<16xf32>,
        %get3A_1257 = vector.shape_cast %get3A_1256 : vector<16xf32> to vector<16xf32>
        %mul3A_1258 = arith.constant 16 : i32
        %mul3A_1259 = arith.muli %add3A_1252, %mul3A_1258 : i32
        %add3A_1260 = arith.constant 0 : i32
        %add3A_1261 = arith.addi %add3A_1260, %mul3A_1259 : i32
        %add3A_1262 = vector.broadcast %add3A_1261 : i32 to vector<16xi32>
        %add3A_1263 = arith.addi %iota3A, %add3A_1262 : vector<16xi32>
        %gt3A_1264 = arith.cmpf ogt, %get3A_1257, %max3A_1083 : vector<16xf32>
        %max3A_1265 = arith.maximumf %get3A_1257, %max3A_1083 : vector<16xf32>
        %select_n3A_1266 = arith.select %gt3A_1264, %add3A_1263, %select_n3A_1084 : vector<16xi1>, vector<16xi32>
        %mul3A_1267 = arith.constant 10 : i32
        %mul3A_1268 = arith.muli %scan3A_1104, %mul3A_1267 : i32
        %add3A_1269 = arith.constant 9 : i32
        %add3A_1270 = arith.addi %mul3A_1268, %add3A_1269 : i32
        %mul3A_1271 = arith.constant 16 : i32
        %mul3A_1272 = arith.muli %add3A_1270, %mul3A_1271 : i32
        %get3A_1273 = arith.index_cast %mul3A_1272 : i32 to index
        %get3A_1274 = tpu.vector_load %arg4[%get3A_1273] {strides = array<i32>} : memref<20000xf32, #tpu.memory_space<vmem>>, vector<16xf32>,
        %get3A_1275 = vector.shape_cast %get3A_1274 : vector<16xf32> to vector<16xf32>
        %mul3A_1276 = arith.constant 16 : i32
        %mul3A_1277 = arith.muli %add3A_1270, %mul3A_1276 : i32
        %add3A_1278 = arith.constant 0 : i32
        %add3A_1279 = arith.addi %add3A_1278, %mul3A_1277 : i32
        %add3A_1280 = vector.broadcast %add3A_1279 : i32 to vector<16xi32>
        %add3A_1281 = arith.addi %iota3A, %add3A_1280 : vector<16xi32>
        %gt3A_1282 = arith.cmpf ogt, %get3A_1275, %max3A_1101 : vector<16xf32>
        %max3A_1283 = arith.maximumf %get3A_1275, %max3A_1101 : vector<16xf32>
        %select_n3A_1284 = arith.select %gt3A_1282, %add3A_1281, %select_n3A_1102 : vector<16xi1>, vector<16xi32>
        scf.yield %max3A_1121, %select_n3A_1122, %max3A_1139, %select_n3A_1140, %max3A_1157, %select_n3A_1158, %max3A_1175, %select_n3A_1176, %max3A_1193, %select_n3A_1194, %max3A_1211, %select_n3A_1212, %max3A_1229, %select_n3A_1230, %max3A_1247, %select_n3A_1248, %max3A_1265, %select_n3A_1266, %max3A_1283, %select_n3A_1284 : vector<16xf32>, vector<16xi32>, vector<16xf32>, vector<16xi32>, vector<16xf32>, vector<16xi32>, vector<16xf32>, vector<16xi32>, vector<16xf32>, vector<16xi32>, vector<16xf32>, vector<16xi32>, vector<16xf32>, vector<16xi32>, vector<16xf32>, vector<16xi32>, vector<16xf32>, vector<16xi32>, vector<16xf32>, vector<16xi32>
      }
      %scan3A_82 = arith.constant 125 : i32
      %add3A_83 = arith.constant 80000 : i32
      %add3A_84 = arith.addi %multiple_of3A, %add3A_83 : i32
      %dma_start3A_85 = tpu.memref_slice %arg2[%add3A_84] : memref<6400000xf32, #tpu.memory_space<hbm>> -> memref<20000xf32, #tpu.memory_space<hbm>>
      %dma_start3A_86 = tpu.memref_slice %arg2[%add3A_84] : memref<6400000xf32, #tpu.memory_space<hbm>> -> memref<20000xf32, #tpu.memory_space<hbm>>
      tpu.enqueue_dma source(%dma_start3A_86 : memref<20000xf32, #tpu.memory_space<hbm>>) target(%arg4 : memref<20000xf32, #tpu.memory_space<vmem>>) target_semaphore(%arg9 : memref<!tpu.dma_semaphore, #tpu.memory_space<semaphore_mem>>)
      %dma_wait3A_87 = tpu.memref_slice %arg2[%add3A_25] : memref<6400000xf32, #tpu.memory_space<hbm>> -> memref<20000xf32, #tpu.memory_space<hbm>>
      %dma_wait3A_88 = tpu.memref_slice %arg2[%add3A_25] : memref<6400000xf32, #tpu.memory_space<hbm>> -> memref<20000xf32, #tpu.memory_space<hbm>>
      tpu.wait_dma2 semaphore(%arg10 : memref<!tpu.dma_semaphore, #tpu.memory_space<semaphore_mem>>) src(%dma_wait3A_88 : memref<20000xf32, #tpu.memory_space<hbm>>) dst(%arg5 : memref<20000xf32, #tpu.memory_space<vmem>>)
      %scan3A_89 = arith.constant 0 : i32
      %scan3A_90 = arith.constant 125 : i32
      %scan3A_91 = arith.addi %scan3A_89, %scan3A_90 : i32
      %scan3A_92 = arith.constant 5 : i32
      %scan3A_93:20 = scf.for %scan3A_358 = %scan3A_89 to %scan3A_91 step %scan3A_92 iter_args(%scan3A_359 = %scan3A_81#0, %scan3A_360 = %scan3A_81#1, %scan3A_361 = %scan3A_81#2, %scan3A_362 = %scan3A_81#3, %scan3A_363 = %scan3A_81#4, %scan3A_364 = %scan3A_81#5, %scan3A_365 = %scan3A_81#6, %scan3A_366 = %scan3A_81#7, %scan3A_367 = %scan3A_81#8, %scan3A_368 = %scan3A_81#9, %scan3A_369 = %scan3A_81#10, %scan3A_370 = %scan3A_81#11, %scan3A_371 = %scan3A_81#12, %scan3A_372 = %scan3A_81#13, %scan3A_373 = %scan3A_81#14, %scan3A_374 = %scan3A_81#15, %scan3A_375 = %scan3A_81#16, %scan3A_376 = %scan3A_81#17, %scan3A_377 = %scan3A_81#18, %scan3A_378 = %scan3A_81#19) -> (vector<16xf32>, vector<16xi32>, vector<16xf32>, vector<16xi32>, vector<16xf32>, vector<16xi32>, vector<16xf32>, vector<16xi32>, vector<16xf32>, vector<16xi32>, vector<16xf32>, vector<16xi32>, vector<16xf32>, vector<16xi32>, vector<16xf32>, vector<16xi32>, vector<16xf32>, vector<16xi32>, vector<16xf32>, vector<16xi32>)  : i32 {
        %mul3A_379 = arith.constant 10 : i32
        %mul3A_380 = arith.muli %scan3A_358, %mul3A_379 : i32
        %add3A_381 = arith.constant 0 : i32
        %add3A_382 = arith.addi %mul3A_380, %add3A_381 : i32
        %mul3A_383 = arith.constant 16 : i32
        %mul3A_384 = arith.muli %add3A_382, %mul3A_383 : i32
        %get3A = arith.index_cast %mul3A_384 : i32 to index
        %get3A_385 = tpu.vector_load %arg5[%get3A] {strides = array<i32>} : memref<20000xf32, #tpu.memory_space<vmem>>, vector<16xf32>,
        %get3A_386 = vector.shape_cast %get3A_385 : vector<16xf32> to vector<16xf32>
        %mul3A_387 = arith.constant 16 : i32
        %mul3A_388 = arith.muli %add3A_382, %mul3A_387 : i32
        %add3A_389 = arith.constant 20000 : i32
        %add3A_390 = arith.addi %add3A_389, %mul3A_388 : i32
        %add3A_391 = vector.broadcast %add3A_390 : i32 to vector<16xi32>
        %add3A_392 = arith.addi %iota3A, %add3A_391 : vector<16xi32>
        %gt3A_393 = arith.cmpf ogt, %get3A_386, %scan3A_359 : vector<16xf32>
        %max3A = arith.maximumf %get3A_386, %scan3A_359 : vector<16xf32>
        %select_n3A_394 = arith.select %gt3A_393, %add3A_392, %scan3A_360 : vector<16xi1>, vector<16xi32>
        %mul3A_395 = arith.constant 10 : i32
        %mul3A_396 = arith.muli %scan3A_358, %mul3A_395 : i32
        %add3A_397 = arith.constant 1 : i32
        %add3A_398 = arith.addi %mul3A_396, %add3A_397 : i32
        %mul3A_399 = arith.constant 16 : i32
        %mul3A_400 = arith.muli %add3A_398, %mul3A_399 : i32
        %get3A_401 = arith.index_cast %mul3A_400 : i32 to index
        %get3A_402 = tpu.vector_load %arg5[%get3A_401] {strides = array<i32>} : memref<20000xf32, #tpu.memory_space<vmem>>, vector<16xf32>,
        %get3A_403 = vector.shape_cast %get3A_402 : vector<16xf32> to vector<16xf32>
        %mul3A_404 = arith.constant 16 : i32
        %mul3A_405 = arith.muli %add3A_398, %mul3A_404 : i32
        %add3A_406 = arith.constant 20000 : i32
        %add3A_407 = arith.addi %add3A_406, %mul3A_405 : i32
        %add3A_408 = vector.broadcast %add3A_407 : i32 to vector<16xi32>
        %add3A_409 = arith.addi %iota3A, %add3A_408 : vector<16xi32>
        %gt3A_410 = arith.cmpf ogt, %get3A_403, %scan3A_361 : vector<16xf32>
        %max3A_411 = arith.maximumf %get3A_403, %scan3A_361 : vector<16xf32>
        %select_n3A_412 = arith.select %gt3A_410, %add3A_409, %scan3A_362 : vector<16xi1>, vector<16xi32>
        %mul3A_413 = arith.constant 10 : i32
        %mul3A_414 = arith.muli %scan3A_358, %mul3A_413 : i32
        %add3A_415 = arith.constant 2 : i32
        %add3A_416 = arith.addi %mul3A_414, %add3A_415 : i32
        %mul3A_417 = arith.constant 16 : i32
        %mul3A_418 = arith.muli %add3A_416, %mul3A_417 : i32
        %get3A_419 = arith.index_cast %mul3A_418 : i32 to index
        %get3A_420 = tpu.vector_load %arg5[%get3A_419] {strides = array<i32>} : memref<20000xf32, #tpu.memory_space<vmem>>, vector<16xf32>,
        %get3A_421 = vector.shape_cast %get3A_420 : vector<16xf32> to vector<16xf32>
        %mul3A_422 = arith.constant 16 : i32
        %mul3A_423 = arith.muli %add3A_416, %mul3A_422 : i32
        %add3A_424 = arith.constant 20000 : i32
        %add3A_425 = arith.addi %add3A_424, %mul3A_423 : i32
        %add3A_426 = vector.broadcast %add3A_425 : i32 to vector<16xi32>
        %add3A_427 = arith.addi %iota3A, %add3A_426 : vector<16xi32>
        %gt3A_428 = arith.cmpf ogt, %get3A_421, %scan3A_363 : vector<16xf32>
        %max3A_429 = arith.maximumf %get3A_421, %scan3A_363 : vector<16xf32>
        %select_n3A_430 = arith.select %gt3A_428, %add3A_427, %scan3A_364 : vector<16xi1>, vector<16xi32>
        %mul3A_431 = arith.constant 10 : i32
        %mul3A_432 = arith.muli %scan3A_358, %mul3A_431 : i32
        %add3A_433 = arith.constant 3 : i32
        %add3A_434 = arith.addi %mul3A_432, %add3A_433 : i32
        %mul3A_435 = arith.constant 16 : i32
        %mul3A_436 = arith.muli %add3A_434, %mul3A_435 : i32
        %get3A_437 = arith.index_cast %mul3A_436 : i32 to index
        %get3A_438 = tpu.vector_load %arg5[%get3A_437] {strides = array<i32>} : memref<20000xf32, #tpu.memory_space<vmem>>, vector<16xf32>,
        %get3A_439 = vector.shape_cast %get3A_438 : vector<16xf32> to vector<16xf32>
        %mul3A_440 = arith.constant 16 : i32
        %mul3A_441 = arith.muli %add3A_434, %mul3A_440 : i32
        %add3A_442 = arith.constant 20000 : i32
        %add3A_443 = arith.addi %add3A_442, %mul3A_441 : i32
        %add3A_444 = vector.broadcast %add3A_443 : i32 to vector<16xi32>
        %add3A_445 = arith.addi %iota3A, %add3A_444 : vector<16xi32>
        %gt3A_446 = arith.cmpf ogt, %get3A_439, %scan3A_365 : vector<16xf32>
        %max3A_447 = arith.maximumf %get3A_439, %scan3A_365 : vector<16xf32>
        %select_n3A_448 = arith.select %gt3A_446, %add3A_445, %scan3A_366 : vector<16xi1>, vector<16xi32>
        %mul3A_449 = arith.constant 10 : i32
        %mul3A_450 = arith.muli %scan3A_358, %mul3A_449 : i32
        %add3A_451 = arith.constant 4 : i32
        %add3A_452 = arith.addi %mul3A_450, %add3A_451 : i32
        %mul3A_453 = arith.constant 16 : i32
        %mul3A_454 = arith.muli %add3A_452, %mul3A_453 : i32
        %get3A_455 = arith.index_cast %mul3A_454 : i32 to index
        %get3A_456 = tpu.vector_load %arg5[%get3A_455] {strides = array<i32>} : memref<20000xf32, #tpu.memory_space<vmem>>, vector<16xf32>,
        %get3A_457 = vector.shape_cast %get3A_456 : vector<16xf32> to vector<16xf32>
        %mul3A_458 = arith.constant 16 : i32
        %mul3A_459 = arith.muli %add3A_452, %mul3A_458 : i32
        %add3A_460 = arith.constant 20000 : i32
        %add3A_461 = arith.addi %add3A_460, %mul3A_459 : i32
        %add3A_462 = vector.broadcast %add3A_461 : i32 to vector<16xi32>
        %add3A_463 = arith.addi %iota3A, %add3A_462 : vector<16xi32>
        %gt3A_464 = arith.cmpf ogt, %get3A_457, %scan3A_367 : vector<16xf32>
        %max3A_465 = arith.maximumf %get3A_457, %scan3A_367 : vector<16xf32>
        %select_n3A_466 = arith.select %gt3A_464, %add3A_463, %scan3A_368 : vector<16xi1>, vector<16xi32>
        %mul3A_467 = arith.constant 10 : i32
        %mul3A_468 = arith.muli %scan3A_358, %mul3A_467 : i32
        %add3A_469 = arith.constant 5 : i32
        %add3A_470 = arith.addi %mul3A_468, %add3A_469 : i32
        %mul3A_471 = arith.constant 16 : i32
        %mul3A_472 = arith.muli %add3A_470, %mul3A_471 : i32
        %get3A_473 = arith.index_cast %mul3A_472 : i32 to index
        %get3A_474 = tpu.vector_load %arg5[%get3A_473] {strides = array<i32>} : memref<20000xf32, #tpu.memory_space<vmem>>, vector<16xf32>,
        %get3A_475 = vector.shape_cast %get3A_474 : vector<16xf32> to vector<16xf32>
        %mul3A_476 = arith.constant 16 : i32
        %mul3A_477 = arith.muli %add3A_470, %mul3A_476 : i32
        %add3A_478 = arith.constant 20000 : i32
        %add3A_479 = arith.addi %add3A_478, %mul3A_477 : i32
        %add3A_480 = vector.broadcast %add3A_479 : i32 to vector<16xi32>
        %add3A_481 = arith.addi %iota3A, %add3A_480 : vector<16xi32>
        %gt3A_482 = arith.cmpf ogt, %get3A_475, %scan3A_369 : vector<16xf32>
        %max3A_483 = arith.maximumf %get3A_475, %scan3A_369 : vector<16xf32>
        %select_n3A_484 = arith.select %gt3A_482, %add3A_481, %scan3A_370 : vector<16xi1>, vector<16xi32>
        %mul3A_485 = arith.constant 10 : i32
        %mul3A_486 = arith.muli %scan3A_358, %mul3A_485 : i32
        %add3A_487 = arith.constant 6 : i32
        %add3A_488 = arith.addi %mul3A_486, %add3A_487 : i32
        %mul3A_489 = arith.constant 16 : i32
        %mul3A_490 = arith.muli %add3A_488, %mul3A_489 : i32
        %get3A_491 = arith.index_cast %mul3A_490 : i32 to index
        %get3A_492 = tpu.vector_load %arg5[%get3A_491] {strides = array<i32>} : memref<20000xf32, #tpu.memory_space<vmem>>, vector<16xf32>,
        %get3A_493 = vector.shape_cast %get3A_492 : vector<16xf32> to vector<16xf32>
        %mul3A_494 = arith.constant 16 : i32
        %mul3A_495 = arith.muli %add3A_488, %mul3A_494 : i32
        %add3A_496 = arith.constant 20000 : i32
        %add3A_497 = arith.addi %add3A_496, %mul3A_495 : i32
        %add3A_498 = vector.broadcast %add3A_497 : i32 to vector<16xi32>
        %add3A_499 = arith.addi %iota3A, %add3A_498 : vector<16xi32>
        %gt3A_500 = arith.cmpf ogt, %get3A_493, %scan3A_371 : vector<16xf32>
        %max3A_501 = arith.maximumf %get3A_493, %scan3A_371 : vector<16xf32>
        %select_n3A_502 = arith.select %gt3A_500, %add3A_499, %scan3A_372 : vector<16xi1>, vector<16xi32>
        %mul3A_503 = arith.constant 10 : i32
        %mul3A_504 = arith.muli %scan3A_358, %mul3A_503 : i32
        %add3A_505 = arith.constant 7 : i32
        %add3A_506 = arith.addi %mul3A_504, %add3A_505 : i32
        %mul3A_507 = arith.constant 16 : i32
        %mul3A_508 = arith.muli %add3A_506, %mul3A_507 : i32
        %get3A_509 = arith.index_cast %mul3A_508 : i32 to index
        %get3A_510 = tpu.vector_load %arg5[%get3A_509] {strides = array<i32>} : memref<20000xf32, #tpu.memory_space<vmem>>, vector<16xf32>,
        %get3A_511 = vector.shape_cast %get3A_510 : vector<16xf32> to vector<16xf32>
        %mul3A_512 = arith.constant 16 : i32
        %mul3A_513 = arith.muli %add3A_506, %mul3A_512 : i32
        %add3A_514 = arith.constant 20000 : i32
        %add3A_515 = arith.addi %add3A_514, %mul3A_513 : i32
        %add3A_516 = vector.broadcast %add3A_515 : i32 to vector<16xi32>
        %add3A_517 = arith.addi %iota3A, %add3A_516 : vector<16xi32>
        %gt3A_518 = arith.cmpf ogt, %get3A_511, %scan3A_373 : vector<16xf32>
        %max3A_519 = arith.maximumf %get3A_511, %scan3A_373 : vector<16xf32>
        %select_n3A_520 = arith.select %gt3A_518, %add3A_517, %scan3A_374 : vector<16xi1>, vector<16xi32>
        %mul3A_521 = arith.constant 10 : i32
        %mul3A_522 = arith.muli %scan3A_358, %mul3A_521 : i32
        %add3A_523 = arith.constant 8 : i32
        %add3A_524 = arith.addi %mul3A_522, %add3A_523 : i32
        %mul3A_525 = arith.constant 16 : i32
        %mul3A_526 = arith.muli %add3A_524, %mul3A_525 : i32
        %get3A_527 = arith.index_cast %mul3A_526 : i32 to index
        %get3A_528 = tpu.vector_load %arg5[%get3A_527] {strides = array<i32>} : memref<20000xf32, #tpu.memory_space<vmem>>, vector<16xf32>,
        %get3A_529 = vector.shape_cast %get3A_528 : vector<16xf32> to vector<16xf32>
        %mul3A_530 = arith.constant 16 : i32
        %mul3A_531 = arith.muli %add3A_524, %mul3A_530 : i32
        %add3A_532 = arith.constant 20000 : i32
        %add3A_533 = arith.addi %add3A_532, %mul3A_531 : i32
        %add3A_534 = vector.broadcast %add3A_533 : i32 to vector<16xi32>
        %add3A_535 = arith.addi %iota3A, %add3A_534 : vector<16xi32>
        %gt3A_536 = arith.cmpf ogt, %get3A_529, %scan3A_375 : vector<16xf32>
        %max3A_537 = arith.maximumf %get3A_529, %scan3A_375 : vector<16xf32>
        %select_n3A_538 = arith.select %gt3A_536, %add3A_535, %scan3A_376 : vector<16xi1>, vector<16xi32>
        %mul3A_539 = arith.constant 10 : i32
        %mul3A_540 = arith.muli %scan3A_358, %mul3A_539 : i32
        %add3A_541 = arith.constant 9 : i32
        %add3A_542 = arith.addi %mul3A_540, %add3A_541 : i32
        %mul3A_543 = arith.constant 16 : i32
        %mul3A_544 = arith.muli %add3A_542, %mul3A_543 : i32
        %get3A_545 = arith.index_cast %mul3A_544 : i32 to index
        %get3A_546 = tpu.vector_load %arg5[%get3A_545] {strides = array<i32>} : memref<20000xf32, #tpu.memory_space<vmem>>, vector<16xf32>,
        %get3A_547 = vector.shape_cast %get3A_546 : vector<16xf32> to vector<16xf32>
        %mul3A_548 = arith.constant 16 : i32
        %mul3A_549 = arith.muli %add3A_542, %mul3A_548 : i32
        %add3A_550 = arith.constant 20000 : i32
        %add3A_551 = arith.addi %add3A_550, %mul3A_549 : i32
        %add3A_552 = vector.broadcast %add3A_551 : i32 to vector<16xi32>
        %add3A_553 = arith.addi %iota3A, %add3A_552 : vector<16xi32>
        %gt3A_554 = arith.cmpf ogt, %get3A_547, %scan3A_377 : vector<16xf32>
        %max3A_555 = arith.maximumf %get3A_547, %scan3A_377 : vector<16xf32>
        %select_n3A_556 = arith.select %gt3A_554, %add3A_553, %scan3A_378 : vector<16xi1>, vector<16xi32>
        %scan3A_557 = arith.constant 1 : i32
        %scan3A_558 = arith.addi %scan3A_358, %scan3A_557 : i32
        %mul3A_559 = arith.constant 10 : i32
        %mul3A_560 = arith.muli %scan3A_558, %mul3A_559 : i32
        %add3A_561 = arith.constant 0 : i32
        %add3A_562 = arith.addi %mul3A_560, %add3A_561 : i32
        %mul3A_563 = arith.constant 16 : i32
        %mul3A_564 = arith.muli %add3A_562, %mul3A_563 : i32
        %get3A_565 = arith.index_cast %mul3A_564 : i32 to index
        %get3A_566 = tpu.vector_load %arg5[%get3A_565] {strides = array<i32>} : memref<20000xf32, #tpu.memory_space<vmem>>, vector<16xf32>,
        %get3A_567 = vector.shape_cast %get3A_566 : vector<16xf32> to vector<16xf32>
        %mul3A_568 = arith.constant 16 : i32
        %mul3A_569 = arith.muli %add3A_562, %mul3A_568 : i32
        %add3A_570 = arith.constant 20000 : i32
        %add3A_571 = arith.addi %add3A_570, %mul3A_569 : i32
        %add3A_572 = vector.broadcast %add3A_571 : i32 to vector<16xi32>
        %add3A_573 = arith.addi %iota3A, %add3A_572 : vector<16xi32>
        %gt3A_574 = arith.cmpf ogt, %get3A_567, %max3A : vector<16xf32>
        %max3A_575 = arith.maximumf %get3A_567, %max3A : vector<16xf32>
        %select_n3A_576 = arith.select %gt3A_574, %add3A_573, %select_n3A_394 : vector<16xi1>, vector<16xi32>
        %mul3A_577 = arith.constant 10 : i32
        %mul3A_578 = arith.muli %scan3A_558, %mul3A_577 : i32
        %add3A_579 = arith.constant 1 : i32
        %add3A_580 = arith.addi %mul3A_578, %add3A_579 : i32
        %mul3A_581 = arith.constant 16 : i32
        %mul3A_582 = arith.muli %add3A_580, %mul3A_581 : i32
        %get3A_583 = arith.index_cast %mul3A_582 : i32 to index
        %get3A_584 = tpu.vector_load %arg5[%get3A_583] {strides = array<i32>} : memref<20000xf32, #tpu.memory_space<vmem>>, vector<16xf32>,
        %get3A_585 = vector.shape_cast %get3A_584 : vector<16xf32> to vector<16xf32>
        %mul3A_586 = arith.constant 16 : i32
        %mul3A_587 = arith.muli %add3A_580, %mul3A_586 : i32
        %add3A_588 = arith.constant 20000 : i32
        %add3A_589 = arith.addi %add3A_588, %mul3A_587 : i32
        %add3A_590 = vector.broadcast %add3A_589 : i32 to vector<16xi32>
        %add3A_591 = arith.addi %iota3A, %add3A_590 : vector<16xi32>
        %gt3A_592 = arith.cmpf ogt, %get3A_585, %max3A_411 : vector<16xf32>
        %max3A_593 = arith.maximumf %get3A_585, %max3A_411 : vector<16xf32>
        %select_n3A_594 = arith.select %gt3A_592, %add3A_591, %select_n3A_412 : vector<16xi1>, vector<16xi32>
        %mul3A_595 = arith.constant 10 : i32
        %mul3A_596 = arith.muli %scan3A_558, %mul3A_595 : i32
        %add3A_597 = arith.constant 2 : i32
        %add3A_598 = arith.addi %mul3A_596, %add3A_597 : i32
        %mul3A_599 = arith.constant 16 : i32
        %mul3A_600 = arith.muli %add3A_598, %mul3A_599 : i32
        %get3A_601 = arith.index_cast %mul3A_600 : i32 to index
        %get3A_602 = tpu.vector_load %arg5[%get3A_601] {strides = array<i32>} : memref<20000xf32, #tpu.memory_space<vmem>>, vector<16xf32>,
        %get3A_603 = vector.shape_cast %get3A_602 : vector<16xf32> to vector<16xf32>
        %mul3A_604 = arith.constant 16 : i32
        %mul3A_605 = arith.muli %add3A_598, %mul3A_604 : i32
        %add3A_606 = arith.constant 20000 : i32
        %add3A_607 = arith.addi %add3A_606, %mul3A_605 : i32
        %add3A_608 = vector.broadcast %add3A_607 : i32 to vector<16xi32>
        %add3A_609 = arith.addi %iota3A, %add3A_608 : vector<16xi32>
        %gt3A_610 = arith.cmpf ogt, %get3A_603, %max3A_429 : vector<16xf32>
        %max3A_611 = arith.maximumf %get3A_603, %max3A_429 : vector<16xf32>
        %select_n3A_612 = arith.select %gt3A_610, %add3A_609, %select_n3A_430 : vector<16xi1>, vector<16xi32>
        %mul3A_613 = arith.constant 10 : i32
        %mul3A_614 = arith.muli %scan3A_558, %mul3A_613 : i32
        %add3A_615 = arith.constant 3 : i32
        %add3A_616 = arith.addi %mul3A_614, %add3A_615 : i32
        %mul3A_617 = arith.constant 16 : i32
        %mul3A_618 = arith.muli %add3A_616, %mul3A_617 : i32
        %get3A_619 = arith.index_cast %mul3A_618 : i32 to index
        %get3A_620 = tpu.vector_load %arg5[%get3A_619] {strides = array<i32>} : memref<20000xf32, #tpu.memory_space<vmem>>, vector<16xf32>,
        %get3A_621 = vector.shape_cast %get3A_620 : vector<16xf32> to vector<16xf32>
        %mul3A_622 = arith.constant 16 : i32
        %mul3A_623 = arith.muli %add3A_616, %mul3A_622 : i32
        %add3A_624 = arith.constant 20000 : i32
        %add3A_625 = arith.addi %add3A_624, %mul3A_623 : i32
        %add3A_626 = vector.broadcast %add3A_625 : i32 to vector<16xi32>
        %add3A_627 = arith.addi %iota3A, %add3A_626 : vector<16xi32>
        %gt3A_628 = arith.cmpf ogt, %get3A_621, %max3A_447 : vector<16xf32>
        %max3A_629 = arith.maximumf %get3A_621, %max3A_447 : vector<16xf32>
        %select_n3A_630 = arith.select %gt3A_628, %add3A_627, %select_n3A_448 : vector<16xi1>, vector<16xi32>
        %mul3A_631 = arith.constant 10 : i32
        %mul3A_632 = arith.muli %scan3A_558, %mul3A_631 : i32
        %add3A_633 = arith.constant 4 : i32
        %add3A_634 = arith.addi %mul3A_632, %add3A_633 : i32
        %mul3A_635 = arith.constant 16 : i32
        %mul3A_636 = arith.muli %add3A_634, %mul3A_635 : i32
        %get3A_637 = arith.index_cast %mul3A_636 : i32 to index
        %get3A_638 = tpu.vector_load %arg5[%get3A_637] {strides = array<i32>} : memref<20000xf32, #tpu.memory_space<vmem>>, vector<16xf32>,
        %get3A_639 = vector.shape_cast %get3A_638 : vector<16xf32> to vector<16xf32>
        %mul3A_640 = arith.constant 16 : i32
        %mul3A_641 = arith.muli %add3A_634, %mul3A_640 : i32
        %add3A_642 = arith.constant 20000 : i32
        %add3A_643 = arith.addi %add3A_642, %mul3A_641 : i32
        %add3A_644 = vector.broadcast %add3A_643 : i32 to vector<16xi32>
        %add3A_645 = arith.addi %iota3A, %add3A_644 : vector<16xi32>
        %gt3A_646 = arith.cmpf ogt, %get3A_639, %max3A_465 : vector<16xf32>
        %max3A_647 = arith.maximumf %get3A_639, %max3A_465 : vector<16xf32>
        %select_n3A_648 = arith.select %gt3A_646, %add3A_645, %select_n3A_466 : vector<16xi1>, vector<16xi32>
        %mul3A_649 = arith.constant 10 : i32
        %mul3A_650 = arith.muli %scan3A_558, %mul3A_649 : i32
        %add3A_651 = arith.constant 5 : i32
        %add3A_652 = arith.addi %mul3A_650, %add3A_651 : i32
        %mul3A_653 = arith.constant 16 : i32
        %mul3A_654 = arith.muli %add3A_652, %mul3A_653 : i32
        %get3A_655 = arith.index_cast %mul3A_654 : i32 to index
        %get3A_656 = tpu.vector_load %arg5[%get3A_655] {strides = array<i32>} : memref<20000xf32, #tpu.memory_space<vmem>>, vector<16xf32>,
        %get3A_657 = vector.shape_cast %get3A_656 : vector<16xf32> to vector<16xf32>
        %mul3A_658 = arith.constant 16 : i32
        %mul3A_659 = arith.muli %add3A_652, %mul3A_658 : i32
        %add3A_660 = arith.constant 20000 : i32
        %add3A_661 = arith.addi %add3A_660, %mul3A_659 : i32
        %add3A_662 = vector.broadcast %add3A_661 : i32 to vector<16xi32>
        %add3A_663 = arith.addi %iota3A, %add3A_662 : vector<16xi32>
        %gt3A_664 = arith.cmpf ogt, %get3A_657, %max3A_483 : vector<16xf32>
        %max3A_665 = arith.maximumf %get3A_657, %max3A_483 : vector<16xf32>
        %select_n3A_666 = arith.select %gt3A_664, %add3A_663, %select_n3A_484 : vector<16xi1>, vector<16xi32>
        %mul3A_667 = arith.constant 10 : i32
        %mul3A_668 = arith.muli %scan3A_558, %mul3A_667 : i32
        %add3A_669 = arith.constant 6 : i32
        %add3A_670 = arith.addi %mul3A_668, %add3A_669 : i32
        %mul3A_671 = arith.constant 16 : i32
        %mul3A_672 = arith.muli %add3A_670, %mul3A_671 : i32
        %get3A_673 = arith.index_cast %mul3A_672 : i32 to index
        %get3A_674 = tpu.vector_load %arg5[%get3A_673] {strides = array<i32>} : memref<20000xf32, #tpu.memory_space<vmem>>, vector<16xf32>,
        %get3A_675 = vector.shape_cast %get3A_674 : vector<16xf32> to vector<16xf32>
        %mul3A_676 = arith.constant 16 : i32
        %mul3A_677 = arith.muli %add3A_670, %mul3A_676 : i32
        %add3A_678 = arith.constant 20000 : i32
        %add3A_679 = arith.addi %add3A_678, %mul3A_677 : i32
        %add3A_680 = vector.broadcast %add3A_679 : i32 to vector<16xi32>
        %add3A_681 = arith.addi %iota3A, %add3A_680 : vector<16xi32>
        %gt3A_682 = arith.cmpf ogt, %get3A_675, %max3A_501 : vector<16xf32>
        %max3A_683 = arith.maximumf %get3A_675, %max3A_501 : vector<16xf32>
        %select_n3A_684 = arith.select %gt3A_682, %add3A_681, %select_n3A_502 : vector<16xi1>, vector<16xi32>
        %mul3A_685 = arith.constant 10 : i32
        %mul3A_686 = arith.muli %scan3A_558, %mul3A_685 : i32
        %add3A_687 = arith.constant 7 : i32
        %add3A_688 = arith.addi %mul3A_686, %add3A_687 : i32
        %mul3A_689 = arith.constant 16 : i32
        %mul3A_690 = arith.muli %add3A_688, %mul3A_689 : i32
        %get3A_691 = arith.index_cast %mul3A_690 : i32 to index
        %get3A_692 = tpu.vector_load %arg5[%get3A_691] {strides = array<i32>} : memref<20000xf32, #tpu.memory_space<vmem>>, vector<16xf32>,
        %get3A_693 = vector.shape_cast %get3A_692 : vector<16xf32> to vector<16xf32>
        %mul3A_694 = arith.constant 16 : i32
        %mul3A_695 = arith.muli %add3A_688, %mul3A_694 : i32
        %add3A_696 = arith.constant 20000 : i32
        %add3A_697 = arith.addi %add3A_696, %mul3A_695 : i32
        %add3A_698 = vector.broadcast %add3A_697 : i32 to vector<16xi32>
        %add3A_699 = arith.addi %iota3A, %add3A_698 : vector<16xi32>
        %gt3A_700 = arith.cmpf ogt, %get3A_693, %max3A_519 : vector<16xf32>
        %max3A_701 = arith.maximumf %get3A_693, %max3A_519 : vector<16xf32>
        %select_n3A_702 = arith.select %gt3A_700, %add3A_699, %select_n3A_520 : vector<16xi1>, vector<16xi32>
        %mul3A_703 = arith.constant 10 : i32
        %mul3A_704 = arith.muli %scan3A_558, %mul3A_703 : i32
        %add3A_705 = arith.constant 8 : i32
        %add3A_706 = arith.addi %mul3A_704, %add3A_705 : i32
        %mul3A_707 = arith.constant 16 : i32
        %mul3A_708 = arith.muli %add3A_706, %mul3A_707 : i32
        %get3A_709 = arith.index_cast %mul3A_708 : i32 to index
        %get3A_710 = tpu.vector_load %arg5[%get3A_709] {strides = array<i32>} : memref<20000xf32, #tpu.memory_space<vmem>>, vector<16xf32>,
        %get3A_711 = vector.shape_cast %get3A_710 : vector<16xf32> to vector<16xf32>
        %mul3A_712 = arith.constant 16 : i32
        %mul3A_713 = arith.muli %add3A_706, %mul3A_712 : i32
        %add3A_714 = arith.constant 20000 : i32
        %add3A_715 = arith.addi %add3A_714, %mul3A_713 : i32
        %add3A_716 = vector.broadcast %add3A_715 : i32 to vector<16xi32>
        %add3A_717 = arith.addi %iota3A, %add3A_716 : vector<16xi32>
        %gt3A_718 = arith.cmpf ogt, %get3A_711, %max3A_537 : vector<16xf32>
        %max3A_719 = arith.maximumf %get3A_711, %max3A_537 : vector<16xf32>
        %select_n3A_720 = arith.select %gt3A_718, %add3A_717, %select_n3A_538 : vector<16xi1>, vector<16xi32>
        %mul3A_721 = arith.constant 10 : i32
        %mul3A_722 = arith.muli %scan3A_558, %mul3A_721 : i32
        %add3A_723 = arith.constant 9 : i32
        %add3A_724 = arith.addi %mul3A_722, %add3A_723 : i32
        %mul3A_725 = arith.constant 16 : i32
        %mul3A_726 = arith.muli %add3A_724, %mul3A_725 : i32
        %get3A_727 = arith.index_cast %mul3A_726 : i32 to index
        %get3A_728 = tpu.vector_load %arg5[%get3A_727] {strides = array<i32>} : memref<20000xf32, #tpu.memory_space<vmem>>, vector<16xf32>,
        %get3A_729 = vector.shape_cast %get3A_728 : vector<16xf32> to vector<16xf32>
        %mul3A_730 = arith.constant 16 : i32
        %mul3A_731 = arith.muli %add3A_724, %mul3A_730 : i32
        %add3A_732 = arith.constant 20000 : i32
        %add3A_733 = arith.addi %add3A_732, %mul3A_731 : i32
        %add3A_734 = vector.broadcast %add3A_733 : i32 to vector<16xi32>
        %add3A_735 = arith.addi %iota3A, %add3A_734 : vector<16xi32>
        %gt3A_736 = arith.cmpf ogt, %get3A_729, %max3A_555 : vector<16xf32>
        %max3A_737 = arith.maximumf %get3A_729, %max3A_555 : vector<16xf32>
        %select_n3A_738 = arith.select %gt3A_736, %add3A_735, %select_n3A_556 : vector<16xi1>, vector<16xi32>
        %scan3A_739 = arith.constant 2 : i32
        %scan3A_740 = arith.addi %scan3A_358, %scan3A_739 : i32
        %mul3A_741 = arith.constant 10 : i32
        %mul3A_742 = arith.muli %scan3A_740, %mul3A_741 : i32
        %add3A_743 = arith.constant 0 : i32
        %add3A_744 = arith.addi %mul3A_742, %add3A_743 : i32
        %mul3A_745 = arith.constant 16 : i32
        %mul3A_746 = arith.muli %add3A_744, %mul3A_745 : i32
        %get3A_747 = arith.index_cast %mul3A_746 : i32 to index
        %get3A_748 = tpu.vector_load %arg5[%get3A_747] {strides = array<i32>} : memref<20000xf32, #tpu.memory_space<vmem>>, vector<16xf32>,
        %get3A_749 = vector.shape_cast %get3A_748 : vector<16xf32> to vector<16xf32>
        %mul3A_750 = arith.constant 16 : i32
        %mul3A_751 = arith.muli %add3A_744, %mul3A_750 : i32
        %add3A_752 = arith.constant 20000 : i32
        %add3A_753 = arith.addi %add3A_752, %mul3A_751 : i32
        %add3A_754 = vector.broadcast %add3A_753 : i32 to vector<16xi32>
        %add3A_755 = arith.addi %iota3A, %add3A_754 : vector<16xi32>
        %gt3A_756 = arith.cmpf ogt, %get3A_749, %max3A_575 : vector<16xf32>
        %max3A_757 = arith.maximumf %get3A_749, %max3A_575 : vector<16xf32>
        %select_n3A_758 = arith.select %gt3A_756, %add3A_755, %select_n3A_576 : vector<16xi1>, vector<16xi32>
        %mul3A_759 = arith.constant 10 : i32
        %mul3A_760 = arith.muli %scan3A_740, %mul3A_759 : i32
        %add3A_761 = arith.constant 1 : i32
        %add3A_762 = arith.addi %mul3A_760, %add3A_761 : i32
        %mul3A_763 = arith.constant 16 : i32
        %mul3A_764 = arith.muli %add3A_762, %mul3A_763 : i32
        %get3A_765 = arith.index_cast %mul3A_764 : i32 to index
        %get3A_766 = tpu.vector_load %arg5[%get3A_765] {strides = array<i32>} : memref<20000xf32, #tpu.memory_space<vmem>>, vector<16xf32>,
        %get3A_767 = vector.shape_cast %get3A_766 : vector<16xf32> to vector<16xf32>
        %mul3A_768 = arith.constant 16 : i32
        %mul3A_769 = arith.muli %add3A_762, %mul3A_768 : i32
        %add3A_770 = arith.constant 20000 : i32
        %add3A_771 = arith.addi %add3A_770, %mul3A_769 : i32
        %add3A_772 = vector.broadcast %add3A_771 : i32 to vector<16xi32>
        %add3A_773 = arith.addi %iota3A, %add3A_772 : vector<16xi32>
        %gt3A_774 = arith.cmpf ogt, %get3A_767, %max3A_593 : vector<16xf32>
        %max3A_775 = arith.maximumf %get3A_767, %max3A_593 : vector<16xf32>
        %select_n3A_776 = arith.select %gt3A_774, %add3A_773, %select_n3A_594 : vector<16xi1>, vector<16xi32>
        %mul3A_777 = arith.constant 10 : i32
        %mul3A_778 = arith.muli %scan3A_740, %mul3A_777 : i32
        %add3A_779 = arith.constant 2 : i32
        %add3A_780 = arith.addi %mul3A_778, %add3A_779 : i32
        %mul3A_781 = arith.constant 16 : i32
        %mul3A_782 = arith.muli %add3A_780, %mul3A_781 : i32
        %get3A_783 = arith.index_cast %mul3A_782 : i32 to index
        %get3A_784 = tpu.vector_load %arg5[%get3A_783] {strides = array<i32>} : memref<20000xf32, #tpu.memory_space<vmem>>, vector<16xf32>,
        %get3A_785 = vector.shape_cast %get3A_784 : vector<16xf32> to vector<16xf32>
        %mul3A_786 = arith.constant 16 : i32
        %mul3A_787 = arith.muli %add3A_780, %mul3A_786 : i32
        %add3A_788 = arith.constant 20000 : i32
        %add3A_789 = arith.addi %add3A_788, %mul3A_787 : i32
        %add3A_790 = vector.broadcast %add3A_789 : i32 to vector<16xi32>
        %add3A_791 = arith.addi %iota3A, %add3A_790 : vector<16xi32>
        %gt3A_792 = arith.cmpf ogt, %get3A_785, %max3A_611 : vector<16xf32>
        %max3A_793 = arith.maximumf %get3A_785, %max3A_611 : vector<16xf32>
        %select_n3A_794 = arith.select %gt3A_792, %add3A_791, %select_n3A_612 : vector<16xi1>, vector<16xi32>
        %mul3A_795 = arith.constant 10 : i32
        %mul3A_796 = arith.muli %scan3A_740, %mul3A_795 : i32
        %add3A_797 = arith.constant 3 : i32
        %add3A_798 = arith.addi %mul3A_796, %add3A_797 : i32
        %mul3A_799 = arith.constant 16 : i32
        %mul3A_800 = arith.muli %add3A_798, %mul3A_799 : i32
        %get3A_801 = arith.index_cast %mul3A_800 : i32 to index
        %get3A_802 = tpu.vector_load %arg5[%get3A_801] {strides = array<i32>} : memref<20000xf32, #tpu.memory_space<vmem>>, vector<16xf32>,
        %get3A_803 = vector.shape_cast %get3A_802 : vector<16xf32> to vector<16xf32>
        %mul3A_804 = arith.constant 16 : i32
        %mul3A_805 = arith.muli %add3A_798, %mul3A_804 : i32
        %add3A_806 = arith.constant 20000 : i32
        %add3A_807 = arith.addi %add3A_806, %mul3A_805 : i32
        %add3A_808 = vector.broadcast %add3A_807 : i32 to vector<16xi32>
        %add3A_809 = arith.addi %iota3A, %add3A_808 : vector<16xi32>
        %gt3A_810 = arith.cmpf ogt, %get3A_803, %max3A_629 : vector<16xf32>
        %max3A_811 = arith.maximumf %get3A_803, %max3A_629 : vector<16xf32>
        %select_n3A_812 = arith.select %gt3A_810, %add3A_809, %select_n3A_630 : vector<16xi1>, vector<16xi32>
        %mul3A_813 = arith.constant 10 : i32
        %mul3A_814 = arith.muli %scan3A_740, %mul3A_813 : i32
        %add3A_815 = arith.constant 4 : i32
        %add3A_816 = arith.addi %mul3A_814, %add3A_815 : i32
        %mul3A_817 = arith.constant 16 : i32
        %mul3A_818 = arith.muli %add3A_816, %mul3A_817 : i32
        %get3A_819 = arith.index_cast %mul3A_818 : i32 to index
        %get3A_820 = tpu.vector_load %arg5[%get3A_819] {strides = array<i32>} : memref<20000xf32, #tpu.memory_space<vmem>>, vector<16xf32>,
        %get3A_821 = vector.shape_cast %get3A_820 : vector<16xf32> to vector<16xf32>
        %mul3A_822 = arith.constant 16 : i32
        %mul3A_823 = arith.muli %add3A_816, %mul3A_822 : i32
        %add3A_824 = arith.constant 20000 : i32
        %add3A_825 = arith.addi %add3A_824, %mul3A_823 : i32
        %add3A_826 = vector.broadcast %add3A_825 : i32 to vector<16xi32>
        %add3A_827 = arith.addi %iota3A, %add3A_826 : vector<16xi32>
        %gt3A_828 = arith.cmpf ogt, %get3A_821, %max3A_647 : vector<16xf32>
        %max3A_829 = arith.maximumf %get3A_821, %max3A_647 : vector<16xf32>
        %select_n3A_830 = arith.select %gt3A_828, %add3A_827, %select_n3A_648 : vector<16xi1>, vector<16xi32>
        %mul3A_831 = arith.constant 10 : i32
        %mul3A_832 = arith.muli %scan3A_740, %mul3A_831 : i32
        %add3A_833 = arith.constant 5 : i32
        %add3A_834 = arith.addi %mul3A_832, %add3A_833 : i32
        %mul3A_835 = arith.constant 16 : i32
        %mul3A_836 = arith.muli %add3A_834, %mul3A_835 : i32
        %get3A_837 = arith.index_cast %mul3A_836 : i32 to index
        %get3A_838 = tpu.vector_load %arg5[%get3A_837] {strides = array<i32>} : memref<20000xf32, #tpu.memory_space<vmem>>, vector<16xf32>,
        %get3A_839 = vector.shape_cast %get3A_838 : vector<16xf32> to vector<16xf32>
        %mul3A_840 = arith.constant 16 : i32
        %mul3A_841 = arith.muli %add3A_834, %mul3A_840 : i32
        %add3A_842 = arith.constant 20000 : i32
        %add3A_843 = arith.addi %add3A_842, %mul3A_841 : i32
        %add3A_844 = vector.broadcast %add3A_843 : i32 to vector<16xi32>
        %add3A_845 = arith.addi %iota3A, %add3A_844 : vector<16xi32>
        %gt3A_846 = arith.cmpf ogt, %get3A_839, %max3A_665 : vector<16xf32>
        %max3A_847 = arith.maximumf %get3A_839, %max3A_665 : vector<16xf32>
        %select_n3A_848 = arith.select %gt3A_846, %add3A_845, %select_n3A_666 : vector<16xi1>, vector<16xi32>
        %mul3A_849 = arith.constant 10 : i32
        %mul3A_850 = arith.muli %scan3A_740, %mul3A_849 : i32
        %add3A_851 = arith.constant 6 : i32
        %add3A_852 = arith.addi %mul3A_850, %add3A_851 : i32
        %mul3A_853 = arith.constant 16 : i32
        %mul3A_854 = arith.muli %add3A_852, %mul3A_853 : i32
        %get3A_855 = arith.index_cast %mul3A_854 : i32 to index
        %get3A_856 = tpu.vector_load %arg5[%get3A_855] {strides = array<i32>} : memref<20000xf32, #tpu.memory_space<vmem>>, vector<16xf32>,
        %get3A_857 = vector.shape_cast %get3A_856 : vector<16xf32> to vector<16xf32>
        %mul3A_858 = arith.constant 16 : i32
        %mul3A_859 = arith.muli %add3A_852, %mul3A_858 : i32
        %add3A_860 = arith.constant 20000 : i32
        %add3A_861 = arith.addi %add3A_860, %mul3A_859 : i32
        %add3A_862 = vector.broadcast %add3A_861 : i32 to vector<16xi32>
        %add3A_863 = arith.addi %iota3A, %add3A_862 : vector<16xi32>
        %gt3A_864 = arith.cmpf ogt, %get3A_857, %max3A_683 : vector<16xf32>
        %max3A_865 = arith.maximumf %get3A_857, %max3A_683 : vector<16xf32>
        %select_n3A_866 = arith.select %gt3A_864, %add3A_863, %select_n3A_684 : vector<16xi1>, vector<16xi32>
        %mul3A_867 = arith.constant 10 : i32
        %mul3A_868 = arith.muli %scan3A_740, %mul3A_867 : i32
        %add3A_869 = arith.constant 7 : i32
        %add3A_870 = arith.addi %mul3A_868, %add3A_869 : i32
        %mul3A_871 = arith.constant 16 : i32
        %mul3A_872 = arith.muli %add3A_870, %mul3A_871 : i32
        %get3A_873 = arith.index_cast %mul3A_872 : i32 to index
        %get3A_874 = tpu.vector_load %arg5[%get3A_873] {strides = array<i32>} : memref<20000xf32, #tpu.memory_space<vmem>>, vector<16xf32>,
        %get3A_875 = vector.shape_cast %get3A_874 : vector<16xf32> to vector<16xf32>
        %mul3A_876 = arith.constant 16 : i32
        %mul3A_877 = arith.muli %add3A_870, %mul3A_876 : i32
        %add3A_878 = arith.constant 20000 : i32
        %add3A_879 = arith.addi %add3A_878, %mul3A_877 : i32
        %add3A_880 = vector.broadcast %add3A_879 : i32 to vector<16xi32>
        %add3A_881 = arith.addi %iota3A, %add3A_880 : vector<16xi32>
        %gt3A_882 = arith.cmpf ogt, %get3A_875, %max3A_701 : vector<16xf32>
        %max3A_883 = arith.maximumf %get3A_875, %max3A_701 : vector<16xf32>
        %select_n3A_884 = arith.select %gt3A_882, %add3A_881, %select_n3A_702 : vector<16xi1>, vector<16xi32>
        %mul3A_885 = arith.constant 10 : i32
        %mul3A_886 = arith.muli %scan3A_740, %mul3A_885 : i32
        %add3A_887 = arith.constant 8 : i32
        %add3A_888 = arith.addi %mul3A_886, %add3A_887 : i32
        %mul3A_889 = arith.constant 16 : i32
        %mul3A_890 = arith.muli %add3A_888, %mul3A_889 : i32
        %get3A_891 = arith.index_cast %mul3A_890 : i32 to index
        %get3A_892 = tpu.vector_load %arg5[%get3A_891] {strides = array<i32>} : memref<20000xf32, #tpu.memory_space<vmem>>, vector<16xf32>,
        %get3A_893 = vector.shape_cast %get3A_892 : vector<16xf32> to vector<16xf32>
        %mul3A_894 = arith.constant 16 : i32
        %mul3A_895 = arith.muli %add3A_888, %mul3A_894 : i32
        %add3A_896 = arith.constant 20000 : i32
        %add3A_897 = arith.addi %add3A_896, %mul3A_895 : i32
        %add3A_898 = vector.broadcast %add3A_897 : i32 to vector<16xi32>
        %add3A_899 = arith.addi %iota3A, %add3A_898 : vector<16xi32>
        %gt3A_900 = arith.cmpf ogt, %get3A_893, %max3A_719 : vector<16xf32>
        %max3A_901 = arith.maximumf %get3A_893, %max3A_719 : vector<16xf32>
        %select_n3A_902 = arith.select %gt3A_900, %add3A_899, %select_n3A_720 : vector<16xi1>, vector<16xi32>
        %mul3A_903 = arith.constant 10 : i32
        %mul3A_904 = arith.muli %scan3A_740, %mul3A_903 : i32
        %add3A_905 = arith.constant 9 : i32
        %add3A_906 = arith.addi %mul3A_904, %add3A_905 : i32
        %mul3A_907 = arith.constant 16 : i32
        %mul3A_908 = arith.muli %add3A_906, %mul3A_907 : i32
        %get3A_909 = arith.index_cast %mul3A_908 : i32 to index
        %get3A_910 = tpu.vector_load %arg5[%get3A_909] {strides = array<i32>} : memref<20000xf32, #tpu.memory_space<vmem>>, vector<16xf32>,
        %get3A_911 = vector.shape_cast %get3A_910 : vector<16xf32> to vector<16xf32>
        %mul3A_912 = arith.constant 16 : i32
        %mul3A_913 = arith.muli %add3A_906, %mul3A_912 : i32
        %add3A_914 = arith.constant 20000 : i32
        %add3A_915 = arith.addi %add3A_914, %mul3A_913 : i32
        %add3A_916 = vector.broadcast %add3A_915 : i32 to vector<16xi32>
        %add3A_917 = arith.addi %iota3A, %add3A_916 : vector<16xi32>
        %gt3A_918 = arith.cmpf ogt, %get3A_911, %max3A_737 : vector<16xf32>
        %max3A_919 = arith.maximumf %get3A_911, %max3A_737 : vector<16xf32>
        %select_n3A_920 = arith.select %gt3A_918, %add3A_917, %select_n3A_738 : vector<16xi1>, vector<16xi32>
        %scan3A_921 = arith.constant 3 : i32
        %scan3A_922 = arith.addi %scan3A_358, %scan3A_921 : i32
        %mul3A_923 = arith.constant 10 : i32
        %mul3A_924 = arith.muli %scan3A_922, %mul3A_923 : i32
        %add3A_925 = arith.constant 0 : i32
        %add3A_926 = arith.addi %mul3A_924, %add3A_925 : i32
        %mul3A_927 = arith.constant 16 : i32
        %mul3A_928 = arith.muli %add3A_926, %mul3A_927 : i32
        %get3A_929 = arith.index_cast %mul3A_928 : i32 to index
        %get3A_930 = tpu.vector_load %arg5[%get3A_929] {strides = array<i32>} : memref<20000xf32, #tpu.memory_space<vmem>>, vector<16xf32>,
        %get3A_931 = vector.shape_cast %get3A_930 : vector<16xf32> to vector<16xf32>
        %mul3A_932 = arith.constant 16 : i32
        %mul3A_933 = arith.muli %add3A_926, %mul3A_932 : i32
        %add3A_934 = arith.constant 20000 : i32
        %add3A_935 = arith.addi %add3A_934, %mul3A_933 : i32
        %add3A_936 = vector.broadcast %add3A_935 : i32 to vector<16xi32>
        %add3A_937 = arith.addi %iota3A, %add3A_936 : vector<16xi32>
        %gt3A_938 = arith.cmpf ogt, %get3A_931, %max3A_757 : vector<16xf32>
        %max3A_939 = arith.maximumf %get3A_931, %max3A_757 : vector<16xf32>
        %select_n3A_940 = arith.select %gt3A_938, %add3A_937, %select_n3A_758 : vector<16xi1>, vector<16xi32>
        %mul3A_941 = arith.constant 10 : i32
        %mul3A_942 = arith.muli %scan3A_922, %mul3A_941 : i32
        %add3A_943 = arith.constant 1 : i32
        %add3A_944 = arith.addi %mul3A_942, %add3A_943 : i32
        %mul3A_945 = arith.constant 16 : i32
        %mul3A_946 = arith.muli %add3A_944, %mul3A_945 : i32
        %get3A_947 = arith.index_cast %mul3A_946 : i32 to index
        %get3A_948 = tpu.vector_load %arg5[%get3A_947] {strides = array<i32>} : memref<20000xf32, #tpu.memory_space<vmem>>, vector<16xf32>,
        %get3A_949 = vector.shape_cast %get3A_948 : vector<16xf32> to vector<16xf32>
        %mul3A_950 = arith.constant 16 : i32
        %mul3A_951 = arith.muli %add3A_944, %mul3A_950 : i32
        %add3A_952 = arith.constant 20000 : i32
        %add3A_953 = arith.addi %add3A_952, %mul3A_951 : i32
        %add3A_954 = vector.broadcast %add3A_953 : i32 to vector<16xi32>
        %add3A_955 = arith.addi %iota3A, %add3A_954 : vector<16xi32>
        %gt3A_956 = arith.cmpf ogt, %get3A_949, %max3A_775 : vector<16xf32>
        %max3A_957 = arith.maximumf %get3A_949, %max3A_775 : vector<16xf32>
        %select_n3A_958 = arith.select %gt3A_956, %add3A_955, %select_n3A_776 : vector<16xi1>, vector<16xi32>
        %mul3A_959 = arith.constant 10 : i32
        %mul3A_960 = arith.muli %scan3A_922, %mul3A_959 : i32
        %add3A_961 = arith.constant 2 : i32
        %add3A_962 = arith.addi %mul3A_960, %add3A_961 : i32
        %mul3A_963 = arith.constant 16 : i32
        %mul3A_964 = arith.muli %add3A_962, %mul3A_963 : i32
        %get3A_965 = arith.index_cast %mul3A_964 : i32 to index
        %get3A_966 = tpu.vector_load %arg5[%get3A_965] {strides = array<i32>} : memref<20000xf32, #tpu.memory_space<vmem>>, vector<16xf32>,
        %get3A_967 = vector.shape_cast %get3A_966 : vector<16xf32> to vector<16xf32>
        %mul3A_968 = arith.constant 16 : i32
        %mul3A_969 = arith.muli %add3A_962, %mul3A_968 : i32
        %add3A_970 = arith.constant 20000 : i32
        %add3A_971 = arith.addi %add3A_970, %mul3A_969 : i32
        %add3A_972 = vector.broadcast %add3A_971 : i32 to vector<16xi32>
        %add3A_973 = arith.addi %iota3A, %add3A_972 : vector<16xi32>
        %gt3A_974 = arith.cmpf ogt, %get3A_967, %max3A_793 : vector<16xf32>
        %max3A_975 = arith.maximumf %get3A_967, %max3A_793 : vector<16xf32>
        %select_n3A_976 = arith.select %gt3A_974, %add3A_973, %select_n3A_794 : vector<16xi1>, vector<16xi32>
        %mul3A_977 = arith.constant 10 : i32
        %mul3A_978 = arith.muli %scan3A_922, %mul3A_977 : i32
        %add3A_979 = arith.constant 3 : i32
        %add3A_980 = arith.addi %mul3A_978, %add3A_979 : i32
        %mul3A_981 = arith.constant 16 : i32
        %mul3A_982 = arith.muli %add3A_980, %mul3A_981 : i32
        %get3A_983 = arith.index_cast %mul3A_982 : i32 to index
        %get3A_984 = tpu.vector_load %arg5[%get3A_983] {strides = array<i32>} : memref<20000xf32, #tpu.memory_space<vmem>>, vector<16xf32>,
        %get3A_985 = vector.shape_cast %get3A_984 : vector<16xf32> to vector<16xf32>
        %mul3A_986 = arith.constant 16 : i32
        %mul3A_987 = arith.muli %add3A_980, %mul3A_986 : i32
        %add3A_988 = arith.constant 20000 : i32
        %add3A_989 = arith.addi %add3A_988, %mul3A_987 : i32
        %add3A_990 = vector.broadcast %add3A_989 : i32 to vector<16xi32>
        %add3A_991 = arith.addi %iota3A, %add3A_990 : vector<16xi32>
        %gt3A_992 = arith.cmpf ogt, %get3A_985, %max3A_811 : vector<16xf32>
        %max3A_993 = arith.maximumf %get3A_985, %max3A_811 : vector<16xf32>
        %select_n3A_994 = arith.select %gt3A_992, %add3A_991, %select_n3A_812 : vector<16xi1>, vector<16xi32>
        %mul3A_995 = arith.constant 10 : i32
        %mul3A_996 = arith.muli %scan3A_922, %mul3A_995 : i32
        %add3A_997 = arith.constant 4 : i32
        %add3A_998 = arith.addi %mul3A_996, %add3A_997 : i32
        %mul3A_999 = arith.constant 16 : i32
        %mul3A_1000 = arith.muli %add3A_998, %mul3A_999 : i32
        %get3A_1001 = arith.index_cast %mul3A_1000 : i32 to index
        %get3A_1002 = tpu.vector_load %arg5[%get3A_1001] {strides = array<i32>} : memref<20000xf32, #tpu.memory_space<vmem>>, vector<16xf32>,
        %get3A_1003 = vector.shape_cast %get3A_1002 : vector<16xf32> to vector<16xf32>
        %mul3A_1004 = arith.constant 16 : i32
        %mul3A_1005 = arith.muli %add3A_998, %mul3A_1004 : i32
        %add3A_1006 = arith.constant 20000 : i32
        %add3A_1007 = arith.addi %add3A_1006, %mul3A_1005 : i32
        %add3A_1008 = vector.broadcast %add3A_1007 : i32 to vector<16xi32>
        %add3A_1009 = arith.addi %iota3A, %add3A_1008 : vector<16xi32>
        %gt3A_1010 = arith.cmpf ogt, %get3A_1003, %max3A_829 : vector<16xf32>
        %max3A_1011 = arith.maximumf %get3A_1003, %max3A_829 : vector<16xf32>
        %select_n3A_1012 = arith.select %gt3A_1010, %add3A_1009, %select_n3A_830 : vector<16xi1>, vector<16xi32>
        %mul3A_1013 = arith.constant 10 : i32
        %mul3A_1014 = arith.muli %scan3A_922, %mul3A_1013 : i32
        %add3A_1015 = arith.constant 5 : i32
        %add3A_1016 = arith.addi %mul3A_1014, %add3A_1015 : i32
        %mul3A_1017 = arith.constant 16 : i32
        %mul3A_1018 = arith.muli %add3A_1016, %mul3A_1017 : i32
        %get3A_1019 = arith.index_cast %mul3A_1018 : i32 to index
        %get3A_1020 = tpu.vector_load %arg5[%get3A_1019] {strides = array<i32>} : memref<20000xf32, #tpu.memory_space<vmem>>, vector<16xf32>,
        %get3A_1021 = vector.shape_cast %get3A_1020 : vector<16xf32> to vector<16xf32>
        %mul3A_1022 = arith.constant 16 : i32
        %mul3A_1023 = arith.muli %add3A_1016, %mul3A_1022 : i32
        %add3A_1024 = arith.constant 20000 : i32
        %add3A_1025 = arith.addi %add3A_1024, %mul3A_1023 : i32
        %add3A_1026 = vector.broadcast %add3A_1025 : i32 to vector<16xi32>
        %add3A_1027 = arith.addi %iota3A, %add3A_1026 : vector<16xi32>
        %gt3A_1028 = arith.cmpf ogt, %get3A_1021, %max3A_847 : vector<16xf32>
        %max3A_1029 = arith.maximumf %get3A_1021, %max3A_847 : vector<16xf32>
        %select_n3A_1030 = arith.select %gt3A_1028, %add3A_1027, %select_n3A_848 : vector<16xi1>, vector<16xi32>
        %mul3A_1031 = arith.constant 10 : i32
        %mul3A_1032 = arith.muli %scan3A_922, %mul3A_1031 : i32
        %add3A_1033 = arith.constant 6 : i32
        %add3A_1034 = arith.addi %mul3A_1032, %add3A_1033 : i32
        %mul3A_1035 = arith.constant 16 : i32
        %mul3A_1036 = arith.muli %add3A_1034, %mul3A_1035 : i32
        %get3A_1037 = arith.index_cast %mul3A_1036 : i32 to index
        %get3A_1038 = tpu.vector_load %arg5[%get3A_1037] {strides = array<i32>} : memref<20000xf32, #tpu.memory_space<vmem>>, vector<16xf32>,
        %get3A_1039 = vector.shape_cast %get3A_1038 : vector<16xf32> to vector<16xf32>
        %mul3A_1040 = arith.constant 16 : i32
        %mul3A_1041 = arith.muli %add3A_1034, %mul3A_1040 : i32
        %add3A_1042 = arith.constant 20000 : i32
        %add3A_1043 = arith.addi %add3A_1042, %mul3A_1041 : i32
        %add3A_1044 = vector.broadcast %add3A_1043 : i32 to vector<16xi32>
        %add3A_1045 = arith.addi %iota3A, %add3A_1044 : vector<16xi32>
        %gt3A_1046 = arith.cmpf ogt, %get3A_1039, %max3A_865 : vector<16xf32>
        %max3A_1047 = arith.maximumf %get3A_1039, %max3A_865 : vector<16xf32>
        %select_n3A_1048 = arith.select %gt3A_1046, %add3A_1045, %select_n3A_866 : vector<16xi1>, vector<16xi32>
        %mul3A_1049 = arith.constant 10 : i32
        %mul3A_1050 = arith.muli %scan3A_922, %mul3A_1049 : i32
        %add3A_1051 = arith.constant 7 : i32
        %add3A_1052 = arith.addi %mul3A_1050, %add3A_1051 : i32
        %mul3A_1053 = arith.constant 16 : i32
        %mul3A_1054 = arith.muli %add3A_1052, %mul3A_1053 : i32
        %get3A_1055 = arith.index_cast %mul3A_1054 : i32 to index
        %get3A_1056 = tpu.vector_load %arg5[%get3A_1055] {strides = array<i32>} : memref<20000xf32, #tpu.memory_space<vmem>>, vector<16xf32>,
        %get3A_1057 = vector.shape_cast %get3A_1056 : vector<16xf32> to vector<16xf32>
        %mul3A_1058 = arith.constant 16 : i32
        %mul3A_1059 = arith.muli %add3A_1052, %mul3A_1058 : i32
        %add3A_1060 = arith.constant 20000 : i32
        %add3A_1061 = arith.addi %add3A_1060, %mul3A_1059 : i32
        %add3A_1062 = vector.broadcast %add3A_1061 : i32 to vector<16xi32>
        %add3A_1063 = arith.addi %iota3A, %add3A_1062 : vector<16xi32>
        %gt3A_1064 = arith.cmpf ogt, %get3A_1057, %max3A_883 : vector<16xf32>
        %max3A_1065 = arith.maximumf %get3A_1057, %max3A_883 : vector<16xf32>
        %select_n3A_1066 = arith.select %gt3A_1064, %add3A_1063, %select_n3A_884 : vector<16xi1>, vector<16xi32>
        %mul3A_1067 = arith.constant 10 : i32
        %mul3A_1068 = arith.muli %scan3A_922, %mul3A_1067 : i32
        %add3A_1069 = arith.constant 8 : i32
        %add3A_1070 = arith.addi %mul3A_1068, %add3A_1069 : i32
        %mul3A_1071 = arith.constant 16 : i32
        %mul3A_1072 = arith.muli %add3A_1070, %mul3A_1071 : i32
        %get3A_1073 = arith.index_cast %mul3A_1072 : i32 to index
        %get3A_1074 = tpu.vector_load %arg5[%get3A_1073] {strides = array<i32>} : memref<20000xf32, #tpu.memory_space<vmem>>, vector<16xf32>,
        %get3A_1075 = vector.shape_cast %get3A_1074 : vector<16xf32> to vector<16xf32>
        %mul3A_1076 = arith.constant 16 : i32
        %mul3A_1077 = arith.muli %add3A_1070, %mul3A_1076 : i32
        %add3A_1078 = arith.constant 20000 : i32
        %add3A_1079 = arith.addi %add3A_1078, %mul3A_1077 : i32
        %add3A_1080 = vector.broadcast %add3A_1079 : i32 to vector<16xi32>
        %add3A_1081 = arith.addi %iota3A, %add3A_1080 : vector<16xi32>
        %gt3A_1082 = arith.cmpf ogt, %get3A_1075, %max3A_901 : vector<16xf32>
        %max3A_1083 = arith.maximumf %get3A_1075, %max3A_901 : vector<16xf32>
        %select_n3A_1084 = arith.select %gt3A_1082, %add3A_1081, %select_n3A_902 : vector<16xi1>, vector<16xi32>
        %mul3A_1085 = arith.constant 10 : i32
        %mul3A_1086 = arith.muli %scan3A_922, %mul3A_1085 : i32
        %add3A_1087 = arith.constant 9 : i32
        %add3A_1088 = arith.addi %mul3A_1086, %add3A_1087 : i32
        %mul3A_1089 = arith.constant 16 : i32
        %mul3A_1090 = arith.muli %add3A_1088, %mul3A_1089 : i32
        %get3A_1091 = arith.index_cast %mul3A_1090 : i32 to index
        %get3A_1092 = tpu.vector_load %arg5[%get3A_1091] {strides = array<i32>} : memref<20000xf32, #tpu.memory_space<vmem>>, vector<16xf32>,
        %get3A_1093 = vector.shape_cast %get3A_1092 : vector<16xf32> to vector<16xf32>
        %mul3A_1094 = arith.constant 16 : i32
        %mul3A_1095 = arith.muli %add3A_1088, %mul3A_1094 : i32
        %add3A_1096 = arith.constant 20000 : i32
        %add3A_1097 = arith.addi %add3A_1096, %mul3A_1095 : i32
        %add3A_1098 = vector.broadcast %add3A_1097 : i32 to vector<16xi32>
        %add3A_1099 = arith.addi %iota3A, %add3A_1098 : vector<16xi32>
        %gt3A_1100 = arith.cmpf ogt, %get3A_1093, %max3A_919 : vector<16xf32>
        %max3A_1101 = arith.maximumf %get3A_1093, %max3A_919 : vector<16xf32>
        %select_n3A_1102 = arith.select %gt3A_1100, %add3A_1099, %select_n3A_920 : vector<16xi1>, vector<16xi32>
        %scan3A_1103 = arith.constant 4 : i32
        %scan3A_1104 = arith.addi %scan3A_358, %scan3A_1103 : i32
        %mul3A_1105 = arith.constant 10 : i32
        %mul3A_1106 = arith.muli %scan3A_1104, %mul3A_1105 : i32
        %add3A_1107 = arith.constant 0 : i32
        %add3A_1108 = arith.addi %mul3A_1106, %add3A_1107 : i32
        %mul3A_1109 = arith.constant 16 : i32
        %mul3A_1110 = arith.muli %add3A_1108, %mul3A_1109 : i32
        %get3A_1111 = arith.index_cast %mul3A_1110 : i32 to index
        %get3A_1112 = tpu.vector_load %arg5[%get3A_1111] {strides = array<i32>} : memref<20000xf32, #tpu.memory_space<vmem>>, vector<16xf32>,
        %get3A_1113 = vector.shape_cast %get3A_1112 : vector<16xf32> to vector<16xf32>
        %mul3A_1114 = arith.constant 16 : i32
        %mul3A_1115 = arith.muli %add3A_1108, %mul3A_1114 : i32
        %add3A_1116 = arith.constant 20000 : i32
        %add3A_1117 = arith.addi %add3A_1116, %mul3A_1115 : i32
        %add3A_1118 = vector.broadcast %add3A_1117 : i32 to vector<16xi32>
        %add3A_1119 = arith.addi %iota3A, %add3A_1118 : vector<16xi32>
        %gt3A_1120 = arith.cmpf ogt, %get3A_1113, %max3A_939 : vector<16xf32>
        %max3A_1121 = arith.maximumf %get3A_1113, %max3A_939 : vector<16xf32>
        %select_n3A_1122 = arith.select %gt3A_1120, %add3A_1119, %select_n3A_940 : vector<16xi1>, vector<16xi32>
        %mul3A_1123 = arith.constant 10 : i32
        %mul3A_1124 = arith.muli %scan3A_1104, %mul3A_1123 : i32
        %add3A_1125 = arith.constant 1 : i32
        %add3A_1126 = arith.addi %mul3A_1124, %add3A_1125 : i32
        %mul3A_1127 = arith.constant 16 : i32
        %mul3A_1128 = arith.muli %add3A_1126, %mul3A_1127 : i32
        %get3A_1129 = arith.index_cast %mul3A_1128 : i32 to index
        %get3A_1130 = tpu.vector_load %arg5[%get3A_1129] {strides = array<i32>} : memref<20000xf32, #tpu.memory_space<vmem>>, vector<16xf32>,
        %get3A_1131 = vector.shape_cast %get3A_1130 : vector<16xf32> to vector<16xf32>
        %mul3A_1132 = arith.constant 16 : i32
        %mul3A_1133 = arith.muli %add3A_1126, %mul3A_1132 : i32
        %add3A_1134 = arith.constant 20000 : i32
        %add3A_1135 = arith.addi %add3A_1134, %mul3A_1133 : i32
        %add3A_1136 = vector.broadcast %add3A_1135 : i32 to vector<16xi32>
        %add3A_1137 = arith.addi %iota3A, %add3A_1136 : vector<16xi32>
        %gt3A_1138 = arith.cmpf ogt, %get3A_1131, %max3A_957 : vector<16xf32>
        %max3A_1139 = arith.maximumf %get3A_1131, %max3A_957 : vector<16xf32>
        %select_n3A_1140 = arith.select %gt3A_1138, %add3A_1137, %select_n3A_958 : vector<16xi1>, vector<16xi32>
        %mul3A_1141 = arith.constant 10 : i32
        %mul3A_1142 = arith.muli %scan3A_1104, %mul3A_1141 : i32
        %add3A_1143 = arith.constant 2 : i32
        %add3A_1144 = arith.addi %mul3A_1142, %add3A_1143 : i32
        %mul3A_1145 = arith.constant 16 : i32
        %mul3A_1146 = arith.muli %add3A_1144, %mul3A_1145 : i32
        %get3A_1147 = arith.index_cast %mul3A_1146 : i32 to index
        %get3A_1148 = tpu.vector_load %arg5[%get3A_1147] {strides = array<i32>} : memref<20000xf32, #tpu.memory_space<vmem>>, vector<16xf32>,
        %get3A_1149 = vector.shape_cast %get3A_1148 : vector<16xf32> to vector<16xf32>
        %mul3A_1150 = arith.constant 16 : i32
        %mul3A_1151 = arith.muli %add3A_1144, %mul3A_1150 : i32
        %add3A_1152 = arith.constant 20000 : i32
        %add3A_1153 = arith.addi %add3A_1152, %mul3A_1151 : i32
        %add3A_1154 = vector.broadcast %add3A_1153 : i32 to vector<16xi32>
        %add3A_1155 = arith.addi %iota3A, %add3A_1154 : vector<16xi32>
        %gt3A_1156 = arith.cmpf ogt, %get3A_1149, %max3A_975 : vector<16xf32>
        %max3A_1157 = arith.maximumf %get3A_1149, %max3A_975 : vector<16xf32>
        %select_n3A_1158 = arith.select %gt3A_1156, %add3A_1155, %select_n3A_976 : vector<16xi1>, vector<16xi32>
        %mul3A_1159 = arith.constant 10 : i32
        %mul3A_1160 = arith.muli %scan3A_1104, %mul3A_1159 : i32
        %add3A_1161 = arith.constant 3 : i32
        %add3A_1162 = arith.addi %mul3A_1160, %add3A_1161 : i32
        %mul3A_1163 = arith.constant 16 : i32
        %mul3A_1164 = arith.muli %add3A_1162, %mul3A_1163 : i32
        %get3A_1165 = arith.index_cast %mul3A_1164 : i32 to index
        %get3A_1166 = tpu.vector_load %arg5[%get3A_1165] {strides = array<i32>} : memref<20000xf32, #tpu.memory_space<vmem>>, vector<16xf32>,
        %get3A_1167 = vector.shape_cast %get3A_1166 : vector<16xf32> to vector<16xf32>
        %mul3A_1168 = arith.constant 16 : i32
        %mul3A_1169 = arith.muli %add3A_1162, %mul3A_1168 : i32
        %add3A_1170 = arith.constant 20000 : i32
        %add3A_1171 = arith.addi %add3A_1170, %mul3A_1169 : i32
        %add3A_1172 = vector.broadcast %add3A_1171 : i32 to vector<16xi32>
        %add3A_1173 = arith.addi %iota3A, %add3A_1172 : vector<16xi32>
        %gt3A_1174 = arith.cmpf ogt, %get3A_1167, %max3A_993 : vector<16xf32>
        %max3A_1175 = arith.maximumf %get3A_1167, %max3A_993 : vector<16xf32>
        %select_n3A_1176 = arith.select %gt3A_1174, %add3A_1173, %select_n3A_994 : vector<16xi1>, vector<16xi32>
        %mul3A_1177 = arith.constant 10 : i32
        %mul3A_1178 = arith.muli %scan3A_1104, %mul3A_1177 : i32
        %add3A_1179 = arith.constant 4 : i32
        %add3A_1180 = arith.addi %mul3A_1178, %add3A_1179 : i32
        %mul3A_1181 = arith.constant 16 : i32
        %mul3A_1182 = arith.muli %add3A_1180, %mul3A_1181 : i32
        %get3A_1183 = arith.index_cast %mul3A_1182 : i32 to index
        %get3A_1184 = tpu.vector_load %arg5[%get3A_1183] {strides = array<i32>} : memref<20000xf32, #tpu.memory_space<vmem>>, vector<16xf32>,
        %get3A_1185 = vector.shape_cast %get3A_1184 : vector<16xf32> to vector<16xf32>
        %mul3A_1186 = arith.constant 16 : i32
        %mul3A_1187 = arith.muli %add3A_1180, %mul3A_1186 : i32
        %add3A_1188 = arith.constant 20000 : i32
        %add3A_1189 = arith.addi %add3A_1188, %mul3A_1187 : i32
        %add3A_1190 = vector.broadcast %add3A_1189 : i32 to vector<16xi32>
        %add3A_1191 = arith.addi %iota3A, %add3A_1190 : vector<16xi32>
        %gt3A_1192 = arith.cmpf ogt, %get3A_1185, %max3A_1011 : vector<16xf32>
        %max3A_1193 = arith.maximumf %get3A_1185, %max3A_1011 : vector<16xf32>
        %select_n3A_1194 = arith.select %gt3A_1192, %add3A_1191, %select_n3A_1012 : vector<16xi1>, vector<16xi32>
        %mul3A_1195 = arith.constant 10 : i32
        %mul3A_1196 = arith.muli %scan3A_1104, %mul3A_1195 : i32
        %add3A_1197 = arith.constant 5 : i32
        %add3A_1198 = arith.addi %mul3A_1196, %add3A_1197 : i32
        %mul3A_1199 = arith.constant 16 : i32
        %mul3A_1200 = arith.muli %add3A_1198, %mul3A_1199 : i32
        %get3A_1201 = arith.index_cast %mul3A_1200 : i32 to index
        %get3A_1202 = tpu.vector_load %arg5[%get3A_1201] {strides = array<i32>} : memref<20000xf32, #tpu.memory_space<vmem>>, vector<16xf32>,
        %get3A_1203 = vector.shape_cast %get3A_1202 : vector<16xf32> to vector<16xf32>
        %mul3A_1204 = arith.constant 16 : i32
        %mul3A_1205 = arith.muli %add3A_1198, %mul3A_1204 : i32
        %add3A_1206 = arith.constant 20000 : i32
        %add3A_1207 = arith.addi %add3A_1206, %mul3A_1205 : i32
        %add3A_1208 = vector.broadcast %add3A_1207 : i32 to vector<16xi32>
        %add3A_1209 = arith.addi %iota3A, %add3A_1208 : vector<16xi32>
        %gt3A_1210 = arith.cmpf ogt, %get3A_1203, %max3A_1029 : vector<16xf32>
        %max3A_1211 = arith.maximumf %get3A_1203, %max3A_1029 : vector<16xf32>
        %select_n3A_1212 = arith.select %gt3A_1210, %add3A_1209, %select_n3A_1030 : vector<16xi1>, vector<16xi32>
        %mul3A_1213 = arith.constant 10 : i32
        %mul3A_1214 = arith.muli %scan3A_1104, %mul3A_1213 : i32
        %add3A_1215 = arith.constant 6 : i32
        %add3A_1216 = arith.addi %mul3A_1214, %add3A_1215 : i32
        %mul3A_1217 = arith.constant 16 : i32
        %mul3A_1218 = arith.muli %add3A_1216, %mul3A_1217 : i32
        %get3A_1219 = arith.index_cast %mul3A_1218 : i32 to index
        %get3A_1220 = tpu.vector_load %arg5[%get3A_1219] {strides = array<i32>} : memref<20000xf32, #tpu.memory_space<vmem>>, vector<16xf32>,
        %get3A_1221 = vector.shape_cast %get3A_1220 : vector<16xf32> to vector<16xf32>
        %mul3A_1222 = arith.constant 16 : i32
        %mul3A_1223 = arith.muli %add3A_1216, %mul3A_1222 : i32
        %add3A_1224 = arith.constant 20000 : i32
        %add3A_1225 = arith.addi %add3A_1224, %mul3A_1223 : i32
        %add3A_1226 = vector.broadcast %add3A_1225 : i32 to vector<16xi32>
        %add3A_1227 = arith.addi %iota3A, %add3A_1226 : vector<16xi32>
        %gt3A_1228 = arith.cmpf ogt, %get3A_1221, %max3A_1047 : vector<16xf32>
        %max3A_1229 = arith.maximumf %get3A_1221, %max3A_1047 : vector<16xf32>
        %select_n3A_1230 = arith.select %gt3A_1228, %add3A_1227, %select_n3A_1048 : vector<16xi1>, vector<16xi32>
        %mul3A_1231 = arith.constant 10 : i32
        %mul3A_1232 = arith.muli %scan3A_1104, %mul3A_1231 : i32
        %add3A_1233 = arith.constant 7 : i32
        %add3A_1234 = arith.addi %mul3A_1232, %add3A_1233 : i32
        %mul3A_1235 = arith.constant 16 : i32
        %mul3A_1236 = arith.muli %add3A_1234, %mul3A_1235 : i32
        %get3A_1237 = arith.index_cast %mul3A_1236 : i32 to index
        %get3A_1238 = tpu.vector_load %arg5[%get3A_1237] {strides = array<i32>} : memref<20000xf32, #tpu.memory_space<vmem>>, vector<16xf32>,
        %get3A_1239 = vector.shape_cast %get3A_1238 : vector<16xf32> to vector<16xf32>
        %mul3A_1240 = arith.constant 16 : i32
        %mul3A_1241 = arith.muli %add3A_1234, %mul3A_1240 : i32
        %add3A_1242 = arith.constant 20000 : i32
        %add3A_1243 = arith.addi %add3A_1242, %mul3A_1241 : i32
        %add3A_1244 = vector.broadcast %add3A_1243 : i32 to vector<16xi32>
        %add3A_1245 = arith.addi %iota3A, %add3A_1244 : vector<16xi32>
        %gt3A_1246 = arith.cmpf ogt, %get3A_1239, %max3A_1065 : vector<16xf32>
        %max3A_1247 = arith.maximumf %get3A_1239, %max3A_1065 : vector<16xf32>
        %select_n3A_1248 = arith.select %gt3A_1246, %add3A_1245, %select_n3A_1066 : vector<16xi1>, vector<16xi32>
        %mul3A_1249 = arith.constant 10 : i32
        %mul3A_1250 = arith.muli %scan3A_1104, %mul3A_1249 : i32
        %add3A_1251 = arith.constant 8 : i32
        %add3A_1252 = arith.addi %mul3A_1250, %add3A_1251 : i32
        %mul3A_1253 = arith.constant 16 : i32
        %mul3A_1254 = arith.muli %add3A_1252, %mul3A_1253 : i32
        %get3A_1255 = arith.index_cast %mul3A_1254 : i32 to index
        %get3A_1256 = tpu.vector_load %arg5[%get3A_1255] {strides = array<i32>} : memref<20000xf32, #tpu.memory_space<vmem>>, vector<16xf32>,
        %get3A_1257 = vector.shape_cast %get3A_1256 : vector<16xf32> to vector<16xf32>
        %mul3A_1258 = arith.constant 16 : i32
        %mul3A_1259 = arith.muli %add3A_1252, %mul3A_1258 : i32
        %add3A_1260 = arith.constant 20000 : i32
        %add3A_1261 = arith.addi %add3A_1260, %mul3A_1259 : i32
        %add3A_1262 = vector.broadcast %add3A_1261 : i32 to vector<16xi32>
        %add3A_1263 = arith.addi %iota3A, %add3A_1262 : vector<16xi32>
        %gt3A_1264 = arith.cmpf ogt, %get3A_1257, %max3A_1083 : vector<16xf32>
        %max3A_1265 = arith.maximumf %get3A_1257, %max3A_1083 : vector<16xf32>
        %select_n3A_1266 = arith.select %gt3A_1264, %add3A_1263, %select_n3A_1084 : vector<16xi1>, vector<16xi32>
        %mul3A_1267 = arith.constant 10 : i32
        %mul3A_1268 = arith.muli %scan3A_1104, %mul3A_1267 : i32
        %add3A_1269 = arith.constant 9 : i32
        %add3A_1270 = arith.addi %mul3A_1268, %add3A_1269 : i32
        %mul3A_1271 = arith.constant 16 : i32
        %mul3A_1272 = arith.muli %add3A_1270, %mul3A_1271 : i32
        %get3A_1273 = arith.index_cast %mul3A_1272 : i32 to index
        %get3A_1274 = tpu.vector_load %arg5[%get3A_1273] {strides = array<i32>} : memref<20000xf32, #tpu.memory_space<vmem>>, vector<16xf32>,
        %get3A_1275 = vector.shape_cast %get3A_1274 : vector<16xf32> to vector<16xf32>
        %mul3A_1276 = arith.constant 16 : i32
        %mul3A_1277 = arith.muli %add3A_1270, %mul3A_1276 : i32
        %add3A_1278 = arith.constant 20000 : i32
        %add3A_1279 = arith.addi %add3A_1278, %mul3A_1277 : i32
        %add3A_1280 = vector.broadcast %add3A_1279 : i32 to vector<16xi32>
        %add3A_1281 = arith.addi %iota3A, %add3A_1280 : vector<16xi32>
        %gt3A_1282 = arith.cmpf ogt, %get3A_1275, %max3A_1101 : vector<16xf32>
        %max3A_1283 = arith.maximumf %get3A_1275, %max3A_1101 : vector<16xf32>
        %select_n3A_1284 = arith.select %gt3A_1282, %add3A_1281, %select_n3A_1102 : vector<16xi1>, vector<16xi32>
        scf.yield %max3A_1121, %select_n3A_1122, %max3A_1139, %select_n3A_1140, %max3A_1157, %select_n3A_1158, %max3A_1175, %select_n3A_1176, %max3A_1193, %select_n3A_1194, %max3A_1211, %select_n3A_1212, %max3A_1229, %select_n3A_1230, %max3A_1247, %select_n3A_1248, %max3A_1265, %select_n3A_1266, %max3A_1283, %select_n3A_1284 : vector<16xf32>, vector<16xi32>, vector<16xf32>, vector<16xi32>, vector<16xf32>, vector<16xi32>, vector<16xf32>, vector<16xi32>, vector<16xf32>, vector<16xi32>, vector<16xf32>, vector<16xi32>, vector<16xf32>, vector<16xi32>, vector<16xf32>, vector<16xi32>, vector<16xf32>, vector<16xi32>, vector<16xf32>, vector<16xi32>
      }
      %scan3A_94 = arith.constant 125 : i32
      %dma_wait3A_95 = tpu.memref_slice %arg2[%add3A_29] : memref<6400000xf32, #tpu.memory_space<hbm>> -> memref<20000xf32, #tpu.memory_space<hbm>>
      %dma_wait3A_96 = tpu.memref_slice %arg2[%add3A_29] : memref<6400000xf32, #tpu.memory_space<hbm>> -> memref<20000xf32, #tpu.memory_space<hbm>>
      tpu.wait_dma2 semaphore(%arg11 : memref<!tpu.dma_semaphore, #tpu.memory_space<semaphore_mem>>) src(%dma_wait3A_96 : memref<20000xf32, #tpu.memory_space<hbm>>) dst(%arg6 : memref<20000xf32, #tpu.memory_space<vmem>>)
      %scan3A_97 = arith.constant 0 : i32
      %scan3A_98 = arith.constant 125 : i32
      %scan3A_99 = arith.addi %scan3A_97, %scan3A_98 : i32
      %scan3A_100 = arith.constant 5 : i32
      %scan3A_101:20 = scf.for %scan3A_358 = %scan3A_97 to %scan3A_99 step %scan3A_100 iter_args(%scan3A_359 = %scan3A_93#0, %scan3A_360 = %scan3A_93#1, %scan3A_361 = %scan3A_93#2, %scan3A_362 = %scan3A_93#3, %scan3A_363 = %scan3A_93#4, %scan3A_364 = %scan3A_93#5, %scan3A_365 = %scan3A_93#6, %scan3A_366 = %scan3A_93#7, %scan3A_367 = %scan3A_93#8, %scan3A_368 = %scan3A_93#9, %scan3A_369 = %scan3A_93#10, %scan3A_370 = %scan3A_93#11, %scan3A_371 = %scan3A_93#12, %scan3A_372 = %scan3A_93#13, %scan3A_373 = %scan3A_93#14, %scan3A_374 = %scan3A_93#15, %scan3A_375 = %scan3A_93#16, %scan3A_376 = %scan3A_93#17, %scan3A_377 = %scan3A_93#18, %scan3A_378 = %scan3A_93#19) -> (vector<16xf32>, vector<16xi32>, vector<16xf32>, vector<16xi32>, vector<16xf32>, vector<16xi32>, vector<16xf32>, vector<16xi32>, vector<16xf32>, vector<16xi32>, vector<16xf32>, vector<16xi32>, vector<16xf32>, vector<16xi32>, vector<16xf32>, vector<16xi32>, vector<16xf32>, vector<16xi32>, vector<16xf32>, vector<16xi32>)  : i32 {
        %mul3A_379 = arith.constant 10 : i32
        %mul3A_380 = arith.muli %scan3A_358, %mul3A_379 : i32
        %add3A_381 = arith.constant 0 : i32
        %add3A_382 = arith.addi %mul3A_380, %add3A_381 : i32
        %mul3A_383 = arith.constant 16 : i32
        %mul3A_384 = arith.muli %add3A_382, %mul3A_383 : i32
        %get3A = arith.index_cast %mul3A_384 : i32 to index
        %get3A_385 = tpu.vector_load %arg6[%get3A] {strides = array<i32>} : memref<20000xf32, #tpu.memory_space<vmem>>, vector<16xf32>,
        %get3A_386 = vector.shape_cast %get3A_385 : vector<16xf32> to vector<16xf32>
        %mul3A_387 = arith.constant 16 : i32
        %mul3A_388 = arith.muli %add3A_382, %mul3A_387 : i32
        %add3A_389 = arith.constant 40000 : i32
        %add3A_390 = arith.addi %add3A_389, %mul3A_388 : i32
        %add3A_391 = vector.broadcast %add3A_390 : i32 to vector<16xi32>
        %add3A_392 = arith.addi %iota3A, %add3A_391 : vector<16xi32>
        %gt3A_393 = arith.cmpf ogt, %get3A_386, %scan3A_359 : vector<16xf32>
        %max3A = arith.maximumf %get3A_386, %scan3A_359 : vector<16xf32>
        %select_n3A_394 = arith.select %gt3A_393, %add3A_392, %scan3A_360 : vector<16xi1>, vector<16xi32>
        %mul3A_395 = arith.constant 10 : i32
        %mul3A_396 = arith.muli %scan3A_358, %mul3A_395 : i32
        %add3A_397 = arith.constant 1 : i32
        %add3A_398 = arith.addi %mul3A_396, %add3A_397 : i32
        %mul3A_399 = arith.constant 16 : i32
        %mul3A_400 = arith.muli %add3A_398, %mul3A_399 : i32
        %get3A_401 = arith.index_cast %mul3A_400 : i32 to index
        %get3A_402 = tpu.vector_load %arg6[%get3A_401] {strides = array<i32>} : memref<20000xf32, #tpu.memory_space<vmem>>, vector<16xf32>,
        %get3A_403 = vector.shape_cast %get3A_402 : vector<16xf32> to vector<16xf32>
        %mul3A_404 = arith.constant 16 : i32
        %mul3A_405 = arith.muli %add3A_398, %mul3A_404 : i32
        %add3A_406 = arith.constant 40000 : i32
        %add3A_407 = arith.addi %add3A_406, %mul3A_405 : i32
        %add3A_408 = vector.broadcast %add3A_407 : i32 to vector<16xi32>
        %add3A_409 = arith.addi %iota3A, %add3A_408 : vector<16xi32>
        %gt3A_410 = arith.cmpf ogt, %get3A_403, %scan3A_361 : vector<16xf32>
        %max3A_411 = arith.maximumf %get3A_403, %scan3A_361 : vector<16xf32>
        %select_n3A_412 = arith.select %gt3A_410, %add3A_409, %scan3A_362 : vector<16xi1>, vector<16xi32>
        %mul3A_413 = arith.constant 10 : i32
        %mul3A_414 = arith.muli %scan3A_358, %mul3A_413 : i32
        %add3A_415 = arith.constant 2 : i32
        %add3A_416 = arith.addi %mul3A_414, %add3A_415 : i32
        %mul3A_417 = arith.constant 16 : i32
        %mul3A_418 = arith.muli %add3A_416, %mul3A_417 : i32
        %get3A_419 = arith.index_cast %mul3A_418 : i32 to index
        %get3A_420 = tpu.vector_load %arg6[%get3A_419] {strides = array<i32>} : memref<20000xf32, #tpu.memory_space<vmem>>, vector<16xf32>,
        %get3A_421 = vector.shape_cast %get3A_420 : vector<16xf32> to vector<16xf32>
        %mul3A_422 = arith.constant 16 : i32
        %mul3A_423 = arith.muli %add3A_416, %mul3A_422 : i32
        %add3A_424 = arith.constant 40000 : i32
        %add3A_425 = arith.addi %add3A_424, %mul3A_423 : i32
        %add3A_426 = vector.broadcast %add3A_425 : i32 to vector<16xi32>
        %add3A_427 = arith.addi %iota3A, %add3A_426 : vector<16xi32>
        %gt3A_428 = arith.cmpf ogt, %get3A_421, %scan3A_363 : vector<16xf32>
        %max3A_429 = arith.maximumf %get3A_421, %scan3A_363 : vector<16xf32>
        %select_n3A_430 = arith.select %gt3A_428, %add3A_427, %scan3A_364 : vector<16xi1>, vector<16xi32>
        %mul3A_431 = arith.constant 10 : i32
        %mul3A_432 = arith.muli %scan3A_358, %mul3A_431 : i32
        %add3A_433 = arith.constant 3 : i32
        %add3A_434 = arith.addi %mul3A_432, %add3A_433 : i32
        %mul3A_435 = arith.constant 16 : i32
        %mul3A_436 = arith.muli %add3A_434, %mul3A_435 : i32
        %get3A_437 = arith.index_cast %mul3A_436 : i32 to index
        %get3A_438 = tpu.vector_load %arg6[%get3A_437] {strides = array<i32>} : memref<20000xf32, #tpu.memory_space<vmem>>, vector<16xf32>,
        %get3A_439 = vector.shape_cast %get3A_438 : vector<16xf32> to vector<16xf32>
        %mul3A_440 = arith.constant 16 : i32
        %mul3A_441 = arith.muli %add3A_434, %mul3A_440 : i32
        %add3A_442 = arith.constant 40000 : i32
        %add3A_443 = arith.addi %add3A_442, %mul3A_441 : i32
        %add3A_444 = vector.broadcast %add3A_443 : i32 to vector<16xi32>
        %add3A_445 = arith.addi %iota3A, %add3A_444 : vector<16xi32>
        %gt3A_446 = arith.cmpf ogt, %get3A_439, %scan3A_365 : vector<16xf32>
        %max3A_447 = arith.maximumf %get3A_439, %scan3A_365 : vector<16xf32>
        %select_n3A_448 = arith.select %gt3A_446, %add3A_445, %scan3A_366 : vector<16xi1>, vector<16xi32>
        %mul3A_449 = arith.constant 10 : i32
        %mul3A_450 = arith.muli %scan3A_358, %mul3A_449 : i32
        %add3A_451 = arith.constant 4 : i32
        %add3A_452 = arith.addi %mul3A_450, %add3A_451 : i32
        %mul3A_453 = arith.constant 16 : i32
        %mul3A_454 = arith.muli %add3A_452, %mul3A_453 : i32
        %get3A_455 = arith.index_cast %mul3A_454 : i32 to index
        %get3A_456 = tpu.vector_load %arg6[%get3A_455] {strides = array<i32>} : memref<20000xf32, #tpu.memory_space<vmem>>, vector<16xf32>,
        %get3A_457 = vector.shape_cast %get3A_456 : vector<16xf32> to vector<16xf32>
        %mul3A_458 = arith.constant 16 : i32
        %mul3A_459 = arith.muli %add3A_452, %mul3A_458 : i32
        %add3A_460 = arith.constant 40000 : i32
        %add3A_461 = arith.addi %add3A_460, %mul3A_459 : i32
        %add3A_462 = vector.broadcast %add3A_461 : i32 to vector<16xi32>
        %add3A_463 = arith.addi %iota3A, %add3A_462 : vector<16xi32>
        %gt3A_464 = arith.cmpf ogt, %get3A_457, %scan3A_367 : vector<16xf32>
        %max3A_465 = arith.maximumf %get3A_457, %scan3A_367 : vector<16xf32>
        %select_n3A_466 = arith.select %gt3A_464, %add3A_463, %scan3A_368 : vector<16xi1>, vector<16xi32>
        %mul3A_467 = arith.constant 10 : i32
        %mul3A_468 = arith.muli %scan3A_358, %mul3A_467 : i32
        %add3A_469 = arith.constant 5 : i32
        %add3A_470 = arith.addi %mul3A_468, %add3A_469 : i32
        %mul3A_471 = arith.constant 16 : i32
        %mul3A_472 = arith.muli %add3A_470, %mul3A_471 : i32
        %get3A_473 = arith.index_cast %mul3A_472 : i32 to index
        %get3A_474 = tpu.vector_load %arg6[%get3A_473] {strides = array<i32>} : memref<20000xf32, #tpu.memory_space<vmem>>, vector<16xf32>,
        %get3A_475 = vector.shape_cast %get3A_474 : vector<16xf32> to vector<16xf32>
        %mul3A_476 = arith.constant 16 : i32
        %mul3A_477 = arith.muli %add3A_470, %mul3A_476 : i32
        %add3A_478 = arith.constant 40000 : i32
        %add3A_479 = arith.addi %add3A_478, %mul3A_477 : i32
        %add3A_480 = vector.broadcast %add3A_479 : i32 to vector<16xi32>
        %add3A_481 = arith.addi %iota3A, %add3A_480 : vector<16xi32>
        %gt3A_482 = arith.cmpf ogt, %get3A_475, %scan3A_369 : vector<16xf32>
        %max3A_483 = arith.maximumf %get3A_475, %scan3A_369 : vector<16xf32>
        %select_n3A_484 = arith.select %gt3A_482, %add3A_481, %scan3A_370 : vector<16xi1>, vector<16xi32>
        %mul3A_485 = arith.constant 10 : i32
        %mul3A_486 = arith.muli %scan3A_358, %mul3A_485 : i32
        %add3A_487 = arith.constant 6 : i32
        %add3A_488 = arith.addi %mul3A_486, %add3A_487 : i32
        %mul3A_489 = arith.constant 16 : i32
        %mul3A_490 = arith.muli %add3A_488, %mul3A_489 : i32
        %get3A_491 = arith.index_cast %mul3A_490 : i32 to index
        %get3A_492 = tpu.vector_load %arg6[%get3A_491] {strides = array<i32>} : memref<20000xf32, #tpu.memory_space<vmem>>, vector<16xf32>,
        %get3A_493 = vector.shape_cast %get3A_492 : vector<16xf32> to vector<16xf32>
        %mul3A_494 = arith.constant 16 : i32
        %mul3A_495 = arith.muli %add3A_488, %mul3A_494 : i32
        %add3A_496 = arith.constant 40000 : i32
        %add3A_497 = arith.addi %add3A_496, %mul3A_495 : i32
        %add3A_498 = vector.broadcast %add3A_497 : i32 to vector<16xi32>
        %add3A_499 = arith.addi %iota3A, %add3A_498 : vector<16xi32>
        %gt3A_500 = arith.cmpf ogt, %get3A_493, %scan3A_371 : vector<16xf32>
        %max3A_501 = arith.maximumf %get3A_493, %scan3A_371 : vector<16xf32>
        %select_n3A_502 = arith.select %gt3A_500, %add3A_499, %scan3A_372 : vector<16xi1>, vector<16xi32>
        %mul3A_503 = arith.constant 10 : i32
        %mul3A_504 = arith.muli %scan3A_358, %mul3A_503 : i32
        %add3A_505 = arith.constant 7 : i32
        %add3A_506 = arith.addi %mul3A_504, %add3A_505 : i32
        %mul3A_507 = arith.constant 16 : i32
        %mul3A_508 = arith.muli %add3A_506, %mul3A_507 : i32
        %get3A_509 = arith.index_cast %mul3A_508 : i32 to index
        %get3A_510 = tpu.vector_load %arg6[%get3A_509] {strides = array<i32>} : memref<20000xf32, #tpu.memory_space<vmem>>, vector<16xf32>,
        %get3A_511 = vector.shape_cast %get3A_510 : vector<16xf32> to vector<16xf32>
        %mul3A_512 = arith.constant 16 : i32
        %mul3A_513 = arith.muli %add3A_506, %mul3A_512 : i32
        %add3A_514 = arith.constant 40000 : i32
        %add3A_515 = arith.addi %add3A_514, %mul3A_513 : i32
        %add3A_516 = vector.broadcast %add3A_515 : i32 to vector<16xi32>
        %add3A_517 = arith.addi %iota3A, %add3A_516 : vector<16xi32>
        %gt3A_518 = arith.cmpf ogt, %get3A_511, %scan3A_373 : vector<16xf32>
        %max3A_519 = arith.maximumf %get3A_511, %scan3A_373 : vector<16xf32>
        %select_n3A_520 = arith.select %gt3A_518, %add3A_517, %scan3A_374 : vector<16xi1>, vector<16xi32>
        %mul3A_521 = arith.constant 10 : i32
        %mul3A_522 = arith.muli %scan3A_358, %mul3A_521 : i32
        %add3A_523 = arith.constant 8 : i32
        %add3A_524 = arith.addi %mul3A_522, %add3A_523 : i32
        %mul3A_525 = arith.constant 16 : i32
        %mul3A_526 = arith.muli %add3A_524, %mul3A_525 : i32
        %get3A_527 = arith.index_cast %mul3A_526 : i32 to index
        %get3A_528 = tpu.vector_load %arg6[%get3A_527] {strides = array<i32>} : memref<20000xf32, #tpu.memory_space<vmem>>, vector<16xf32>,
        %get3A_529 = vector.shape_cast %get3A_528 : vector<16xf32> to vector<16xf32>
        %mul3A_530 = arith.constant 16 : i32
        %mul3A_531 = arith.muli %add3A_524, %mul3A_530 : i32
        %add3A_532 = arith.constant 40000 : i32
        %add3A_533 = arith.addi %add3A_532, %mul3A_531 : i32
        %add3A_534 = vector.broadcast %add3A_533 : i32 to vector<16xi32>
        %add3A_535 = arith.addi %iota3A, %add3A_534 : vector<16xi32>
        %gt3A_536 = arith.cmpf ogt, %get3A_529, %scan3A_375 : vector<16xf32>
        %max3A_537 = arith.maximumf %get3A_529, %scan3A_375 : vector<16xf32>
        %select_n3A_538 = arith.select %gt3A_536, %add3A_535, %scan3A_376 : vector<16xi1>, vector<16xi32>
        %mul3A_539 = arith.constant 10 : i32
        %mul3A_540 = arith.muli %scan3A_358, %mul3A_539 : i32
        %add3A_541 = arith.constant 9 : i32
        %add3A_542 = arith.addi %mul3A_540, %add3A_541 : i32
        %mul3A_543 = arith.constant 16 : i32
        %mul3A_544 = arith.muli %add3A_542, %mul3A_543 : i32
        %get3A_545 = arith.index_cast %mul3A_544 : i32 to index
        %get3A_546 = tpu.vector_load %arg6[%get3A_545] {strides = array<i32>} : memref<20000xf32, #tpu.memory_space<vmem>>, vector<16xf32>,
        %get3A_547 = vector.shape_cast %get3A_546 : vector<16xf32> to vector<16xf32>
        %mul3A_548 = arith.constant 16 : i32
        %mul3A_549 = arith.muli %add3A_542, %mul3A_548 : i32
        %add3A_550 = arith.constant 40000 : i32
        %add3A_551 = arith.addi %add3A_550, %mul3A_549 : i32
        %add3A_552 = vector.broadcast %add3A_551 : i32 to vector<16xi32>
        %add3A_553 = arith.addi %iota3A, %add3A_552 : vector<16xi32>
        %gt3A_554 = arith.cmpf ogt, %get3A_547, %scan3A_377 : vector<16xf32>
        %max3A_555 = arith.maximumf %get3A_547, %scan3A_377 : vector<16xf32>
        %select_n3A_556 = arith.select %gt3A_554, %add3A_553, %scan3A_378 : vector<16xi1>, vector<16xi32>
        %scan3A_557 = arith.constant 1 : i32
        %scan3A_558 = arith.addi %scan3A_358, %scan3A_557 : i32
        %mul3A_559 = arith.constant 10 : i32
        %mul3A_560 = arith.muli %scan3A_558, %mul3A_559 : i32
        %add3A_561 = arith.constant 0 : i32
        %add3A_562 = arith.addi %mul3A_560, %add3A_561 : i32
        %mul3A_563 = arith.constant 16 : i32
        %mul3A_564 = arith.muli %add3A_562, %mul3A_563 : i32
        %get3A_565 = arith.index_cast %mul3A_564 : i32 to index
        %get3A_566 = tpu.vector_load %arg6[%get3A_565] {strides = array<i32>} : memref<20000xf32, #tpu.memory_space<vmem>>, vector<16xf32>,
        %get3A_567 = vector.shape_cast %get3A_566 : vector<16xf32> to vector<16xf32>
        %mul3A_568 = arith.constant 16 : i32
        %mul3A_569 = arith.muli %add3A_562, %mul3A_568 : i32
        %add3A_570 = arith.constant 40000 : i32
        %add3A_571 = arith.addi %add3A_570, %mul3A_569 : i32
        %add3A_572 = vector.broadcast %add3A_571 : i32 to vector<16xi32>
        %add3A_573 = arith.addi %iota3A, %add3A_572 : vector<16xi32>
        %gt3A_574 = arith.cmpf ogt, %get3A_567, %max3A : vector<16xf32>
        %max3A_575 = arith.maximumf %get3A_567, %max3A : vector<16xf32>
        %select_n3A_576 = arith.select %gt3A_574, %add3A_573, %select_n3A_394 : vector<16xi1>, vector<16xi32>
        %mul3A_577 = arith.constant 10 : i32
        %mul3A_578 = arith.muli %scan3A_558, %mul3A_577 : i32
        %add3A_579 = arith.constant 1 : i32
        %add3A_580 = arith.addi %mul3A_578, %add3A_579 : i32
        %mul3A_581 = arith.constant 16 : i32
        %mul3A_582 = arith.muli %add3A_580, %mul3A_581 : i32
        %get3A_583 = arith.index_cast %mul3A_582 : i32 to index
        %get3A_584 = tpu.vector_load %arg6[%get3A_583] {strides = array<i32>} : memref<20000xf32, #tpu.memory_space<vmem>>, vector<16xf32>,
        %get3A_585 = vector.shape_cast %get3A_584 : vector<16xf32> to vector<16xf32>
        %mul3A_586 = arith.constant 16 : i32
        %mul3A_587 = arith.muli %add3A_580, %mul3A_586 : i32
        %add3A_588 = arith.constant 40000 : i32
        %add3A_589 = arith.addi %add3A_588, %mul3A_587 : i32
        %add3A_590 = vector.broadcast %add3A_589 : i32 to vector<16xi32>
        %add3A_591 = arith.addi %iota3A, %add3A_590 : vector<16xi32>
        %gt3A_592 = arith.cmpf ogt, %get3A_585, %max3A_411 : vector<16xf32>
        %max3A_593 = arith.maximumf %get3A_585, %max3A_411 : vector<16xf32>
        %select_n3A_594 = arith.select %gt3A_592, %add3A_591, %select_n3A_412 : vector<16xi1>, vector<16xi32>
        %mul3A_595 = arith.constant 10 : i32
        %mul3A_596 = arith.muli %scan3A_558, %mul3A_595 : i32
        %add3A_597 = arith.constant 2 : i32
        %add3A_598 = arith.addi %mul3A_596, %add3A_597 : i32
        %mul3A_599 = arith.constant 16 : i32
        %mul3A_600 = arith.muli %add3A_598, %mul3A_599 : i32
        %get3A_601 = arith.index_cast %mul3A_600 : i32 to index
        %get3A_602 = tpu.vector_load %arg6[%get3A_601] {strides = array<i32>} : memref<20000xf32, #tpu.memory_space<vmem>>, vector<16xf32>,
        %get3A_603 = vector.shape_cast %get3A_602 : vector<16xf32> to vector<16xf32>
        %mul3A_604 = arith.constant 16 : i32
        %mul3A_605 = arith.muli %add3A_598, %mul3A_604 : i32
        %add3A_606 = arith.constant 40000 : i32
        %add3A_607 = arith.addi %add3A_606, %mul3A_605 : i32
        %add3A_608 = vector.broadcast %add3A_607 : i32 to vector<16xi32>
        %add3A_609 = arith.addi %iota3A, %add3A_608 : vector<16xi32>
        %gt3A_610 = arith.cmpf ogt, %get3A_603, %max3A_429 : vector<16xf32>
        %max3A_611 = arith.maximumf %get3A_603, %max3A_429 : vector<16xf32>
        %select_n3A_612 = arith.select %gt3A_610, %add3A_609, %select_n3A_430 : vector<16xi1>, vector<16xi32>
        %mul3A_613 = arith.constant 10 : i32
        %mul3A_614 = arith.muli %scan3A_558, %mul3A_613 : i32
        %add3A_615 = arith.constant 3 : i32
        %add3A_616 = arith.addi %mul3A_614, %add3A_615 : i32
        %mul3A_617 = arith.constant 16 : i32
        %mul3A_618 = arith.muli %add3A_616, %mul3A_617 : i32
        %get3A_619 = arith.index_cast %mul3A_618 : i32 to index
        %get3A_620 = tpu.vector_load %arg6[%get3A_619] {strides = array<i32>} : memref<20000xf32, #tpu.memory_space<vmem>>, vector<16xf32>,
        %get3A_621 = vector.shape_cast %get3A_620 : vector<16xf32> to vector<16xf32>
        %mul3A_622 = arith.constant 16 : i32
        %mul3A_623 = arith.muli %add3A_616, %mul3A_622 : i32
        %add3A_624 = arith.constant 40000 : i32
        %add3A_625 = arith.addi %add3A_624, %mul3A_623 : i32
        %add3A_626 = vector.broadcast %add3A_625 : i32 to vector<16xi32>
        %add3A_627 = arith.addi %iota3A, %add3A_626 : vector<16xi32>
        %gt3A_628 = arith.cmpf ogt, %get3A_621, %max3A_447 : vector<16xf32>
        %max3A_629 = arith.maximumf %get3A_621, %max3A_447 : vector<16xf32>
        %select_n3A_630 = arith.select %gt3A_628, %add3A_627, %select_n3A_448 : vector<16xi1>, vector<16xi32>
        %mul3A_631 = arith.constant 10 : i32
        %mul3A_632 = arith.muli %scan3A_558, %mul3A_631 : i32
        %add3A_633 = arith.constant 4 : i32
        %add3A_634 = arith.addi %mul3A_632, %add3A_633 : i32
        %mul3A_635 = arith.constant 16 : i32
        %mul3A_636 = arith.muli %add3A_634, %mul3A_635 : i32
        %get3A_637 = arith.index_cast %mul3A_636 : i32 to index
        %get3A_638 = tpu.vector_load %arg6[%get3A_637] {strides = array<i32>} : memref<20000xf32, #tpu.memory_space<vmem>>, vector<16xf32>,
        %get3A_639 = vector.shape_cast %get3A_638 : vector<16xf32> to vector<16xf32>
        %mul3A_640 = arith.constant 16 : i32
        %mul3A_641 = arith.muli %add3A_634, %mul3A_640 : i32
        %add3A_642 = arith.constant 40000 : i32
        %add3A_643 = arith.addi %add3A_642, %mul3A_641 : i32
        %add3A_644 = vector.broadcast %add3A_643 : i32 to vector<16xi32>
        %add3A_645 = arith.addi %iota3A, %add3A_644 : vector<16xi32>
        %gt3A_646 = arith.cmpf ogt, %get3A_639, %max3A_465 : vector<16xf32>
        %max3A_647 = arith.maximumf %get3A_639, %max3A_465 : vector<16xf32>
        %select_n3A_648 = arith.select %gt3A_646, %add3A_645, %select_n3A_466 : vector<16xi1>, vector<16xi32>
        %mul3A_649 = arith.constant 10 : i32
        %mul3A_650 = arith.muli %scan3A_558, %mul3A_649 : i32
        %add3A_651 = arith.constant 5 : i32
        %add3A_652 = arith.addi %mul3A_650, %add3A_651 : i32
        %mul3A_653 = arith.constant 16 : i32
        %mul3A_654 = arith.muli %add3A_652, %mul3A_653 : i32
        %get3A_655 = arith.index_cast %mul3A_654 : i32 to index
        %get3A_656 = tpu.vector_load %arg6[%get3A_655] {strides = array<i32>} : memref<20000xf32, #tpu.memory_space<vmem>>, vector<16xf32>,
        %get3A_657 = vector.shape_cast %get3A_656 : vector<16xf32> to vector<16xf32>
        %mul3A_658 = arith.constant 16 : i32
        %mul3A_659 = arith.muli %add3A_652, %mul3A_658 : i32
        %add3A_660 = arith.constant 40000 : i32
        %add3A_661 = arith.addi %add3A_660, %mul3A_659 : i32
        %add3A_662 = vector.broadcast %add3A_661 : i32 to vector<16xi32>
        %add3A_663 = arith.addi %iota3A, %add3A_662 : vector<16xi32>
        %gt3A_664 = arith.cmpf ogt, %get3A_657, %max3A_483 : vector<16xf32>
        %max3A_665 = arith.maximumf %get3A_657, %max3A_483 : vector<16xf32>
        %select_n3A_666 = arith.select %gt3A_664, %add3A_663, %select_n3A_484 : vector<16xi1>, vector<16xi32>
        %mul3A_667 = arith.constant 10 : i32
        %mul3A_668 = arith.muli %scan3A_558, %mul3A_667 : i32
        %add3A_669 = arith.constant 6 : i32
        %add3A_670 = arith.addi %mul3A_668, %add3A_669 : i32
        %mul3A_671 = arith.constant 16 : i32
        %mul3A_672 = arith.muli %add3A_670, %mul3A_671 : i32
        %get3A_673 = arith.index_cast %mul3A_672 : i32 to index
        %get3A_674 = tpu.vector_load %arg6[%get3A_673] {strides = array<i32>} : memref<20000xf32, #tpu.memory_space<vmem>>, vector<16xf32>,
        %get3A_675 = vector.shape_cast %get3A_674 : vector<16xf32> to vector<16xf32>
        %mul3A_676 = arith.constant 16 : i32
        %mul3A_677 = arith.muli %add3A_670, %mul3A_676 : i32
        %add3A_678 = arith.constant 40000 : i32
        %add3A_679 = arith.addi %add3A_678, %mul3A_677 : i32
        %add3A_680 = vector.broadcast %add3A_679 : i32 to vector<16xi32>
        %add3A_681 = arith.addi %iota3A, %add3A_680 : vector<16xi32>
        %gt3A_682 = arith.cmpf ogt, %get3A_675, %max3A_501 : vector<16xf32>
        %max3A_683 = arith.maximumf %get3A_675, %max3A_501 : vector<16xf32>
        %select_n3A_684 = arith.select %gt3A_682, %add3A_681, %select_n3A_502 : vector<16xi1>, vector<16xi32>
        %mul3A_685 = arith.constant 10 : i32
        %mul3A_686 = arith.muli %scan3A_558, %mul3A_685 : i32
        %add3A_687 = arith.constant 7 : i32
        %add3A_688 = arith.addi %mul3A_686, %add3A_687 : i32
        %mul3A_689 = arith.constant 16 : i32
        %mul3A_690 = arith.muli %add3A_688, %mul3A_689 : i32
        %get3A_691 = arith.index_cast %mul3A_690 : i32 to index
        %get3A_692 = tpu.vector_load %arg6[%get3A_691] {strides = array<i32>} : memref<20000xf32, #tpu.memory_space<vmem>>, vector<16xf32>,
        %get3A_693 = vector.shape_cast %get3A_692 : vector<16xf32> to vector<16xf32>
        %mul3A_694 = arith.constant 16 : i32
        %mul3A_695 = arith.muli %add3A_688, %mul3A_694 : i32
        %add3A_696 = arith.constant 40000 : i32
        %add3A_697 = arith.addi %add3A_696, %mul3A_695 : i32
        %add3A_698 = vector.broadcast %add3A_697 : i32 to vector<16xi32>
        %add3A_699 = arith.addi %iota3A, %add3A_698 : vector<16xi32>
        %gt3A_700 = arith.cmpf ogt, %get3A_693, %max3A_519 : vector<16xf32>
        %max3A_701 = arith.maximumf %get3A_693, %max3A_519 : vector<16xf32>
        %select_n3A_702 = arith.select %gt3A_700, %add3A_699, %select_n3A_520 : vector<16xi1>, vector<16xi32>
        %mul3A_703 = arith.constant 10 : i32
        %mul3A_704 = arith.muli %scan3A_558, %mul3A_703 : i32
        %add3A_705 = arith.constant 8 : i32
        %add3A_706 = arith.addi %mul3A_704, %add3A_705 : i32
        %mul3A_707 = arith.constant 16 : i32
        %mul3A_708 = arith.muli %add3A_706, %mul3A_707 : i32
        %get3A_709 = arith.index_cast %mul3A_708 : i32 to index
        %get3A_710 = tpu.vector_load %arg6[%get3A_709] {strides = array<i32>} : memref<20000xf32, #tpu.memory_space<vmem>>, vector<16xf32>,
        %get3A_711 = vector.shape_cast %get3A_710 : vector<16xf32> to vector<16xf32>
        %mul3A_712 = arith.constant 16 : i32
        %mul3A_713 = arith.muli %add3A_706, %mul3A_712 : i32
        %add3A_714 = arith.constant 40000 : i32
        %add3A_715 = arith.addi %add3A_714, %mul3A_713 : i32
        %add3A_716 = vector.broadcast %add3A_715 : i32 to vector<16xi32>
        %add3A_717 = arith.addi %iota3A, %add3A_716 : vector<16xi32>
        %gt3A_718 = arith.cmpf ogt, %get3A_711, %max3A_537 : vector<16xf32>
        %max3A_719 = arith.maximumf %get3A_711, %max3A_537 : vector<16xf32>
        %select_n3A_720 = arith.select %gt3A_718, %add3A_717, %select_n3A_538 : vector<16xi1>, vector<16xi32>
        %mul3A_721 = arith.constant 10 : i32
        %mul3A_722 = arith.muli %scan3A_558, %mul3A_721 : i32
        %add3A_723 = arith.constant 9 : i32
        %add3A_724 = arith.addi %mul3A_722, %add3A_723 : i32
        %mul3A_725 = arith.constant 16 : i32
        %mul3A_726 = arith.muli %add3A_724, %mul3A_725 : i32
        %get3A_727 = arith.index_cast %mul3A_726 : i32 to index
        %get3A_728 = tpu.vector_load %arg6[%get3A_727] {strides = array<i32>} : memref<20000xf32, #tpu.memory_space<vmem>>, vector<16xf32>,
        %get3A_729 = vector.shape_cast %get3A_728 : vector<16xf32> to vector<16xf32>
        %mul3A_730 = arith.constant 16 : i32
        %mul3A_731 = arith.muli %add3A_724, %mul3A_730 : i32
        %add3A_732 = arith.constant 40000 : i32
        %add3A_733 = arith.addi %add3A_732, %mul3A_731 : i32
        %add3A_734 = vector.broadcast %add3A_733 : i32 to vector<16xi32>
        %add3A_735 = arith.addi %iota3A, %add3A_734 : vector<16xi32>
        %gt3A_736 = arith.cmpf ogt, %get3A_729, %max3A_555 : vector<16xf32>
        %max3A_737 = arith.maximumf %get3A_729, %max3A_555 : vector<16xf32>
        %select_n3A_738 = arith.select %gt3A_736, %add3A_735, %select_n3A_556 : vector<16xi1>, vector<16xi32>
        %scan3A_739 = arith.constant 2 : i32
        %scan3A_740 = arith.addi %scan3A_358, %scan3A_739 : i32
        %mul3A_741 = arith.constant 10 : i32
        %mul3A_742 = arith.muli %scan3A_740, %mul3A_741 : i32
        %add3A_743 = arith.constant 0 : i32
        %add3A_744 = arith.addi %mul3A_742, %add3A_743 : i32
        %mul3A_745 = arith.constant 16 : i32
        %mul3A_746 = arith.muli %add3A_744, %mul3A_745 : i32
        %get3A_747 = arith.index_cast %mul3A_746 : i32 to index
        %get3A_748 = tpu.vector_load %arg6[%get3A_747] {strides = array<i32>} : memref<20000xf32, #tpu.memory_space<vmem>>, vector<16xf32>,
        %get3A_749 = vector.shape_cast %get3A_748 : vector<16xf32> to vector<16xf32>
        %mul3A_750 = arith.constant 16 : i32
        %mul3A_751 = arith.muli %add3A_744, %mul3A_750 : i32
        %add3A_752 = arith.constant 40000 : i32
        %add3A_753 = arith.addi %add3A_752, %mul3A_751 : i32
        %add3A_754 = vector.broadcast %add3A_753 : i32 to vector<16xi32>
        %add3A_755 = arith.addi %iota3A, %add3A_754 : vector<16xi32>
        %gt3A_756 = arith.cmpf ogt, %get3A_749, %max3A_575 : vector<16xf32>
        %max3A_757 = arith.maximumf %get3A_749, %max3A_575 : vector<16xf32>
        %select_n3A_758 = arith.select %gt3A_756, %add3A_755, %select_n3A_576 : vector<16xi1>, vector<16xi32>
        %mul3A_759 = arith.constant 10 : i32
        %mul3A_760 = arith.muli %scan3A_740, %mul3A_759 : i32
        %add3A_761 = arith.constant 1 : i32
        %add3A_762 = arith.addi %mul3A_760, %add3A_761 : i32
        %mul3A_763 = arith.constant 16 : i32
        %mul3A_764 = arith.muli %add3A_762, %mul3A_763 : i32
        %get3A_765 = arith.index_cast %mul3A_764 : i32 to index
        %get3A_766 = tpu.vector_load %arg6[%get3A_765] {strides = array<i32>} : memref<20000xf32, #tpu.memory_space<vmem>>, vector<16xf32>,
        %get3A_767 = vector.shape_cast %get3A_766 : vector<16xf32> to vector<16xf32>
        %mul3A_768 = arith.constant 16 : i32
        %mul3A_769 = arith.muli %add3A_762, %mul3A_768 : i32
        %add3A_770 = arith.constant 40000 : i32
        %add3A_771 = arith.addi %add3A_770, %mul3A_769 : i32
        %add3A_772 = vector.broadcast %add3A_771 : i32 to vector<16xi32>
        %add3A_773 = arith.addi %iota3A, %add3A_772 : vector<16xi32>
        %gt3A_774 = arith.cmpf ogt, %get3A_767, %max3A_593 : vector<16xf32>
        %max3A_775 = arith.maximumf %get3A_767, %max3A_593 : vector<16xf32>
        %select_n3A_776 = arith.select %gt3A_774, %add3A_773, %select_n3A_594 : vector<16xi1>, vector<16xi32>
        %mul3A_777 = arith.constant 10 : i32
        %mul3A_778 = arith.muli %scan3A_740, %mul3A_777 : i32
        %add3A_779 = arith.constant 2 : i32
        %add3A_780 = arith.addi %mul3A_778, %add3A_779 : i32
        %mul3A_781 = arith.constant 16 : i32
        %mul3A_782 = arith.muli %add3A_780, %mul3A_781 : i32
        %get3A_783 = arith.index_cast %mul3A_782 : i32 to index
        %get3A_784 = tpu.vector_load %arg6[%get3A_783] {strides = array<i32>} : memref<20000xf32, #tpu.memory_space<vmem>>, vector<16xf32>,
        %get3A_785 = vector.shape_cast %get3A_784 : vector<16xf32> to vector<16xf32>
        %mul3A_786 = arith.constant 16 : i32
        %mul3A_787 = arith.muli %add3A_780, %mul3A_786 : i32
        %add3A_788 = arith.constant 40000 : i32
        %add3A_789 = arith.addi %add3A_788, %mul3A_787 : i32
        %add3A_790 = vector.broadcast %add3A_789 : i32 to vector<16xi32>
        %add3A_791 = arith.addi %iota3A, %add3A_790 : vector<16xi32>
        %gt3A_792 = arith.cmpf ogt, %get3A_785, %max3A_611 : vector<16xf32>
        %max3A_793 = arith.maximumf %get3A_785, %max3A_611 : vector<16xf32>
        %select_n3A_794 = arith.select %gt3A_792, %add3A_791, %select_n3A_612 : vector<16xi1>, vector<16xi32>
        %mul3A_795 = arith.constant 10 : i32
        %mul3A_796 = arith.muli %scan3A_740, %mul3A_795 : i32
        %add3A_797 = arith.constant 3 : i32
        %add3A_798 = arith.addi %mul3A_796, %add3A_797 : i32
        %mul3A_799 = arith.constant 16 : i32
        %mul3A_800 = arith.muli %add3A_798, %mul3A_799 : i32
        %get3A_801 = arith.index_cast %mul3A_800 : i32 to index
        %get3A_802 = tpu.vector_load %arg6[%get3A_801] {strides = array<i32>} : memref<20000xf32, #tpu.memory_space<vmem>>, vector<16xf32>,
        %get3A_803 = vector.shape_cast %get3A_802 : vector<16xf32> to vector<16xf32>
        %mul3A_804 = arith.constant 16 : i32
        %mul3A_805 = arith.muli %add3A_798, %mul3A_804 : i32
        %add3A_806 = arith.constant 40000 : i32
        %add3A_807 = arith.addi %add3A_806, %mul3A_805 : i32
        %add3A_808 = vector.broadcast %add3A_807 : i32 to vector<16xi32>
        %add3A_809 = arith.addi %iota3A, %add3A_808 : vector<16xi32>
        %gt3A_810 = arith.cmpf ogt, %get3A_803, %max3A_629 : vector<16xf32>
        %max3A_811 = arith.maximumf %get3A_803, %max3A_629 : vector<16xf32>
        %select_n3A_812 = arith.select %gt3A_810, %add3A_809, %select_n3A_630 : vector<16xi1>, vector<16xi32>
        %mul3A_813 = arith.constant 10 : i32
        %mul3A_814 = arith.muli %scan3A_740, %mul3A_813 : i32
        %add3A_815 = arith.constant 4 : i32
        %add3A_816 = arith.addi %mul3A_814, %add3A_815 : i32
        %mul3A_817 = arith.constant 16 : i32
        %mul3A_818 = arith.muli %add3A_816, %mul3A_817 : i32
        %get3A_819 = arith.index_cast %mul3A_818 : i32 to index
        %get3A_820 = tpu.vector_load %arg6[%get3A_819] {strides = array<i32>} : memref<20000xf32, #tpu.memory_space<vmem>>, vector<16xf32>,
        %get3A_821 = vector.shape_cast %get3A_820 : vector<16xf32> to vector<16xf32>
        %mul3A_822 = arith.constant 16 : i32
        %mul3A_823 = arith.muli %add3A_816, %mul3A_822 : i32
        %add3A_824 = arith.constant 40000 : i32
        %add3A_825 = arith.addi %add3A_824, %mul3A_823 : i32
        %add3A_826 = vector.broadcast %add3A_825 : i32 to vector<16xi32>
        %add3A_827 = arith.addi %iota3A, %add3A_826 : vector<16xi32>
        %gt3A_828 = arith.cmpf ogt, %get3A_821, %max3A_647 : vector<16xf32>
        %max3A_829 = arith.maximumf %get3A_821, %max3A_647 : vector<16xf32>
        %select_n3A_830 = arith.select %gt3A_828, %add3A_827, %select_n3A_648 : vector<16xi1>, vector<16xi32>
        %mul3A_831 = arith.constant 10 : i32
        %mul3A_832 = arith.muli %scan3A_740, %mul3A_831 : i32
        %add3A_833 = arith.constant 5 : i32
        %add3A_834 = arith.addi %mul3A_832, %add3A_833 : i32
        %mul3A_835 = arith.constant 16 : i32
        %mul3A_836 = arith.muli %add3A_834, %mul3A_835 : i32
        %get3A_837 = arith.index_cast %mul3A_836 : i32 to index
        %get3A_838 = tpu.vector_load %arg6[%get3A_837] {strides = array<i32>} : memref<20000xf32, #tpu.memory_space<vmem>>, vector<16xf32>,
        %get3A_839 = vector.shape_cast %get3A_838 : vector<16xf32> to vector<16xf32>
        %mul3A_840 = arith.constant 16 : i32
        %mul3A_841 = arith.muli %add3A_834, %mul3A_840 : i32
        %add3A_842 = arith.constant 40000 : i32
        %add3A_843 = arith.addi %add3A_842, %mul3A_841 : i32
        %add3A_844 = vector.broadcast %add3A_843 : i32 to vector<16xi32>
        %add3A_845 = arith.addi %iota3A, %add3A_844 : vector<16xi32>
        %gt3A_846 = arith.cmpf ogt, %get3A_839, %max3A_665 : vector<16xf32>
        %max3A_847 = arith.maximumf %get3A_839, %max3A_665 : vector<16xf32>
        %select_n3A_848 = arith.select %gt3A_846, %add3A_845, %select_n3A_666 : vector<16xi1>, vector<16xi32>
        %mul3A_849 = arith.constant 10 : i32
        %mul3A_850 = arith.muli %scan3A_740, %mul3A_849 : i32
        %add3A_851 = arith.constant 6 : i32
        %add3A_852 = arith.addi %mul3A_850, %add3A_851 : i32
        %mul3A_853 = arith.constant 16 : i32
        %mul3A_854 = arith.muli %add3A_852, %mul3A_853 : i32
        %get3A_855 = arith.index_cast %mul3A_854 : i32 to index
        %get3A_856 = tpu.vector_load %arg6[%get3A_855] {strides = array<i32>} : memref<20000xf32, #tpu.memory_space<vmem>>, vector<16xf32>,
        %get3A_857 = vector.shape_cast %get3A_856 : vector<16xf32> to vector<16xf32>
        %mul3A_858 = arith.constant 16 : i32
        %mul3A_859 = arith.muli %add3A_852, %mul3A_858 : i32
        %add3A_860 = arith.constant 40000 : i32
        %add3A_861 = arith.addi %add3A_860, %mul3A_859 : i32
        %add3A_862 = vector.broadcast %add3A_861 : i32 to vector<16xi32>
        %add3A_863 = arith.addi %iota3A, %add3A_862 : vector<16xi32>
        %gt3A_864 = arith.cmpf ogt, %get3A_857, %max3A_683 : vector<16xf32>
        %max3A_865 = arith.maximumf %get3A_857, %max3A_683 : vector<16xf32>
        %select_n3A_866 = arith.select %gt3A_864, %add3A_863, %select_n3A_684 : vector<16xi1>, vector<16xi32>
        %mul3A_867 = arith.constant 10 : i32
        %mul3A_868 = arith.muli %scan3A_740, %mul3A_867 : i32
        %add3A_869 = arith.constant 7 : i32
        %add3A_870 = arith.addi %mul3A_868, %add3A_869 : i32
        %mul3A_871 = arith.constant 16 : i32
        %mul3A_872 = arith.muli %add3A_870, %mul3A_871 : i32
        %get3A_873 = arith.index_cast %mul3A_872 : i32 to index
        %get3A_874 = tpu.vector_load %arg6[%get3A_873] {strides = array<i32>} : memref<20000xf32, #tpu.memory_space<vmem>>, vector<16xf32>,
        %get3A_875 = vector.shape_cast %get3A_874 : vector<16xf32> to vector<16xf32>
        %mul3A_876 = arith.constant 16 : i32
        %mul3A_877 = arith.muli %add3A_870, %mul3A_876 : i32
        %add3A_878 = arith.constant 40000 : i32
        %add3A_879 = arith.addi %add3A_878, %mul3A_877 : i32
        %add3A_880 = vector.broadcast %add3A_879 : i32 to vector<16xi32>
        %add3A_881 = arith.addi %iota3A, %add3A_880 : vector<16xi32>
        %gt3A_882 = arith.cmpf ogt, %get3A_875, %max3A_701 : vector<16xf32>
        %max3A_883 = arith.maximumf %get3A_875, %max3A_701 : vector<16xf32>
        %select_n3A_884 = arith.select %gt3A_882, %add3A_881, %select_n3A_702 : vector<16xi1>, vector<16xi32>
        %mul3A_885 = arith.constant 10 : i32
        %mul3A_886 = arith.muli %scan3A_740, %mul3A_885 : i32
        %add3A_887 = arith.constant 8 : i32
        %add3A_888 = arith.addi %mul3A_886, %add3A_887 : i32
        %mul3A_889 = arith.constant 16 : i32
        %mul3A_890 = arith.muli %add3A_888, %mul3A_889 : i32
        %get3A_891 = arith.index_cast %mul3A_890 : i32 to index
        %get3A_892 = tpu.vector_load %arg6[%get3A_891] {strides = array<i32>} : memref<20000xf32, #tpu.memory_space<vmem>>, vector<16xf32>,
        %get3A_893 = vector.shape_cast %get3A_892 : vector<16xf32> to vector<16xf32>
        %mul3A_894 = arith.constant 16 : i32
        %mul3A_895 = arith.muli %add3A_888, %mul3A_894 : i32
        %add3A_896 = arith.constant 40000 : i32
        %add3A_897 = arith.addi %add3A_896, %mul3A_895 : i32
        %add3A_898 = vector.broadcast %add3A_897 : i32 to vector<16xi32>
        %add3A_899 = arith.addi %iota3A, %add3A_898 : vector<16xi32>
        %gt3A_900 = arith.cmpf ogt, %get3A_893, %max3A_719 : vector<16xf32>
        %max3A_901 = arith.maximumf %get3A_893, %max3A_719 : vector<16xf32>
        %select_n3A_902 = arith.select %gt3A_900, %add3A_899, %select_n3A_720 : vector<16xi1>, vector<16xi32>
        %mul3A_903 = arith.constant 10 : i32
        %mul3A_904 = arith.muli %scan3A_740, %mul3A_903 : i32
        %add3A_905 = arith.constant 9 : i32
        %add3A_906 = arith.addi %mul3A_904, %add3A_905 : i32
        %mul3A_907 = arith.constant 16 : i32
        %mul3A_908 = arith.muli %add3A_906, %mul3A_907 : i32
        %get3A_909 = arith.index_cast %mul3A_908 : i32 to index
        %get3A_910 = tpu.vector_load %arg6[%get3A_909] {strides = array<i32>} : memref<20000xf32, #tpu.memory_space<vmem>>, vector<16xf32>,
        %get3A_911 = vector.shape_cast %get3A_910 : vector<16xf32> to vector<16xf32>
        %mul3A_912 = arith.constant 16 : i32
        %mul3A_913 = arith.muli %add3A_906, %mul3A_912 : i32
        %add3A_914 = arith.constant 40000 : i32
        %add3A_915 = arith.addi %add3A_914, %mul3A_913 : i32
        %add3A_916 = vector.broadcast %add3A_915 : i32 to vector<16xi32>
        %add3A_917 = arith.addi %iota3A, %add3A_916 : vector<16xi32>
        %gt3A_918 = arith.cmpf ogt, %get3A_911, %max3A_737 : vector<16xf32>
        %max3A_919 = arith.maximumf %get3A_911, %max3A_737 : vector<16xf32>
        %select_n3A_920 = arith.select %gt3A_918, %add3A_917, %select_n3A_738 : vector<16xi1>, vector<16xi32>
        %scan3A_921 = arith.constant 3 : i32
        %scan3A_922 = arith.addi %scan3A_358, %scan3A_921 : i32
        %mul3A_923 = arith.constant 10 : i32
        %mul3A_924 = arith.muli %scan3A_922, %mul3A_923 : i32
        %add3A_925 = arith.constant 0 : i32
        %add3A_926 = arith.addi %mul3A_924, %add3A_925 : i32
        %mul3A_927 = arith.constant 16 : i32
        %mul3A_928 = arith.muli %add3A_926, %mul3A_927 : i32
        %get3A_929 = arith.index_cast %mul3A_928 : i32 to index
        %get3A_930 = tpu.vector_load %arg6[%get3A_929] {strides = array<i32>} : memref<20000xf32, #tpu.memory_space<vmem>>, vector<16xf32>,
        %get3A_931 = vector.shape_cast %get3A_930 : vector<16xf32> to vector<16xf32>
        %mul3A_932 = arith.constant 16 : i32
        %mul3A_933 = arith.muli %add3A_926, %mul3A_932 : i32
        %add3A_934 = arith.constant 40000 : i32
        %add3A_935 = arith.addi %add3A_934, %mul3A_933 : i32
        %add3A_936 = vector.broadcast %add3A_935 : i32 to vector<16xi32>
        %add3A_937 = arith.addi %iota3A, %add3A_936 : vector<16xi32>
        %gt3A_938 = arith.cmpf ogt, %get3A_931, %max3A_757 : vector<16xf32>
        %max3A_939 = arith.maximumf %get3A_931, %max3A_757 : vector<16xf32>
        %select_n3A_940 = arith.select %gt3A_938, %add3A_937, %select_n3A_758 : vector<16xi1>, vector<16xi32>
        %mul3A_941 = arith.constant 10 : i32
        %mul3A_942 = arith.muli %scan3A_922, %mul3A_941 : i32
        %add3A_943 = arith.constant 1 : i32
        %add3A_944 = arith.addi %mul3A_942, %add3A_943 : i32
        %mul3A_945 = arith.constant 16 : i32
        %mul3A_946 = arith.muli %add3A_944, %mul3A_945 : i32
        %get3A_947 = arith.index_cast %mul3A_946 : i32 to index
        %get3A_948 = tpu.vector_load %arg6[%get3A_947] {strides = array<i32>} : memref<20000xf32, #tpu.memory_space<vmem>>, vector<16xf32>,
        %get3A_949 = vector.shape_cast %get3A_948 : vector<16xf32> to vector<16xf32>
        %mul3A_950 = arith.constant 16 : i32
        %mul3A_951 = arith.muli %add3A_944, %mul3A_950 : i32
        %add3A_952 = arith.constant 40000 : i32
        %add3A_953 = arith.addi %add3A_952, %mul3A_951 : i32
        %add3A_954 = vector.broadcast %add3A_953 : i32 to vector<16xi32>
        %add3A_955 = arith.addi %iota3A, %add3A_954 : vector<16xi32>
        %gt3A_956 = arith.cmpf ogt, %get3A_949, %max3A_775 : vector<16xf32>
        %max3A_957 = arith.maximumf %get3A_949, %max3A_775 : vector<16xf32>
        %select_n3A_958 = arith.select %gt3A_956, %add3A_955, %select_n3A_776 : vector<16xi1>, vector<16xi32>
        %mul3A_959 = arith.constant 10 : i32
        %mul3A_960 = arith.muli %scan3A_922, %mul3A_959 : i32
        %add3A_961 = arith.constant 2 : i32
        %add3A_962 = arith.addi %mul3A_960, %add3A_961 : i32
        %mul3A_963 = arith.constant 16 : i32
        %mul3A_964 = arith.muli %add3A_962, %mul3A_963 : i32
        %get3A_965 = arith.index_cast %mul3A_964 : i32 to index
        %get3A_966 = tpu.vector_load %arg6[%get3A_965] {strides = array<i32>} : memref<20000xf32, #tpu.memory_space<vmem>>, vector<16xf32>,
        %get3A_967 = vector.shape_cast %get3A_966 : vector<16xf32> to vector<16xf32>
        %mul3A_968 = arith.constant 16 : i32
        %mul3A_969 = arith.muli %add3A_962, %mul3A_968 : i32
        %add3A_970 = arith.constant 40000 : i32
        %add3A_971 = arith.addi %add3A_970, %mul3A_969 : i32
        %add3A_972 = vector.broadcast %add3A_971 : i32 to vector<16xi32>
        %add3A_973 = arith.addi %iota3A, %add3A_972 : vector<16xi32>
        %gt3A_974 = arith.cmpf ogt, %get3A_967, %max3A_793 : vector<16xf32>
        %max3A_975 = arith.maximumf %get3A_967, %max3A_793 : vector<16xf32>
        %select_n3A_976 = arith.select %gt3A_974, %add3A_973, %select_n3A_794 : vector<16xi1>, vector<16xi32>
        %mul3A_977 = arith.constant 10 : i32
        %mul3A_978 = arith.muli %scan3A_922, %mul3A_977 : i32
        %add3A_979 = arith.constant 3 : i32
        %add3A_980 = arith.addi %mul3A_978, %add3A_979 : i32
        %mul3A_981 = arith.constant 16 : i32
        %mul3A_982 = arith.muli %add3A_980, %mul3A_981 : i32
        %get3A_983 = arith.index_cast %mul3A_982 : i32 to index
        %get3A_984 = tpu.vector_load %arg6[%get3A_983] {strides = array<i32>} : memref<20000xf32, #tpu.memory_space<vmem>>, vector<16xf32>,
        %get3A_985 = vector.shape_cast %get3A_984 : vector<16xf32> to vector<16xf32>
        %mul3A_986 = arith.constant 16 : i32
        %mul3A_987 = arith.muli %add3A_980, %mul3A_986 : i32
        %add3A_988 = arith.constant 40000 : i32
        %add3A_989 = arith.addi %add3A_988, %mul3A_987 : i32
        %add3A_990 = vector.broadcast %add3A_989 : i32 to vector<16xi32>
        %add3A_991 = arith.addi %iota3A, %add3A_990 : vector<16xi32>
        %gt3A_992 = arith.cmpf ogt, %get3A_985, %max3A_811 : vector<16xf32>
        %max3A_993 = arith.maximumf %get3A_985, %max3A_811 : vector<16xf32>
        %select_n3A_994 = arith.select %gt3A_992, %add3A_991, %select_n3A_812 : vector<16xi1>, vector<16xi32>
        %mul3A_995 = arith.constant 10 : i32
        %mul3A_996 = arith.muli %scan3A_922, %mul3A_995 : i32
        %add3A_997 = arith.constant 4 : i32
        %add3A_998 = arith.addi %mul3A_996, %add3A_997 : i32
        %mul3A_999 = arith.constant 16 : i32
        %mul3A_1000 = arith.muli %add3A_998, %mul3A_999 : i32
        %get3A_1001 = arith.index_cast %mul3A_1000 : i32 to index
        %get3A_1002 = tpu.vector_load %arg6[%get3A_1001] {strides = array<i32>} : memref<20000xf32, #tpu.memory_space<vmem>>, vector<16xf32>,
        %get3A_1003 = vector.shape_cast %get3A_1002 : vector<16xf32> to vector<16xf32>
        %mul3A_1004 = arith.constant 16 : i32
        %mul3A_1005 = arith.muli %add3A_998, %mul3A_1004 : i32
        %add3A_1006 = arith.constant 40000 : i32
        %add3A_1007 = arith.addi %add3A_1006, %mul3A_1005 : i32
        %add3A_1008 = vector.broadcast %add3A_1007 : i32 to vector<16xi32>
        %add3A_1009 = arith.addi %iota3A, %add3A_1008 : vector<16xi32>
        %gt3A_1010 = arith.cmpf ogt, %get3A_1003, %max3A_829 : vector<16xf32>
        %max3A_1011 = arith.maximumf %get3A_1003, %max3A_829 : vector<16xf32>
        %select_n3A_1012 = arith.select %gt3A_1010, %add3A_1009, %select_n3A_830 : vector<16xi1>, vector<16xi32>
        %mul3A_1013 = arith.constant 10 : i32
        %mul3A_1014 = arith.muli %scan3A_922, %mul3A_1013 : i32
        %add3A_1015 = arith.constant 5 : i32
        %add3A_1016 = arith.addi %mul3A_1014, %add3A_1015 : i32
        %mul3A_1017 = arith.constant 16 : i32
        %mul3A_1018 = arith.muli %add3A_1016, %mul3A_1017 : i32
        %get3A_1019 = arith.index_cast %mul3A_1018 : i32 to index
        %get3A_1020 = tpu.vector_load %arg6[%get3A_1019] {strides = array<i32>} : memref<20000xf32, #tpu.memory_space<vmem>>, vector<16xf32>,
        %get3A_1021 = vector.shape_cast %get3A_1020 : vector<16xf32> to vector<16xf32>
        %mul3A_1022 = arith.constant 16 : i32
        %mul3A_1023 = arith.muli %add3A_1016, %mul3A_1022 : i32
        %add3A_1024 = arith.constant 40000 : i32
        %add3A_1025 = arith.addi %add3A_1024, %mul3A_1023 : i32
        %add3A_1026 = vector.broadcast %add3A_1025 : i32 to vector<16xi32>
        %add3A_1027 = arith.addi %iota3A, %add3A_1026 : vector<16xi32>
        %gt3A_1028 = arith.cmpf ogt, %get3A_1021, %max3A_847 : vector<16xf32>
        %max3A_1029 = arith.maximumf %get3A_1021, %max3A_847 : vector<16xf32>
        %select_n3A_1030 = arith.select %gt3A_1028, %add3A_1027, %select_n3A_848 : vector<16xi1>, vector<16xi32>
        %mul3A_1031 = arith.constant 10 : i32
        %mul3A_1032 = arith.muli %scan3A_922, %mul3A_1031 : i32
        %add3A_1033 = arith.constant 6 : i32
        %add3A_1034 = arith.addi %mul3A_1032, %add3A_1033 : i32
        %mul3A_1035 = arith.constant 16 : i32
        %mul3A_1036 = arith.muli %add3A_1034, %mul3A_1035 : i32
        %get3A_1037 = arith.index_cast %mul3A_1036 : i32 to index
        %get3A_1038 = tpu.vector_load %arg6[%get3A_1037] {strides = array<i32>} : memref<20000xf32, #tpu.memory_space<vmem>>, vector<16xf32>,
        %get3A_1039 = vector.shape_cast %get3A_1038 : vector<16xf32> to vector<16xf32>
        %mul3A_1040 = arith.constant 16 : i32
        %mul3A_1041 = arith.muli %add3A_1034, %mul3A_1040 : i32
        %add3A_1042 = arith.constant 40000 : i32
        %add3A_1043 = arith.addi %add3A_1042, %mul3A_1041 : i32
        %add3A_1044 = vector.broadcast %add3A_1043 : i32 to vector<16xi32>
        %add3A_1045 = arith.addi %iota3A, %add3A_1044 : vector<16xi32>
        %gt3A_1046 = arith.cmpf ogt, %get3A_1039, %max3A_865 : vector<16xf32>
        %max3A_1047 = arith.maximumf %get3A_1039, %max3A_865 : vector<16xf32>
        %select_n3A_1048 = arith.select %gt3A_1046, %add3A_1045, %select_n3A_866 : vector<16xi1>, vector<16xi32>
        %mul3A_1049 = arith.constant 10 : i32
        %mul3A_1050 = arith.muli %scan3A_922, %mul3A_1049 : i32
        %add3A_1051 = arith.constant 7 : i32
        %add3A_1052 = arith.addi %mul3A_1050, %add3A_1051 : i32
        %mul3A_1053 = arith.constant 16 : i32
        %mul3A_1054 = arith.muli %add3A_1052, %mul3A_1053 : i32
        %get3A_1055 = arith.index_cast %mul3A_1054 : i32 to index
        %get3A_1056 = tpu.vector_load %arg6[%get3A_1055] {strides = array<i32>} : memref<20000xf32, #tpu.memory_space<vmem>>, vector<16xf32>,
        %get3A_1057 = vector.shape_cast %get3A_1056 : vector<16xf32> to vector<16xf32>
        %mul3A_1058 = arith.constant 16 : i32
        %mul3A_1059 = arith.muli %add3A_1052, %mul3A_1058 : i32
        %add3A_1060 = arith.constant 40000 : i32
        %add3A_1061 = arith.addi %add3A_1060, %mul3A_1059 : i32
        %add3A_1062 = vector.broadcast %add3A_1061 : i32 to vector<16xi32>
        %add3A_1063 = arith.addi %iota3A, %add3A_1062 : vector<16xi32>
        %gt3A_1064 = arith.cmpf ogt, %get3A_1057, %max3A_883 : vector<16xf32>
        %max3A_1065 = arith.maximumf %get3A_1057, %max3A_883 : vector<16xf32>
        %select_n3A_1066 = arith.select %gt3A_1064, %add3A_1063, %select_n3A_884 : vector<16xi1>, vector<16xi32>
        %mul3A_1067 = arith.constant 10 : i32
        %mul3A_1068 = arith.muli %scan3A_922, %mul3A_1067 : i32
        %add3A_1069 = arith.constant 8 : i32
        %add3A_1070 = arith.addi %mul3A_1068, %add3A_1069 : i32
        %mul3A_1071 = arith.constant 16 : i32
        %mul3A_1072 = arith.muli %add3A_1070, %mul3A_1071 : i32
        %get3A_1073 = arith.index_cast %mul3A_1072 : i32 to index
        %get3A_1074 = tpu.vector_load %arg6[%get3A_1073] {strides = array<i32>} : memref<20000xf32, #tpu.memory_space<vmem>>, vector<16xf32>,
        %get3A_1075 = vector.shape_cast %get3A_1074 : vector<16xf32> to vector<16xf32>
        %mul3A_1076 = arith.constant 16 : i32
        %mul3A_1077 = arith.muli %add3A_1070, %mul3A_1076 : i32
        %add3A_1078 = arith.constant 40000 : i32
        %add3A_1079 = arith.addi %add3A_1078, %mul3A_1077 : i32
        %add3A_1080 = vector.broadcast %add3A_1079 : i32 to vector<16xi32>
        %add3A_1081 = arith.addi %iota3A, %add3A_1080 : vector<16xi32>
        %gt3A_1082 = arith.cmpf ogt, %get3A_1075, %max3A_901 : vector<16xf32>
        %max3A_1083 = arith.maximumf %get3A_1075, %max3A_901 : vector<16xf32>
        %select_n3A_1084 = arith.select %gt3A_1082, %add3A_1081, %select_n3A_902 : vector<16xi1>, vector<16xi32>
        %mul3A_1085 = arith.constant 10 : i32
        %mul3A_1086 = arith.muli %scan3A_922, %mul3A_1085 : i32
        %add3A_1087 = arith.constant 9 : i32
        %add3A_1088 = arith.addi %mul3A_1086, %add3A_1087 : i32
        %mul3A_1089 = arith.constant 16 : i32
        %mul3A_1090 = arith.muli %add3A_1088, %mul3A_1089 : i32
        %get3A_1091 = arith.index_cast %mul3A_1090 : i32 to index
        %get3A_1092 = tpu.vector_load %arg6[%get3A_1091] {strides = array<i32>} : memref<20000xf32, #tpu.memory_space<vmem>>, vector<16xf32>,
        %get3A_1093 = vector.shape_cast %get3A_1092 : vector<16xf32> to vector<16xf32>
        %mul3A_1094 = arith.constant 16 : i32
        %mul3A_1095 = arith.muli %add3A_1088, %mul3A_1094 : i32
        %add3A_1096 = arith.constant 40000 : i32
        %add3A_1097 = arith.addi %add3A_1096, %mul3A_1095 : i32
        %add3A_1098 = vector.broadcast %add3A_1097 : i32 to vector<16xi32>
        %add3A_1099 = arith.addi %iota3A, %add3A_1098 : vector<16xi32>
        %gt3A_1100 = arith.cmpf ogt, %get3A_1093, %max3A_919 : vector<16xf32>
        %max3A_1101 = arith.maximumf %get3A_1093, %max3A_919 : vector<16xf32>
        %select_n3A_1102 = arith.select %gt3A_1100, %add3A_1099, %select_n3A_920 : vector<16xi1>, vector<16xi32>
        %scan3A_1103 = arith.constant 4 : i32
        %scan3A_1104 = arith.addi %scan3A_358, %scan3A_1103 : i32
        %mul3A_1105 = arith.constant 10 : i32
        %mul3A_1106 = arith.muli %scan3A_1104, %mul3A_1105 : i32
        %add3A_1107 = arith.constant 0 : i32
        %add3A_1108 = arith.addi %mul3A_1106, %add3A_1107 : i32
        %mul3A_1109 = arith.constant 16 : i32
        %mul3A_1110 = arith.muli %add3A_1108, %mul3A_1109 : i32
        %get3A_1111 = arith.index_cast %mul3A_1110 : i32 to index
        %get3A_1112 = tpu.vector_load %arg6[%get3A_1111] {strides = array<i32>} : memref<20000xf32, #tpu.memory_space<vmem>>, vector<16xf32>,
        %get3A_1113 = vector.shape_cast %get3A_1112 : vector<16xf32> to vector<16xf32>
        %mul3A_1114 = arith.constant 16 : i32
        %mul3A_1115 = arith.muli %add3A_1108, %mul3A_1114 : i32
        %add3A_1116 = arith.constant 40000 : i32
        %add3A_1117 = arith.addi %add3A_1116, %mul3A_1115 : i32
        %add3A_1118 = vector.broadcast %add3A_1117 : i32 to vector<16xi32>
        %add3A_1119 = arith.addi %iota3A, %add3A_1118 : vector<16xi32>
        %gt3A_1120 = arith.cmpf ogt, %get3A_1113, %max3A_939 : vector<16xf32>
        %max3A_1121 = arith.maximumf %get3A_1113, %max3A_939 : vector<16xf32>
        %select_n3A_1122 = arith.select %gt3A_1120, %add3A_1119, %select_n3A_940 : vector<16xi1>, vector<16xi32>
        %mul3A_1123 = arith.constant 10 : i32
        %mul3A_1124 = arith.muli %scan3A_1104, %mul3A_1123 : i32
        %add3A_1125 = arith.constant 1 : i32
        %add3A_1126 = arith.addi %mul3A_1124, %add3A_1125 : i32
        %mul3A_1127 = arith.constant 16 : i32
        %mul3A_1128 = arith.muli %add3A_1126, %mul3A_1127 : i32
        %get3A_1129 = arith.index_cast %mul3A_1128 : i32 to index
        %get3A_1130 = tpu.vector_load %arg6[%get3A_1129] {strides = array<i32>} : memref<20000xf32, #tpu.memory_space<vmem>>, vector<16xf32>,
        %get3A_1131 = vector.shape_cast %get3A_1130 : vector<16xf32> to vector<16xf32>
        %mul3A_1132 = arith.constant 16 : i32
        %mul3A_1133 = arith.muli %add3A_1126, %mul3A_1132 : i32
        %add3A_1134 = arith.constant 40000 : i32
        %add3A_1135 = arith.addi %add3A_1134, %mul3A_1133 : i32
        %add3A_1136 = vector.broadcast %add3A_1135 : i32 to vector<16xi32>
        %add3A_1137 = arith.addi %iota3A, %add3A_1136 : vector<16xi32>
        %gt3A_1138 = arith.cmpf ogt, %get3A_1131, %max3A_957 : vector<16xf32>
        %max3A_1139 = arith.maximumf %get3A_1131, %max3A_957 : vector<16xf32>
        %select_n3A_1140 = arith.select %gt3A_1138, %add3A_1137, %select_n3A_958 : vector<16xi1>, vector<16xi32>
        %mul3A_1141 = arith.constant 10 : i32
        %mul3A_1142 = arith.muli %scan3A_1104, %mul3A_1141 : i32
        %add3A_1143 = arith.constant 2 : i32
        %add3A_1144 = arith.addi %mul3A_1142, %add3A_1143 : i32
        %mul3A_1145 = arith.constant 16 : i32
        %mul3A_1146 = arith.muli %add3A_1144, %mul3A_1145 : i32
        %get3A_1147 = arith.index_cast %mul3A_1146 : i32 to index
        %get3A_1148 = tpu.vector_load %arg6[%get3A_1147] {strides = array<i32>} : memref<20000xf32, #tpu.memory_space<vmem>>, vector<16xf32>,
        %get3A_1149 = vector.shape_cast %get3A_1148 : vector<16xf32> to vector<16xf32>
        %mul3A_1150 = arith.constant 16 : i32
        %mul3A_1151 = arith.muli %add3A_1144, %mul3A_1150 : i32
        %add3A_1152 = arith.constant 40000 : i32
        %add3A_1153 = arith.addi %add3A_1152, %mul3A_1151 : i32
        %add3A_1154 = vector.broadcast %add3A_1153 : i32 to vector<16xi32>
        %add3A_1155 = arith.addi %iota3A, %add3A_1154 : vector<16xi32>
        %gt3A_1156 = arith.cmpf ogt, %get3A_1149, %max3A_975 : vector<16xf32>
        %max3A_1157 = arith.maximumf %get3A_1149, %max3A_975 : vector<16xf32>
        %select_n3A_1158 = arith.select %gt3A_1156, %add3A_1155, %select_n3A_976 : vector<16xi1>, vector<16xi32>
        %mul3A_1159 = arith.constant 10 : i32
        %mul3A_1160 = arith.muli %scan3A_1104, %mul3A_1159 : i32
        %add3A_1161 = arith.constant 3 : i32
        %add3A_1162 = arith.addi %mul3A_1160, %add3A_1161 : i32
        %mul3A_1163 = arith.constant 16 : i32
        %mul3A_1164 = arith.muli %add3A_1162, %mul3A_1163 : i32
        %get3A_1165 = arith.index_cast %mul3A_1164 : i32 to index
        %get3A_1166 = tpu.vector_load %arg6[%get3A_1165] {strides = array<i32>} : memref<20000xf32, #tpu.memory_space<vmem>>, vector<16xf32>,
        %get3A_1167 = vector.shape_cast %get3A_1166 : vector<16xf32> to vector<16xf32>
        %mul3A_1168 = arith.constant 16 : i32
        %mul3A_1169 = arith.muli %add3A_1162, %mul3A_1168 : i32
        %add3A_1170 = arith.constant 40000 : i32
        %add3A_1171 = arith.addi %add3A_1170, %mul3A_1169 : i32
        %add3A_1172 = vector.broadcast %add3A_1171 : i32 to vector<16xi32>
        %add3A_1173 = arith.addi %iota3A, %add3A_1172 : vector<16xi32>
        %gt3A_1174 = arith.cmpf ogt, %get3A_1167, %max3A_993 : vector<16xf32>
        %max3A_1175 = arith.maximumf %get3A_1167, %max3A_993 : vector<16xf32>
        %select_n3A_1176 = arith.select %gt3A_1174, %add3A_1173, %select_n3A_994 : vector<16xi1>, vector<16xi32>
        %mul3A_1177 = arith.constant 10 : i32
        %mul3A_1178 = arith.muli %scan3A_1104, %mul3A_1177 : i32
        %add3A_1179 = arith.constant 4 : i32
        %add3A_1180 = arith.addi %mul3A_1178, %add3A_1179 : i32
        %mul3A_1181 = arith.constant 16 : i32
        %mul3A_1182 = arith.muli %add3A_1180, %mul3A_1181 : i32
        %get3A_1183 = arith.index_cast %mul3A_1182 : i32 to index
        %get3A_1184 = tpu.vector_load %arg6[%get3A_1183] {strides = array<i32>} : memref<20000xf32, #tpu.memory_space<vmem>>, vector<16xf32>,
        %get3A_1185 = vector.shape_cast %get3A_1184 : vector<16xf32> to vector<16xf32>
        %mul3A_1186 = arith.constant 16 : i32
        %mul3A_1187 = arith.muli %add3A_1180, %mul3A_1186 : i32
        %add3A_1188 = arith.constant 40000 : i32
        %add3A_1189 = arith.addi %add3A_1188, %mul3A_1187 : i32
        %add3A_1190 = vector.broadcast %add3A_1189 : i32 to vector<16xi32>
        %add3A_1191 = arith.addi %iota3A, %add3A_1190 : vector<16xi32>
        %gt3A_1192 = arith.cmpf ogt, %get3A_1185, %max3A_1011 : vector<16xf32>
        %max3A_1193 = arith.maximumf %get3A_1185, %max3A_1011 : vector<16xf32>
        %select_n3A_1194 = arith.select %gt3A_1192, %add3A_1191, %select_n3A_1012 : vector<16xi1>, vector<16xi32>
        %mul3A_1195 = arith.constant 10 : i32
        %mul3A_1196 = arith.muli %scan3A_1104, %mul3A_1195 : i32
        %add3A_1197 = arith.constant 5 : i32
        %add3A_1198 = arith.addi %mul3A_1196, %add3A_1197 : i32
        %mul3A_1199 = arith.constant 16 : i32
        %mul3A_1200 = arith.muli %add3A_1198, %mul3A_1199 : i32
        %get3A_1201 = arith.index_cast %mul3A_1200 : i32 to index
        %get3A_1202 = tpu.vector_load %arg6[%get3A_1201] {strides = array<i32>} : memref<20000xf32, #tpu.memory_space<vmem>>, vector<16xf32>,
        %get3A_1203 = vector.shape_cast %get3A_1202 : vector<16xf32> to vector<16xf32>
        %mul3A_1204 = arith.constant 16 : i32
        %mul3A_1205 = arith.muli %add3A_1198, %mul3A_1204 : i32
        %add3A_1206 = arith.constant 40000 : i32
        %add3A_1207 = arith.addi %add3A_1206, %mul3A_1205 : i32
        %add3A_1208 = vector.broadcast %add3A_1207 : i32 to vector<16xi32>
        %add3A_1209 = arith.addi %iota3A, %add3A_1208 : vector<16xi32>
        %gt3A_1210 = arith.cmpf ogt, %get3A_1203, %max3A_1029 : vector<16xf32>
        %max3A_1211 = arith.maximumf %get3A_1203, %max3A_1029 : vector<16xf32>
        %select_n3A_1212 = arith.select %gt3A_1210, %add3A_1209, %select_n3A_1030 : vector<16xi1>, vector<16xi32>
        %mul3A_1213 = arith.constant 10 : i32
        %mul3A_1214 = arith.muli %scan3A_1104, %mul3A_1213 : i32
        %add3A_1215 = arith.constant 6 : i32
        %add3A_1216 = arith.addi %mul3A_1214, %add3A_1215 : i32
        %mul3A_1217 = arith.constant 16 : i32
        %mul3A_1218 = arith.muli %add3A_1216, %mul3A_1217 : i32
        %get3A_1219 = arith.index_cast %mul3A_1218 : i32 to index
        %get3A_1220 = tpu.vector_load %arg6[%get3A_1219] {strides = array<i32>} : memref<20000xf32, #tpu.memory_space<vmem>>, vector<16xf32>,
        %get3A_1221 = vector.shape_cast %get3A_1220 : vector<16xf32> to vector<16xf32>
        %mul3A_1222 = arith.constant 16 : i32
        %mul3A_1223 = arith.muli %add3A_1216, %mul3A_1222 : i32
        %add3A_1224 = arith.constant 40000 : i32
        %add3A_1225 = arith.addi %add3A_1224, %mul3A_1223 : i32
        %add3A_1226 = vector.broadcast %add3A_1225 : i32 to vector<16xi32>
        %add3A_1227 = arith.addi %iota3A, %add3A_1226 : vector<16xi32>
        %gt3A_1228 = arith.cmpf ogt, %get3A_1221, %max3A_1047 : vector<16xf32>
        %max3A_1229 = arith.maximumf %get3A_1221, %max3A_1047 : vector<16xf32>
        %select_n3A_1230 = arith.select %gt3A_1228, %add3A_1227, %select_n3A_1048 : vector<16xi1>, vector<16xi32>
        %mul3A_1231 = arith.constant 10 : i32
        %mul3A_1232 = arith.muli %scan3A_1104, %mul3A_1231 : i32
        %add3A_1233 = arith.constant 7 : i32
        %add3A_1234 = arith.addi %mul3A_1232, %add3A_1233 : i32
        %mul3A_1235 = arith.constant 16 : i32
        %mul3A_1236 = arith.muli %add3A_1234, %mul3A_1235 : i32
        %get3A_1237 = arith.index_cast %mul3A_1236 : i32 to index
        %get3A_1238 = tpu.vector_load %arg6[%get3A_1237] {strides = array<i32>} : memref<20000xf32, #tpu.memory_space<vmem>>, vector<16xf32>,
        %get3A_1239 = vector.shape_cast %get3A_1238 : vector<16xf32> to vector<16xf32>
        %mul3A_1240 = arith.constant 16 : i32
        %mul3A_1241 = arith.muli %add3A_1234, %mul3A_1240 : i32
        %add3A_1242 = arith.constant 40000 : i32
        %add3A_1243 = arith.addi %add3A_1242, %mul3A_1241 : i32
        %add3A_1244 = vector.broadcast %add3A_1243 : i32 to vector<16xi32>
        %add3A_1245 = arith.addi %iota3A, %add3A_1244 : vector<16xi32>
        %gt3A_1246 = arith.cmpf ogt, %get3A_1239, %max3A_1065 : vector<16xf32>
        %max3A_1247 = arith.maximumf %get3A_1239, %max3A_1065 : vector<16xf32>
        %select_n3A_1248 = arith.select %gt3A_1246, %add3A_1245, %select_n3A_1066 : vector<16xi1>, vector<16xi32>
        %mul3A_1249 = arith.constant 10 : i32
        %mul3A_1250 = arith.muli %scan3A_1104, %mul3A_1249 : i32
        %add3A_1251 = arith.constant 8 : i32
        %add3A_1252 = arith.addi %mul3A_1250, %add3A_1251 : i32
        %mul3A_1253 = arith.constant 16 : i32
        %mul3A_1254 = arith.muli %add3A_1252, %mul3A_1253 : i32
        %get3A_1255 = arith.index_cast %mul3A_1254 : i32 to index
        %get3A_1256 = tpu.vector_load %arg6[%get3A_1255] {strides = array<i32>} : memref<20000xf32, #tpu.memory_space<vmem>>, vector<16xf32>,
        %get3A_1257 = vector.shape_cast %get3A_1256 : vector<16xf32> to vector<16xf32>
        %mul3A_1258 = arith.constant 16 : i32
        %mul3A_1259 = arith.muli %add3A_1252, %mul3A_1258 : i32
        %add3A_1260 = arith.constant 40000 : i32
        %add3A_1261 = arith.addi %add3A_1260, %mul3A_1259 : i32
        %add3A_1262 = vector.broadcast %add3A_1261 : i32 to vector<16xi32>
        %add3A_1263 = arith.addi %iota3A, %add3A_1262 : vector<16xi32>
        %gt3A_1264 = arith.cmpf ogt, %get3A_1257, %max3A_1083 : vector<16xf32>
        %max3A_1265 = arith.maximumf %get3A_1257, %max3A_1083 : vector<16xf32>
        %select_n3A_1266 = arith.select %gt3A_1264, %add3A_1263, %select_n3A_1084 : vector<16xi1>, vector<16xi32>
        %mul3A_1267 = arith.constant 10 : i32
        %mul3A_1268 = arith.muli %scan3A_1104, %mul3A_1267 : i32
        %add3A_1269 = arith.constant 9 : i32
        %add3A_1270 = arith.addi %mul3A_1268, %add3A_1269 : i32
        %mul3A_1271 = arith.constant 16 : i32
        %mul3A_1272 = arith.muli %add3A_1270, %mul3A_1271 : i32
        %get3A_1273 = arith.index_cast %mul3A_1272 : i32 to index
        %get3A_1274 = tpu.vector_load %arg6[%get3A_1273] {strides = array<i32>} : memref<20000xf32, #tpu.memory_space<vmem>>, vector<16xf32>,
        %get3A_1275 = vector.shape_cast %get3A_1274 : vector<16xf32> to vector<16xf32>
        %mul3A_1276 = arith.constant 16 : i32
        %mul3A_1277 = arith.muli %add3A_1270, %mul3A_1276 : i32
        %add3A_1278 = arith.constant 40000 : i32
        %add3A_1279 = arith.addi %add3A_1278, %mul3A_1277 : i32
        %add3A_1280 = vector.broadcast %add3A_1279 : i32 to vector<16xi32>
        %add3A_1281 = arith.addi %iota3A, %add3A_1280 : vector<16xi32>
        %gt3A_1282 = arith.cmpf ogt, %get3A_1275, %max3A_1101 : vector<16xf32>
        %max3A_1283 = arith.maximumf %get3A_1275, %max3A_1101 : vector<16xf32>
        %select_n3A_1284 = arith.select %gt3A_1282, %add3A_1281, %select_n3A_1102 : vector<16xi1>, vector<16xi32>
        scf.yield %max3A_1121, %select_n3A_1122, %max3A_1139, %select_n3A_1140, %max3A_1157, %select_n3A_1158, %max3A_1175, %select_n3A_1176, %max3A_1193, %select_n3A_1194, %max3A_1211, %select_n3A_1212, %max3A_1229, %select_n3A_1230, %max3A_1247, %select_n3A_1248, %max3A_1265, %select_n3A_1266, %max3A_1283, %select_n3A_1284 : vector<16xf32>, vector<16xi32>, vector<16xf32>, vector<16xi32>, vector<16xf32>, vector<16xi32>, vector<16xf32>, vector<16xi32>, vector<16xf32>, vector<16xi32>, vector<16xf32>, vector<16xi32>, vector<16xf32>, vector<16xi32>, vector<16xf32>, vector<16xi32>, vector<16xf32>, vector<16xi32>, vector<16xf32>, vector<16xi32>
      }
      %scan3A_102 = arith.constant 125 : i32
      %dma_wait3A_103 = tpu.memref_slice %arg2[%add3A_33] : memref<6400000xf32, #tpu.memory_space<hbm>> -> memref<20000xf32, #tpu.memory_space<hbm>>
      %dma_wait3A_104 = tpu.memref_slice %arg2[%add3A_33] : memref<6400000xf32, #tpu.memory_space<hbm>> -> memref<20000xf32, #tpu.memory_space<hbm>>
      tpu.wait_dma2 semaphore(%arg12 : memref<!tpu.dma_semaphore, #tpu.memory_space<semaphore_mem>>) src(%dma_wait3A_104 : memref<20000xf32, #tpu.memory_space<hbm>>) dst(%arg7 : memref<20000xf32, #tpu.memory_space<vmem>>)
      %scan3A_105 = arith.constant 0 : i32
      %scan3A_106 = arith.constant 125 : i32
      %scan3A_107 = arith.addi %scan3A_105, %scan3A_106 : i32
      %scan3A_108 = arith.constant 5 : i32
      %scan3A_109:20 = scf.for %scan3A_358 = %scan3A_105 to %scan3A_107 step %scan3A_108 iter_args(%scan3A_359 = %scan3A_101#0, %scan3A_360 = %scan3A_101#1, %scan3A_361 = %scan3A_101#2, %scan3A_362 = %scan3A_101#3, %scan3A_363 = %scan3A_101#4, %scan3A_364 = %scan3A_101#5, %scan3A_365 = %scan3A_101#6, %scan3A_366 = %scan3A_101#7, %scan3A_367 = %scan3A_101#8, %scan3A_368 = %scan3A_101#9, %scan3A_369 = %scan3A_101#10, %scan3A_370 = %scan3A_101#11, %scan3A_371 = %scan3A_101#12, %scan3A_372 = %scan3A_101#13, %scan3A_373 = %scan3A_101#14, %scan3A_374 = %scan3A_101#15, %scan3A_375 = %scan3A_101#16, %scan3A_376 = %scan3A_101#17, %scan3A_377 = %scan3A_101#18, %scan3A_378 = %scan3A_101#19) -> (vector<16xf32>, vector<16xi32>, vector<16xf32>, vector<16xi32>, vector<16xf32>, vector<16xi32>, vector<16xf32>, vector<16xi32>, vector<16xf32>, vector<16xi32>, vector<16xf32>, vector<16xi32>, vector<16xf32>, vector<16xi32>, vector<16xf32>, vector<16xi32>, vector<16xf32>, vector<16xi32>, vector<16xf32>, vector<16xi32>)  : i32 {
        %mul3A_379 = arith.constant 10 : i32
        %mul3A_380 = arith.muli %scan3A_358, %mul3A_379 : i32
        %add3A_381 = arith.constant 0 : i32
        %add3A_382 = arith.addi %mul3A_380, %add3A_381 : i32
        %mul3A_383 = arith.constant 16 : i32
        %mul3A_384 = arith.muli %add3A_382, %mul3A_383 : i32
        %get3A = arith.index_cast %mul3A_384 : i32 to index
        %get3A_385 = tpu.vector_load %arg7[%get3A] {strides = array<i32>} : memref<20000xf32, #tpu.memory_space<vmem>>, vector<16xf32>,
        %get3A_386 = vector.shape_cast %get3A_385 : vector<16xf32> to vector<16xf32>
        %mul3A_387 = arith.constant 16 : i32
        %mul3A_388 = arith.muli %add3A_382, %mul3A_387 : i32
        %add3A_389 = arith.constant 60000 : i32
        %add3A_390 = arith.addi %add3A_389, %mul3A_388 : i32
        %add3A_391 = vector.broadcast %add3A_390 : i32 to vector<16xi32>
        %add3A_392 = arith.addi %iota3A, %add3A_391 : vector<16xi32>
        %gt3A_393 = arith.cmpf ogt, %get3A_386, %scan3A_359 : vector<16xf32>
        %max3A = arith.maximumf %get3A_386, %scan3A_359 : vector<16xf32>
        %select_n3A_394 = arith.select %gt3A_393, %add3A_392, %scan3A_360 : vector<16xi1>, vector<16xi32>
        %mul3A_395 = arith.constant 10 : i32
        %mul3A_396 = arith.muli %scan3A_358, %mul3A_395 : i32
        %add3A_397 = arith.constant 1 : i32
        %add3A_398 = arith.addi %mul3A_396, %add3A_397 : i32
        %mul3A_399 = arith.constant 16 : i32
        %mul3A_400 = arith.muli %add3A_398, %mul3A_399 : i32
        %get3A_401 = arith.index_cast %mul3A_400 : i32 to index
        %get3A_402 = tpu.vector_load %arg7[%get3A_401] {strides = array<i32>} : memref<20000xf32, #tpu.memory_space<vmem>>, vector<16xf32>,
        %get3A_403 = vector.shape_cast %get3A_402 : vector<16xf32> to vector<16xf32>
        %mul3A_404 = arith.constant 16 : i32
        %mul3A_405 = arith.muli %add3A_398, %mul3A_404 : i32
        %add3A_406 = arith.constant 60000 : i32
        %add3A_407 = arith.addi %add3A_406, %mul3A_405 : i32
        %add3A_408 = vector.broadcast %add3A_407 : i32 to vector<16xi32>
        %add3A_409 = arith.addi %iota3A, %add3A_408 : vector<16xi32>
        %gt3A_410 = arith.cmpf ogt, %get3A_403, %scan3A_361 : vector<16xf32>
        %max3A_411 = arith.maximumf %get3A_403, %scan3A_361 : vector<16xf32>
        %select_n3A_412 = arith.select %gt3A_410, %add3A_409, %scan3A_362 : vector<16xi1>, vector<16xi32>
        %mul3A_413 = arith.constant 10 : i32
        %mul3A_414 = arith.muli %scan3A_358, %mul3A_413 : i32
        %add3A_415 = arith.constant 2 : i32
        %add3A_416 = arith.addi %mul3A_414, %add3A_415 : i32
        %mul3A_417 = arith.constant 16 : i32
        %mul3A_418 = arith.muli %add3A_416, %mul3A_417 : i32
        %get3A_419 = arith.index_cast %mul3A_418 : i32 to index
        %get3A_420 = tpu.vector_load %arg7[%get3A_419] {strides = array<i32>} : memref<20000xf32, #tpu.memory_space<vmem>>, vector<16xf32>,
        %get3A_421 = vector.shape_cast %get3A_420 : vector<16xf32> to vector<16xf32>
        %mul3A_422 = arith.constant 16 : i32
        %mul3A_423 = arith.muli %add3A_416, %mul3A_422 : i32
        %add3A_424 = arith.constant 60000 : i32
        %add3A_425 = arith.addi %add3A_424, %mul3A_423 : i32
        %add3A_426 = vector.broadcast %add3A_425 : i32 to vector<16xi32>
        %add3A_427 = arith.addi %iota3A, %add3A_426 : vector<16xi32>
        %gt3A_428 = arith.cmpf ogt, %get3A_421, %scan3A_363 : vector<16xf32>
        %max3A_429 = arith.maximumf %get3A_421, %scan3A_363 : vector<16xf32>
        %select_n3A_430 = arith.select %gt3A_428, %add3A_427, %scan3A_364 : vector<16xi1>, vector<16xi32>
        %mul3A_431 = arith.constant 10 : i32
        %mul3A_432 = arith.muli %scan3A_358, %mul3A_431 : i32
        %add3A_433 = arith.constant 3 : i32
        %add3A_434 = arith.addi %mul3A_432, %add3A_433 : i32
        %mul3A_435 = arith.constant 16 : i32
        %mul3A_436 = arith.muli %add3A_434, %mul3A_435 : i32
        %get3A_437 = arith.index_cast %mul3A_436 : i32 to index
        %get3A_438 = tpu.vector_load %arg7[%get3A_437] {strides = array<i32>} : memref<20000xf32, #tpu.memory_space<vmem>>, vector<16xf32>,
        %get3A_439 = vector.shape_cast %get3A_438 : vector<16xf32> to vector<16xf32>
        %mul3A_440 = arith.constant 16 : i32
        %mul3A_441 = arith.muli %add3A_434, %mul3A_440 : i32
        %add3A_442 = arith.constant 60000 : i32
        %add3A_443 = arith.addi %add3A_442, %mul3A_441 : i32
        %add3A_444 = vector.broadcast %add3A_443 : i32 to vector<16xi32>
        %add3A_445 = arith.addi %iota3A, %add3A_444 : vector<16xi32>
        %gt3A_446 = arith.cmpf ogt, %get3A_439, %scan3A_365 : vector<16xf32>
        %max3A_447 = arith.maximumf %get3A_439, %scan3A_365 : vector<16xf32>
        %select_n3A_448 = arith.select %gt3A_446, %add3A_445, %scan3A_366 : vector<16xi1>, vector<16xi32>
        %mul3A_449 = arith.constant 10 : i32
        %mul3A_450 = arith.muli %scan3A_358, %mul3A_449 : i32
        %add3A_451 = arith.constant 4 : i32
        %add3A_452 = arith.addi %mul3A_450, %add3A_451 : i32
        %mul3A_453 = arith.constant 16 : i32
        %mul3A_454 = arith.muli %add3A_452, %mul3A_453 : i32
        %get3A_455 = arith.index_cast %mul3A_454 : i32 to index
        %get3A_456 = tpu.vector_load %arg7[%get3A_455] {strides = array<i32>} : memref<20000xf32, #tpu.memory_space<vmem>>, vector<16xf32>,
        %get3A_457 = vector.shape_cast %get3A_456 : vector<16xf32> to vector<16xf32>
        %mul3A_458 = arith.constant 16 : i32
        %mul3A_459 = arith.muli %add3A_452, %mul3A_458 : i32
        %add3A_460 = arith.constant 60000 : i32
        %add3A_461 = arith.addi %add3A_460, %mul3A_459 : i32
        %add3A_462 = vector.broadcast %add3A_461 : i32 to vector<16xi32>
        %add3A_463 = arith.addi %iota3A, %add3A_462 : vector<16xi32>
        %gt3A_464 = arith.cmpf ogt, %get3A_457, %scan3A_367 : vector<16xf32>
        %max3A_465 = arith.maximumf %get3A_457, %scan3A_367 : vector<16xf32>
        %select_n3A_466 = arith.select %gt3A_464, %add3A_463, %scan3A_368 : vector<16xi1>, vector<16xi32>
        %mul3A_467 = arith.constant 10 : i32
        %mul3A_468 = arith.muli %scan3A_358, %mul3A_467 : i32
        %add3A_469 = arith.constant 5 : i32
        %add3A_470 = arith.addi %mul3A_468, %add3A_469 : i32
        %mul3A_471 = arith.constant 16 : i32
        %mul3A_472 = arith.muli %add3A_470, %mul3A_471 : i32
        %get3A_473 = arith.index_cast %mul3A_472 : i32 to index
        %get3A_474 = tpu.vector_load %arg7[%get3A_473] {strides = array<i32>} : memref<20000xf32, #tpu.memory_space<vmem>>, vector<16xf32>,
        %get3A_475 = vector.shape_cast %get3A_474 : vector<16xf32> to vector<16xf32>
        %mul3A_476 = arith.constant 16 : i32
        %mul3A_477 = arith.muli %add3A_470, %mul3A_476 : i32
        %add3A_478 = arith.constant 60000 : i32
        %add3A_479 = arith.addi %add3A_478, %mul3A_477 : i32
        %add3A_480 = vector.broadcast %add3A_479 : i32 to vector<16xi32>
        %add3A_481 = arith.addi %iota3A, %add3A_480 : vector<16xi32>
        %gt3A_482 = arith.cmpf ogt, %get3A_475, %scan3A_369 : vector<16xf32>
        %max3A_483 = arith.maximumf %get3A_475, %scan3A_369 : vector<16xf32>
        %select_n3A_484 = arith.select %gt3A_482, %add3A_481, %scan3A_370 : vector<16xi1>, vector<16xi32>
        %mul3A_485 = arith.constant 10 : i32
        %mul3A_486 = arith.muli %scan3A_358, %mul3A_485 : i32
        %add3A_487 = arith.constant 6 : i32
        %add3A_488 = arith.addi %mul3A_486, %add3A_487 : i32
        %mul3A_489 = arith.constant 16 : i32
        %mul3A_490 = arith.muli %add3A_488, %mul3A_489 : i32
        %get3A_491 = arith.index_cast %mul3A_490 : i32 to index
        %get3A_492 = tpu.vector_load %arg7[%get3A_491] {strides = array<i32>} : memref<20000xf32, #tpu.memory_space<vmem>>, vector<16xf32>,
        %get3A_493 = vector.shape_cast %get3A_492 : vector<16xf32> to vector<16xf32>
        %mul3A_494 = arith.constant 16 : i32
        %mul3A_495 = arith.muli %add3A_488, %mul3A_494 : i32
        %add3A_496 = arith.constant 60000 : i32
        %add3A_497 = arith.addi %add3A_496, %mul3A_495 : i32
        %add3A_498 = vector.broadcast %add3A_497 : i32 to vector<16xi32>
        %add3A_499 = arith.addi %iota3A, %add3A_498 : vector<16xi32>
        %gt3A_500 = arith.cmpf ogt, %get3A_493, %scan3A_371 : vector<16xf32>
        %max3A_501 = arith.maximumf %get3A_493, %scan3A_371 : vector<16xf32>
        %select_n3A_502 = arith.select %gt3A_500, %add3A_499, %scan3A_372 : vector<16xi1>, vector<16xi32>
        %mul3A_503 = arith.constant 10 : i32
        %mul3A_504 = arith.muli %scan3A_358, %mul3A_503 : i32
        %add3A_505 = arith.constant 7 : i32
        %add3A_506 = arith.addi %mul3A_504, %add3A_505 : i32
        %mul3A_507 = arith.constant 16 : i32
        %mul3A_508 = arith.muli %add3A_506, %mul3A_507 : i32
        %get3A_509 = arith.index_cast %mul3A_508 : i32 to index
        %get3A_510 = tpu.vector_load %arg7[%get3A_509] {strides = array<i32>} : memref<20000xf32, #tpu.memory_space<vmem>>, vector<16xf32>,
        %get3A_511 = vector.shape_cast %get3A_510 : vector<16xf32> to vector<16xf32>
        %mul3A_512 = arith.constant 16 : i32
        %mul3A_513 = arith.muli %add3A_506, %mul3A_512 : i32
        %add3A_514 = arith.constant 60000 : i32
        %add3A_515 = arith.addi %add3A_514, %mul3A_513 : i32
        %add3A_516 = vector.broadcast %add3A_515 : i32 to vector<16xi32>
        %add3A_517 = arith.addi %iota3A, %add3A_516 : vector<16xi32>
        %gt3A_518 = arith.cmpf ogt, %get3A_511, %scan3A_373 : vector<16xf32>
        %max3A_519 = arith.maximumf %get3A_511, %scan3A_373 : vector<16xf32>
        %select_n3A_520 = arith.select %gt3A_518, %add3A_517, %scan3A_374 : vector<16xi1>, vector<16xi32>
        %mul3A_521 = arith.constant 10 : i32
        %mul3A_522 = arith.muli %scan3A_358, %mul3A_521 : i32
        %add3A_523 = arith.constant 8 : i32
        %add3A_524 = arith.addi %mul3A_522, %add3A_523 : i32
        %mul3A_525 = arith.constant 16 : i32
        %mul3A_526 = arith.muli %add3A_524, %mul3A_525 : i32
        %get3A_527 = arith.index_cast %mul3A_526 : i32 to index
        %get3A_528 = tpu.vector_load %arg7[%get3A_527] {strides = array<i32>} : memref<20000xf32, #tpu.memory_space<vmem>>, vector<16xf32>,
        %get3A_529 = vector.shape_cast %get3A_528 : vector<16xf32> to vector<16xf32>
        %mul3A_530 = arith.constant 16 : i32
        %mul3A_531 = arith.muli %add3A_524, %mul3A_530 : i32
        %add3A_532 = arith.constant 60000 : i32
        %add3A_533 = arith.addi %add3A_532, %mul3A_531 : i32
        %add3A_534 = vector.broadcast %add3A_533 : i32 to vector<16xi32>
        %add3A_535 = arith.addi %iota3A, %add3A_534 : vector<16xi32>
        %gt3A_536 = arith.cmpf ogt, %get3A_529, %scan3A_375 : vector<16xf32>
        %max3A_537 = arith.maximumf %get3A_529, %scan3A_375 : vector<16xf32>
        %select_n3A_538 = arith.select %gt3A_536, %add3A_535, %scan3A_376 : vector<16xi1>, vector<16xi32>
        %mul3A_539 = arith.constant 10 : i32
        %mul3A_540 = arith.muli %scan3A_358, %mul3A_539 : i32
        %add3A_541 = arith.constant 9 : i32
        %add3A_542 = arith.addi %mul3A_540, %add3A_541 : i32
        %mul3A_543 = arith.constant 16 : i32
        %mul3A_544 = arith.muli %add3A_542, %mul3A_543 : i32
        %get3A_545 = arith.index_cast %mul3A_544 : i32 to index
        %get3A_546 = tpu.vector_load %arg7[%get3A_545] {strides = array<i32>} : memref<20000xf32, #tpu.memory_space<vmem>>, vector<16xf32>,
        %get3A_547 = vector.shape_cast %get3A_546 : vector<16xf32> to vector<16xf32>
        %mul3A_548 = arith.constant 16 : i32
        %mul3A_549 = arith.muli %add3A_542, %mul3A_548 : i32
        %add3A_550 = arith.constant 60000 : i32
        %add3A_551 = arith.addi %add3A_550, %mul3A_549 : i32
        %add3A_552 = vector.broadcast %add3A_551 : i32 to vector<16xi32>
        %add3A_553 = arith.addi %iota3A, %add3A_552 : vector<16xi32>
        %gt3A_554 = arith.cmpf ogt, %get3A_547, %scan3A_377 : vector<16xf32>
        %max3A_555 = arith.maximumf %get3A_547, %scan3A_377 : vector<16xf32>
        %select_n3A_556 = arith.select %gt3A_554, %add3A_553, %scan3A_378 : vector<16xi1>, vector<16xi32>
        %scan3A_557 = arith.constant 1 : i32
        %scan3A_558 = arith.addi %scan3A_358, %scan3A_557 : i32
        %mul3A_559 = arith.constant 10 : i32
        %mul3A_560 = arith.muli %scan3A_558, %mul3A_559 : i32
        %add3A_561 = arith.constant 0 : i32
        %add3A_562 = arith.addi %mul3A_560, %add3A_561 : i32
        %mul3A_563 = arith.constant 16 : i32
        %mul3A_564 = arith.muli %add3A_562, %mul3A_563 : i32
        %get3A_565 = arith.index_cast %mul3A_564 : i32 to index
        %get3A_566 = tpu.vector_load %arg7[%get3A_565] {strides = array<i32>} : memref<20000xf32, #tpu.memory_space<vmem>>, vector<16xf32>,
        %get3A_567 = vector.shape_cast %get3A_566 : vector<16xf32> to vector<16xf32>
        %mul3A_568 = arith.constant 16 : i32
        %mul3A_569 = arith.muli %add3A_562, %mul3A_568 : i32
        %add3A_570 = arith.constant 60000 : i32
        %add3A_571 = arith.addi %add3A_570, %mul3A_569 : i32
        %add3A_572 = vector.broadcast %add3A_571 : i32 to vector<16xi32>
        %add3A_573 = arith.addi %iota3A, %add3A_572 : vector<16xi32>
        %gt3A_574 = arith.cmpf ogt, %get3A_567, %max3A : vector<16xf32>
        %max3A_575 = arith.maximumf %get3A_567, %max3A : vector<16xf32>
        %select_n3A_576 = arith.select %gt3A_574, %add3A_573, %select_n3A_394 : vector<16xi1>, vector<16xi32>
        %mul3A_577 = arith.constant 10 : i32
        %mul3A_578 = arith.muli %scan3A_558, %mul3A_577 : i32
        %add3A_579 = arith.constant 1 : i32
        %add3A_580 = arith.addi %mul3A_578, %add3A_579 : i32
        %mul3A_581 = arith.constant 16 : i32
        %mul3A_582 = arith.muli %add3A_580, %mul3A_581 : i32
        %get3A_583 = arith.index_cast %mul3A_582 : i32 to index
        %get3A_584 = tpu.vector_load %arg7[%get3A_583] {strides = array<i32>} : memref<20000xf32, #tpu.memory_space<vmem>>, vector<16xf32>,
        %get3A_585 = vector.shape_cast %get3A_584 : vector<16xf32> to vector<16xf32>
        %mul3A_586 = arith.constant 16 : i32
        %mul3A_587 = arith.muli %add3A_580, %mul3A_586 : i32
        %add3A_588 = arith.constant 60000 : i32
        %add3A_589 = arith.addi %add3A_588, %mul3A_587 : i32
        %add3A_590 = vector.broadcast %add3A_589 : i32 to vector<16xi32>
        %add3A_591 = arith.addi %iota3A, %add3A_590 : vector<16xi32>
        %gt3A_592 = arith.cmpf ogt, %get3A_585, %max3A_411 : vector<16xf32>
        %max3A_593 = arith.maximumf %get3A_585, %max3A_411 : vector<16xf32>
        %select_n3A_594 = arith.select %gt3A_592, %add3A_591, %select_n3A_412 : vector<16xi1>, vector<16xi32>
        %mul3A_595 = arith.constant 10 : i32
        %mul3A_596 = arith.muli %scan3A_558, %mul3A_595 : i32
        %add3A_597 = arith.constant 2 : i32
        %add3A_598 = arith.addi %mul3A_596, %add3A_597 : i32
        %mul3A_599 = arith.constant 16 : i32
        %mul3A_600 = arith.muli %add3A_598, %mul3A_599 : i32
        %get3A_601 = arith.index_cast %mul3A_600 : i32 to index
        %get3A_602 = tpu.vector_load %arg7[%get3A_601] {strides = array<i32>} : memref<20000xf32, #tpu.memory_space<vmem>>, vector<16xf32>,
        %get3A_603 = vector.shape_cast %get3A_602 : vector<16xf32> to vector<16xf32>
        %mul3A_604 = arith.constant 16 : i32
        %mul3A_605 = arith.muli %add3A_598, %mul3A_604 : i32
        %add3A_606 = arith.constant 60000 : i32
        %add3A_607 = arith.addi %add3A_606, %mul3A_605 : i32
        %add3A_608 = vector.broadcast %add3A_607 : i32 to vector<16xi32>
        %add3A_609 = arith.addi %iota3A, %add3A_608 : vector<16xi32>
        %gt3A_610 = arith.cmpf ogt, %get3A_603, %max3A_429 : vector<16xf32>
        %max3A_611 = arith.maximumf %get3A_603, %max3A_429 : vector<16xf32>
        %select_n3A_612 = arith.select %gt3A_610, %add3A_609, %select_n3A_430 : vector<16xi1>, vector<16xi32>
        %mul3A_613 = arith.constant 10 : i32
        %mul3A_614 = arith.muli %scan3A_558, %mul3A_613 : i32
        %add3A_615 = arith.constant 3 : i32
        %add3A_616 = arith.addi %mul3A_614, %add3A_615 : i32
        %mul3A_617 = arith.constant 16 : i32
        %mul3A_618 = arith.muli %add3A_616, %mul3A_617 : i32
        %get3A_619 = arith.index_cast %mul3A_618 : i32 to index
        %get3A_620 = tpu.vector_load %arg7[%get3A_619] {strides = array<i32>} : memref<20000xf32, #tpu.memory_space<vmem>>, vector<16xf32>,
        %get3A_621 = vector.shape_cast %get3A_620 : vector<16xf32> to vector<16xf32>
        %mul3A_622 = arith.constant 16 : i32
        %mul3A_623 = arith.muli %add3A_616, %mul3A_622 : i32
        %add3A_624 = arith.constant 60000 : i32
        %add3A_625 = arith.addi %add3A_624, %mul3A_623 : i32
        %add3A_626 = vector.broadcast %add3A_625 : i32 to vector<16xi32>
        %add3A_627 = arith.addi %iota3A, %add3A_626 : vector<16xi32>
        %gt3A_628 = arith.cmpf ogt, %get3A_621, %max3A_447 : vector<16xf32>
        %max3A_629 = arith.maximumf %get3A_621, %max3A_447 : vector<16xf32>
        %select_n3A_630 = arith.select %gt3A_628, %add3A_627, %select_n3A_448 : vector<16xi1>, vector<16xi32>
        %mul3A_631 = arith.constant 10 : i32
        %mul3A_632 = arith.muli %scan3A_558, %mul3A_631 : i32
        %add3A_633 = arith.constant 4 : i32
        %add3A_634 = arith.addi %mul3A_632, %add3A_633 : i32
        %mul3A_635 = arith.constant 16 : i32
        %mul3A_636 = arith.muli %add3A_634, %mul3A_635 : i32
        %get3A_637 = arith.index_cast %mul3A_636 : i32 to index
        %get3A_638 = tpu.vector_load %arg7[%get3A_637] {strides = array<i32>} : memref<20000xf32, #tpu.memory_space<vmem>>, vector<16xf32>,
        %get3A_639 = vector.shape_cast %get3A_638 : vector<16xf32> to vector<16xf32>
        %mul3A_640 = arith.constant 16 : i32
        %mul3A_641 = arith.muli %add3A_634, %mul3A_640 : i32
        %add3A_642 = arith.constant 60000 : i32
        %add3A_643 = arith.addi %add3A_642, %mul3A_641 : i32
        %add3A_644 = vector.broadcast %add3A_643 : i32 to vector<16xi32>
        %add3A_645 = arith.addi %iota3A, %add3A_644 : vector<16xi32>
        %gt3A_646 = arith.cmpf ogt, %get3A_639, %max3A_465 : vector<16xf32>
        %max3A_647 = arith.maximumf %get3A_639, %max3A_465 : vector<16xf32>
        %select_n3A_648 = arith.select %gt3A_646, %add3A_645, %select_n3A_466 : vector<16xi1>, vector<16xi32>
        %mul3A_649 = arith.constant 10 : i32
        %mul3A_650 = arith.muli %scan3A_558, %mul3A_649 : i32
        %add3A_651 = arith.constant 5 : i32
        %add3A_652 = arith.addi %mul3A_650, %add3A_651 : i32
        %mul3A_653 = arith.constant 16 : i32
        %mul3A_654 = arith.muli %add3A_652, %mul3A_653 : i32
        %get3A_655 = arith.index_cast %mul3A_654 : i32 to index
        %get3A_656 = tpu.vector_load %arg7[%get3A_655] {strides = array<i32>} : memref<20000xf32, #tpu.memory_space<vmem>>, vector<16xf32>,
        %get3A_657 = vector.shape_cast %get3A_656 : vector<16xf32> to vector<16xf32>
        %mul3A_658 = arith.constant 16 : i32
        %mul3A_659 = arith.muli %add3A_652, %mul3A_658 : i32
        %add3A_660 = arith.constant 60000 : i32
        %add3A_661 = arith.addi %add3A_660, %mul3A_659 : i32
        %add3A_662 = vector.broadcast %add3A_661 : i32 to vector<16xi32>
        %add3A_663 = arith.addi %iota3A, %add3A_662 : vector<16xi32>
        %gt3A_664 = arith.cmpf ogt, %get3A_657, %max3A_483 : vector<16xf32>
        %max3A_665 = arith.maximumf %get3A_657, %max3A_483 : vector<16xf32>
        %select_n3A_666 = arith.select %gt3A_664, %add3A_663, %select_n3A_484 : vector<16xi1>, vector<16xi32>
        %mul3A_667 = arith.constant 10 : i32
        %mul3A_668 = arith.muli %scan3A_558, %mul3A_667 : i32
        %add3A_669 = arith.constant 6 : i32
        %add3A_670 = arith.addi %mul3A_668, %add3A_669 : i32
        %mul3A_671 = arith.constant 16 : i32
        %mul3A_672 = arith.muli %add3A_670, %mul3A_671 : i32
        %get3A_673 = arith.index_cast %mul3A_672 : i32 to index
        %get3A_674 = tpu.vector_load %arg7[%get3A_673] {strides = array<i32>} : memref<20000xf32, #tpu.memory_space<vmem>>, vector<16xf32>,
        %get3A_675 = vector.shape_cast %get3A_674 : vector<16xf32> to vector<16xf32>
        %mul3A_676 = arith.constant 16 : i32
        %mul3A_677 = arith.muli %add3A_670, %mul3A_676 : i32
        %add3A_678 = arith.constant 60000 : i32
        %add3A_679 = arith.addi %add3A_678, %mul3A_677 : i32
        %add3A_680 = vector.broadcast %add3A_679 : i32 to vector<16xi32>
        %add3A_681 = arith.addi %iota3A, %add3A_680 : vector<16xi32>
        %gt3A_682 = arith.cmpf ogt, %get3A_675, %max3A_501 : vector<16xf32>
        %max3A_683 = arith.maximumf %get3A_675, %max3A_501 : vector<16xf32>
        %select_n3A_684 = arith.select %gt3A_682, %add3A_681, %select_n3A_502 : vector<16xi1>, vector<16xi32>
        %mul3A_685 = arith.constant 10 : i32
        %mul3A_686 = arith.muli %scan3A_558, %mul3A_685 : i32
        %add3A_687 = arith.constant 7 : i32
        %add3A_688 = arith.addi %mul3A_686, %add3A_687 : i32
        %mul3A_689 = arith.constant 16 : i32
        %mul3A_690 = arith.muli %add3A_688, %mul3A_689 : i32
        %get3A_691 = arith.index_cast %mul3A_690 : i32 to index
        %get3A_692 = tpu.vector_load %arg7[%get3A_691] {strides = array<i32>} : memref<20000xf32, #tpu.memory_space<vmem>>, vector<16xf32>,
        %get3A_693 = vector.shape_cast %get3A_692 : vector<16xf32> to vector<16xf32>
        %mul3A_694 = arith.constant 16 : i32
        %mul3A_695 = arith.muli %add3A_688, %mul3A_694 : i32
        %add3A_696 = arith.constant 60000 : i32
        %add3A_697 = arith.addi %add3A_696, %mul3A_695 : i32
        %add3A_698 = vector.broadcast %add3A_697 : i32 to vector<16xi32>
        %add3A_699 = arith.addi %iota3A, %add3A_698 : vector<16xi32>
        %gt3A_700 = arith.cmpf ogt, %get3A_693, %max3A_519 : vector<16xf32>
        %max3A_701 = arith.maximumf %get3A_693, %max3A_519 : vector<16xf32>
        %select_n3A_702 = arith.select %gt3A_700, %add3A_699, %select_n3A_520 : vector<16xi1>, vector<16xi32>
        %mul3A_703 = arith.constant 10 : i32
        %mul3A_704 = arith.muli %scan3A_558, %mul3A_703 : i32
        %add3A_705 = arith.constant 8 : i32
        %add3A_706 = arith.addi %mul3A_704, %add3A_705 : i32
        %mul3A_707 = arith.constant 16 : i32
        %mul3A_708 = arith.muli %add3A_706, %mul3A_707 : i32
        %get3A_709 = arith.index_cast %mul3A_708 : i32 to index
        %get3A_710 = tpu.vector_load %arg7[%get3A_709] {strides = array<i32>} : memref<20000xf32, #tpu.memory_space<vmem>>, vector<16xf32>,
        %get3A_711 = vector.shape_cast %get3A_710 : vector<16xf32> to vector<16xf32>
        %mul3A_712 = arith.constant 16 : i32
        %mul3A_713 = arith.muli %add3A_706, %mul3A_712 : i32
        %add3A_714 = arith.constant 60000 : i32
        %add3A_715 = arith.addi %add3A_714, %mul3A_713 : i32
        %add3A_716 = vector.broadcast %add3A_715 : i32 to vector<16xi32>
        %add3A_717 = arith.addi %iota3A, %add3A_716 : vector<16xi32>
        %gt3A_718 = arith.cmpf ogt, %get3A_711, %max3A_537 : vector<16xf32>
        %max3A_719 = arith.maximumf %get3A_711, %max3A_537 : vector<16xf32>
        %select_n3A_720 = arith.select %gt3A_718, %add3A_717, %select_n3A_538 : vector<16xi1>, vector<16xi32>
        %mul3A_721 = arith.constant 10 : i32
        %mul3A_722 = arith.muli %scan3A_558, %mul3A_721 : i32
        %add3A_723 = arith.constant 9 : i32
        %add3A_724 = arith.addi %mul3A_722, %add3A_723 : i32
        %mul3A_725 = arith.constant 16 : i32
        %mul3A_726 = arith.muli %add3A_724, %mul3A_725 : i32
        %get3A_727 = arith.index_cast %mul3A_726 : i32 to index
        %get3A_728 = tpu.vector_load %arg7[%get3A_727] {strides = array<i32>} : memref<20000xf32, #tpu.memory_space<vmem>>, vector<16xf32>,
        %get3A_729 = vector.shape_cast %get3A_728 : vector<16xf32> to vector<16xf32>
        %mul3A_730 = arith.constant 16 : i32
        %mul3A_731 = arith.muli %add3A_724, %mul3A_730 : i32
        %add3A_732 = arith.constant 60000 : i32
        %add3A_733 = arith.addi %add3A_732, %mul3A_731 : i32
        %add3A_734 = vector.broadcast %add3A_733 : i32 to vector<16xi32>
        %add3A_735 = arith.addi %iota3A, %add3A_734 : vector<16xi32>
        %gt3A_736 = arith.cmpf ogt, %get3A_729, %max3A_555 : vector<16xf32>
        %max3A_737 = arith.maximumf %get3A_729, %max3A_555 : vector<16xf32>
        %select_n3A_738 = arith.select %gt3A_736, %add3A_735, %select_n3A_556 : vector<16xi1>, vector<16xi32>
        %scan3A_739 = arith.constant 2 : i32
        %scan3A_740 = arith.addi %scan3A_358, %scan3A_739 : i32
        %mul3A_741 = arith.constant 10 : i32
        %mul3A_742 = arith.muli %scan3A_740, %mul3A_741 : i32
        %add3A_743 = arith.constant 0 : i32
        %add3A_744 = arith.addi %mul3A_742, %add3A_743 : i32
        %mul3A_745 = arith.constant 16 : i32
        %mul3A_746 = arith.muli %add3A_744, %mul3A_745 : i32
        %get3A_747 = arith.index_cast %mul3A_746 : i32 to index
        %get3A_748 = tpu.vector_load %arg7[%get3A_747] {strides = array<i32>} : memref<20000xf32, #tpu.memory_space<vmem>>, vector<16xf32>,
        %get3A_749 = vector.shape_cast %get3A_748 : vector<16xf32> to vector<16xf32>
        %mul3A_750 = arith.constant 16 : i32
        %mul3A_751 = arith.muli %add3A_744, %mul3A_750 : i32
        %add3A_752 = arith.constant 60000 : i32
        %add3A_753 = arith.addi %add3A_752, %mul3A_751 : i32
        %add3A_754 = vector.broadcast %add3A_753 : i32 to vector<16xi32>
        %add3A_755 = arith.addi %iota3A, %add3A_754 : vector<16xi32>
        %gt3A_756 = arith.cmpf ogt, %get3A_749, %max3A_575 : vector<16xf32>
        %max3A_757 = arith.maximumf %get3A_749, %max3A_575 : vector<16xf32>
        %select_n3A_758 = arith.select %gt3A_756, %add3A_755, %select_n3A_576 : vector<16xi1>, vector<16xi32>
        %mul3A_759 = arith.constant 10 : i32
        %mul3A_760 = arith.muli %scan3A_740, %mul3A_759 : i32
        %add3A_761 = arith.constant 1 : i32
        %add3A_762 = arith.addi %mul3A_760, %add3A_761 : i32
        %mul3A_763 = arith.constant 16 : i32
        %mul3A_764 = arith.muli %add3A_762, %mul3A_763 : i32
        %get3A_765 = arith.index_cast %mul3A_764 : i32 to index
        %get3A_766 = tpu.vector_load %arg7[%get3A_765] {strides = array<i32>} : memref<20000xf32, #tpu.memory_space<vmem>>, vector<16xf32>,
        %get3A_767 = vector.shape_cast %get3A_766 : vector<16xf32> to vector<16xf32>
        %mul3A_768 = arith.constant 16 : i32
        %mul3A_769 = arith.muli %add3A_762, %mul3A_768 : i32
        %add3A_770 = arith.constant 60000 : i32
        %add3A_771 = arith.addi %add3A_770, %mul3A_769 : i32
        %add3A_772 = vector.broadcast %add3A_771 : i32 to vector<16xi32>
        %add3A_773 = arith.addi %iota3A, %add3A_772 : vector<16xi32>
        %gt3A_774 = arith.cmpf ogt, %get3A_767, %max3A_593 : vector<16xf32>
        %max3A_775 = arith.maximumf %get3A_767, %max3A_593 : vector<16xf32>
        %select_n3A_776 = arith.select %gt3A_774, %add3A_773, %select_n3A_594 : vector<16xi1>, vector<16xi32>
        %mul3A_777 = arith.constant 10 : i32
        %mul3A_778 = arith.muli %scan3A_740, %mul3A_777 : i32
        %add3A_779 = arith.constant 2 : i32
        %add3A_780 = arith.addi %mul3A_778, %add3A_779 : i32
        %mul3A_781 = arith.constant 16 : i32
        %mul3A_782 = arith.muli %add3A_780, %mul3A_781 : i32
        %get3A_783 = arith.index_cast %mul3A_782 : i32 to index
        %get3A_784 = tpu.vector_load %arg7[%get3A_783] {strides = array<i32>} : memref<20000xf32, #tpu.memory_space<vmem>>, vector<16xf32>,
        %get3A_785 = vector.shape_cast %get3A_784 : vector<16xf32> to vector<16xf32>
        %mul3A_786 = arith.constant 16 : i32
        %mul3A_787 = arith.muli %add3A_780, %mul3A_786 : i32
        %add3A_788 = arith.constant 60000 : i32
        %add3A_789 = arith.addi %add3A_788, %mul3A_787 : i32
        %add3A_790 = vector.broadcast %add3A_789 : i32 to vector<16xi32>
        %add3A_791 = arith.addi %iota3A, %add3A_790 : vector<16xi32>
        %gt3A_792 = arith.cmpf ogt, %get3A_785, %max3A_611 : vector<16xf32>
        %max3A_793 = arith.maximumf %get3A_785, %max3A_611 : vector<16xf32>
        %select_n3A_794 = arith.select %gt3A_792, %add3A_791, %select_n3A_612 : vector<16xi1>, vector<16xi32>
        %mul3A_795 = arith.constant 10 : i32
        %mul3A_796 = arith.muli %scan3A_740, %mul3A_795 : i32
        %add3A_797 = arith.constant 3 : i32
        %add3A_798 = arith.addi %mul3A_796, %add3A_797 : i32
        %mul3A_799 = arith.constant 16 : i32
        %mul3A_800 = arith.muli %add3A_798, %mul3A_799 : i32
        %get3A_801 = arith.index_cast %mul3A_800 : i32 to index
        %get3A_802 = tpu.vector_load %arg7[%get3A_801] {strides = array<i32>} : memref<20000xf32, #tpu.memory_space<vmem>>, vector<16xf32>,
        %get3A_803 = vector.shape_cast %get3A_802 : vector<16xf32> to vector<16xf32>
        %mul3A_804 = arith.constant 16 : i32
        %mul3A_805 = arith.muli %add3A_798, %mul3A_804 : i32
        %add3A_806 = arith.constant 60000 : i32
        %add3A_807 = arith.addi %add3A_806, %mul3A_805 : i32
        %add3A_808 = vector.broadcast %add3A_807 : i32 to vector<16xi32>
        %add3A_809 = arith.addi %iota3A, %add3A_808 : vector<16xi32>
        %gt3A_810 = arith.cmpf ogt, %get3A_803, %max3A_629 : vector<16xf32>
        %max3A_811 = arith.maximumf %get3A_803, %max3A_629 : vector<16xf32>
        %select_n3A_812 = arith.select %gt3A_810, %add3A_809, %select_n3A_630 : vector<16xi1>, vector<16xi32>
        %mul3A_813 = arith.constant 10 : i32
        %mul3A_814 = arith.muli %scan3A_740, %mul3A_813 : i32
        %add3A_815 = arith.constant 4 : i32
        %add3A_816 = arith.addi %mul3A_814, %add3A_815 : i32
        %mul3A_817 = arith.constant 16 : i32
        %mul3A_818 = arith.muli %add3A_816, %mul3A_817 : i32
        %get3A_819 = arith.index_cast %mul3A_818 : i32 to index
        %get3A_820 = tpu.vector_load %arg7[%get3A_819] {strides = array<i32>} : memref<20000xf32, #tpu.memory_space<vmem>>, vector<16xf32>,
        %get3A_821 = vector.shape_cast %get3A_820 : vector<16xf32> to vector<16xf32>
        %mul3A_822 = arith.constant 16 : i32
        %mul3A_823 = arith.muli %add3A_816, %mul3A_822 : i32
        %add3A_824 = arith.constant 60000 : i32
        %add3A_825 = arith.addi %add3A_824, %mul3A_823 : i32
        %add3A_826 = vector.broadcast %add3A_825 : i32 to vector<16xi32>
        %add3A_827 = arith.addi %iota3A, %add3A_826 : vector<16xi32>
        %gt3A_828 = arith.cmpf ogt, %get3A_821, %max3A_647 : vector<16xf32>
        %max3A_829 = arith.maximumf %get3A_821, %max3A_647 : vector<16xf32>
        %select_n3A_830 = arith.select %gt3A_828, %add3A_827, %select_n3A_648 : vector<16xi1>, vector<16xi32>
        %mul3A_831 = arith.constant 10 : i32
        %mul3A_832 = arith.muli %scan3A_740, %mul3A_831 : i32
        %add3A_833 = arith.constant 5 : i32
        %add3A_834 = arith.addi %mul3A_832, %add3A_833 : i32
        %mul3A_835 = arith.constant 16 : i32
        %mul3A_836 = arith.muli %add3A_834, %mul3A_835 : i32
        %get3A_837 = arith.index_cast %mul3A_836 : i32 to index
        %get3A_838 = tpu.vector_load %arg7[%get3A_837] {strides = array<i32>} : memref<20000xf32, #tpu.memory_space<vmem>>, vector<16xf32>,
        %get3A_839 = vector.shape_cast %get3A_838 : vector<16xf32> to vector<16xf32>
        %mul3A_840 = arith.constant 16 : i32
        %mul3A_841 = arith.muli %add3A_834, %mul3A_840 : i32
        %add3A_842 = arith.constant 60000 : i32
        %add3A_843 = arith.addi %add3A_842, %mul3A_841 : i32
        %add3A_844 = vector.broadcast %add3A_843 : i32 to vector<16xi32>
        %add3A_845 = arith.addi %iota3A, %add3A_844 : vector<16xi32>
        %gt3A_846 = arith.cmpf ogt, %get3A_839, %max3A_665 : vector<16xf32>
        %max3A_847 = arith.maximumf %get3A_839, %max3A_665 : vector<16xf32>
        %select_n3A_848 = arith.select %gt3A_846, %add3A_845, %select_n3A_666 : vector<16xi1>, vector<16xi32>
        %mul3A_849 = arith.constant 10 : i32
        %mul3A_850 = arith.muli %scan3A_740, %mul3A_849 : i32
        %add3A_851 = arith.constant 6 : i32
        %add3A_852 = arith.addi %mul3A_850, %add3A_851 : i32
        %mul3A_853 = arith.constant 16 : i32
        %mul3A_854 = arith.muli %add3A_852, %mul3A_853 : i32
        %get3A_855 = arith.index_cast %mul3A_854 : i32 to index
        %get3A_856 = tpu.vector_load %arg7[%get3A_855] {strides = array<i32>} : memref<20000xf32, #tpu.memory_space<vmem>>, vector<16xf32>,
        %get3A_857 = vector.shape_cast %get3A_856 : vector<16xf32> to vector<16xf32>
        %mul3A_858 = arith.constant 16 : i32
        %mul3A_859 = arith.muli %add3A_852, %mul3A_858 : i32
        %add3A_860 = arith.constant 60000 : i32
        %add3A_861 = arith.addi %add3A_860, %mul3A_859 : i32
        %add3A_862 = vector.broadcast %add3A_861 : i32 to vector<16xi32>
        %add3A_863 = arith.addi %iota3A, %add3A_862 : vector<16xi32>
        %gt3A_864 = arith.cmpf ogt, %get3A_857, %max3A_683 : vector<16xf32>
        %max3A_865 = arith.maximumf %get3A_857, %max3A_683 : vector<16xf32>
        %select_n3A_866 = arith.select %gt3A_864, %add3A_863, %select_n3A_684 : vector<16xi1>, vector<16xi32>
        %mul3A_867 = arith.constant 10 : i32
        %mul3A_868 = arith.muli %scan3A_740, %mul3A_867 : i32
        %add3A_869 = arith.constant 7 : i32
        %add3A_870 = arith.addi %mul3A_868, %add3A_869 : i32
        %mul3A_871 = arith.constant 16 : i32
        %mul3A_872 = arith.muli %add3A_870, %mul3A_871 : i32
        %get3A_873 = arith.index_cast %mul3A_872 : i32 to index
        %get3A_874 = tpu.vector_load %arg7[%get3A_873] {strides = array<i32>} : memref<20000xf32, #tpu.memory_space<vmem>>, vector<16xf32>,
        %get3A_875 = vector.shape_cast %get3A_874 : vector<16xf32> to vector<16xf32>
        %mul3A_876 = arith.constant 16 : i32
        %mul3A_877 = arith.muli %add3A_870, %mul3A_876 : i32
        %add3A_878 = arith.constant 60000 : i32
        %add3A_879 = arith.addi %add3A_878, %mul3A_877 : i32
        %add3A_880 = vector.broadcast %add3A_879 : i32 to vector<16xi32>
        %add3A_881 = arith.addi %iota3A, %add3A_880 : vector<16xi32>
        %gt3A_882 = arith.cmpf ogt, %get3A_875, %max3A_701 : vector<16xf32>
        %max3A_883 = arith.maximumf %get3A_875, %max3A_701 : vector<16xf32>
        %select_n3A_884 = arith.select %gt3A_882, %add3A_881, %select_n3A_702 : vector<16xi1>, vector<16xi32>
        %mul3A_885 = arith.constant 10 : i32
        %mul3A_886 = arith.muli %scan3A_740, %mul3A_885 : i32
        %add3A_887 = arith.constant 8 : i32
        %add3A_888 = arith.addi %mul3A_886, %add3A_887 : i32
        %mul3A_889 = arith.constant 16 : i32
        %mul3A_890 = arith.muli %add3A_888, %mul3A_889 : i32
        %get3A_891 = arith.index_cast %mul3A_890 : i32 to index
        %get3A_892 = tpu.vector_load %arg7[%get3A_891] {strides = array<i32>} : memref<20000xf32, #tpu.memory_space<vmem>>, vector<16xf32>,
        %get3A_893 = vector.shape_cast %get3A_892 : vector<16xf32> to vector<16xf32>
        %mul3A_894 = arith.constant 16 : i32
        %mul3A_895 = arith.muli %add3A_888, %mul3A_894 : i32
        %add3A_896 = arith.constant 60000 : i32
        %add3A_897 = arith.addi %add3A_896, %mul3A_895 : i32
        %add3A_898 = vector.broadcast %add3A_897 : i32 to vector<16xi32>
        %add3A_899 = arith.addi %iota3A, %add3A_898 : vector<16xi32>
        %gt3A_900 = arith.cmpf ogt, %get3A_893, %max3A_719 : vector<16xf32>
        %max3A_901 = arith.maximumf %get3A_893, %max3A_719 : vector<16xf32>
        %select_n3A_902 = arith.select %gt3A_900, %add3A_899, %select_n3A_720 : vector<16xi1>, vector<16xi32>
        %mul3A_903 = arith.constant 10 : i32
        %mul3A_904 = arith.muli %scan3A_740, %mul3A_903 : i32
        %add3A_905 = arith.constant 9 : i32
        %add3A_906 = arith.addi %mul3A_904, %add3A_905 : i32
        %mul3A_907 = arith.constant 16 : i32
        %mul3A_908 = arith.muli %add3A_906, %mul3A_907 : i32
        %get3A_909 = arith.index_cast %mul3A_908 : i32 to index
        %get3A_910 = tpu.vector_load %arg7[%get3A_909] {strides = array<i32>} : memref<20000xf32, #tpu.memory_space<vmem>>, vector<16xf32>,
        %get3A_911 = vector.shape_cast %get3A_910 : vector<16xf32> to vector<16xf32>
        %mul3A_912 = arith.constant 16 : i32
        %mul3A_913 = arith.muli %add3A_906, %mul3A_912 : i32
        %add3A_914 = arith.constant 60000 : i32
        %add3A_915 = arith.addi %add3A_914, %mul3A_913 : i32
        %add3A_916 = vector.broadcast %add3A_915 : i32 to vector<16xi32>
        %add3A_917 = arith.addi %iota3A, %add3A_916 : vector<16xi32>
        %gt3A_918 = arith.cmpf ogt, %get3A_911, %max3A_737 : vector<16xf32>
        %max3A_919 = arith.maximumf %get3A_911, %max3A_737 : vector<16xf32>
        %select_n3A_920 = arith.select %gt3A_918, %add3A_917, %select_n3A_738 : vector<16xi1>, vector<16xi32>
        %scan3A_921 = arith.constant 3 : i32
        %scan3A_922 = arith.addi %scan3A_358, %scan3A_921 : i32
        %mul3A_923 = arith.constant 10 : i32
        %mul3A_924 = arith.muli %scan3A_922, %mul3A_923 : i32
        %add3A_925 = arith.constant 0 : i32
        %add3A_926 = arith.addi %mul3A_924, %add3A_925 : i32
        %mul3A_927 = arith.constant 16 : i32
        %mul3A_928 = arith.muli %add3A_926, %mul3A_927 : i32
        %get3A_929 = arith.index_cast %mul3A_928 : i32 to index
        %get3A_930 = tpu.vector_load %arg7[%get3A_929] {strides = array<i32>} : memref<20000xf32, #tpu.memory_space<vmem>>, vector<16xf32>,
        %get3A_931 = vector.shape_cast %get3A_930 : vector<16xf32> to vector<16xf32>
        %mul3A_932 = arith.constant 16 : i32
        %mul3A_933 = arith.muli %add3A_926, %mul3A_932 : i32
        %add3A_934 = arith.constant 60000 : i32
        %add3A_935 = arith.addi %add3A_934, %mul3A_933 : i32
        %add3A_936 = vector.broadcast %add3A_935 : i32 to vector<16xi32>
        %add3A_937 = arith.addi %iota3A, %add3A_936 : vector<16xi32>
        %gt3A_938 = arith.cmpf ogt, %get3A_931, %max3A_757 : vector<16xf32>
        %max3A_939 = arith.maximumf %get3A_931, %max3A_757 : vector<16xf32>
        %select_n3A_940 = arith.select %gt3A_938, %add3A_937, %select_n3A_758 : vector<16xi1>, vector<16xi32>
        %mul3A_941 = arith.constant 10 : i32
        %mul3A_942 = arith.muli %scan3A_922, %mul3A_941 : i32
        %add3A_943 = arith.constant 1 : i32
        %add3A_944 = arith.addi %mul3A_942, %add3A_943 : i32
        %mul3A_945 = arith.constant 16 : i32
        %mul3A_946 = arith.muli %add3A_944, %mul3A_945 : i32
        %get3A_947 = arith.index_cast %mul3A_946 : i32 to index
        %get3A_948 = tpu.vector_load %arg7[%get3A_947] {strides = array<i32>} : memref<20000xf32, #tpu.memory_space<vmem>>, vector<16xf32>,
        %get3A_949 = vector.shape_cast %get3A_948 : vector<16xf32> to vector<16xf32>
        %mul3A_950 = arith.constant 16 : i32
        %mul3A_951 = arith.muli %add3A_944, %mul3A_950 : i32
        %add3A_952 = arith.constant 60000 : i32
        %add3A_953 = arith.addi %add3A_952, %mul3A_951 : i32
        %add3A_954 = vector.broadcast %add3A_953 : i32 to vector<16xi32>
        %add3A_955 = arith.addi %iota3A, %add3A_954 : vector<16xi32>
        %gt3A_956 = arith.cmpf ogt, %get3A_949, %max3A_775 : vector<16xf32>
        %max3A_957 = arith.maximumf %get3A_949, %max3A_775 : vector<16xf32>
        %select_n3A_958 = arith.select %gt3A_956, %add3A_955, %select_n3A_776 : vector<16xi1>, vector<16xi32>
        %mul3A_959 = arith.constant 10 : i32
        %mul3A_960 = arith.muli %scan3A_922, %mul3A_959 : i32
        %add3A_961 = arith.constant 2 : i32
        %add3A_962 = arith.addi %mul3A_960, %add3A_961 : i32
        %mul3A_963 = arith.constant 16 : i32
        %mul3A_964 = arith.muli %add3A_962, %mul3A_963 : i32
        %get3A_965 = arith.index_cast %mul3A_964 : i32 to index
        %get3A_966 = tpu.vector_load %arg7[%get3A_965] {strides = array<i32>} : memref<20000xf32, #tpu.memory_space<vmem>>, vector<16xf32>,
        %get3A_967 = vector.shape_cast %get3A_966 : vector<16xf32> to vector<16xf32>
        %mul3A_968 = arith.constant 16 : i32
        %mul3A_969 = arith.muli %add3A_962, %mul3A_968 : i32
        %add3A_970 = arith.constant 60000 : i32
        %add3A_971 = arith.addi %add3A_970, %mul3A_969 : i32
        %add3A_972 = vector.broadcast %add3A_971 : i32 to vector<16xi32>
        %add3A_973 = arith.addi %iota3A, %add3A_972 : vector<16xi32>
        %gt3A_974 = arith.cmpf ogt, %get3A_967, %max3A_793 : vector<16xf32>
        %max3A_975 = arith.maximumf %get3A_967, %max3A_793 : vector<16xf32>
        %select_n3A_976 = arith.select %gt3A_974, %add3A_973, %select_n3A_794 : vector<16xi1>, vector<16xi32>
        %mul3A_977 = arith.constant 10 : i32
        %mul3A_978 = arith.muli %scan3A_922, %mul3A_977 : i32
        %add3A_979 = arith.constant 3 : i32
        %add3A_980 = arith.addi %mul3A_978, %add3A_979 : i32
        %mul3A_981 = arith.constant 16 : i32
        %mul3A_982 = arith.muli %add3A_980, %mul3A_981 : i32
        %get3A_983 = arith.index_cast %mul3A_982 : i32 to index
        %get3A_984 = tpu.vector_load %arg7[%get3A_983] {strides = array<i32>} : memref<20000xf32, #tpu.memory_space<vmem>>, vector<16xf32>,
        %get3A_985 = vector.shape_cast %get3A_984 : vector<16xf32> to vector<16xf32>
        %mul3A_986 = arith.constant 16 : i32
        %mul3A_987 = arith.muli %add3A_980, %mul3A_986 : i32
        %add3A_988 = arith.constant 60000 : i32
        %add3A_989 = arith.addi %add3A_988, %mul3A_987 : i32
        %add3A_990 = vector.broadcast %add3A_989 : i32 to vector<16xi32>
        %add3A_991 = arith.addi %iota3A, %add3A_990 : vector<16xi32>
        %gt3A_992 = arith.cmpf ogt, %get3A_985, %max3A_811 : vector<16xf32>
        %max3A_993 = arith.maximumf %get3A_985, %max3A_811 : vector<16xf32>
        %select_n3A_994 = arith.select %gt3A_992, %add3A_991, %select_n3A_812 : vector<16xi1>, vector<16xi32>
        %mul3A_995 = arith.constant 10 : i32
        %mul3A_996 = arith.muli %scan3A_922, %mul3A_995 : i32
        %add3A_997 = arith.constant 4 : i32
        %add3A_998 = arith.addi %mul3A_996, %add3A_997 : i32
        %mul3A_999 = arith.constant 16 : i32
        %mul3A_1000 = arith.muli %add3A_998, %mul3A_999 : i32
        %get3A_1001 = arith.index_cast %mul3A_1000 : i32 to index
        %get3A_1002 = tpu.vector_load %arg7[%get3A_1001] {strides = array<i32>} : memref<20000xf32, #tpu.memory_space<vmem>>, vector<16xf32>,
        %get3A_1003 = vector.shape_cast %get3A_1002 : vector<16xf32> to vector<16xf32>
        %mul3A_1004 = arith.constant 16 : i32
        %mul3A_1005 = arith.muli %add3A_998, %mul3A_1004 : i32
        %add3A_1006 = arith.constant 60000 : i32
        %add3A_1007 = arith.addi %add3A_1006, %mul3A_1005 : i32
        %add3A_1008 = vector.broadcast %add3A_1007 : i32 to vector<16xi32>
        %add3A_1009 = arith.addi %iota3A, %add3A_1008 : vector<16xi32>
        %gt3A_1010 = arith.cmpf ogt, %get3A_1003, %max3A_829 : vector<16xf32>
        %max3A_1011 = arith.maximumf %get3A_1003, %max3A_829 : vector<16xf32>
        %select_n3A_1012 = arith.select %gt3A_1010, %add3A_1009, %select_n3A_830 : vector<16xi1>, vector<16xi32>
        %mul3A_1013 = arith.constant 10 : i32
        %mul3A_1014 = arith.muli %scan3A_922, %mul3A_1013 : i32
        %add3A_1015 = arith.constant 5 : i32
        %add3A_1016 = arith.addi %mul3A_1014, %add3A_1015 : i32
        %mul3A_1017 = arith.constant 16 : i32
        %mul3A_1018 = arith.muli %add3A_1016, %mul3A_1017 : i32
        %get3A_1019 = arith.index_cast %mul3A_1018 : i32 to index
        %get3A_1020 = tpu.vector_load %arg7[%get3A_1019] {strides = array<i32>} : memref<20000xf32, #tpu.memory_space<vmem>>, vector<16xf32>,
        %get3A_1021 = vector.shape_cast %get3A_1020 : vector<16xf32> to vector<16xf32>
        %mul3A_1022 = arith.constant 16 : i32
        %mul3A_1023 = arith.muli %add3A_1016, %mul3A_1022 : i32
        %add3A_1024 = arith.constant 60000 : i32
        %add3A_1025 = arith.addi %add3A_1024, %mul3A_1023 : i32
        %add3A_1026 = vector.broadcast %add3A_1025 : i32 to vector<16xi32>
        %add3A_1027 = arith.addi %iota3A, %add3A_1026 : vector<16xi32>
        %gt3A_1028 = arith.cmpf ogt, %get3A_1021, %max3A_847 : vector<16xf32>
        %max3A_1029 = arith.maximumf %get3A_1021, %max3A_847 : vector<16xf32>
        %select_n3A_1030 = arith.select %gt3A_1028, %add3A_1027, %select_n3A_848 : vector<16xi1>, vector<16xi32>
        %mul3A_1031 = arith.constant 10 : i32
        %mul3A_1032 = arith.muli %scan3A_922, %mul3A_1031 : i32
        %add3A_1033 = arith.constant 6 : i32
        %add3A_1034 = arith.addi %mul3A_1032, %add3A_1033 : i32
        %mul3A_1035 = arith.constant 16 : i32
        %mul3A_1036 = arith.muli %add3A_1034, %mul3A_1035 : i32
        %get3A_1037 = arith.index_cast %mul3A_1036 : i32 to index
        %get3A_1038 = tpu.vector_load %arg7[%get3A_1037] {strides = array<i32>} : memref<20000xf32, #tpu.memory_space<vmem>>, vector<16xf32>,
        %get3A_1039 = vector.shape_cast %get3A_1038 : vector<16xf32> to vector<16xf32>
        %mul3A_1040 = arith.constant 16 : i32
        %mul3A_1041 = arith.muli %add3A_1034, %mul3A_1040 : i32
        %add3A_1042 = arith.constant 60000 : i32
        %add3A_1043 = arith.addi %add3A_1042, %mul3A_1041 : i32
        %add3A_1044 = vector.broadcast %add3A_1043 : i32 to vector<16xi32>
        %add3A_1045 = arith.addi %iota3A, %add3A_1044 : vector<16xi32>
        %gt3A_1046 = arith.cmpf ogt, %get3A_1039, %max3A_865 : vector<16xf32>
        %max3A_1047 = arith.maximumf %get3A_1039, %max3A_865 : vector<16xf32>
        %select_n3A_1048 = arith.select %gt3A_1046, %add3A_1045, %select_n3A_866 : vector<16xi1>, vector<16xi32>
        %mul3A_1049 = arith.constant 10 : i32
        %mul3A_1050 = arith.muli %scan3A_922, %mul3A_1049 : i32
        %add3A_1051 = arith.constant 7 : i32
        %add3A_1052 = arith.addi %mul3A_1050, %add3A_1051 : i32
        %mul3A_1053 = arith.constant 16 : i32
        %mul3A_1054 = arith.muli %add3A_1052, %mul3A_1053 : i32
        %get3A_1055 = arith.index_cast %mul3A_1054 : i32 to index
        %get3A_1056 = tpu.vector_load %arg7[%get3A_1055] {strides = array<i32>} : memref<20000xf32, #tpu.memory_space<vmem>>, vector<16xf32>,
        %get3A_1057 = vector.shape_cast %get3A_1056 : vector<16xf32> to vector<16xf32>
        %mul3A_1058 = arith.constant 16 : i32
        %mul3A_1059 = arith.muli %add3A_1052, %mul3A_1058 : i32
        %add3A_1060 = arith.constant 60000 : i32
        %add3A_1061 = arith.addi %add3A_1060, %mul3A_1059 : i32
        %add3A_1062 = vector.broadcast %add3A_1061 : i32 to vector<16xi32>
        %add3A_1063 = arith.addi %iota3A, %add3A_1062 : vector<16xi32>
        %gt3A_1064 = arith.cmpf ogt, %get3A_1057, %max3A_883 : vector<16xf32>
        %max3A_1065 = arith.maximumf %get3A_1057, %max3A_883 : vector<16xf32>
        %select_n3A_1066 = arith.select %gt3A_1064, %add3A_1063, %select_n3A_884 : vector<16xi1>, vector<16xi32>
        %mul3A_1067 = arith.constant 10 : i32
        %mul3A_1068 = arith.muli %scan3A_922, %mul3A_1067 : i32
        %add3A_1069 = arith.constant 8 : i32
        %add3A_1070 = arith.addi %mul3A_1068, %add3A_1069 : i32
        %mul3A_1071 = arith.constant 16 : i32
        %mul3A_1072 = arith.muli %add3A_1070, %mul3A_1071 : i32
        %get3A_1073 = arith.index_cast %mul3A_1072 : i32 to index
        %get3A_1074 = tpu.vector_load %arg7[%get3A_1073] {strides = array<i32>} : memref<20000xf32, #tpu.memory_space<vmem>>, vector<16xf32>,
        %get3A_1075 = vector.shape_cast %get3A_1074 : vector<16xf32> to vector<16xf32>
        %mul3A_1076 = arith.constant 16 : i32
        %mul3A_1077 = arith.muli %add3A_1070, %mul3A_1076 : i32
        %add3A_1078 = arith.constant 60000 : i32
        %add3A_1079 = arith.addi %add3A_1078, %mul3A_1077 : i32
        %add3A_1080 = vector.broadcast %add3A_1079 : i32 to vector<16xi32>
        %add3A_1081 = arith.addi %iota3A, %add3A_1080 : vector<16xi32>
        %gt3A_1082 = arith.cmpf ogt, %get3A_1075, %max3A_901 : vector<16xf32>
        %max3A_1083 = arith.maximumf %get3A_1075, %max3A_901 : vector<16xf32>
        %select_n3A_1084 = arith.select %gt3A_1082, %add3A_1081, %select_n3A_902 : vector<16xi1>, vector<16xi32>
        %mul3A_1085 = arith.constant 10 : i32
        %mul3A_1086 = arith.muli %scan3A_922, %mul3A_1085 : i32
        %add3A_1087 = arith.constant 9 : i32
        %add3A_1088 = arith.addi %mul3A_1086, %add3A_1087 : i32
        %mul3A_1089 = arith.constant 16 : i32
        %mul3A_1090 = arith.muli %add3A_1088, %mul3A_1089 : i32
        %get3A_1091 = arith.index_cast %mul3A_1090 : i32 to index
        %get3A_1092 = tpu.vector_load %arg7[%get3A_1091] {strides = array<i32>} : memref<20000xf32, #tpu.memory_space<vmem>>, vector<16xf32>,
        %get3A_1093 = vector.shape_cast %get3A_1092 : vector<16xf32> to vector<16xf32>
        %mul3A_1094 = arith.constant 16 : i32
        %mul3A_1095 = arith.muli %add3A_1088, %mul3A_1094 : i32
        %add3A_1096 = arith.constant 60000 : i32
        %add3A_1097 = arith.addi %add3A_1096, %mul3A_1095 : i32
        %add3A_1098 = vector.broadcast %add3A_1097 : i32 to vector<16xi32>
        %add3A_1099 = arith.addi %iota3A, %add3A_1098 : vector<16xi32>
        %gt3A_1100 = arith.cmpf ogt, %get3A_1093, %max3A_919 : vector<16xf32>
        %max3A_1101 = arith.maximumf %get3A_1093, %max3A_919 : vector<16xf32>
        %select_n3A_1102 = arith.select %gt3A_1100, %add3A_1099, %select_n3A_920 : vector<16xi1>, vector<16xi32>
        %scan3A_1103 = arith.constant 4 : i32
        %scan3A_1104 = arith.addi %scan3A_358, %scan3A_1103 : i32
        %mul3A_1105 = arith.constant 10 : i32
        %mul3A_1106 = arith.muli %scan3A_1104, %mul3A_1105 : i32
        %add3A_1107 = arith.constant 0 : i32
        %add3A_1108 = arith.addi %mul3A_1106, %add3A_1107 : i32
        %mul3A_1109 = arith.constant 16 : i32
        %mul3A_1110 = arith.muli %add3A_1108, %mul3A_1109 : i32
        %get3A_1111 = arith.index_cast %mul3A_1110 : i32 to index
        %get3A_1112 = tpu.vector_load %arg7[%get3A_1111] {strides = array<i32>} : memref<20000xf32, #tpu.memory_space<vmem>>, vector<16xf32>,
        %get3A_1113 = vector.shape_cast %get3A_1112 : vector<16xf32> to vector<16xf32>
        %mul3A_1114 = arith.constant 16 : i32
        %mul3A_1115 = arith.muli %add3A_1108, %mul3A_1114 : i32
        %add3A_1116 = arith.constant 60000 : i32
        %add3A_1117 = arith.addi %add3A_1116, %mul3A_1115 : i32
        %add3A_1118 = vector.broadcast %add3A_1117 : i32 to vector<16xi32>
        %add3A_1119 = arith.addi %iota3A, %add3A_1118 : vector<16xi32>
        %gt3A_1120 = arith.cmpf ogt, %get3A_1113, %max3A_939 : vector<16xf32>
        %max3A_1121 = arith.maximumf %get3A_1113, %max3A_939 : vector<16xf32>
        %select_n3A_1122 = arith.select %gt3A_1120, %add3A_1119, %select_n3A_940 : vector<16xi1>, vector<16xi32>
        %mul3A_1123 = arith.constant 10 : i32
        %mul3A_1124 = arith.muli %scan3A_1104, %mul3A_1123 : i32
        %add3A_1125 = arith.constant 1 : i32
        %add3A_1126 = arith.addi %mul3A_1124, %add3A_1125 : i32
        %mul3A_1127 = arith.constant 16 : i32
        %mul3A_1128 = arith.muli %add3A_1126, %mul3A_1127 : i32
        %get3A_1129 = arith.index_cast %mul3A_1128 : i32 to index
        %get3A_1130 = tpu.vector_load %arg7[%get3A_1129] {strides = array<i32>} : memref<20000xf32, #tpu.memory_space<vmem>>, vector<16xf32>,
        %get3A_1131 = vector.shape_cast %get3A_1130 : vector<16xf32> to vector<16xf32>
        %mul3A_1132 = arith.constant 16 : i32
        %mul3A_1133 = arith.muli %add3A_1126, %mul3A_1132 : i32
        %add3A_1134 = arith.constant 60000 : i32
        %add3A_1135 = arith.addi %add3A_1134, %mul3A_1133 : i32
        %add3A_1136 = vector.broadcast %add3A_1135 : i32 to vector<16xi32>
        %add3A_1137 = arith.addi %iota3A, %add3A_1136 : vector<16xi32>
        %gt3A_1138 = arith.cmpf ogt, %get3A_1131, %max3A_957 : vector<16xf32>
        %max3A_1139 = arith.maximumf %get3A_1131, %max3A_957 : vector<16xf32>
        %select_n3A_1140 = arith.select %gt3A_1138, %add3A_1137, %select_n3A_958 : vector<16xi1>, vector<16xi32>
        %mul3A_1141 = arith.constant 10 : i32
        %mul3A_1142 = arith.muli %scan3A_1104, %mul3A_1141 : i32
        %add3A_1143 = arith.constant 2 : i32
        %add3A_1144 = arith.addi %mul3A_1142, %add3A_1143 : i32
        %mul3A_1145 = arith.constant 16 : i32
        %mul3A_1146 = arith.muli %add3A_1144, %mul3A_1145 : i32
        %get3A_1147 = arith.index_cast %mul3A_1146 : i32 to index
        %get3A_1148 = tpu.vector_load %arg7[%get3A_1147] {strides = array<i32>} : memref<20000xf32, #tpu.memory_space<vmem>>, vector<16xf32>,
        %get3A_1149 = vector.shape_cast %get3A_1148 : vector<16xf32> to vector<16xf32>
        %mul3A_1150 = arith.constant 16 : i32
        %mul3A_1151 = arith.muli %add3A_1144, %mul3A_1150 : i32
        %add3A_1152 = arith.constant 60000 : i32
        %add3A_1153 = arith.addi %add3A_1152, %mul3A_1151 : i32
        %add3A_1154 = vector.broadcast %add3A_1153 : i32 to vector<16xi32>
        %add3A_1155 = arith.addi %iota3A, %add3A_1154 : vector<16xi32>
        %gt3A_1156 = arith.cmpf ogt, %get3A_1149, %max3A_975 : vector<16xf32>
        %max3A_1157 = arith.maximumf %get3A_1149, %max3A_975 : vector<16xf32>
        %select_n3A_1158 = arith.select %gt3A_1156, %add3A_1155, %select_n3A_976 : vector<16xi1>, vector<16xi32>
        %mul3A_1159 = arith.constant 10 : i32
        %mul3A_1160 = arith.muli %scan3A_1104, %mul3A_1159 : i32
        %add3A_1161 = arith.constant 3 : i32
        %add3A_1162 = arith.addi %mul3A_1160, %add3A_1161 : i32
        %mul3A_1163 = arith.constant 16 : i32
        %mul3A_1164 = arith.muli %add3A_1162, %mul3A_1163 : i32
        %get3A_1165 = arith.index_cast %mul3A_1164 : i32 to index
        %get3A_1166 = tpu.vector_load %arg7[%get3A_1165] {strides = array<i32>} : memref<20000xf32, #tpu.memory_space<vmem>>, vector<16xf32>,
        %get3A_1167 = vector.shape_cast %get3A_1166 : vector<16xf32> to vector<16xf32>
        %mul3A_1168 = arith.constant 16 : i32
        %mul3A_1169 = arith.muli %add3A_1162, %mul3A_1168 : i32
        %add3A_1170 = arith.constant 60000 : i32
        %add3A_1171 = arith.addi %add3A_1170, %mul3A_1169 : i32
        %add3A_1172 = vector.broadcast %add3A_1171 : i32 to vector<16xi32>
        %add3A_1173 = arith.addi %iota3A, %add3A_1172 : vector<16xi32>
        %gt3A_1174 = arith.cmpf ogt, %get3A_1167, %max3A_993 : vector<16xf32>
        %max3A_1175 = arith.maximumf %get3A_1167, %max3A_993 : vector<16xf32>
        %select_n3A_1176 = arith.select %gt3A_1174, %add3A_1173, %select_n3A_994 : vector<16xi1>, vector<16xi32>
        %mul3A_1177 = arith.constant 10 : i32
        %mul3A_1178 = arith.muli %scan3A_1104, %mul3A_1177 : i32
        %add3A_1179 = arith.constant 4 : i32
        %add3A_1180 = arith.addi %mul3A_1178, %add3A_1179 : i32
        %mul3A_1181 = arith.constant 16 : i32
        %mul3A_1182 = arith.muli %add3A_1180, %mul3A_1181 : i32
        %get3A_1183 = arith.index_cast %mul3A_1182 : i32 to index
        %get3A_1184 = tpu.vector_load %arg7[%get3A_1183] {strides = array<i32>} : memref<20000xf32, #tpu.memory_space<vmem>>, vector<16xf32>,
        %get3A_1185 = vector.shape_cast %get3A_1184 : vector<16xf32> to vector<16xf32>
        %mul3A_1186 = arith.constant 16 : i32
        %mul3A_1187 = arith.muli %add3A_1180, %mul3A_1186 : i32
        %add3A_1188 = arith.constant 60000 : i32
        %add3A_1189 = arith.addi %add3A_1188, %mul3A_1187 : i32
        %add3A_1190 = vector.broadcast %add3A_1189 : i32 to vector<16xi32>
        %add3A_1191 = arith.addi %iota3A, %add3A_1190 : vector<16xi32>
        %gt3A_1192 = arith.cmpf ogt, %get3A_1185, %max3A_1011 : vector<16xf32>
        %max3A_1193 = arith.maximumf %get3A_1185, %max3A_1011 : vector<16xf32>
        %select_n3A_1194 = arith.select %gt3A_1192, %add3A_1191, %select_n3A_1012 : vector<16xi1>, vector<16xi32>
        %mul3A_1195 = arith.constant 10 : i32
        %mul3A_1196 = arith.muli %scan3A_1104, %mul3A_1195 : i32
        %add3A_1197 = arith.constant 5 : i32
        %add3A_1198 = arith.addi %mul3A_1196, %add3A_1197 : i32
        %mul3A_1199 = arith.constant 16 : i32
        %mul3A_1200 = arith.muli %add3A_1198, %mul3A_1199 : i32
        %get3A_1201 = arith.index_cast %mul3A_1200 : i32 to index
        %get3A_1202 = tpu.vector_load %arg7[%get3A_1201] {strides = array<i32>} : memref<20000xf32, #tpu.memory_space<vmem>>, vector<16xf32>,
        %get3A_1203 = vector.shape_cast %get3A_1202 : vector<16xf32> to vector<16xf32>
        %mul3A_1204 = arith.constant 16 : i32
        %mul3A_1205 = arith.muli %add3A_1198, %mul3A_1204 : i32
        %add3A_1206 = arith.constant 60000 : i32
        %add3A_1207 = arith.addi %add3A_1206, %mul3A_1205 : i32
        %add3A_1208 = vector.broadcast %add3A_1207 : i32 to vector<16xi32>
        %add3A_1209 = arith.addi %iota3A, %add3A_1208 : vector<16xi32>
        %gt3A_1210 = arith.cmpf ogt, %get3A_1203, %max3A_1029 : vector<16xf32>
        %max3A_1211 = arith.maximumf %get3A_1203, %max3A_1029 : vector<16xf32>
        %select_n3A_1212 = arith.select %gt3A_1210, %add3A_1209, %select_n3A_1030 : vector<16xi1>, vector<16xi32>
        %mul3A_1213 = arith.constant 10 : i32
        %mul3A_1214 = arith.muli %scan3A_1104, %mul3A_1213 : i32
        %add3A_1215 = arith.constant 6 : i32
        %add3A_1216 = arith.addi %mul3A_1214, %add3A_1215 : i32
        %mul3A_1217 = arith.constant 16 : i32
        %mul3A_1218 = arith.muli %add3A_1216, %mul3A_1217 : i32
        %get3A_1219 = arith.index_cast %mul3A_1218 : i32 to index
        %get3A_1220 = tpu.vector_load %arg7[%get3A_1219] {strides = array<i32>} : memref<20000xf32, #tpu.memory_space<vmem>>, vector<16xf32>,
        %get3A_1221 = vector.shape_cast %get3A_1220 : vector<16xf32> to vector<16xf32>
        %mul3A_1222 = arith.constant 16 : i32
        %mul3A_1223 = arith.muli %add3A_1216, %mul3A_1222 : i32
        %add3A_1224 = arith.constant 60000 : i32
        %add3A_1225 = arith.addi %add3A_1224, %mul3A_1223 : i32
        %add3A_1226 = vector.broadcast %add3A_1225 : i32 to vector<16xi32>
        %add3A_1227 = arith.addi %iota3A, %add3A_1226 : vector<16xi32>
        %gt3A_1228 = arith.cmpf ogt, %get3A_1221, %max3A_1047 : vector<16xf32>
        %max3A_1229 = arith.maximumf %get3A_1221, %max3A_1047 : vector<16xf32>
        %select_n3A_1230 = arith.select %gt3A_1228, %add3A_1227, %select_n3A_1048 : vector<16xi1>, vector<16xi32>
        %mul3A_1231 = arith.constant 10 : i32
        %mul3A_1232 = arith.muli %scan3A_1104, %mul3A_1231 : i32
        %add3A_1233 = arith.constant 7 : i32
        %add3A_1234 = arith.addi %mul3A_1232, %add3A_1233 : i32
        %mul3A_1235 = arith.constant 16 : i32
        %mul3A_1236 = arith.muli %add3A_1234, %mul3A_1235 : i32
        %get3A_1237 = arith.index_cast %mul3A_1236 : i32 to index
        %get3A_1238 = tpu.vector_load %arg7[%get3A_1237] {strides = array<i32>} : memref<20000xf32, #tpu.memory_space<vmem>>, vector<16xf32>,
        %get3A_1239 = vector.shape_cast %get3A_1238 : vector<16xf32> to vector<16xf32>
        %mul3A_1240 = arith.constant 16 : i32
        %mul3A_1241 = arith.muli %add3A_1234, %mul3A_1240 : i32
        %add3A_1242 = arith.constant 60000 : i32
        %add3A_1243 = arith.addi %add3A_1242, %mul3A_1241 : i32
        %add3A_1244 = vector.broadcast %add3A_1243 : i32 to vector<16xi32>
        %add3A_1245 = arith.addi %iota3A, %add3A_1244 : vector<16xi32>
        %gt3A_1246 = arith.cmpf ogt, %get3A_1239, %max3A_1065 : vector<16xf32>
        %max3A_1247 = arith.maximumf %get3A_1239, %max3A_1065 : vector<16xf32>
        %select_n3A_1248 = arith.select %gt3A_1246, %add3A_1245, %select_n3A_1066 : vector<16xi1>, vector<16xi32>
        %mul3A_1249 = arith.constant 10 : i32
        %mul3A_1250 = arith.muli %scan3A_1104, %mul3A_1249 : i32
        %add3A_1251 = arith.constant 8 : i32
        %add3A_1252 = arith.addi %mul3A_1250, %add3A_1251 : i32
        %mul3A_1253 = arith.constant 16 : i32
        %mul3A_1254 = arith.muli %add3A_1252, %mul3A_1253 : i32
        %get3A_1255 = arith.index_cast %mul3A_1254 : i32 to index
        %get3A_1256 = tpu.vector_load %arg7[%get3A_1255] {strides = array<i32>} : memref<20000xf32, #tpu.memory_space<vmem>>, vector<16xf32>,
        %get3A_1257 = vector.shape_cast %get3A_1256 : vector<16xf32> to vector<16xf32>
        %mul3A_1258 = arith.constant 16 : i32
        %mul3A_1259 = arith.muli %add3A_1252, %mul3A_1258 : i32
        %add3A_1260 = arith.constant 60000 : i32
        %add3A_1261 = arith.addi %add3A_1260, %mul3A_1259 : i32
        %add3A_1262 = vector.broadcast %add3A_1261 : i32 to vector<16xi32>
        %add3A_1263 = arith.addi %iota3A, %add3A_1262 : vector<16xi32>
        %gt3A_1264 = arith.cmpf ogt, %get3A_1257, %max3A_1083 : vector<16xf32>
        %max3A_1265 = arith.maximumf %get3A_1257, %max3A_1083 : vector<16xf32>
        %select_n3A_1266 = arith.select %gt3A_1264, %add3A_1263, %select_n3A_1084 : vector<16xi1>, vector<16xi32>
        %mul3A_1267 = arith.constant 10 : i32
        %mul3A_1268 = arith.muli %scan3A_1104, %mul3A_1267 : i32
        %add3A_1269 = arith.constant 9 : i32
        %add3A_1270 = arith.addi %mul3A_1268, %add3A_1269 : i32
        %mul3A_1271 = arith.constant 16 : i32
        %mul3A_1272 = arith.muli %add3A_1270, %mul3A_1271 : i32
        %get3A_1273 = arith.index_cast %mul3A_1272 : i32 to index
        %get3A_1274 = tpu.vector_load %arg7[%get3A_1273] {strides = array<i32>} : memref<20000xf32, #tpu.memory_space<vmem>>, vector<16xf32>,
        %get3A_1275 = vector.shape_cast %get3A_1274 : vector<16xf32> to vector<16xf32>
        %mul3A_1276 = arith.constant 16 : i32
        %mul3A_1277 = arith.muli %add3A_1270, %mul3A_1276 : i32
        %add3A_1278 = arith.constant 60000 : i32
        %add3A_1279 = arith.addi %add3A_1278, %mul3A_1277 : i32
        %add3A_1280 = vector.broadcast %add3A_1279 : i32 to vector<16xi32>
        %add3A_1281 = arith.addi %iota3A, %add3A_1280 : vector<16xi32>
        %gt3A_1282 = arith.cmpf ogt, %get3A_1275, %max3A_1101 : vector<16xf32>
        %max3A_1283 = arith.maximumf %get3A_1275, %max3A_1101 : vector<16xf32>
        %select_n3A_1284 = arith.select %gt3A_1282, %add3A_1281, %select_n3A_1102 : vector<16xi1>, vector<16xi32>
        scf.yield %max3A_1121, %select_n3A_1122, %max3A_1139, %select_n3A_1140, %max3A_1157, %select_n3A_1158, %max3A_1175, %select_n3A_1176, %max3A_1193, %select_n3A_1194, %max3A_1211, %select_n3A_1212, %max3A_1229, %select_n3A_1230, %max3A_1247, %select_n3A_1248, %max3A_1265, %select_n3A_1266, %max3A_1283, %select_n3A_1284 : vector<16xf32>, vector<16xi32>, vector<16xf32>, vector<16xi32>, vector<16xf32>, vector<16xi32>, vector<16xf32>, vector<16xi32>, vector<16xf32>, vector<16xi32>, vector<16xf32>, vector<16xi32>, vector<16xf32>, vector<16xi32>, vector<16xf32>, vector<16xi32>, vector<16xf32>, vector<16xi32>, vector<16xf32>, vector<16xi32>
      }
      %scan3A_110 = arith.constant 125 : i32
      %dma_wait3A_111 = tpu.memref_slice %arg2[%add3A_84] : memref<6400000xf32, #tpu.memory_space<hbm>> -> memref<20000xf32, #tpu.memory_space<hbm>>
      %dma_wait3A_112 = tpu.memref_slice %arg2[%add3A_84] : memref<6400000xf32, #tpu.memory_space<hbm>> -> memref<20000xf32, #tpu.memory_space<hbm>>
      tpu.wait_dma2 semaphore(%arg9 : memref<!tpu.dma_semaphore, #tpu.memory_space<semaphore_mem>>) src(%dma_wait3A_112 : memref<20000xf32, #tpu.memory_space<hbm>>) dst(%arg4 : memref<20000xf32, #tpu.memory_space<vmem>>)
      %scan3A_113 = arith.constant 0 : i32
      %scan3A_114 = arith.constant 125 : i32
      %scan3A_115 = arith.addi %scan3A_113, %scan3A_114 : i32
      %scan3A_116 = arith.constant 5 : i32
      %scan3A_117:20 = scf.for %scan3A_358 = %scan3A_113 to %scan3A_115 step %scan3A_116 iter_args(%scan3A_359 = %scan3A_109#0, %scan3A_360 = %scan3A_109#1, %scan3A_361 = %scan3A_109#2, %scan3A_362 = %scan3A_109#3, %scan3A_363 = %scan3A_109#4, %scan3A_364 = %scan3A_109#5, %scan3A_365 = %scan3A_109#6, %scan3A_366 = %scan3A_109#7, %scan3A_367 = %scan3A_109#8, %scan3A_368 = %scan3A_109#9, %scan3A_369 = %scan3A_109#10, %scan3A_370 = %scan3A_109#11, %scan3A_371 = %scan3A_109#12, %scan3A_372 = %scan3A_109#13, %scan3A_373 = %scan3A_109#14, %scan3A_374 = %scan3A_109#15, %scan3A_375 = %scan3A_109#16, %scan3A_376 = %scan3A_109#17, %scan3A_377 = %scan3A_109#18, %scan3A_378 = %scan3A_109#19) -> (vector<16xf32>, vector<16xi32>, vector<16xf32>, vector<16xi32>, vector<16xf32>, vector<16xi32>, vector<16xf32>, vector<16xi32>, vector<16xf32>, vector<16xi32>, vector<16xf32>, vector<16xi32>, vector<16xf32>, vector<16xi32>, vector<16xf32>, vector<16xi32>, vector<16xf32>, vector<16xi32>, vector<16xf32>, vector<16xi32>)  : i32 {
        %mul3A_379 = arith.constant 10 : i32
        %mul3A_380 = arith.muli %scan3A_358, %mul3A_379 : i32
        %add3A_381 = arith.constant 0 : i32
        %add3A_382 = arith.addi %mul3A_380, %add3A_381 : i32
        %mul3A_383 = arith.constant 16 : i32
        %mul3A_384 = arith.muli %add3A_382, %mul3A_383 : i32
        %get3A = arith.index_cast %mul3A_384 : i32 to index
        %get3A_385 = tpu.vector_load %arg4[%get3A] {strides = array<i32>} : memref<20000xf32, #tpu.memory_space<vmem>>, vector<16xf32>,
        %get3A_386 = vector.shape_cast %get3A_385 : vector<16xf32> to vector<16xf32>
        %mul3A_387 = arith.constant 16 : i32
        %mul3A_388 = arith.muli %add3A_382, %mul3A_387 : i32
        %add3A_389 = arith.constant 80000 : i32
        %add3A_390 = arith.addi %add3A_389, %mul3A_388 : i32
        %add3A_391 = vector.broadcast %add3A_390 : i32 to vector<16xi32>
        %add3A_392 = arith.addi %iota3A, %add3A_391 : vector<16xi32>
        %gt3A_393 = arith.cmpf ogt, %get3A_386, %scan3A_359 : vector<16xf32>
        %max3A = arith.maximumf %get3A_386, %scan3A_359 : vector<16xf32>
        %select_n3A_394 = arith.select %gt3A_393, %add3A_392, %scan3A_360 : vector<16xi1>, vector<16xi32>
        %mul3A_395 = arith.constant 10 : i32
        %mul3A_396 = arith.muli %scan3A_358, %mul3A_395 : i32
        %add3A_397 = arith.constant 1 : i32
        %add3A_398 = arith.addi %mul3A_396, %add3A_397 : i32
        %mul3A_399 = arith.constant 16 : i32
        %mul3A_400 = arith.muli %add3A_398, %mul3A_399 : i32
        %get3A_401 = arith.index_cast %mul3A_400 : i32 to index
        %get3A_402 = tpu.vector_load %arg4[%get3A_401] {strides = array<i32>} : memref<20000xf32, #tpu.memory_space<vmem>>, vector<16xf32>,
        %get3A_403 = vector.shape_cast %get3A_402 : vector<16xf32> to vector<16xf32>
        %mul3A_404 = arith.constant 16 : i32
        %mul3A_405 = arith.muli %add3A_398, %mul3A_404 : i32
        %add3A_406 = arith.constant 80000 : i32
        %add3A_407 = arith.addi %add3A_406, %mul3A_405 : i32
        %add3A_408 = vector.broadcast %add3A_407 : i32 to vector<16xi32>
        %add3A_409 = arith.addi %iota3A, %add3A_408 : vector<16xi32>
        %gt3A_410 = arith.cmpf ogt, %get3A_403, %scan3A_361 : vector<16xf32>
        %max3A_411 = arith.maximumf %get3A_403, %scan3A_361 : vector<16xf32>
        %select_n3A_412 = arith.select %gt3A_410, %add3A_409, %scan3A_362 : vector<16xi1>, vector<16xi32>
        %mul3A_413 = arith.constant 10 : i32
        %mul3A_414 = arith.muli %scan3A_358, %mul3A_413 : i32
        %add3A_415 = arith.constant 2 : i32
        %add3A_416 = arith.addi %mul3A_414, %add3A_415 : i32
        %mul3A_417 = arith.constant 16 : i32
        %mul3A_418 = arith.muli %add3A_416, %mul3A_417 : i32
        %get3A_419 = arith.index_cast %mul3A_418 : i32 to index
        %get3A_420 = tpu.vector_load %arg4[%get3A_419] {strides = array<i32>} : memref<20000xf32, #tpu.memory_space<vmem>>, vector<16xf32>,
        %get3A_421 = vector.shape_cast %get3A_420 : vector<16xf32> to vector<16xf32>
        %mul3A_422 = arith.constant 16 : i32
        %mul3A_423 = arith.muli %add3A_416, %mul3A_422 : i32
        %add3A_424 = arith.constant 80000 : i32
        %add3A_425 = arith.addi %add3A_424, %mul3A_423 : i32
        %add3A_426 = vector.broadcast %add3A_425 : i32 to vector<16xi32>
        %add3A_427 = arith.addi %iota3A, %add3A_426 : vector<16xi32>
        %gt3A_428 = arith.cmpf ogt, %get3A_421, %scan3A_363 : vector<16xf32>
        %max3A_429 = arith.maximumf %get3A_421, %scan3A_363 : vector<16xf32>
        %select_n3A_430 = arith.select %gt3A_428, %add3A_427, %scan3A_364 : vector<16xi1>, vector<16xi32>
        %mul3A_431 = arith.constant 10 : i32
        %mul3A_432 = arith.muli %scan3A_358, %mul3A_431 : i32
        %add3A_433 = arith.constant 3 : i32
        %add3A_434 = arith.addi %mul3A_432, %add3A_433 : i32
        %mul3A_435 = arith.constant 16 : i32
        %mul3A_436 = arith.muli %add3A_434, %mul3A_435 : i32
        %get3A_437 = arith.index_cast %mul3A_436 : i32 to index
        %get3A_438 = tpu.vector_load %arg4[%get3A_437] {strides = array<i32>} : memref<20000xf32, #tpu.memory_space<vmem>>, vector<16xf32>,
        %get3A_439 = vector.shape_cast %get3A_438 : vector<16xf32> to vector<16xf32>
        %mul3A_440 = arith.constant 16 : i32
        %mul3A_441 = arith.muli %add3A_434, %mul3A_440 : i32
        %add3A_442 = arith.constant 80000 : i32
        %add3A_443 = arith.addi %add3A_442, %mul3A_441 : i32
        %add3A_444 = vector.broadcast %add3A_443 : i32 to vector<16xi32>
        %add3A_445 = arith.addi %iota3A, %add3A_444 : vector<16xi32>
        %gt3A_446 = arith.cmpf ogt, %get3A_439, %scan3A_365 : vector<16xf32>
        %max3A_447 = arith.maximumf %get3A_439, %scan3A_365 : vector<16xf32>
        %select_n3A_448 = arith.select %gt3A_446, %add3A_445, %scan3A_366 : vector<16xi1>, vector<16xi32>
        %mul3A_449 = arith.constant 10 : i32
        %mul3A_450 = arith.muli %scan3A_358, %mul3A_449 : i32
        %add3A_451 = arith.constant 4 : i32
        %add3A_452 = arith.addi %mul3A_450, %add3A_451 : i32
        %mul3A_453 = arith.constant 16 : i32
        %mul3A_454 = arith.muli %add3A_452, %mul3A_453 : i32
        %get3A_455 = arith.index_cast %mul3A_454 : i32 to index
        %get3A_456 = tpu.vector_load %arg4[%get3A_455] {strides = array<i32>} : memref<20000xf32, #tpu.memory_space<vmem>>, vector<16xf32>,
        %get3A_457 = vector.shape_cast %get3A_456 : vector<16xf32> to vector<16xf32>
        %mul3A_458 = arith.constant 16 : i32
        %mul3A_459 = arith.muli %add3A_452, %mul3A_458 : i32
        %add3A_460 = arith.constant 80000 : i32
        %add3A_461 = arith.addi %add3A_460, %mul3A_459 : i32
        %add3A_462 = vector.broadcast %add3A_461 : i32 to vector<16xi32>
        %add3A_463 = arith.addi %iota3A, %add3A_462 : vector<16xi32>
        %gt3A_464 = arith.cmpf ogt, %get3A_457, %scan3A_367 : vector<16xf32>
        %max3A_465 = arith.maximumf %get3A_457, %scan3A_367 : vector<16xf32>
        %select_n3A_466 = arith.select %gt3A_464, %add3A_463, %scan3A_368 : vector<16xi1>, vector<16xi32>
        %mul3A_467 = arith.constant 10 : i32
        %mul3A_468 = arith.muli %scan3A_358, %mul3A_467 : i32
        %add3A_469 = arith.constant 5 : i32
        %add3A_470 = arith.addi %mul3A_468, %add3A_469 : i32
        %mul3A_471 = arith.constant 16 : i32
        %mul3A_472 = arith.muli %add3A_470, %mul3A_471 : i32
        %get3A_473 = arith.index_cast %mul3A_472 : i32 to index
        %get3A_474 = tpu.vector_load %arg4[%get3A_473] {strides = array<i32>} : memref<20000xf32, #tpu.memory_space<vmem>>, vector<16xf32>,
        %get3A_475 = vector.shape_cast %get3A_474 : vector<16xf32> to vector<16xf32>
        %mul3A_476 = arith.constant 16 : i32
        %mul3A_477 = arith.muli %add3A_470, %mul3A_476 : i32
        %add3A_478 = arith.constant 80000 : i32
        %add3A_479 = arith.addi %add3A_478, %mul3A_477 : i32
        %add3A_480 = vector.broadcast %add3A_479 : i32 to vector<16xi32>
        %add3A_481 = arith.addi %iota3A, %add3A_480 : vector<16xi32>
        %gt3A_482 = arith.cmpf ogt, %get3A_475, %scan3A_369 : vector<16xf32>
        %max3A_483 = arith.maximumf %get3A_475, %scan3A_369 : vector<16xf32>
        %select_n3A_484 = arith.select %gt3A_482, %add3A_481, %scan3A_370 : vector<16xi1>, vector<16xi32>
        %mul3A_485 = arith.constant 10 : i32
        %mul3A_486 = arith.muli %scan3A_358, %mul3A_485 : i32
        %add3A_487 = arith.constant 6 : i32
        %add3A_488 = arith.addi %mul3A_486, %add3A_487 : i32
        %mul3A_489 = arith.constant 16 : i32
        %mul3A_490 = arith.muli %add3A_488, %mul3A_489 : i32
        %get3A_491 = arith.index_cast %mul3A_490 : i32 to index
        %get3A_492 = tpu.vector_load %arg4[%get3A_491] {strides = array<i32>} : memref<20000xf32, #tpu.memory_space<vmem>>, vector<16xf32>,
        %get3A_493 = vector.shape_cast %get3A_492 : vector<16xf32> to vector<16xf32>
        %mul3A_494 = arith.constant 16 : i32
        %mul3A_495 = arith.muli %add3A_488, %mul3A_494 : i32
        %add3A_496 = arith.constant 80000 : i32
        %add3A_497 = arith.addi %add3A_496, %mul3A_495 : i32
        %add3A_498 = vector.broadcast %add3A_497 : i32 to vector<16xi32>
        %add3A_499 = arith.addi %iota3A, %add3A_498 : vector<16xi32>
        %gt3A_500 = arith.cmpf ogt, %get3A_493, %scan3A_371 : vector<16xf32>
        %max3A_501 = arith.maximumf %get3A_493, %scan3A_371 : vector<16xf32>
        %select_n3A_502 = arith.select %gt3A_500, %add3A_499, %scan3A_372 : vector<16xi1>, vector<16xi32>
        %mul3A_503 = arith.constant 10 : i32
        %mul3A_504 = arith.muli %scan3A_358, %mul3A_503 : i32
        %add3A_505 = arith.constant 7 : i32
        %add3A_506 = arith.addi %mul3A_504, %add3A_505 : i32
        %mul3A_507 = arith.constant 16 : i32
        %mul3A_508 = arith.muli %add3A_506, %mul3A_507 : i32
        %get3A_509 = arith.index_cast %mul3A_508 : i32 to index
        %get3A_510 = tpu.vector_load %arg4[%get3A_509] {strides = array<i32>} : memref<20000xf32, #tpu.memory_space<vmem>>, vector<16xf32>,
        %get3A_511 = vector.shape_cast %get3A_510 : vector<16xf32> to vector<16xf32>
        %mul3A_512 = arith.constant 16 : i32
        %mul3A_513 = arith.muli %add3A_506, %mul3A_512 : i32
        %add3A_514 = arith.constant 80000 : i32
        %add3A_515 = arith.addi %add3A_514, %mul3A_513 : i32
        %add3A_516 = vector.broadcast %add3A_515 : i32 to vector<16xi32>
        %add3A_517 = arith.addi %iota3A, %add3A_516 : vector<16xi32>
        %gt3A_518 = arith.cmpf ogt, %get3A_511, %scan3A_373 : vector<16xf32>
        %max3A_519 = arith.maximumf %get3A_511, %scan3A_373 : vector<16xf32>
        %select_n3A_520 = arith.select %gt3A_518, %add3A_517, %scan3A_374 : vector<16xi1>, vector<16xi32>
        %mul3A_521 = arith.constant 10 : i32
        %mul3A_522 = arith.muli %scan3A_358, %mul3A_521 : i32
        %add3A_523 = arith.constant 8 : i32
        %add3A_524 = arith.addi %mul3A_522, %add3A_523 : i32
        %mul3A_525 = arith.constant 16 : i32
        %mul3A_526 = arith.muli %add3A_524, %mul3A_525 : i32
        %get3A_527 = arith.index_cast %mul3A_526 : i32 to index
        %get3A_528 = tpu.vector_load %arg4[%get3A_527] {strides = array<i32>} : memref<20000xf32, #tpu.memory_space<vmem>>, vector<16xf32>,
        %get3A_529 = vector.shape_cast %get3A_528 : vector<16xf32> to vector<16xf32>
        %mul3A_530 = arith.constant 16 : i32
        %mul3A_531 = arith.muli %add3A_524, %mul3A_530 : i32
        %add3A_532 = arith.constant 80000 : i32
        %add3A_533 = arith.addi %add3A_532, %mul3A_531 : i32
        %add3A_534 = vector.broadcast %add3A_533 : i32 to vector<16xi32>
        %add3A_535 = arith.addi %iota3A, %add3A_534 : vector<16xi32>
        %gt3A_536 = arith.cmpf ogt, %get3A_529, %scan3A_375 : vector<16xf32>
        %max3A_537 = arith.maximumf %get3A_529, %scan3A_375 : vector<16xf32>
        %select_n3A_538 = arith.select %gt3A_536, %add3A_535, %scan3A_376 : vector<16xi1>, vector<16xi32>
        %mul3A_539 = arith.constant 10 : i32
        %mul3A_540 = arith.muli %scan3A_358, %mul3A_539 : i32
        %add3A_541 = arith.constant 9 : i32
        %add3A_542 = arith.addi %mul3A_540, %add3A_541 : i32
        %mul3A_543 = arith.constant 16 : i32
        %mul3A_544 = arith.muli %add3A_542, %mul3A_543 : i32
        %get3A_545 = arith.index_cast %mul3A_544 : i32 to index
        %get3A_546 = tpu.vector_load %arg4[%get3A_545] {strides = array<i32>} : memref<20000xf32, #tpu.memory_space<vmem>>, vector<16xf32>,
        %get3A_547 = vector.shape_cast %get3A_546 : vector<16xf32> to vector<16xf32>
        %mul3A_548 = arith.constant 16 : i32
        %mul3A_549 = arith.muli %add3A_542, %mul3A_548 : i32
        %add3A_550 = arith.constant 80000 : i32
        %add3A_551 = arith.addi %add3A_550, %mul3A_549 : i32
        %add3A_552 = vector.broadcast %add3A_551 : i32 to vector<16xi32>
        %add3A_553 = arith.addi %iota3A, %add3A_552 : vector<16xi32>
        %gt3A_554 = arith.cmpf ogt, %get3A_547, %scan3A_377 : vector<16xf32>
        %max3A_555 = arith.maximumf %get3A_547, %scan3A_377 : vector<16xf32>
        %select_n3A_556 = arith.select %gt3A_554, %add3A_553, %scan3A_378 : vector<16xi1>, vector<16xi32>
        %scan3A_557 = arith.constant 1 : i32
        %scan3A_558 = arith.addi %scan3A_358, %scan3A_557 : i32
        %mul3A_559 = arith.constant 10 : i32
        %mul3A_560 = arith.muli %scan3A_558, %mul3A_559 : i32
        %add3A_561 = arith.constant 0 : i32
        %add3A_562 = arith.addi %mul3A_560, %add3A_561 : i32
        %mul3A_563 = arith.constant 16 : i32
        %mul3A_564 = arith.muli %add3A_562, %mul3A_563 : i32
        %get3A_565 = arith.index_cast %mul3A_564 : i32 to index
        %get3A_566 = tpu.vector_load %arg4[%get3A_565] {strides = array<i32>} : memref<20000xf32, #tpu.memory_space<vmem>>, vector<16xf32>,
        %get3A_567 = vector.shape_cast %get3A_566 : vector<16xf32> to vector<16xf32>
        %mul3A_568 = arith.constant 16 : i32
        %mul3A_569 = arith.muli %add3A_562, %mul3A_568 : i32
        %add3A_570 = arith.constant 80000 : i32
        %add3A_571 = arith.addi %add3A_570, %mul3A_569 : i32
        %add3A_572 = vector.broadcast %add3A_571 : i32 to vector<16xi32>
        %add3A_573 = arith.addi %iota3A, %add3A_572 : vector<16xi32>
        %gt3A_574 = arith.cmpf ogt, %get3A_567, %max3A : vector<16xf32>
        %max3A_575 = arith.maximumf %get3A_567, %max3A : vector<16xf32>
        %select_n3A_576 = arith.select %gt3A_574, %add3A_573, %select_n3A_394 : vector<16xi1>, vector<16xi32>
        %mul3A_577 = arith.constant 10 : i32
        %mul3A_578 = arith.muli %scan3A_558, %mul3A_577 : i32
        %add3A_579 = arith.constant 1 : i32
        %add3A_580 = arith.addi %mul3A_578, %add3A_579 : i32
        %mul3A_581 = arith.constant 16 : i32
        %mul3A_582 = arith.muli %add3A_580, %mul3A_581 : i32
        %get3A_583 = arith.index_cast %mul3A_582 : i32 to index
        %get3A_584 = tpu.vector_load %arg4[%get3A_583] {strides = array<i32>} : memref<20000xf32, #tpu.memory_space<vmem>>, vector<16xf32>,
        %get3A_585 = vector.shape_cast %get3A_584 : vector<16xf32> to vector<16xf32>
        %mul3A_586 = arith.constant 16 : i32
        %mul3A_587 = arith.muli %add3A_580, %mul3A_586 : i32
        %add3A_588 = arith.constant 80000 : i32
        %add3A_589 = arith.addi %add3A_588, %mul3A_587 : i32
        %add3A_590 = vector.broadcast %add3A_589 : i32 to vector<16xi32>
        %add3A_591 = arith.addi %iota3A, %add3A_590 : vector<16xi32>
        %gt3A_592 = arith.cmpf ogt, %get3A_585, %max3A_411 : vector<16xf32>
        %max3A_593 = arith.maximumf %get3A_585, %max3A_411 : vector<16xf32>
        %select_n3A_594 = arith.select %gt3A_592, %add3A_591, %select_n3A_412 : vector<16xi1>, vector<16xi32>
        %mul3A_595 = arith.constant 10 : i32
        %mul3A_596 = arith.muli %scan3A_558, %mul3A_595 : i32
        %add3A_597 = arith.constant 2 : i32
        %add3A_598 = arith.addi %mul3A_596, %add3A_597 : i32
        %mul3A_599 = arith.constant 16 : i32
        %mul3A_600 = arith.muli %add3A_598, %mul3A_599 : i32
        %get3A_601 = arith.index_cast %mul3A_600 : i32 to index
        %get3A_602 = tpu.vector_load %arg4[%get3A_601] {strides = array<i32>} : memref<20000xf32, #tpu.memory_space<vmem>>, vector<16xf32>,
        %get3A_603 = vector.shape_cast %get3A_602 : vector<16xf32> to vector<16xf32>
        %mul3A_604 = arith.constant 16 : i32
        %mul3A_605 = arith.muli %add3A_598, %mul3A_604 : i32
        %add3A_606 = arith.constant 80000 : i32
        %add3A_607 = arith.addi %add3A_606, %mul3A_605 : i32
        %add3A_608 = vector.broadcast %add3A_607 : i32 to vector<16xi32>
        %add3A_609 = arith.addi %iota3A, %add3A_608 : vector<16xi32>
        %gt3A_610 = arith.cmpf ogt, %get3A_603, %max3A_429 : vector<16xf32>
        %max3A_611 = arith.maximumf %get3A_603, %max3A_429 : vector<16xf32>
        %select_n3A_612 = arith.select %gt3A_610, %add3A_609, %select_n3A_430 : vector<16xi1>, vector<16xi32>
        %mul3A_613 = arith.constant 10 : i32
        %mul3A_614 = arith.muli %scan3A_558, %mul3A_613 : i32
        %add3A_615 = arith.constant 3 : i32
        %add3A_616 = arith.addi %mul3A_614, %add3A_615 : i32
        %mul3A_617 = arith.constant 16 : i32
        %mul3A_618 = arith.muli %add3A_616, %mul3A_617 : i32
        %get3A_619 = arith.index_cast %mul3A_618 : i32 to index
        %get3A_620 = tpu.vector_load %arg4[%get3A_619] {strides = array<i32>} : memref<20000xf32, #tpu.memory_space<vmem>>, vector<16xf32>,
        %get3A_621 = vector.shape_cast %get3A_620 : vector<16xf32> to vector<16xf32>
        %mul3A_622 = arith.constant 16 : i32
        %mul3A_623 = arith.muli %add3A_616, %mul3A_622 : i32
        %add3A_624 = arith.constant 80000 : i32
        %add3A_625 = arith.addi %add3A_624, %mul3A_623 : i32
        %add3A_626 = vector.broadcast %add3A_625 : i32 to vector<16xi32>
        %add3A_627 = arith.addi %iota3A, %add3A_626 : vector<16xi32>
        %gt3A_628 = arith.cmpf ogt, %get3A_621, %max3A_447 : vector<16xf32>
        %max3A_629 = arith.maximumf %get3A_621, %max3A_447 : vector<16xf32>
        %select_n3A_630 = arith.select %gt3A_628, %add3A_627, %select_n3A_448 : vector<16xi1>, vector<16xi32>
        %mul3A_631 = arith.constant 10 : i32
        %mul3A_632 = arith.muli %scan3A_558, %mul3A_631 : i32
        %add3A_633 = arith.constant 4 : i32
        %add3A_634 = arith.addi %mul3A_632, %add3A_633 : i32
        %mul3A_635 = arith.constant 16 : i32
        %mul3A_636 = arith.muli %add3A_634, %mul3A_635 : i32
        %get3A_637 = arith.index_cast %mul3A_636 : i32 to index
        %get3A_638 = tpu.vector_load %arg4[%get3A_637] {strides = array<i32>} : memref<20000xf32, #tpu.memory_space<vmem>>, vector<16xf32>,
        %get3A_639 = vector.shape_cast %get3A_638 : vector<16xf32> to vector<16xf32>
        %mul3A_640 = arith.constant 16 : i32
        %mul3A_641 = arith.muli %add3A_634, %mul3A_640 : i32
        %add3A_642 = arith.constant 80000 : i32
        %add3A_643 = arith.addi %add3A_642, %mul3A_641 : i32
        %add3A_644 = vector.broadcast %add3A_643 : i32 to vector<16xi32>
        %add3A_645 = arith.addi %iota3A, %add3A_644 : vector<16xi32>
        %gt3A_646 = arith.cmpf ogt, %get3A_639, %max3A_465 : vector<16xf32>
        %max3A_647 = arith.maximumf %get3A_639, %max3A_465 : vector<16xf32>
        %select_n3A_648 = arith.select %gt3A_646, %add3A_645, %select_n3A_466 : vector<16xi1>, vector<16xi32>
        %mul3A_649 = arith.constant 10 : i32
        %mul3A_650 = arith.muli %scan3A_558, %mul3A_649 : i32
        %add3A_651 = arith.constant 5 : i32
        %add3A_652 = arith.addi %mul3A_650, %add3A_651 : i32
        %mul3A_653 = arith.constant 16 : i32
        %mul3A_654 = arith.muli %add3A_652, %mul3A_653 : i32
        %get3A_655 = arith.index_cast %mul3A_654 : i32 to index
        %get3A_656 = tpu.vector_load %arg4[%get3A_655] {strides = array<i32>} : memref<20000xf32, #tpu.memory_space<vmem>>, vector<16xf32>,
        %get3A_657 = vector.shape_cast %get3A_656 : vector<16xf32> to vector<16xf32>
        %mul3A_658 = arith.constant 16 : i32
        %mul3A_659 = arith.muli %add3A_652, %mul3A_658 : i32
        %add3A_660 = arith.constant 80000 : i32
        %add3A_661 = arith.addi %add3A_660, %mul3A_659 : i32
        %add3A_662 = vector.broadcast %add3A_661 : i32 to vector<16xi32>
        %add3A_663 = arith.addi %iota3A, %add3A_662 : vector<16xi32>
        %gt3A_664 = arith.cmpf ogt, %get3A_657, %max3A_483 : vector<16xf32>
        %max3A_665 = arith.maximumf %get3A_657, %max3A_483 : vector<16xf32>
        %select_n3A_666 = arith.select %gt3A_664, %add3A_663, %select_n3A_484 : vector<16xi1>, vector<16xi32>
        %mul3A_667 = arith.constant 10 : i32
        %mul3A_668 = arith.muli %scan3A_558, %mul3A_667 : i32
        %add3A_669 = arith.constant 6 : i32
        %add3A_670 = arith.addi %mul3A_668, %add3A_669 : i32
        %mul3A_671 = arith.constant 16 : i32
        %mul3A_672 = arith.muli %add3A_670, %mul3A_671 : i32
        %get3A_673 = arith.index_cast %mul3A_672 : i32 to index
        %get3A_674 = tpu.vector_load %arg4[%get3A_673] {strides = array<i32>} : memref<20000xf32, #tpu.memory_space<vmem>>, vector<16xf32>,
        %get3A_675 = vector.shape_cast %get3A_674 : vector<16xf32> to vector<16xf32>
        %mul3A_676 = arith.constant 16 : i32
        %mul3A_677 = arith.muli %add3A_670, %mul3A_676 : i32
        %add3A_678 = arith.constant 80000 : i32
        %add3A_679 = arith.addi %add3A_678, %mul3A_677 : i32
        %add3A_680 = vector.broadcast %add3A_679 : i32 to vector<16xi32>
        %add3A_681 = arith.addi %iota3A, %add3A_680 : vector<16xi32>
        %gt3A_682 = arith.cmpf ogt, %get3A_675, %max3A_501 : vector<16xf32>
        %max3A_683 = arith.maximumf %get3A_675, %max3A_501 : vector<16xf32>
        %select_n3A_684 = arith.select %gt3A_682, %add3A_681, %select_n3A_502 : vector<16xi1>, vector<16xi32>
        %mul3A_685 = arith.constant 10 : i32
        %mul3A_686 = arith.muli %scan3A_558, %mul3A_685 : i32
        %add3A_687 = arith.constant 7 : i32
        %add3A_688 = arith.addi %mul3A_686, %add3A_687 : i32
        %mul3A_689 = arith.constant 16 : i32
        %mul3A_690 = arith.muli %add3A_688, %mul3A_689 : i32
        %get3A_691 = arith.index_cast %mul3A_690 : i32 to index
        %get3A_692 = tpu.vector_load %arg4[%get3A_691] {strides = array<i32>} : memref<20000xf32, #tpu.memory_space<vmem>>, vector<16xf32>,
        %get3A_693 = vector.shape_cast %get3A_692 : vector<16xf32> to vector<16xf32>
        %mul3A_694 = arith.constant 16 : i32
        %mul3A_695 = arith.muli %add3A_688, %mul3A_694 : i32
        %add3A_696 = arith.constant 80000 : i32
        %add3A_697 = arith.addi %add3A_696, %mul3A_695 : i32
        %add3A_698 = vector.broadcast %add3A_697 : i32 to vector<16xi32>
        %add3A_699 = arith.addi %iota3A, %add3A_698 : vector<16xi32>
        %gt3A_700 = arith.cmpf ogt, %get3A_693, %max3A_519 : vector<16xf32>
        %max3A_701 = arith.maximumf %get3A_693, %max3A_519 : vector<16xf32>
        %select_n3A_702 = arith.select %gt3A_700, %add3A_699, %select_n3A_520 : vector<16xi1>, vector<16xi32>
        %mul3A_703 = arith.constant 10 : i32
        %mul3A_704 = arith.muli %scan3A_558, %mul3A_703 : i32
        %add3A_705 = arith.constant 8 : i32
        %add3A_706 = arith.addi %mul3A_704, %add3A_705 : i32
        %mul3A_707 = arith.constant 16 : i32
        %mul3A_708 = arith.muli %add3A_706, %mul3A_707 : i32
        %get3A_709 = arith.index_cast %mul3A_708 : i32 to index
        %get3A_710 = tpu.vector_load %arg4[%get3A_709] {strides = array<i32>} : memref<20000xf32, #tpu.memory_space<vmem>>, vector<16xf32>,
        %get3A_711 = vector.shape_cast %get3A_710 : vector<16xf32> to vector<16xf32>
        %mul3A_712 = arith.constant 16 : i32
        %mul3A_713 = arith.muli %add3A_706, %mul3A_712 : i32
        %add3A_714 = arith.constant 80000 : i32
        %add3A_715 = arith.addi %add3A_714, %mul3A_713 : i32
        %add3A_716 = vector.broadcast %add3A_715 : i32 to vector<16xi32>
        %add3A_717 = arith.addi %iota3A, %add3A_716 : vector<16xi32>
        %gt3A_718 = arith.cmpf ogt, %get3A_711, %max3A_537 : vector<16xf32>
        %max3A_719 = arith.maximumf %get3A_711, %max3A_537 : vector<16xf32>
        %select_n3A_720 = arith.select %gt3A_718, %add3A_717, %select_n3A_538 : vector<16xi1>, vector<16xi32>
        %mul3A_721 = arith.constant 10 : i32
        %mul3A_722 = arith.muli %scan3A_558, %mul3A_721 : i32
        %add3A_723 = arith.constant 9 : i32
        %add3A_724 = arith.addi %mul3A_722, %add3A_723 : i32
        %mul3A_725 = arith.constant 16 : i32
        %mul3A_726 = arith.muli %add3A_724, %mul3A_725 : i32
        %get3A_727 = arith.index_cast %mul3A_726 : i32 to index
        %get3A_728 = tpu.vector_load %arg4[%get3A_727] {strides = array<i32>} : memref<20000xf32, #tpu.memory_space<vmem>>, vector<16xf32>,
        %get3A_729 = vector.shape_cast %get3A_728 : vector<16xf32> to vector<16xf32>
        %mul3A_730 = arith.constant 16 : i32
        %mul3A_731 = arith.muli %add3A_724, %mul3A_730 : i32
        %add3A_732 = arith.constant 80000 : i32
        %add3A_733 = arith.addi %add3A_732, %mul3A_731 : i32
        %add3A_734 = vector.broadcast %add3A_733 : i32 to vector<16xi32>
        %add3A_735 = arith.addi %iota3A, %add3A_734 : vector<16xi32>
        %gt3A_736 = arith.cmpf ogt, %get3A_729, %max3A_555 : vector<16xf32>
        %max3A_737 = arith.maximumf %get3A_729, %max3A_555 : vector<16xf32>
        %select_n3A_738 = arith.select %gt3A_736, %add3A_735, %select_n3A_556 : vector<16xi1>, vector<16xi32>
        %scan3A_739 = arith.constant 2 : i32
        %scan3A_740 = arith.addi %scan3A_358, %scan3A_739 : i32
        %mul3A_741 = arith.constant 10 : i32
        %mul3A_742 = arith.muli %scan3A_740, %mul3A_741 : i32
        %add3A_743 = arith.constant 0 : i32
        %add3A_744 = arith.addi %mul3A_742, %add3A_743 : i32
        %mul3A_745 = arith.constant 16 : i32
        %mul3A_746 = arith.muli %add3A_744, %mul3A_745 : i32
        %get3A_747 = arith.index_cast %mul3A_746 : i32 to index
        %get3A_748 = tpu.vector_load %arg4[%get3A_747] {strides = array<i32>} : memref<20000xf32, #tpu.memory_space<vmem>>, vector<16xf32>,
        %get3A_749 = vector.shape_cast %get3A_748 : vector<16xf32> to vector<16xf32>
        %mul3A_750 = arith.constant 16 : i32
        %mul3A_751 = arith.muli %add3A_744, %mul3A_750 : i32
        %add3A_752 = arith.constant 80000 : i32
        %add3A_753 = arith.addi %add3A_752, %mul3A_751 : i32
        %add3A_754 = vector.broadcast %add3A_753 : i32 to vector<16xi32>
        %add3A_755 = arith.addi %iota3A, %add3A_754 : vector<16xi32>
        %gt3A_756 = arith.cmpf ogt, %get3A_749, %max3A_575 : vector<16xf32>
        %max3A_757 = arith.maximumf %get3A_749, %max3A_575 : vector<16xf32>
        %select_n3A_758 = arith.select %gt3A_756, %add3A_755, %select_n3A_576 : vector<16xi1>, vector<16xi32>
        %mul3A_759 = arith.constant 10 : i32
        %mul3A_760 = arith.muli %scan3A_740, %mul3A_759 : i32
        %add3A_761 = arith.constant 1 : i32
        %add3A_762 = arith.addi %mul3A_760, %add3A_761 : i32
        %mul3A_763 = arith.constant 16 : i32
        %mul3A_764 = arith.muli %add3A_762, %mul3A_763 : i32
        %get3A_765 = arith.index_cast %mul3A_764 : i32 to index
        %get3A_766 = tpu.vector_load %arg4[%get3A_765] {strides = array<i32>} : memref<20000xf32, #tpu.memory_space<vmem>>, vector<16xf32>,
        %get3A_767 = vector.shape_cast %get3A_766 : vector<16xf32> to vector<16xf32>
        %mul3A_768 = arith.constant 16 : i32
        %mul3A_769 = arith.muli %add3A_762, %mul3A_768 : i32
        %add3A_770 = arith.constant 80000 : i32
        %add3A_771 = arith.addi %add3A_770, %mul3A_769 : i32
        %add3A_772 = vector.broadcast %add3A_771 : i32 to vector<16xi32>
        %add3A_773 = arith.addi %iota3A, %add3A_772 : vector<16xi32>
        %gt3A_774 = arith.cmpf ogt, %get3A_767, %max3A_593 : vector<16xf32>
        %max3A_775 = arith.maximumf %get3A_767, %max3A_593 : vector<16xf32>
        %select_n3A_776 = arith.select %gt3A_774, %add3A_773, %select_n3A_594 : vector<16xi1>, vector<16xi32>
        %mul3A_777 = arith.constant 10 : i32
        %mul3A_778 = arith.muli %scan3A_740, %mul3A_777 : i32
        %add3A_779 = arith.constant 2 : i32
        %add3A_780 = arith.addi %mul3A_778, %add3A_779 : i32
        %mul3A_781 = arith.constant 16 : i32
        %mul3A_782 = arith.muli %add3A_780, %mul3A_781 : i32
        %get3A_783 = arith.index_cast %mul3A_782 : i32 to index
        %get3A_784 = tpu.vector_load %arg4[%get3A_783] {strides = array<i32>} : memref<20000xf32, #tpu.memory_space<vmem>>, vector<16xf32>,
        %get3A_785 = vector.shape_cast %get3A_784 : vector<16xf32> to vector<16xf32>
        %mul3A_786 = arith.constant 16 : i32
        %mul3A_787 = arith.muli %add3A_780, %mul3A_786 : i32
        %add3A_788 = arith.constant 80000 : i32
        %add3A_789 = arith.addi %add3A_788, %mul3A_787 : i32
        %add3A_790 = vector.broadcast %add3A_789 : i32 to vector<16xi32>
        %add3A_791 = arith.addi %iota3A, %add3A_790 : vector<16xi32>
        %gt3A_792 = arith.cmpf ogt, %get3A_785, %max3A_611 : vector<16xf32>
        %max3A_793 = arith.maximumf %get3A_785, %max3A_611 : vector<16xf32>
        %select_n3A_794 = arith.select %gt3A_792, %add3A_791, %select_n3A_612 : vector<16xi1>, vector<16xi32>
        %mul3A_795 = arith.constant 10 : i32
        %mul3A_796 = arith.muli %scan3A_740, %mul3A_795 : i32
        %add3A_797 = arith.constant 3 : i32
        %add3A_798 = arith.addi %mul3A_796, %add3A_797 : i32
        %mul3A_799 = arith.constant 16 : i32
        %mul3A_800 = arith.muli %add3A_798, %mul3A_799 : i32
        %get3A_801 = arith.index_cast %mul3A_800 : i32 to index
        %get3A_802 = tpu.vector_load %arg4[%get3A_801] {strides = array<i32>} : memref<20000xf32, #tpu.memory_space<vmem>>, vector<16xf32>,
        %get3A_803 = vector.shape_cast %get3A_802 : vector<16xf32> to vector<16xf32>
        %mul3A_804 = arith.constant 16 : i32
        %mul3A_805 = arith.muli %add3A_798, %mul3A_804 : i32
        %add3A_806 = arith.constant 80000 : i32
        %add3A_807 = arith.addi %add3A_806, %mul3A_805 : i32
        %add3A_808 = vector.broadcast %add3A_807 : i32 to vector<16xi32>
        %add3A_809 = arith.addi %iota3A, %add3A_808 : vector<16xi32>
        %gt3A_810 = arith.cmpf ogt, %get3A_803, %max3A_629 : vector<16xf32>
        %max3A_811 = arith.maximumf %get3A_803, %max3A_629 : vector<16xf32>
        %select_n3A_812 = arith.select %gt3A_810, %add3A_809, %select_n3A_630 : vector<16xi1>, vector<16xi32>
        %mul3A_813 = arith.constant 10 : i32
        %mul3A_814 = arith.muli %scan3A_740, %mul3A_813 : i32
        %add3A_815 = arith.constant 4 : i32
        %add3A_816 = arith.addi %mul3A_814, %add3A_815 : i32
        %mul3A_817 = arith.constant 16 : i32
        %mul3A_818 = arith.muli %add3A_816, %mul3A_817 : i32
        %get3A_819 = arith.index_cast %mul3A_818 : i32 to index
        %get3A_820 = tpu.vector_load %arg4[%get3A_819] {strides = array<i32>} : memref<20000xf32, #tpu.memory_space<vmem>>, vector<16xf32>,
        %get3A_821 = vector.shape_cast %get3A_820 : vector<16xf32> to vector<16xf32>
        %mul3A_822 = arith.constant 16 : i32
        %mul3A_823 = arith.muli %add3A_816, %mul3A_822 : i32
        %add3A_824 = arith.constant 80000 : i32
        %add3A_825 = arith.addi %add3A_824, %mul3A_823 : i32
        %add3A_826 = vector.broadcast %add3A_825 : i32 to vector<16xi32>
        %add3A_827 = arith.addi %iota3A, %add3A_826 : vector<16xi32>
        %gt3A_828 = arith.cmpf ogt, %get3A_821, %max3A_647 : vector<16xf32>
        %max3A_829 = arith.maximumf %get3A_821, %max3A_647 : vector<16xf32>
        %select_n3A_830 = arith.select %gt3A_828, %add3A_827, %select_n3A_648 : vector<16xi1>, vector<16xi32>
        %mul3A_831 = arith.constant 10 : i32
        %mul3A_832 = arith.muli %scan3A_740, %mul3A_831 : i32
        %add3A_833 = arith.constant 5 : i32
        %add3A_834 = arith.addi %mul3A_832, %add3A_833 : i32
        %mul3A_835 = arith.constant 16 : i32
        %mul3A_836 = arith.muli %add3A_834, %mul3A_835 : i32
        %get3A_837 = arith.index_cast %mul3A_836 : i32 to index
        %get3A_838 = tpu.vector_load %arg4[%get3A_837] {strides = array<i32>} : memref<20000xf32, #tpu.memory_space<vmem>>, vector<16xf32>,
        %get3A_839 = vector.shape_cast %get3A_838 : vector<16xf32> to vector<16xf32>
        %mul3A_840 = arith.constant 16 : i32
        %mul3A_841 = arith.muli %add3A_834, %mul3A_840 : i32
        %add3A_842 = arith.constant 80000 : i32
        %add3A_843 = arith.addi %add3A_842, %mul3A_841 : i32
        %add3A_844 = vector.broadcast %add3A_843 : i32 to vector<16xi32>
        %add3A_845 = arith.addi %iota3A, %add3A_844 : vector<16xi32>
        %gt3A_846 = arith.cmpf ogt, %get3A_839, %max3A_665 : vector<16xf32>
        %max3A_847 = arith.maximumf %get3A_839, %max3A_665 : vector<16xf32>
        %select_n3A_848 = arith.select %gt3A_846, %add3A_845, %select_n3A_666 : vector<16xi1>, vector<16xi32>
        %mul3A_849 = arith.constant 10 : i32
        %mul3A_850 = arith.muli %scan3A_740, %mul3A_849 : i32
        %add3A_851 = arith.constant 6 : i32
        %add3A_852 = arith.addi %mul3A_850, %add3A_851 : i32
        %mul3A_853 = arith.constant 16 : i32
        %mul3A_854 = arith.muli %add3A_852, %mul3A_853 : i32
        %get3A_855 = arith.index_cast %mul3A_854 : i32 to index
        %get3A_856 = tpu.vector_load %arg4[%get3A_855] {strides = array<i32>} : memref<20000xf32, #tpu.memory_space<vmem>>, vector<16xf32>,
        %get3A_857 = vector.shape_cast %get3A_856 : vector<16xf32> to vector<16xf32>
        %mul3A_858 = arith.constant 16 : i32
        %mul3A_859 = arith.muli %add3A_852, %mul3A_858 : i32
        %add3A_860 = arith.constant 80000 : i32
        %add3A_861 = arith.addi %add3A_860, %mul3A_859 : i32
        %add3A_862 = vector.broadcast %add3A_861 : i32 to vector<16xi32>
        %add3A_863 = arith.addi %iota3A, %add3A_862 : vector<16xi32>
        %gt3A_864 = arith.cmpf ogt, %get3A_857, %max3A_683 : vector<16xf32>
        %max3A_865 = arith.maximumf %get3A_857, %max3A_683 : vector<16xf32>
        %select_n3A_866 = arith.select %gt3A_864, %add3A_863, %select_n3A_684 : vector<16xi1>, vector<16xi32>
        %mul3A_867 = arith.constant 10 : i32
        %mul3A_868 = arith.muli %scan3A_740, %mul3A_867 : i32
        %add3A_869 = arith.constant 7 : i32
        %add3A_870 = arith.addi %mul3A_868, %add3A_869 : i32
        %mul3A_871 = arith.constant 16 : i32
        %mul3A_872 = arith.muli %add3A_870, %mul3A_871 : i32
        %get3A_873 = arith.index_cast %mul3A_872 : i32 to index
        %get3A_874 = tpu.vector_load %arg4[%get3A_873] {strides = array<i32>} : memref<20000xf32, #tpu.memory_space<vmem>>, vector<16xf32>,
        %get3A_875 = vector.shape_cast %get3A_874 : vector<16xf32> to vector<16xf32>
        %mul3A_876 = arith.constant 16 : i32
        %mul3A_877 = arith.muli %add3A_870, %mul3A_876 : i32
        %add3A_878 = arith.constant 80000 : i32
        %add3A_879 = arith.addi %add3A_878, %mul3A_877 : i32
        %add3A_880 = vector.broadcast %add3A_879 : i32 to vector<16xi32>
        %add3A_881 = arith.addi %iota3A, %add3A_880 : vector<16xi32>
        %gt3A_882 = arith.cmpf ogt, %get3A_875, %max3A_701 : vector<16xf32>
        %max3A_883 = arith.maximumf %get3A_875, %max3A_701 : vector<16xf32>
        %select_n3A_884 = arith.select %gt3A_882, %add3A_881, %select_n3A_702 : vector<16xi1>, vector<16xi32>
        %mul3A_885 = arith.constant 10 : i32
        %mul3A_886 = arith.muli %scan3A_740, %mul3A_885 : i32
        %add3A_887 = arith.constant 8 : i32
        %add3A_888 = arith.addi %mul3A_886, %add3A_887 : i32
        %mul3A_889 = arith.constant 16 : i32
        %mul3A_890 = arith.muli %add3A_888, %mul3A_889 : i32
        %get3A_891 = arith.index_cast %mul3A_890 : i32 to index
        %get3A_892 = tpu.vector_load %arg4[%get3A_891] {strides = array<i32>} : memref<20000xf32, #tpu.memory_space<vmem>>, vector<16xf32>,
        %get3A_893 = vector.shape_cast %get3A_892 : vector<16xf32> to vector<16xf32>
        %mul3A_894 = arith.constant 16 : i32
        %mul3A_895 = arith.muli %add3A_888, %mul3A_894 : i32
        %add3A_896 = arith.constant 80000 : i32
        %add3A_897 = arith.addi %add3A_896, %mul3A_895 : i32
        %add3A_898 = vector.broadcast %add3A_897 : i32 to vector<16xi32>
        %add3A_899 = arith.addi %iota3A, %add3A_898 : vector<16xi32>
        %gt3A_900 = arith.cmpf ogt, %get3A_893, %max3A_719 : vector<16xf32>
        %max3A_901 = arith.maximumf %get3A_893, %max3A_719 : vector<16xf32>
        %select_n3A_902 = arith.select %gt3A_900, %add3A_899, %select_n3A_720 : vector<16xi1>, vector<16xi32>
        %mul3A_903 = arith.constant 10 : i32
        %mul3A_904 = arith.muli %scan3A_740, %mul3A_903 : i32
        %add3A_905 = arith.constant 9 : i32
        %add3A_906 = arith.addi %mul3A_904, %add3A_905 : i32
        %mul3A_907 = arith.constant 16 : i32
        %mul3A_908 = arith.muli %add3A_906, %mul3A_907 : i32
        %get3A_909 = arith.index_cast %mul3A_908 : i32 to index
        %get3A_910 = tpu.vector_load %arg4[%get3A_909] {strides = array<i32>} : memref<20000xf32, #tpu.memory_space<vmem>>, vector<16xf32>,
        %get3A_911 = vector.shape_cast %get3A_910 : vector<16xf32> to vector<16xf32>
        %mul3A_912 = arith.constant 16 : i32
        %mul3A_913 = arith.muli %add3A_906, %mul3A_912 : i32
        %add3A_914 = arith.constant 80000 : i32
        %add3A_915 = arith.addi %add3A_914, %mul3A_913 : i32
        %add3A_916 = vector.broadcast %add3A_915 : i32 to vector<16xi32>
        %add3A_917 = arith.addi %iota3A, %add3A_916 : vector<16xi32>
        %gt3A_918 = arith.cmpf ogt, %get3A_911, %max3A_737 : vector<16xf32>
        %max3A_919 = arith.maximumf %get3A_911, %max3A_737 : vector<16xf32>
        %select_n3A_920 = arith.select %gt3A_918, %add3A_917, %select_n3A_738 : vector<16xi1>, vector<16xi32>
        %scan3A_921 = arith.constant 3 : i32
        %scan3A_922 = arith.addi %scan3A_358, %scan3A_921 : i32
        %mul3A_923 = arith.constant 10 : i32
        %mul3A_924 = arith.muli %scan3A_922, %mul3A_923 : i32
        %add3A_925 = arith.constant 0 : i32
        %add3A_926 = arith.addi %mul3A_924, %add3A_925 : i32
        %mul3A_927 = arith.constant 16 : i32
        %mul3A_928 = arith.muli %add3A_926, %mul3A_927 : i32
        %get3A_929 = arith.index_cast %mul3A_928 : i32 to index
        %get3A_930 = tpu.vector_load %arg4[%get3A_929] {strides = array<i32>} : memref<20000xf32, #tpu.memory_space<vmem>>, vector<16xf32>,
        %get3A_931 = vector.shape_cast %get3A_930 : vector<16xf32> to vector<16xf32>
        %mul3A_932 = arith.constant 16 : i32
        %mul3A_933 = arith.muli %add3A_926, %mul3A_932 : i32
        %add3A_934 = arith.constant 80000 : i32
        %add3A_935 = arith.addi %add3A_934, %mul3A_933 : i32
        %add3A_936 = vector.broadcast %add3A_935 : i32 to vector<16xi32>
        %add3A_937 = arith.addi %iota3A, %add3A_936 : vector<16xi32>
        %gt3A_938 = arith.cmpf ogt, %get3A_931, %max3A_757 : vector<16xf32>
        %max3A_939 = arith.maximumf %get3A_931, %max3A_757 : vector<16xf32>
        %select_n3A_940 = arith.select %gt3A_938, %add3A_937, %select_n3A_758 : vector<16xi1>, vector<16xi32>
        %mul3A_941 = arith.constant 10 : i32
        %mul3A_942 = arith.muli %scan3A_922, %mul3A_941 : i32
        %add3A_943 = arith.constant 1 : i32
        %add3A_944 = arith.addi %mul3A_942, %add3A_943 : i32
        %mul3A_945 = arith.constant 16 : i32
        %mul3A_946 = arith.muli %add3A_944, %mul3A_945 : i32
        %get3A_947 = arith.index_cast %mul3A_946 : i32 to index
        %get3A_948 = tpu.vector_load %arg4[%get3A_947] {strides = array<i32>} : memref<20000xf32, #tpu.memory_space<vmem>>, vector<16xf32>,
        %get3A_949 = vector.shape_cast %get3A_948 : vector<16xf32> to vector<16xf32>
        %mul3A_950 = arith.constant 16 : i32
        %mul3A_951 = arith.muli %add3A_944, %mul3A_950 : i32
        %add3A_952 = arith.constant 80000 : i32
        %add3A_953 = arith.addi %add3A_952, %mul3A_951 : i32
        %add3A_954 = vector.broadcast %add3A_953 : i32 to vector<16xi32>
        %add3A_955 = arith.addi %iota3A, %add3A_954 : vector<16xi32>
        %gt3A_956 = arith.cmpf ogt, %get3A_949, %max3A_775 : vector<16xf32>
        %max3A_957 = arith.maximumf %get3A_949, %max3A_775 : vector<16xf32>
        %select_n3A_958 = arith.select %gt3A_956, %add3A_955, %select_n3A_776 : vector<16xi1>, vector<16xi32>
        %mul3A_959 = arith.constant 10 : i32
        %mul3A_960 = arith.muli %scan3A_922, %mul3A_959 : i32
        %add3A_961 = arith.constant 2 : i32
        %add3A_962 = arith.addi %mul3A_960, %add3A_961 : i32
        %mul3A_963 = arith.constant 16 : i32
        %mul3A_964 = arith.muli %add3A_962, %mul3A_963 : i32
        %get3A_965 = arith.index_cast %mul3A_964 : i32 to index
        %get3A_966 = tpu.vector_load %arg4[%get3A_965] {strides = array<i32>} : memref<20000xf32, #tpu.memory_space<vmem>>, vector<16xf32>,
        %get3A_967 = vector.shape_cast %get3A_966 : vector<16xf32> to vector<16xf32>
        %mul3A_968 = arith.constant 16 : i32
        %mul3A_969 = arith.muli %add3A_962, %mul3A_968 : i32
        %add3A_970 = arith.constant 80000 : i32
        %add3A_971 = arith.addi %add3A_970, %mul3A_969 : i32
        %add3A_972 = vector.broadcast %add3A_971 : i32 to vector<16xi32>
        %add3A_973 = arith.addi %iota3A, %add3A_972 : vector<16xi32>
        %gt3A_974 = arith.cmpf ogt, %get3A_967, %max3A_793 : vector<16xf32>
        %max3A_975 = arith.maximumf %get3A_967, %max3A_793 : vector<16xf32>
        %select_n3A_976 = arith.select %gt3A_974, %add3A_973, %select_n3A_794 : vector<16xi1>, vector<16xi32>
        %mul3A_977 = arith.constant 10 : i32
        %mul3A_978 = arith.muli %scan3A_922, %mul3A_977 : i32
        %add3A_979 = arith.constant 3 : i32
        %add3A_980 = arith.addi %mul3A_978, %add3A_979 : i32
        %mul3A_981 = arith.constant 16 : i32
        %mul3A_982 = arith.muli %add3A_980, %mul3A_981 : i32
        %get3A_983 = arith.index_cast %mul3A_982 : i32 to index
        %get3A_984 = tpu.vector_load %arg4[%get3A_983] {strides = array<i32>} : memref<20000xf32, #tpu.memory_space<vmem>>, vector<16xf32>,
        %get3A_985 = vector.shape_cast %get3A_984 : vector<16xf32> to vector<16xf32>
        %mul3A_986 = arith.constant 16 : i32
        %mul3A_987 = arith.muli %add3A_980, %mul3A_986 : i32
        %add3A_988 = arith.constant 80000 : i32
        %add3A_989 = arith.addi %add3A_988, %mul3A_987 : i32
        %add3A_990 = vector.broadcast %add3A_989 : i32 to vector<16xi32>
        %add3A_991 = arith.addi %iota3A, %add3A_990 : vector<16xi32>
        %gt3A_992 = arith.cmpf ogt, %get3A_985, %max3A_811 : vector<16xf32>
        %max3A_993 = arith.maximumf %get3A_985, %max3A_811 : vector<16xf32>
        %select_n3A_994 = arith.select %gt3A_992, %add3A_991, %select_n3A_812 : vector<16xi1>, vector<16xi32>
        %mul3A_995 = arith.constant 10 : i32
        %mul3A_996 = arith.muli %scan3A_922, %mul3A_995 : i32
        %add3A_997 = arith.constant 4 : i32
        %add3A_998 = arith.addi %mul3A_996, %add3A_997 : i32
        %mul3A_999 = arith.constant 16 : i32
        %mul3A_1000 = arith.muli %add3A_998, %mul3A_999 : i32
        %get3A_1001 = arith.index_cast %mul3A_1000 : i32 to index
        %get3A_1002 = tpu.vector_load %arg4[%get3A_1001] {strides = array<i32>} : memref<20000xf32, #tpu.memory_space<vmem>>, vector<16xf32>,
        %get3A_1003 = vector.shape_cast %get3A_1002 : vector<16xf32> to vector<16xf32>
        %mul3A_1004 = arith.constant 16 : i32
        %mul3A_1005 = arith.muli %add3A_998, %mul3A_1004 : i32
        %add3A_1006 = arith.constant 80000 : i32
        %add3A_1007 = arith.addi %add3A_1006, %mul3A_1005 : i32
        %add3A_1008 = vector.broadcast %add3A_1007 : i32 to vector<16xi32>
        %add3A_1009 = arith.addi %iota3A, %add3A_1008 : vector<16xi32>
        %gt3A_1010 = arith.cmpf ogt, %get3A_1003, %max3A_829 : vector<16xf32>
        %max3A_1011 = arith.maximumf %get3A_1003, %max3A_829 : vector<16xf32>
        %select_n3A_1012 = arith.select %gt3A_1010, %add3A_1009, %select_n3A_830 : vector<16xi1>, vector<16xi32>
        %mul3A_1013 = arith.constant 10 : i32
        %mul3A_1014 = arith.muli %scan3A_922, %mul3A_1013 : i32
        %add3A_1015 = arith.constant 5 : i32
        %add3A_1016 = arith.addi %mul3A_1014, %add3A_1015 : i32
        %mul3A_1017 = arith.constant 16 : i32
        %mul3A_1018 = arith.muli %add3A_1016, %mul3A_1017 : i32
        %get3A_1019 = arith.index_cast %mul3A_1018 : i32 to index
        %get3A_1020 = tpu.vector_load %arg4[%get3A_1019] {strides = array<i32>} : memref<20000xf32, #tpu.memory_space<vmem>>, vector<16xf32>,
        %get3A_1021 = vector.shape_cast %get3A_1020 : vector<16xf32> to vector<16xf32>
        %mul3A_1022 = arith.constant 16 : i32
        %mul3A_1023 = arith.muli %add3A_1016, %mul3A_1022 : i32
        %add3A_1024 = arith.constant 80000 : i32
        %add3A_1025 = arith.addi %add3A_1024, %mul3A_1023 : i32
        %add3A_1026 = vector.broadcast %add3A_1025 : i32 to vector<16xi32>
        %add3A_1027 = arith.addi %iota3A, %add3A_1026 : vector<16xi32>
        %gt3A_1028 = arith.cmpf ogt, %get3A_1021, %max3A_847 : vector<16xf32>
        %max3A_1029 = arith.maximumf %get3A_1021, %max3A_847 : vector<16xf32>
        %select_n3A_1030 = arith.select %gt3A_1028, %add3A_1027, %select_n3A_848 : vector<16xi1>, vector<16xi32>
        %mul3A_1031 = arith.constant 10 : i32
        %mul3A_1032 = arith.muli %scan3A_922, %mul3A_1031 : i32
        %add3A_1033 = arith.constant 6 : i32
        %add3A_1034 = arith.addi %mul3A_1032, %add3A_1033 : i32
        %mul3A_1035 = arith.constant 16 : i32
        %mul3A_1036 = arith.muli %add3A_1034, %mul3A_1035 : i32
        %get3A_1037 = arith.index_cast %mul3A_1036 : i32 to index
        %get3A_1038 = tpu.vector_load %arg4[%get3A_1037] {strides = array<i32>} : memref<20000xf32, #tpu.memory_space<vmem>>, vector<16xf32>,
        %get3A_1039 = vector.shape_cast %get3A_1038 : vector<16xf32> to vector<16xf32>
        %mul3A_1040 = arith.constant 16 : i32
        %mul3A_1041 = arith.muli %add3A_1034, %mul3A_1040 : i32
        %add3A_1042 = arith.constant 80000 : i32
        %add3A_1043 = arith.addi %add3A_1042, %mul3A_1041 : i32
        %add3A_1044 = vector.broadcast %add3A_1043 : i32 to vector<16xi32>
        %add3A_1045 = arith.addi %iota3A, %add3A_1044 : vector<16xi32>
        %gt3A_1046 = arith.cmpf ogt, %get3A_1039, %max3A_865 : vector<16xf32>
        %max3A_1047 = arith.maximumf %get3A_1039, %max3A_865 : vector<16xf32>
        %select_n3A_1048 = arith.select %gt3A_1046, %add3A_1045, %select_n3A_866 : vector<16xi1>, vector<16xi32>
        %mul3A_1049 = arith.constant 10 : i32
        %mul3A_1050 = arith.muli %scan3A_922, %mul3A_1049 : i32
        %add3A_1051 = arith.constant 7 : i32
        %add3A_1052 = arith.addi %mul3A_1050, %add3A_1051 : i32
        %mul3A_1053 = arith.constant 16 : i32
        %mul3A_1054 = arith.muli %add3A_1052, %mul3A_1053 : i32
        %get3A_1055 = arith.index_cast %mul3A_1054 : i32 to index
        %get3A_1056 = tpu.vector_load %arg4[%get3A_1055] {strides = array<i32>} : memref<20000xf32, #tpu.memory_space<vmem>>, vector<16xf32>,
        %get3A_1057 = vector.shape_cast %get3A_1056 : vector<16xf32> to vector<16xf32>
        %mul3A_1058 = arith.constant 16 : i32
        %mul3A_1059 = arith.muli %add3A_1052, %mul3A_1058 : i32
        %add3A_1060 = arith.constant 80000 : i32
        %add3A_1061 = arith.addi %add3A_1060, %mul3A_1059 : i32
        %add3A_1062 = vector.broadcast %add3A_1061 : i32 to vector<16xi32>
        %add3A_1063 = arith.addi %iota3A, %add3A_1062 : vector<16xi32>
        %gt3A_1064 = arith.cmpf ogt, %get3A_1057, %max3A_883 : vector<16xf32>
        %max3A_1065 = arith.maximumf %get3A_1057, %max3A_883 : vector<16xf32>
        %select_n3A_1066 = arith.select %gt3A_1064, %add3A_1063, %select_n3A_884 : vector<16xi1>, vector<16xi32>
        %mul3A_1067 = arith.constant 10 : i32
        %mul3A_1068 = arith.muli %scan3A_922, %mul3A_1067 : i32
        %add3A_1069 = arith.constant 8 : i32
        %add3A_1070 = arith.addi %mul3A_1068, %add3A_1069 : i32
        %mul3A_1071 = arith.constant 16 : i32
        %mul3A_1072 = arith.muli %add3A_1070, %mul3A_1071 : i32
        %get3A_1073 = arith.index_cast %mul3A_1072 : i32 to index
        %get3A_1074 = tpu.vector_load %arg4[%get3A_1073] {strides = array<i32>} : memref<20000xf32, #tpu.memory_space<vmem>>, vector<16xf32>,
        %get3A_1075 = vector.shape_cast %get3A_1074 : vector<16xf32> to vector<16xf32>
        %mul3A_1076 = arith.constant 16 : i32
        %mul3A_1077 = arith.muli %add3A_1070, %mul3A_1076 : i32
        %add3A_1078 = arith.constant 80000 : i32
        %add3A_1079 = arith.addi %add3A_1078, %mul3A_1077 : i32
        %add3A_1080 = vector.broadcast %add3A_1079 : i32 to vector<16xi32>
        %add3A_1081 = arith.addi %iota3A, %add3A_1080 : vector<16xi32>
        %gt3A_1082 = arith.cmpf ogt, %get3A_1075, %max3A_901 : vector<16xf32>
        %max3A_1083 = arith.maximumf %get3A_1075, %max3A_901 : vector<16xf32>
        %select_n3A_1084 = arith.select %gt3A_1082, %add3A_1081, %select_n3A_902 : vector<16xi1>, vector<16xi32>
        %mul3A_1085 = arith.constant 10 : i32
        %mul3A_1086 = arith.muli %scan3A_922, %mul3A_1085 : i32
        %add3A_1087 = arith.constant 9 : i32
        %add3A_1088 = arith.addi %mul3A_1086, %add3A_1087 : i32
        %mul3A_1089 = arith.constant 16 : i32
        %mul3A_1090 = arith.muli %add3A_1088, %mul3A_1089 : i32
        %get3A_1091 = arith.index_cast %mul3A_1090 : i32 to index
        %get3A_1092 = tpu.vector_load %arg4[%get3A_1091] {strides = array<i32>} : memref<20000xf32, #tpu.memory_space<vmem>>, vector<16xf32>,
        %get3A_1093 = vector.shape_cast %get3A_1092 : vector<16xf32> to vector<16xf32>
        %mul3A_1094 = arith.constant 16 : i32
        %mul3A_1095 = arith.muli %add3A_1088, %mul3A_1094 : i32
        %add3A_1096 = arith.constant 80000 : i32
        %add3A_1097 = arith.addi %add3A_1096, %mul3A_1095 : i32
        %add3A_1098 = vector.broadcast %add3A_1097 : i32 to vector<16xi32>
        %add3A_1099 = arith.addi %iota3A, %add3A_1098 : vector<16xi32>
        %gt3A_1100 = arith.cmpf ogt, %get3A_1093, %max3A_919 : vector<16xf32>
        %max3A_1101 = arith.maximumf %get3A_1093, %max3A_919 : vector<16xf32>
        %select_n3A_1102 = arith.select %gt3A_1100, %add3A_1099, %select_n3A_920 : vector<16xi1>, vector<16xi32>
        %scan3A_1103 = arith.constant 4 : i32
        %scan3A_1104 = arith.addi %scan3A_358, %scan3A_1103 : i32
        %mul3A_1105 = arith.constant 10 : i32
        %mul3A_1106 = arith.muli %scan3A_1104, %mul3A_1105 : i32
        %add3A_1107 = arith.constant 0 : i32
        %add3A_1108 = arith.addi %mul3A_1106, %add3A_1107 : i32
        %mul3A_1109 = arith.constant 16 : i32
        %mul3A_1110 = arith.muli %add3A_1108, %mul3A_1109 : i32
        %get3A_1111 = arith.index_cast %mul3A_1110 : i32 to index
        %get3A_1112 = tpu.vector_load %arg4[%get3A_1111] {strides = array<i32>} : memref<20000xf32, #tpu.memory_space<vmem>>, vector<16xf32>,
        %get3A_1113 = vector.shape_cast %get3A_1112 : vector<16xf32> to vector<16xf32>
        %mul3A_1114 = arith.constant 16 : i32
        %mul3A_1115 = arith.muli %add3A_1108, %mul3A_1114 : i32
        %add3A_1116 = arith.constant 80000 : i32
        %add3A_1117 = arith.addi %add3A_1116, %mul3A_1115 : i32
        %add3A_1118 = vector.broadcast %add3A_1117 : i32 to vector<16xi32>
        %add3A_1119 = arith.addi %iota3A, %add3A_1118 : vector<16xi32>
        %gt3A_1120 = arith.cmpf ogt, %get3A_1113, %max3A_939 : vector<16xf32>
        %max3A_1121 = arith.maximumf %get3A_1113, %max3A_939 : vector<16xf32>
        %select_n3A_1122 = arith.select %gt3A_1120, %add3A_1119, %select_n3A_940 : vector<16xi1>, vector<16xi32>
        %mul3A_1123 = arith.constant 10 : i32
        %mul3A_1124 = arith.muli %scan3A_1104, %mul3A_1123 : i32
        %add3A_1125 = arith.constant 1 : i32
        %add3A_1126 = arith.addi %mul3A_1124, %add3A_1125 : i32
        %mul3A_1127 = arith.constant 16 : i32
        %mul3A_1128 = arith.muli %add3A_1126, %mul3A_1127 : i32
        %get3A_1129 = arith.index_cast %mul3A_1128 : i32 to index
        %get3A_1130 = tpu.vector_load %arg4[%get3A_1129] {strides = array<i32>} : memref<20000xf32, #tpu.memory_space<vmem>>, vector<16xf32>,
        %get3A_1131 = vector.shape_cast %get3A_1130 : vector<16xf32> to vector<16xf32>
        %mul3A_1132 = arith.constant 16 : i32
        %mul3A_1133 = arith.muli %add3A_1126, %mul3A_1132 : i32
        %add3A_1134 = arith.constant 80000 : i32
        %add3A_1135 = arith.addi %add3A_1134, %mul3A_1133 : i32
        %add3A_1136 = vector.broadcast %add3A_1135 : i32 to vector<16xi32>
        %add3A_1137 = arith.addi %iota3A, %add3A_1136 : vector<16xi32>
        %gt3A_1138 = arith.cmpf ogt, %get3A_1131, %max3A_957 : vector<16xf32>
        %max3A_1139 = arith.maximumf %get3A_1131, %max3A_957 : vector<16xf32>
        %select_n3A_1140 = arith.select %gt3A_1138, %add3A_1137, %select_n3A_958 : vector<16xi1>, vector<16xi32>
        %mul3A_1141 = arith.constant 10 : i32
        %mul3A_1142 = arith.muli %scan3A_1104, %mul3A_1141 : i32
        %add3A_1143 = arith.constant 2 : i32
        %add3A_1144 = arith.addi %mul3A_1142, %add3A_1143 : i32
        %mul3A_1145 = arith.constant 16 : i32
        %mul3A_1146 = arith.muli %add3A_1144, %mul3A_1145 : i32
        %get3A_1147 = arith.index_cast %mul3A_1146 : i32 to index
        %get3A_1148 = tpu.vector_load %arg4[%get3A_1147] {strides = array<i32>} : memref<20000xf32, #tpu.memory_space<vmem>>, vector<16xf32>,
        %get3A_1149 = vector.shape_cast %get3A_1148 : vector<16xf32> to vector<16xf32>
        %mul3A_1150 = arith.constant 16 : i32
        %mul3A_1151 = arith.muli %add3A_1144, %mul3A_1150 : i32
        %add3A_1152 = arith.constant 80000 : i32
        %add3A_1153 = arith.addi %add3A_1152, %mul3A_1151 : i32
        %add3A_1154 = vector.broadcast %add3A_1153 : i32 to vector<16xi32>
        %add3A_1155 = arith.addi %iota3A, %add3A_1154 : vector<16xi32>
        %gt3A_1156 = arith.cmpf ogt, %get3A_1149, %max3A_975 : vector<16xf32>
        %max3A_1157 = arith.maximumf %get3A_1149, %max3A_975 : vector<16xf32>
        %select_n3A_1158 = arith.select %gt3A_1156, %add3A_1155, %select_n3A_976 : vector<16xi1>, vector<16xi32>
        %mul3A_1159 = arith.constant 10 : i32
        %mul3A_1160 = arith.muli %scan3A_1104, %mul3A_1159 : i32
        %add3A_1161 = arith.constant 3 : i32
        %add3A_1162 = arith.addi %mul3A_1160, %add3A_1161 : i32
        %mul3A_1163 = arith.constant 16 : i32
        %mul3A_1164 = arith.muli %add3A_1162, %mul3A_1163 : i32
        %get3A_1165 = arith.index_cast %mul3A_1164 : i32 to index
        %get3A_1166 = tpu.vector_load %arg4[%get3A_1165] {strides = array<i32>} : memref<20000xf32, #tpu.memory_space<vmem>>, vector<16xf32>,
        %get3A_1167 = vector.shape_cast %get3A_1166 : vector<16xf32> to vector<16xf32>
        %mul3A_1168 = arith.constant 16 : i32
        %mul3A_1169 = arith.muli %add3A_1162, %mul3A_1168 : i32
        %add3A_1170 = arith.constant 80000 : i32
        %add3A_1171 = arith.addi %add3A_1170, %mul3A_1169 : i32
        %add3A_1172 = vector.broadcast %add3A_1171 : i32 to vector<16xi32>
        %add3A_1173 = arith.addi %iota3A, %add3A_1172 : vector<16xi32>
        %gt3A_1174 = arith.cmpf ogt, %get3A_1167, %max3A_993 : vector<16xf32>
        %max3A_1175 = arith.maximumf %get3A_1167, %max3A_993 : vector<16xf32>
        %select_n3A_1176 = arith.select %gt3A_1174, %add3A_1173, %select_n3A_994 : vector<16xi1>, vector<16xi32>
        %mul3A_1177 = arith.constant 10 : i32
        %mul3A_1178 = arith.muli %scan3A_1104, %mul3A_1177 : i32
        %add3A_1179 = arith.constant 4 : i32
        %add3A_1180 = arith.addi %mul3A_1178, %add3A_1179 : i32
        %mul3A_1181 = arith.constant 16 : i32
        %mul3A_1182 = arith.muli %add3A_1180, %mul3A_1181 : i32
        %get3A_1183 = arith.index_cast %mul3A_1182 : i32 to index
        %get3A_1184 = tpu.vector_load %arg4[%get3A_1183] {strides = array<i32>} : memref<20000xf32, #tpu.memory_space<vmem>>, vector<16xf32>,
        %get3A_1185 = vector.shape_cast %get3A_1184 : vector<16xf32> to vector<16xf32>
        %mul3A_1186 = arith.constant 16 : i32
        %mul3A_1187 = arith.muli %add3A_1180, %mul3A_1186 : i32
        %add3A_1188 = arith.constant 80000 : i32
        %add3A_1189 = arith.addi %add3A_1188, %mul3A_1187 : i32
        %add3A_1190 = vector.broadcast %add3A_1189 : i32 to vector<16xi32>
        %add3A_1191 = arith.addi %iota3A, %add3A_1190 : vector<16xi32>
        %gt3A_1192 = arith.cmpf ogt, %get3A_1185, %max3A_1011 : vector<16xf32>
        %max3A_1193 = arith.maximumf %get3A_1185, %max3A_1011 : vector<16xf32>
        %select_n3A_1194 = arith.select %gt3A_1192, %add3A_1191, %select_n3A_1012 : vector<16xi1>, vector<16xi32>
        %mul3A_1195 = arith.constant 10 : i32
        %mul3A_1196 = arith.muli %scan3A_1104, %mul3A_1195 : i32
        %add3A_1197 = arith.constant 5 : i32
        %add3A_1198 = arith.addi %mul3A_1196, %add3A_1197 : i32
        %mul3A_1199 = arith.constant 16 : i32
        %mul3A_1200 = arith.muli %add3A_1198, %mul3A_1199 : i32
        %get3A_1201 = arith.index_cast %mul3A_1200 : i32 to index
        %get3A_1202 = tpu.vector_load %arg4[%get3A_1201] {strides = array<i32>} : memref<20000xf32, #tpu.memory_space<vmem>>, vector<16xf32>,
        %get3A_1203 = vector.shape_cast %get3A_1202 : vector<16xf32> to vector<16xf32>
        %mul3A_1204 = arith.constant 16 : i32
        %mul3A_1205 = arith.muli %add3A_1198, %mul3A_1204 : i32
        %add3A_1206 = arith.constant 80000 : i32
        %add3A_1207 = arith.addi %add3A_1206, %mul3A_1205 : i32
        %add3A_1208 = vector.broadcast %add3A_1207 : i32 to vector<16xi32>
        %add3A_1209 = arith.addi %iota3A, %add3A_1208 : vector<16xi32>
        %gt3A_1210 = arith.cmpf ogt, %get3A_1203, %max3A_1029 : vector<16xf32>
        %max3A_1211 = arith.maximumf %get3A_1203, %max3A_1029 : vector<16xf32>
        %select_n3A_1212 = arith.select %gt3A_1210, %add3A_1209, %select_n3A_1030 : vector<16xi1>, vector<16xi32>
        %mul3A_1213 = arith.constant 10 : i32
        %mul3A_1214 = arith.muli %scan3A_1104, %mul3A_1213 : i32
        %add3A_1215 = arith.constant 6 : i32
        %add3A_1216 = arith.addi %mul3A_1214, %add3A_1215 : i32
        %mul3A_1217 = arith.constant 16 : i32
        %mul3A_1218 = arith.muli %add3A_1216, %mul3A_1217 : i32
        %get3A_1219 = arith.index_cast %mul3A_1218 : i32 to index
        %get3A_1220 = tpu.vector_load %arg4[%get3A_1219] {strides = array<i32>} : memref<20000xf32, #tpu.memory_space<vmem>>, vector<16xf32>,
        %get3A_1221 = vector.shape_cast %get3A_1220 : vector<16xf32> to vector<16xf32>
        %mul3A_1222 = arith.constant 16 : i32
        %mul3A_1223 = arith.muli %add3A_1216, %mul3A_1222 : i32
        %add3A_1224 = arith.constant 80000 : i32
        %add3A_1225 = arith.addi %add3A_1224, %mul3A_1223 : i32
        %add3A_1226 = vector.broadcast %add3A_1225 : i32 to vector<16xi32>
        %add3A_1227 = arith.addi %iota3A, %add3A_1226 : vector<16xi32>
        %gt3A_1228 = arith.cmpf ogt, %get3A_1221, %max3A_1047 : vector<16xf32>
        %max3A_1229 = arith.maximumf %get3A_1221, %max3A_1047 : vector<16xf32>
        %select_n3A_1230 = arith.select %gt3A_1228, %add3A_1227, %select_n3A_1048 : vector<16xi1>, vector<16xi32>
        %mul3A_1231 = arith.constant 10 : i32
        %mul3A_1232 = arith.muli %scan3A_1104, %mul3A_1231 : i32
        %add3A_1233 = arith.constant 7 : i32
        %add3A_1234 = arith.addi %mul3A_1232, %add3A_1233 : i32
        %mul3A_1235 = arith.constant 16 : i32
        %mul3A_1236 = arith.muli %add3A_1234, %mul3A_1235 : i32
        %get3A_1237 = arith.index_cast %mul3A_1236 : i32 to index
        %get3A_1238 = tpu.vector_load %arg4[%get3A_1237] {strides = array<i32>} : memref<20000xf32, #tpu.memory_space<vmem>>, vector<16xf32>,
        %get3A_1239 = vector.shape_cast %get3A_1238 : vector<16xf32> to vector<16xf32>
        %mul3A_1240 = arith.constant 16 : i32
        %mul3A_1241 = arith.muli %add3A_1234, %mul3A_1240 : i32
        %add3A_1242 = arith.constant 80000 : i32
        %add3A_1243 = arith.addi %add3A_1242, %mul3A_1241 : i32
        %add3A_1244 = vector.broadcast %add3A_1243 : i32 to vector<16xi32>
        %add3A_1245 = arith.addi %iota3A, %add3A_1244 : vector<16xi32>
        %gt3A_1246 = arith.cmpf ogt, %get3A_1239, %max3A_1065 : vector<16xf32>
        %max3A_1247 = arith.maximumf %get3A_1239, %max3A_1065 : vector<16xf32>
        %select_n3A_1248 = arith.select %gt3A_1246, %add3A_1245, %select_n3A_1066 : vector<16xi1>, vector<16xi32>
        %mul3A_1249 = arith.constant 10 : i32
        %mul3A_1250 = arith.muli %scan3A_1104, %mul3A_1249 : i32
        %add3A_1251 = arith.constant 8 : i32
        %add3A_1252 = arith.addi %mul3A_1250, %add3A_1251 : i32
        %mul3A_1253 = arith.constant 16 : i32
        %mul3A_1254 = arith.muli %add3A_1252, %mul3A_1253 : i32
        %get3A_1255 = arith.index_cast %mul3A_1254 : i32 to index
        %get3A_1256 = tpu.vector_load %arg4[%get3A_1255] {strides = array<i32>} : memref<20000xf32, #tpu.memory_space<vmem>>, vector<16xf32>,
        %get3A_1257 = vector.shape_cast %get3A_1256 : vector<16xf32> to vector<16xf32>
        %mul3A_1258 = arith.constant 16 : i32
        %mul3A_1259 = arith.muli %add3A_1252, %mul3A_1258 : i32
        %add3A_1260 = arith.constant 80000 : i32
        %add3A_1261 = arith.addi %add3A_1260, %mul3A_1259 : i32
        %add3A_1262 = vector.broadcast %add3A_1261 : i32 to vector<16xi32>
        %add3A_1263 = arith.addi %iota3A, %add3A_1262 : vector<16xi32>
        %gt3A_1264 = arith.cmpf ogt, %get3A_1257, %max3A_1083 : vector<16xf32>
        %max3A_1265 = arith.maximumf %get3A_1257, %max3A_1083 : vector<16xf32>
        %select_n3A_1266 = arith.select %gt3A_1264, %add3A_1263, %select_n3A_1084 : vector<16xi1>, vector<16xi32>
        %mul3A_1267 = arith.constant 10 : i32
        %mul3A_1268 = arith.muli %scan3A_1104, %mul3A_1267 : i32
        %add3A_1269 = arith.constant 9 : i32
        %add3A_1270 = arith.addi %mul3A_1268, %add3A_1269 : i32
        %mul3A_1271 = arith.constant 16 : i32
        %mul3A_1272 = arith.muli %add3A_1270, %mul3A_1271 : i32
        %get3A_1273 = arith.index_cast %mul3A_1272 : i32 to index
        %get3A_1274 = tpu.vector_load %arg4[%get3A_1273] {strides = array<i32>} : memref<20000xf32, #tpu.memory_space<vmem>>, vector<16xf32>,
        %get3A_1275 = vector.shape_cast %get3A_1274 : vector<16xf32> to vector<16xf32>
        %mul3A_1276 = arith.constant 16 : i32
        %mul3A_1277 = arith.muli %add3A_1270, %mul3A_1276 : i32
        %add3A_1278 = arith.constant 80000 : i32
        %add3A_1279 = arith.addi %add3A_1278, %mul3A_1277 : i32
        %add3A_1280 = vector.broadcast %add3A_1279 : i32 to vector<16xi32>
        %add3A_1281 = arith.addi %iota3A, %add3A_1280 : vector<16xi32>
        %gt3A_1282 = arith.cmpf ogt, %get3A_1275, %max3A_1101 : vector<16xf32>
        %max3A_1283 = arith.maximumf %get3A_1275, %max3A_1101 : vector<16xf32>
        %select_n3A_1284 = arith.select %gt3A_1282, %add3A_1281, %select_n3A_1102 : vector<16xi1>, vector<16xi32>
        scf.yield %max3A_1121, %select_n3A_1122, %max3A_1139, %select_n3A_1140, %max3A_1157, %select_n3A_1158, %max3A_1175, %select_n3A_1176, %max3A_1193, %select_n3A_1194, %max3A_1211, %select_n3A_1212, %max3A_1229, %select_n3A_1230, %max3A_1247, %select_n3A_1248, %max3A_1265, %select_n3A_1266, %max3A_1283, %select_n3A_1284 : vector<16xf32>, vector<16xi32>, vector<16xf32>, vector<16xi32>, vector<16xf32>, vector<16xi32>, vector<16xf32>, vector<16xi32>, vector<16xf32>, vector<16xi32>, vector<16xf32>, vector<16xi32>, vector<16xf32>, vector<16xi32>, vector<16xf32>, vector<16xi32>, vector<16xf32>, vector<16xi32>, vector<16xf32>, vector<16xi32>
      }
      %scan3A_118 = arith.constant 125 : i32
      %gt3A = arith.cmpf ogt, %scan3A_117#2, %scan3A_117#0 : vector<16xf32>
      %eq3A = arith.cmpf oeq, %scan3A_117#2, %scan3A_117#0 : vector<16xf32>
      %lt3A = arith.cmpi slt, %scan3A_117#3, %scan3A_117#1 : vector<16xi32>
      %and3A = arith.andi %eq3A, %lt3A : vector<16xi1>
      %or3A = arith.ori %gt3A, %and3A : vector<16xi1>
      %select_n3A = arith.select %or3A, %scan3A_117#2, %scan3A_117#0 : vector<16xi1>, vector<16xf32>
      %select_n3A_119 = arith.select %or3A, %scan3A_117#3, %scan3A_117#1 : vector<16xi1>, vector<16xi32>
      %gt3A_120 = arith.cmpf ogt, %scan3A_117#4, %select_n3A : vector<16xf32>
      %eq3A_121 = arith.cmpf oeq, %scan3A_117#4, %select_n3A : vector<16xf32>
      %lt3A_122 = arith.cmpi slt, %scan3A_117#5, %select_n3A_119 : vector<16xi32>
      %and3A_123 = arith.andi %eq3A_121, %lt3A_122 : vector<16xi1>
      %or3A_124 = arith.ori %gt3A_120, %and3A_123 : vector<16xi1>
      %select_n3A_125 = arith.select %or3A_124, %scan3A_117#4, %select_n3A : vector<16xi1>, vector<16xf32>
      %select_n3A_126 = arith.select %or3A_124, %scan3A_117#5, %select_n3A_119 : vector<16xi1>, vector<16xi32>
      %gt3A_127 = arith.cmpf ogt, %scan3A_117#6, %select_n3A_125 : vector<16xf32>
      %eq3A_128 = arith.cmpf oeq, %scan3A_117#6, %select_n3A_125 : vector<16xf32>
      %lt3A_129 = arith.cmpi slt, %scan3A_117#7, %select_n3A_126 : vector<16xi32>
      %and3A_130 = arith.andi %eq3A_128, %lt3A_129 : vector<16xi1>
      %or3A_131 = arith.ori %gt3A_127, %and3A_130 : vector<16xi1>
      %select_n3A_132 = arith.select %or3A_131, %scan3A_117#6, %select_n3A_125 : vector<16xi1>, vector<16xf32>
      %select_n3A_133 = arith.select %or3A_131, %scan3A_117#7, %select_n3A_126 : vector<16xi1>, vector<16xi32>
      %gt3A_134 = arith.cmpf ogt, %scan3A_117#8, %select_n3A_132 : vector<16xf32>
      %eq3A_135 = arith.cmpf oeq, %scan3A_117#8, %select_n3A_132 : vector<16xf32>
      %lt3A_136 = arith.cmpi slt, %scan3A_117#9, %select_n3A_133 : vector<16xi32>
      %and3A_137 = arith.andi %eq3A_135, %lt3A_136 : vector<16xi1>
      %or3A_138 = arith.ori %gt3A_134, %and3A_137 : vector<16xi1>
      %select_n3A_139 = arith.select %or3A_138, %scan3A_117#8, %select_n3A_132 : vector<16xi1>, vector<16xf32>
      %select_n3A_140 = arith.select %or3A_138, %scan3A_117#9, %select_n3A_133 : vector<16xi1>, vector<16xi32>
      %gt3A_141 = arith.cmpf ogt, %scan3A_117#10, %select_n3A_139 : vector<16xf32>
      %eq3A_142 = arith.cmpf oeq, %scan3A_117#10, %select_n3A_139 : vector<16xf32>
      %lt3A_143 = arith.cmpi slt, %scan3A_117#11, %select_n3A_140 : vector<16xi32>
      %and3A_144 = arith.andi %eq3A_142, %lt3A_143 : vector<16xi1>
      %or3A_145 = arith.ori %gt3A_141, %and3A_144 : vector<16xi1>
      %select_n3A_146 = arith.select %or3A_145, %scan3A_117#10, %select_n3A_139 : vector<16xi1>, vector<16xf32>
      %select_n3A_147 = arith.select %or3A_145, %scan3A_117#11, %select_n3A_140 : vector<16xi1>, vector<16xi32>
      %gt3A_148 = arith.cmpf ogt, %scan3A_117#12, %select_n3A_146 : vector<16xf32>
      %eq3A_149 = arith.cmpf oeq, %scan3A_117#12, %select_n3A_146 : vector<16xf32>
      %lt3A_150 = arith.cmpi slt, %scan3A_117#13, %select_n3A_147 : vector<16xi32>
      %and3A_151 = arith.andi %eq3A_149, %lt3A_150 : vector<16xi1>
      %or3A_152 = arith.ori %gt3A_148, %and3A_151 : vector<16xi1>
      %select_n3A_153 = arith.select %or3A_152, %scan3A_117#12, %select_n3A_146 : vector<16xi1>, vector<16xf32>
      %select_n3A_154 = arith.select %or3A_152, %scan3A_117#13, %select_n3A_147 : vector<16xi1>, vector<16xi32>
      %gt3A_155 = arith.cmpf ogt, %scan3A_117#14, %select_n3A_153 : vector<16xf32>
      %eq3A_156 = arith.cmpf oeq, %scan3A_117#14, %select_n3A_153 : vector<16xf32>
      %lt3A_157 = arith.cmpi slt, %scan3A_117#15, %select_n3A_154 : vector<16xi32>
      %and3A_158 = arith.andi %eq3A_156, %lt3A_157 : vector<16xi1>
      %or3A_159 = arith.ori %gt3A_155, %and3A_158 : vector<16xi1>
      %select_n3A_160 = arith.select %or3A_159, %scan3A_117#14, %select_n3A_153 : vector<16xi1>, vector<16xf32>
      %select_n3A_161 = arith.select %or3A_159, %scan3A_117#15, %select_n3A_154 : vector<16xi1>, vector<16xi32>
      %gt3A_162 = arith.cmpf ogt, %scan3A_117#16, %select_n3A_160 : vector<16xf32>
      %eq3A_163 = arith.cmpf oeq, %scan3A_117#16, %select_n3A_160 : vector<16xf32>
      %lt3A_164 = arith.cmpi slt, %scan3A_117#17, %select_n3A_161 : vector<16xi32>
      %and3A_165 = arith.andi %eq3A_163, %lt3A_164 : vector<16xi1>
      %or3A_166 = arith.ori %gt3A_162, %and3A_165 : vector<16xi1>
      %select_n3A_167 = arith.select %or3A_166, %scan3A_117#16, %select_n3A_160 : vector<16xi1>, vector<16xf32>
      %select_n3A_168 = arith.select %or3A_166, %scan3A_117#17, %select_n3A_161 : vector<16xi1>, vector<16xi32>
      %gt3A_169 = arith.cmpf ogt, %scan3A_117#18, %select_n3A_167 : vector<16xf32>
      %eq3A_170 = arith.cmpf oeq, %scan3A_117#18, %select_n3A_167 : vector<16xf32>
      %lt3A_171 = arith.cmpi slt, %scan3A_117#19, %select_n3A_168 : vector<16xi32>
      %and3A_172 = arith.andi %eq3A_170, %lt3A_171 : vector<16xi1>
      %or3A_173 = arith.ori %gt3A_169, %and3A_172 : vector<16xi1>
      %select_n3A_174 = arith.select %or3A_173, %scan3A_117#18, %select_n3A_167 : vector<16xi1>, vector<16xf32>
      %select_n3A_175 = arith.select %or3A_173, %scan3A_117#19, %select_n3A_168 : vector<16xi1>, vector<16xi32>
      %slice3A = vector.extract_strided_slice %select_n3A_174 {offsets = [0], sizes = [1], strides = [1]} : vector<16xf32> to vector<1xf32>
      %squeeze3A = vector.extract %slice3A[0] : f32 from vector<1xf32>
      %slice3A_176 = vector.extract_strided_slice %select_n3A_175 {offsets = [0], sizes = [1], strides = [1]} : vector<16xi32> to vector<1xi32>
      %squeeze3A_177 = vector.extract %slice3A_176[0] : i32 from vector<1xi32>
      %gt3A_178 = arith.constant 0xFF800000 : f32
      %gt3A_179 = arith.cmpf ogt, %squeeze3A, %gt3A_178 : f32
      %eq3A_180 = arith.constant 0xFF800000 : f32
      %eq3A_181 = arith.cmpf oeq, %squeeze3A, %eq3A_180 : f32
      %lt3A_182 = arith.constant 2147483647 : i32
      %lt3A_183 = arith.cmpi slt, %squeeze3A_177, %lt3A_182 : i32
      %and3A_184 = arith.andi %eq3A_181, %lt3A_183 : i1
      %or3A_185 = arith.ori %gt3A_179, %and3A_184 : i1
      %jit3A = arith.constant 0xFF800000 : f32
      %select_n3A_186 = arith.select %or3A_185, %squeeze3A, %jit3A : f32
      %jit3A_187 = arith.constant 2147483647 : i32
      %select_n3A_188 = arith.select %or3A_185, %squeeze3A_177, %jit3A_187 : i32
      %slice3A_189 = vector.extract_strided_slice %select_n3A_174 {offsets = [1], sizes = [1], strides = [1]} : vector<16xf32> to vector<1xf32>
      %squeeze3A_190 = vector.extract %slice3A_189[0] : f32 from vector<1xf32>
      %slice3A_191 = vector.extract_strided_slice %select_n3A_175 {offsets = [1], sizes = [1], strides = [1]} : vector<16xi32> to vector<1xi32>
      %squeeze3A_192 = vector.extract %slice3A_191[0] : i32 from vector<1xi32>
      %gt3A_193 = arith.cmpf ogt, %squeeze3A_190, %select_n3A_186 : f32
      %eq3A_194 = arith.cmpf oeq, %squeeze3A_190, %select_n3A_186 : f32
      %lt3A_195 = arith.cmpi slt, %squeeze3A_192, %select_n3A_188 : i32
      %and3A_196 = arith.andi %eq3A_194, %lt3A_195 : i1
      %or3A_197 = arith.ori %gt3A_193, %and3A_196 : i1
      %select_n3A_198 = arith.select %or3A_197, %squeeze3A_190, %select_n3A_186 : f32
      %select_n3A_199 = arith.select %or3A_197, %squeeze3A_192, %select_n3A_188 : i32
      %slice3A_200 = vector.extract_strided_slice %select_n3A_174 {offsets = [2], sizes = [1], strides = [1]} : vector<16xf32> to vector<1xf32>
      %squeeze3A_201 = vector.extract %slice3A_200[0] : f32 from vector<1xf32>
      %slice3A_202 = vector.extract_strided_slice %select_n3A_175 {offsets = [2], sizes = [1], strides = [1]} : vector<16xi32> to vector<1xi32>
      %squeeze3A_203 = vector.extract %slice3A_202[0] : i32 from vector<1xi32>
      %gt3A_204 = arith.cmpf ogt, %squeeze3A_201, %select_n3A_198 : f32
      %eq3A_205 = arith.cmpf oeq, %squeeze3A_201, %select_n3A_198 : f32
      %lt3A_206 = arith.cmpi slt, %squeeze3A_203, %select_n3A_199 : i32
      %and3A_207 = arith.andi %eq3A_205, %lt3A_206 : i1
      %or3A_208 = arith.ori %gt3A_204, %and3A_207 : i1
      %select_n3A_209 = arith.select %or3A_208, %squeeze3A_201, %select_n3A_198 : f32
      %select_n3A_210 = arith.select %or3A_208, %squeeze3A_203, %select_n3A_199 : i32
      %slice3A_211 = vector.extract_strided_slice %select_n3A_174 {offsets = [3], sizes = [1], strides = [1]} : vector<16xf32> to vector<1xf32>
      %squeeze3A_212 = vector.extract %slice3A_211[0] : f32 from vector<1xf32>
      %slice3A_213 = vector.extract_strided_slice %select_n3A_175 {offsets = [3], sizes = [1], strides = [1]} : vector<16xi32> to vector<1xi32>
      %squeeze3A_214 = vector.extract %slice3A_213[0] : i32 from vector<1xi32>
      %gt3A_215 = arith.cmpf ogt, %squeeze3A_212, %select_n3A_209 : f32
      %eq3A_216 = arith.cmpf oeq, %squeeze3A_212, %select_n3A_209 : f32
      %lt3A_217 = arith.cmpi slt, %squeeze3A_214, %select_n3A_210 : i32
      %and3A_218 = arith.andi %eq3A_216, %lt3A_217 : i1
      %or3A_219 = arith.ori %gt3A_215, %and3A_218 : i1
      %select_n3A_220 = arith.select %or3A_219, %squeeze3A_212, %select_n3A_209 : f32
      %select_n3A_221 = arith.select %or3A_219, %squeeze3A_214, %select_n3A_210 : i32
      %slice3A_222 = vector.extract_strided_slice %select_n3A_174 {offsets = [4], sizes = [1], strides = [1]} : vector<16xf32> to vector<1xf32>
      %squeeze3A_223 = vector.extract %slice3A_222[0] : f32 from vector<1xf32>
      %slice3A_224 = vector.extract_strided_slice %select_n3A_175 {offsets = [4], sizes = [1], strides = [1]} : vector<16xi32> to vector<1xi32>
      %squeeze3A_225 = vector.extract %slice3A_224[0] : i32 from vector<1xi32>
      %gt3A_226 = arith.cmpf ogt, %squeeze3A_223, %select_n3A_220 : f32
      %eq3A_227 = arith.cmpf oeq, %squeeze3A_223, %select_n3A_220 : f32
      %lt3A_228 = arith.cmpi slt, %squeeze3A_225, %select_n3A_221 : i32
      %and3A_229 = arith.andi %eq3A_227, %lt3A_228 : i1
      %or3A_230 = arith.ori %gt3A_226, %and3A_229 : i1
      %select_n3A_231 = arith.select %or3A_230, %squeeze3A_223, %select_n3A_220 : f32
      %select_n3A_232 = arith.select %or3A_230, %squeeze3A_225, %select_n3A_221 : i32
      %slice3A_233 = vector.extract_strided_slice %select_n3A_174 {offsets = [5], sizes = [1], strides = [1]} : vector<16xf32> to vector<1xf32>
      %squeeze3A_234 = vector.extract %slice3A_233[0] : f32 from vector<1xf32>
      %slice3A_235 = vector.extract_strided_slice %select_n3A_175 {offsets = [5], sizes = [1], strides = [1]} : vector<16xi32> to vector<1xi32>
      %squeeze3A_236 = vector.extract %slice3A_235[0] : i32 from vector<1xi32>
      %gt3A_237 = arith.cmpf ogt, %squeeze3A_234, %select_n3A_231 : f32
      %eq3A_238 = arith.cmpf oeq, %squeeze3A_234, %select_n3A_231 : f32
      %lt3A_239 = arith.cmpi slt, %squeeze3A_236, %select_n3A_232 : i32
      %and3A_240 = arith.andi %eq3A_238, %lt3A_239 : i1
      %or3A_241 = arith.ori %gt3A_237, %and3A_240 : i1
      %select_n3A_242 = arith.select %or3A_241, %squeeze3A_234, %select_n3A_231 : f32
      %select_n3A_243 = arith.select %or3A_241, %squeeze3A_236, %select_n3A_232 : i32
      %slice3A_244 = vector.extract_strided_slice %select_n3A_174 {offsets = [6], sizes = [1], strides = [1]} : vector<16xf32> to vector<1xf32>
      %squeeze3A_245 = vector.extract %slice3A_244[0] : f32 from vector<1xf32>
      %slice3A_246 = vector.extract_strided_slice %select_n3A_175 {offsets = [6], sizes = [1], strides = [1]} : vector<16xi32> to vector<1xi32>
      %squeeze3A_247 = vector.extract %slice3A_246[0] : i32 from vector<1xi32>
      %gt3A_248 = arith.cmpf ogt, %squeeze3A_245, %select_n3A_242 : f32
      %eq3A_249 = arith.cmpf oeq, %squeeze3A_245, %select_n3A_242 : f32
      %lt3A_250 = arith.cmpi slt, %squeeze3A_247, %select_n3A_243 : i32
      %and3A_251 = arith.andi %eq3A_249, %lt3A_250 : i1
      %or3A_252 = arith.ori %gt3A_248, %and3A_251 : i1
      %select_n3A_253 = arith.select %or3A_252, %squeeze3A_245, %select_n3A_242 : f32
      %select_n3A_254 = arith.select %or3A_252, %squeeze3A_247, %select_n3A_243 : i32
      %slice3A_255 = vector.extract_strided_slice %select_n3A_174 {offsets = [7], sizes = [1], strides = [1]} : vector<16xf32> to vector<1xf32>
      %squeeze3A_256 = vector.extract %slice3A_255[0] : f32 from vector<1xf32>
      %slice3A_257 = vector.extract_strided_slice %select_n3A_175 {offsets = [7], sizes = [1], strides = [1]} : vector<16xi32> to vector<1xi32>
      %squeeze3A_258 = vector.extract %slice3A_257[0] : i32 from vector<1xi32>
      %gt3A_259 = arith.cmpf ogt, %squeeze3A_256, %select_n3A_253 : f32
      %eq3A_260 = arith.cmpf oeq, %squeeze3A_256, %select_n3A_253 : f32
      %lt3A_261 = arith.cmpi slt, %squeeze3A_258, %select_n3A_254 : i32
      %and3A_262 = arith.andi %eq3A_260, %lt3A_261 : i1
      %or3A_263 = arith.ori %gt3A_259, %and3A_262 : i1
      %select_n3A_264 = arith.select %or3A_263, %squeeze3A_256, %select_n3A_253 : f32
      %select_n3A_265 = arith.select %or3A_263, %squeeze3A_258, %select_n3A_254 : i32
      %slice3A_266 = vector.extract_strided_slice %select_n3A_174 {offsets = [8], sizes = [1], strides = [1]} : vector<16xf32> to vector<1xf32>
      %squeeze3A_267 = vector.extract %slice3A_266[0] : f32 from vector<1xf32>
      %slice3A_268 = vector.extract_strided_slice %select_n3A_175 {offsets = [8], sizes = [1], strides = [1]} : vector<16xi32> to vector<1xi32>
      %squeeze3A_269 = vector.extract %slice3A_268[0] : i32 from vector<1xi32>
      %gt3A_270 = arith.cmpf ogt, %squeeze3A_267, %select_n3A_264 : f32
      %eq3A_271 = arith.cmpf oeq, %squeeze3A_267, %select_n3A_264 : f32
      %lt3A_272 = arith.cmpi slt, %squeeze3A_269, %select_n3A_265 : i32
      %and3A_273 = arith.andi %eq3A_271, %lt3A_272 : i1
      %or3A_274 = arith.ori %gt3A_270, %and3A_273 : i1
      %select_n3A_275 = arith.select %or3A_274, %squeeze3A_267, %select_n3A_264 : f32
      %select_n3A_276 = arith.select %or3A_274, %squeeze3A_269, %select_n3A_265 : i32
      %slice3A_277 = vector.extract_strided_slice %select_n3A_174 {offsets = [9], sizes = [1], strides = [1]} : vector<16xf32> to vector<1xf32>
      %squeeze3A_278 = vector.extract %slice3A_277[0] : f32 from vector<1xf32>
      %slice3A_279 = vector.extract_strided_slice %select_n3A_175 {offsets = [9], sizes = [1], strides = [1]} : vector<16xi32> to vector<1xi32>
      %squeeze3A_280 = vector.extract %slice3A_279[0] : i32 from vector<1xi32>
      %gt3A_281 = arith.cmpf ogt, %squeeze3A_278, %select_n3A_275 : f32
      %eq3A_282 = arith.cmpf oeq, %squeeze3A_278, %select_n3A_275 : f32
      %lt3A_283 = arith.cmpi slt, %squeeze3A_280, %select_n3A_276 : i32
      %and3A_284 = arith.andi %eq3A_282, %lt3A_283 : i1
      %or3A_285 = arith.ori %gt3A_281, %and3A_284 : i1
      %select_n3A_286 = arith.select %or3A_285, %squeeze3A_278, %select_n3A_275 : f32
      %select_n3A_287 = arith.select %or3A_285, %squeeze3A_280, %select_n3A_276 : i32
      %slice3A_288 = vector.extract_strided_slice %select_n3A_174 {offsets = [10], sizes = [1], strides = [1]} : vector<16xf32> to vector<1xf32>
      %squeeze3A_289 = vector.extract %slice3A_288[0] : f32 from vector<1xf32>
      %slice3A_290 = vector.extract_strided_slice %select_n3A_175 {offsets = [10], sizes = [1], strides = [1]} : vector<16xi32> to vector<1xi32>
      %squeeze3A_291 = vector.extract %slice3A_290[0] : i32 from vector<1xi32>
      %gt3A_292 = arith.cmpf ogt, %squeeze3A_289, %select_n3A_286 : f32
      %eq3A_293 = arith.cmpf oeq, %squeeze3A_289, %select_n3A_286 : f32
      %lt3A_294 = arith.cmpi slt, %squeeze3A_291, %select_n3A_287 : i32
      %and3A_295 = arith.andi %eq3A_293, %lt3A_294 : i1
      %or3A_296 = arith.ori %gt3A_292, %and3A_295 : i1
      %select_n3A_297 = arith.select %or3A_296, %squeeze3A_289, %select_n3A_286 : f32
      %select_n3A_298 = arith.select %or3A_296, %squeeze3A_291, %select_n3A_287 : i32
      %slice3A_299 = vector.extract_strided_slice %select_n3A_174 {offsets = [11], sizes = [1], strides = [1]} : vector<16xf32> to vector<1xf32>
      %squeeze3A_300 = vector.extract %slice3A_299[0] : f32 from vector<1xf32>
      %slice3A_301 = vector.extract_strided_slice %select_n3A_175 {offsets = [11], sizes = [1], strides = [1]} : vector<16xi32> to vector<1xi32>
      %squeeze3A_302 = vector.extract %slice3A_301[0] : i32 from vector<1xi32>
      %gt3A_303 = arith.cmpf ogt, %squeeze3A_300, %select_n3A_297 : f32
      %eq3A_304 = arith.cmpf oeq, %squeeze3A_300, %select_n3A_297 : f32
      %lt3A_305 = arith.cmpi slt, %squeeze3A_302, %select_n3A_298 : i32
      %and3A_306 = arith.andi %eq3A_304, %lt3A_305 : i1
      %or3A_307 = arith.ori %gt3A_303, %and3A_306 : i1
      %select_n3A_308 = arith.select %or3A_307, %squeeze3A_300, %select_n3A_297 : f32
      %select_n3A_309 = arith.select %or3A_307, %squeeze3A_302, %select_n3A_298 : i32
      %slice3A_310 = vector.extract_strided_slice %select_n3A_174 {offsets = [12], sizes = [1], strides = [1]} : vector<16xf32> to vector<1xf32>
      %squeeze3A_311 = vector.extract %slice3A_310[0] : f32 from vector<1xf32>
      %slice3A_312 = vector.extract_strided_slice %select_n3A_175 {offsets = [12], sizes = [1], strides = [1]} : vector<16xi32> to vector<1xi32>
      %squeeze3A_313 = vector.extract %slice3A_312[0] : i32 from vector<1xi32>
      %gt3A_314 = arith.cmpf ogt, %squeeze3A_311, %select_n3A_308 : f32
      %eq3A_315 = arith.cmpf oeq, %squeeze3A_311, %select_n3A_308 : f32
      %lt3A_316 = arith.cmpi slt, %squeeze3A_313, %select_n3A_309 : i32
      %and3A_317 = arith.andi %eq3A_315, %lt3A_316 : i1
      %or3A_318 = arith.ori %gt3A_314, %and3A_317 : i1
      %select_n3A_319 = arith.select %or3A_318, %squeeze3A_311, %select_n3A_308 : f32
      %select_n3A_320 = arith.select %or3A_318, %squeeze3A_313, %select_n3A_309 : i32
      %slice3A_321 = vector.extract_strided_slice %select_n3A_174 {offsets = [13], sizes = [1], strides = [1]} : vector<16xf32> to vector<1xf32>
      %squeeze3A_322 = vector.extract %slice3A_321[0] : f32 from vector<1xf32>
      %slice3A_323 = vector.extract_strided_slice %select_n3A_175 {offsets = [13], sizes = [1], strides = [1]} : vector<16xi32> to vector<1xi32>
      %squeeze3A_324 = vector.extract %slice3A_323[0] : i32 from vector<1xi32>
      %gt3A_325 = arith.cmpf ogt, %squeeze3A_322, %select_n3A_319 : f32
      %eq3A_326 = arith.cmpf oeq, %squeeze3A_322, %select_n3A_319 : f32
      %lt3A_327 = arith.cmpi slt, %squeeze3A_324, %select_n3A_320 : i32
      %and3A_328 = arith.andi %eq3A_326, %lt3A_327 : i1
      %or3A_329 = arith.ori %gt3A_325, %and3A_328 : i1
      %select_n3A_330 = arith.select %or3A_329, %squeeze3A_322, %select_n3A_319 : f32
      %select_n3A_331 = arith.select %or3A_329, %squeeze3A_324, %select_n3A_320 : i32
      %slice3A_332 = vector.extract_strided_slice %select_n3A_174 {offsets = [14], sizes = [1], strides = [1]} : vector<16xf32> to vector<1xf32>
      %squeeze3A_333 = vector.extract %slice3A_332[0] : f32 from vector<1xf32>
      %slice3A_334 = vector.extract_strided_slice %select_n3A_175 {offsets = [14], sizes = [1], strides = [1]} : vector<16xi32> to vector<1xi32>
      %squeeze3A_335 = vector.extract %slice3A_334[0] : i32 from vector<1xi32>
      %gt3A_336 = arith.cmpf ogt, %squeeze3A_333, %select_n3A_330 : f32
      %eq3A_337 = arith.cmpf oeq, %squeeze3A_333, %select_n3A_330 : f32
      %lt3A_338 = arith.cmpi slt, %squeeze3A_335, %select_n3A_331 : i32
      %and3A_339 = arith.andi %eq3A_337, %lt3A_338 : i1
      %or3A_340 = arith.ori %gt3A_336, %and3A_339 : i1
      %select_n3A_341 = arith.select %or3A_340, %squeeze3A_333, %select_n3A_330 : f32
      %select_n3A_342 = arith.select %or3A_340, %squeeze3A_335, %select_n3A_331 : i32
      %slice3A_343 = vector.extract_strided_slice %select_n3A_174 {offsets = [15], sizes = [1], strides = [1]} : vector<16xf32> to vector<1xf32>
      %squeeze3A_344 = vector.extract %slice3A_343[0] : f32 from vector<1xf32>
      %slice3A_345 = vector.extract_strided_slice %select_n3A_175 {offsets = [15], sizes = [1], strides = [1]} : vector<16xi32> to vector<1xi32>
      %squeeze3A_346 = vector.extract %slice3A_345[0] : i32 from vector<1xi32>
      %gt3A_347 = arith.cmpf ogt, %squeeze3A_344, %select_n3A_341 : f32
      %eq3A_348 = arith.cmpf oeq, %squeeze3A_344, %select_n3A_341 : f32
      %lt3A_349 = arith.cmpi slt, %squeeze3A_346, %select_n3A_342 : i32
      %and3A_350 = arith.andi %eq3A_348, %lt3A_349 : i1
      %or3A_351 = arith.ori %gt3A_347, %and3A_350 : i1
      %select_n3A_352 = arith.select %or3A_351, %squeeze3A_344, %select_n3A_341 : f32
      %select_n3A_353 = arith.select %or3A_351, %squeeze3A_346, %select_n3A_342 : i32
      %eq3A_354 = vector.broadcast %scan3A_12 : i32 to vector<16xi32>
      %eq3A_355 = arith.cmpi eq, %iota3A, %eq3A_354 : vector<16xi32>
      %broadcast_in_dim3A_356 = vector.broadcast %select_n3A_353 : i32 to vector<16xi32>
      %select_n3A_357 = arith.select %eq3A_355, %broadcast_in_dim3A_356, %scan3A_13 : vector<16xi1>, vector<16xi32>
      scf.yield %select_n3A_357 : vector<16xi32>
    }
    %scan3A_6 = arith.constant 2 : i32
    %swap3A = arith.constant 0 : index
    %swap3A_7 = tpu.vector_load %arg8[%swap3A] {strides = array<i32>} : memref<16xi32, #tpu.memory_space<vmem>>, vector<16xi32>,
    %swap3A_8 = vector.shape_cast %swap3A_7 : vector<16xi32> to vector<16xi32>
    %swap3A_9 = vector.shape_cast %scan3A_5 : vector<16xi32> to vector<16xi32>
    tpu.vector_store %arg8[%swap3A], %swap3A_9 {strides = array<i32>} : memref<16xi32, #tpu.memory_space<vmem>>, vector<16xi32>,
    %mul3A_10 = arith.constant 16 : i32
    %mul3A_11 = arith.muli %add3A, %mul3A_10 : i32
    "tpu.region"() ({
      %run_scoped3A = tpu.sem_alloc : memref<!tpu.dma_semaphore, #tpu.memory_space<semaphore_mem>>
      %dma_start3A = tpu.memref_slice %arg3[%mul3A_11] : memref<512xi32, #tpu.memory_space<hbm>> -> memref<16xi32, #tpu.memory_space<hbm>>
      %dma_start3A_12 = tpu.memref_slice %arg3[%mul3A_11] : memref<512xi32, #tpu.memory_space<hbm>> -> memref<16xi32, #tpu.memory_space<hbm>>
      tpu.enqueue_dma source(%arg8 : memref<16xi32, #tpu.memory_space<vmem>>) target(%dma_start3A_12 : memref<16xi32, #tpu.memory_space<hbm>>) target_semaphore(%run_scoped3A : memref<!tpu.dma_semaphore, #tpu.memory_space<semaphore_mem>>)
      %dma_wait3A = tpu.memref_slice %arg3[%mul3A_11] : memref<512xi32, #tpu.memory_space<hbm>> -> memref<16xi32, #tpu.memory_space<hbm>>
      %dma_wait3A_13 = tpu.memref_slice %arg3[%mul3A_11] : memref<512xi32, #tpu.memory_space<hbm>> -> memref<16xi32, #tpu.memory_space<hbm>>
      tpu.wait_dma2 semaphore(%run_scoped3A : memref<!tpu.dma_semaphore, #tpu.memory_space<semaphore_mem>>) src(%arg8 : memref<16xi32, #tpu.memory_space<vmem>>) dst(%dma_wait3A_13 : memref<16xi32, #tpu.memory_space<hbm>>)
      tpu.yield
    }) : () -> ()
    return
  }
}

module attributes {stable_mosaic.version = 14 : i64} {
  func.func @_tc_argmax3d_body(%arg0: i32, %arg1: i32, %arg2: memref<16x7x14336xf32, #tpu.memory_space<vmem>>, %arg3: memref<1x1x112xi32, #tpu.memory_space<vmem>>, %arg4: memref<112xf32, #tpu.memory_space<vmem>>, %arg5: memref<112xi32, #tpu.memory_space<vmem>>) attributes {dimension_semantics = [#tpu.dimension_semantics<parallel>, #tpu.dimension_semantics<arbitrary>], iteration_bounds = array<i64: 4, 7>, scalar_prefetch = 0 : i64, scratch_operands = 2 : i64, tpu.core_type = #tpu.core_type<tc>, window_params = [{transform_indices = @transform_0, window_bounds = array<i64: 16, 7, 14336>}, {transform_indices = @transform_1, window_bounds = array<i64: 1, 1, 112>}]} {
    %eq3A = arith.constant 0 : i32
    %eq3A_0 = arith.cmpi eq, %arg1, %eq3A : i32
    %convert_element_type3A = arith.extui %eq3A_0 : i1 to i32
    %cond3A = arith.constant 0 : i32
    %cond3A_1 = arith.cmpi ne, %convert_element_type3A, %cond3A : i32
    scf.if %cond3A_1 {
      %broadcast_in_dim3A_33 = arith.constant 0xFF800000 : f32
      %broadcast_in_dim3A_34 = vector.broadcast %broadcast_in_dim3A_33 : f32 to vector<112xf32>
      %swap3A_35 = arith.constant 0 : index
      %swap3A_36 = vector.load %arg4[%swap3A_35] : memref<112xf32, #tpu.memory_space<vmem>>, vector<112xf32>
      tpu.vector_store %arg4[%swap3A_35], %broadcast_in_dim3A_34 {strides = array<i32>} : memref<112xf32, #tpu.memory_space<vmem>>, vector<112xf32>,
      %broadcast_in_dim3A_37 = arith.constant 0 : i32
      %broadcast_in_dim3A_38 = vector.broadcast %broadcast_in_dim3A_37 : i32 to vector<112xi32>
      %swap3A_39 = arith.constant 0 : index
      %swap3A_40 = vector.load %arg5[%swap3A_39] : memref<112xi32, #tpu.memory_space<vmem>>, vector<112xi32>
      tpu.vector_store %arg5[%swap3A_39], %broadcast_in_dim3A_38 {strides = array<i32>} : memref<112xi32, #tpu.memory_space<vmem>>, vector<112xi32>,
    } else {
    }
    %get3A = arith.constant 0 : index
    %get3A_2 = arith.constant 0 : index
    %get3A_3 = arith.constant 0 : index
    %get3A_4 = vector.load %arg2[%get3A, %get3A_2, %get3A_3] : memref<16x7x14336xf32, #tpu.memory_space<vmem>>, vector<16x7x14336xf32>
    %reshape3A = vector.shape_cast %get3A_4 : vector<16x7x14336xf32> to vector<112x14336xf32>
    %iota3A = tpu.iota {dimensions = array<i32: 1>} : vector<112x14336xi32>
    %mul3A = arith.constant 14336 : i32
    %mul3A_5 = arith.muli %arg1, %mul3A : i32
    %add3A = vector.broadcast %mul3A_5 : i32 to vector<112x14336xi32>
    %add3A_6 = arith.addi %iota3A, %add3A : vector<112x14336xi32>
    %lt3A = arith.constant 100000 : i32
    %lt3A_7 = vector.broadcast %lt3A : i32 to vector<112x14336xi32>
    %lt3A_8 = arith.cmpi slt, %add3A_6, %lt3A_7 : vector<112x14336xi32>
    %jit3A = arith.constant 0xFF800000 : f32
    %broadcast_in_dim3A = vector.broadcast %jit3A : f32 to vector<112x14336xf32>
    %select_n3A = arith.select %lt3A_8, %reshape3A, %broadcast_in_dim3A : vector<112x14336xi1>, vector<112x14336xf32>
    %reduce_max3A = arith.constant dense<0xFF800000> : vector<112xf32>
    %reduce_max3A_9 = vector.multi_reduction <maximumf>, %select_n3A, %reduce_max3A [1] : vector<112x14336xf32> to vector<112xf32>
    %broadcast_in_dim3A_10 = vector.shape_cast %reduce_max3A_9 : vector<112xf32> to vector<112x1xf32>
    %eq3A_11 = vector.broadcast %broadcast_in_dim3A_10 : vector<112x1xf32> to vector<112x14336xf32>
    %eq3A_12 = arith.cmpf oeq, %select_n3A, %eq3A_11 : vector<112x14336xf32>
    %jit3A_13 = arith.constant 2147483647 : i32
    %broadcast_in_dim3A_14 = vector.broadcast %jit3A_13 : i32 to vector<112x14336xi32>
    %select_n3A_15 = arith.select %eq3A_12, %add3A_6, %broadcast_in_dim3A_14 : vector<112x14336xi1>, vector<112x14336xi32>
    %reduce_min3A = arith.constant dense<2147483647> : vector<112xi32>
    %reduce_min3A_16 = vector.multi_reduction <minsi>, %select_n3A_15, %reduce_min3A [1] : vector<112x14336xi32> to vector<112xi32>
    %get3A_17 = arith.constant 0 : index
    %get3A_18 = vector.load %arg4[%get3A_17] : memref<112xf32, #tpu.memory_space<vmem>>, vector<112xf32>
    %gt3A = arith.cmpf ogt, %reduce_max3A_9, %get3A_18 : vector<112xf32>
    %get3A_19 = arith.constant 0 : index
    %get3A_20 = vector.load %arg5[%get3A_19] : memref<112xi32, #tpu.memory_space<vmem>>, vector<112xi32>
    %select_n3A_21 = arith.select %gt3A, %reduce_min3A_16, %get3A_20 : vector<112xi1>, vector<112xi32>
    %swap3A = arith.constant 0 : index
    %swap3A_22 = vector.load %arg5[%swap3A] : memref<112xi32, #tpu.memory_space<vmem>>, vector<112xi32>
    tpu.vector_store %arg5[%swap3A], %select_n3A_21 {strides = array<i32>} : memref<112xi32, #tpu.memory_space<vmem>>, vector<112xi32>,
    %get3A_23 = arith.constant 0 : index
    %get3A_24 = vector.load %arg4[%get3A_23] : memref<112xf32, #tpu.memory_space<vmem>>, vector<112xf32>
    %select_n3A_25 = arith.select %gt3A, %reduce_max3A_9, %get3A_24 : vector<112xi1>, vector<112xf32>
    %swap3A_26 = arith.constant 0 : index
    %swap3A_27 = vector.load %arg4[%swap3A_26] : memref<112xf32, #tpu.memory_space<vmem>>, vector<112xf32>
    tpu.vector_store %arg4[%swap3A_26], %select_n3A_25 {strides = array<i32>} : memref<112xf32, #tpu.memory_space<vmem>>, vector<112xf32>,
    %eq3A_28 = arith.constant 6 : i32
    %eq3A_29 = arith.cmpi eq, %arg1, %eq3A_28 : i32
    %convert_element_type3A_30 = arith.extui %eq3A_29 : i1 to i32
    %cond3A_31 = arith.constant 0 : i32
    %cond3A_32 = arith.cmpi ne, %convert_element_type3A_30, %cond3A_31 : i32
    scf.if %cond3A_32 {
      %get3A_33 = arith.constant 0 : index
      %get3A_34 = vector.load %arg5[%get3A_33] : memref<112xi32, #tpu.memory_space<vmem>>, vector<112xi32>
      %swap3A_35 = arith.constant 0 : index
      %swap3A_36 = arith.constant 0 : index
      %swap3A_37 = arith.constant 0 : index
      %swap3A_38 = vector.load %arg3[%swap3A_35, %swap3A_36, %swap3A_37] : memref<1x1x112xi32, #tpu.memory_space<vmem>>, vector<1x1x112xi32>
      %swap3A_39 = vector.shape_cast %swap3A_38 : vector<1x1x112xi32> to vector<112xi32>
      %swap3A_40 = vector.shape_cast %get3A_34 : vector<112xi32> to vector<1x1x112xi32>
      tpu.vector_store %arg3[%swap3A_35, %swap3A_36, %swap3A_37], %swap3A_40 {strides = array<i32>} : memref<1x1x112xi32, #tpu.memory_space<vmem>>, vector<1x1x112xi32>,
    } else {
    }
    return
  }
  func.func @transform_0(%arg0: i32, %arg1: i32) -> (i32, i32, i32) {
    %c0_i32 = arith.constant 0 : i32
    %c0_i32_0 = arith.constant 0 : i32
    return %arg0, %c0_i32, %arg1 : i32, i32, i32
  }
  func.func @transform_1(%arg0: i32, %arg1: i32) -> (i32, i32, i32) {
    %c0_i32 = arith.constant 0 : i32
    %c0_i32_0 = arith.constant 0 : i32
    %c0_i32_1 = arith.constant 0 : i32
    return %arg0, %c0_i32, %c0_i32_0 : i32, i32, i32
  }
}

</mosaic_0001>

<sc_bundles>
// kernel: kernel.4.cloned.1.call-start
scs
__scs_entry_jumppad:
0x0: {  	(pc) =	sbr.rel $0x88, $3  }
0x1: {  	(tag) =	ssettag $0x0;
	lr =	simm.s32 $0x1  }
0x2: {  	[smem:$0x3F9F] =	sst lr;
	_ =	strace $0xD0000000  }
0x3: {  	_ = 	snop  }
0x4: {  	_ = 	snop  }
0x5: {  	_ = 	snop  }
0x6: {  	_ = 	snop  }
0x7: {  	_ = 	snop  }
__scs_overlays_trampoline_lowered:
0x8: {  	[smem:$0x3FAE] =	sst s0  }
0x9: {  	[smem:$0x3FAF] =	sst s1  }
0xa: {  	[smem:$0x3FB0] =	sst s2  }
0xb: {  	[smem:$0x3FB1] =	sst s3  }
0xc: {  	[smem:$0x3FB2] =	sst s4  }
0xd: {  	[smem:$0x3FB3] =	sst s5  }
0xe: {  	[smem:$0x3FB4] =	sst s6  }
0xf: {  	[smem:$0x3FB5] =	sst s7  }
0x10: {  	[smem:$0x3FB6] =	sst s8  }
0x11: {  	[smem:$0x3FB7] =	sst s9;
	s0 =	simm.s32 @!p0 $0x0  }
0x12: {  	s1 =	sld [smem:$0x3F9D];
	s0 =	simm.s32 @p0 $0x1  }
0x13: {  	[smem:$0x3FB8] =	sst s0;
	s0 =	simm.s32 @!p1 $0x0  }
0x14: {  	s2 =	sld [smem:$0x3F9C];
	s0 =	simm.s32 @p1 $0x1  }
0x15: {  	[smem:$0x3FB9] =	sst s0;
	s0 =	simm.s32 @!p2 $0x0  }
0x16: {  	s3 =	sld [smem:$0x3FDB];
	s0 =	simm.s32 @p2 $0x1  }
0x17: {  	s4 =	simm.s32 $0x1BF5;
	[smem:$0x3FBB] =	sst s0  }
0x18: {  	s0 =	sld [smem:$0x3F9E];
	_ =	swait.ge [sflag:s4], $0x0  }
0x19: {  	s7 =	sld [smem:$0x3F9F]  }
0x1a: {  	s8 =	sadd.s32 $0xFFFFE003, lr  }
0x1b: {  	s9 =	sadd.s32 $0xFFFFFEF7, lr;
	s5 =	simm.s32 $0xFFFFFFFF;
	p2 =	slt.u32 s8, $0xFFFFF086  }
0x1c: {  	p1 =	slt.u32 s9, $0xF7A;
	s5 =	simm.s32 @!p2 $0x0  }
0x1d: {  	s5 =	simm.s32 @p1 $0x1;
	p0 =	seq.s32 s7, s2  }
0x1e: {  	s7 =	smul.u32 @!p0 $0xF7A, s2;
	p2 =	seq.s32 @!p0 s5, $0x0  }
0x1f: {  	s9 =	smul.u32 $0xF7A, s1;
	s8 =	simm.s32 @!p0 $0x1BF5;
	p2 =	por !p2, p0  }
0x20: {  	[sflag:s8] =	ssyncset.s32 @!p0 $0xFFFFF086;
	s6 =	sadd.s32 @!p0 s3, s7;
	s7 =	simm.s32 @!p0 $0x108  }
0x21: {  	s3 =	sadd.s32 s3, s9;
	s6 =	sadd.s32 @!p0 $0x88, s6;
	s7 =	simm.s32 @p2 $0x1082  }
0x22: {  	[simem:s7], [sflag:s8] =	dma.local @!p0 [hbm:s6], $0xF7A  }
0x23: {  	s9 =	sor.u32 $0xD0000000, s2;
	s6 =	simm.s32 $0x108;
	_ =	swait.ge @!p0 [sflag:s8], $0x0  }
0x24: {  	s3 =	sadd.s32 $0x88, s3;
	s6 =	simm.s32 @!p1 $0x1082;
	[sflag:s4] =	ssyncset.s32 $0xFFFFF086  }
0x25: {  	[simem:s6], [sflag:s4] =	dma.local [hbm:s3], $0xF7A  }
0x26: {  	[smem:$0x3F9F] =	sst s1;
	(tag) =	ssettag s2;
	_ =	strace s9  }
0x27: {  	s1 =	sld [smem:$0x3FAF]  }
0x28: {  	s2 =	sld [smem:$0x3FB0]  }
0x29: {  	s4 =	sld [smem:$0x3FB2]  }
0x2a: {  	p0 =	seq.s32 s5, $0x0;
	s5 =	sld [smem:$0x3FB3]  }
0x2b: {  	s6 =	sld [smem:$0x3FB4]  }
0x2c: {  	s7 =	sld [smem:$0x3FB5]  }
0x2d: {  	s3 =	simm.s32 $0x108;
	s8 =	sld [smem:$0x3FB6]  }
0x2e: {  	s3 =	simm.s32 @!p0 $0x1082;
	s9 =	sld [smem:$0x3FB7]  }
0x2f: {  	lr =	sadd.s32 s0, s3;
	s0 =	sld [smem:$0x3FAE]  }
0x30: {  	s3 =	sld [smem:$0x3FB1]  }
0x31: {  	[smem:$0x3FBA] =	sst s10  }
0x32: {  	s10 =	sld [smem:$0x3FB8];
	_ =	sdelay $0x3  }
0x33: {  	p0 =	seq.s32 s10, $0x1;
	s10 =	sld [smem:$0x3FBA];
	_ =	sdelay $0x3  }
0x34: {  	[smem:$0x3FBA] =	sst s10  }
0x35: {  	s10 =	sld [smem:$0x3FB9];
	_ =	sdelay $0x3  }
0x36: {  	p1 =	seq.s32 s10, $0x1;
	s10 =	sld [smem:$0x3FBA];
	_ =	sdelay $0x3  }
0x37: {  	[smem:$0x3FBA] =	sst s10  }
0x38: {  	s10 =	sld [smem:$0x3FBB]  }
0x39: {  	_ = 	snop;
	(pc) =	sbr.ind lr, $3  }
0x3a: {  	_ = 	snop  }
0x3b: {  	_ = 	snop  }
0x3c: {  	p2 =	seq.s32 s10, $0x1;
	s10 =	sld [smem:$0x3FBA]  }
0x3d: {  	_ =	shalt  }
0x3e: {  	_ =	shalt  }
0x3f: {  	_ =	shalt  }
0x40: {  	_ =	shalt  }
0x41: {  	_ =	shalt  }
0x42: {  	_ =	shalt  }
0x43: {  	_ =	shalt  }
0x44: {  	_ =	shalt  }
0x45: {  	_ =	shalt  }
0x46: {  	_ =	shalt  }
0x47: {  	_ =	shalt  }
0x48: {  	_ =	shalt  }
0x49: {  	_ =	shalt  }
0x4a: {  	_ =	shalt  }
0x4b: {  	_ =	shalt  }
0x4c: {  	_ =	shalt  }
0x4d: {  	_ =	shalt  }
0x4e: {  	_ =	shalt  }
0x4f: {  	_ =	shalt  }
0x50: {  	_ =	shalt  }
0x51: {  	_ =	shalt  }
0x52: {  	_ =	shalt  }
0x53: {  	_ =	shalt  }
0x54: {  	_ =	shalt  }
0x55: {  	_ =	shalt  }
0x56: {  	_ =	shalt  }
0x57: {  	_ =	shalt  }
0x58: {  	_ =	shalt  }
0x59: {  	_ =	shalt  }
0x5a: {  	_ =	shalt  }
0x5b: {  	_ =	shalt  }
0x5c: {  	_ =	shalt  }
0x5d: {  	_ =	shalt  }
0x5e: {  	_ =	shalt  }
0x5f: {  	_ =	shalt  }
0x60: {  	_ =	shalt  }
0x61: {  	_ =	shalt  }
0x62: {  	_ =	shalt  }
0x63: {  	_ =	shalt  }
0x64: {  	_ =	shalt  }
0x65: {  	_ =	shalt  }
0x66: {  	_ =	shalt  }
0x67: {  	_ =	shalt  }
0x68: {  	_ =	shalt  }
0x69: {  	_ =	shalt  }
0x6a: {  	_ =	shalt  }
0x6b: {  	_ =	shalt  }
0x6c: {  	_ =	shalt  }
0x6d: {  	_ =	shalt  }
0x6e: {  	_ =	shalt  }
0x6f: {  	_ =	shalt  }
0x70: {  	_ =	shalt  }
0x71: {  	_ =	shalt  }
0x72: {  	_ =	shalt  }
0x73: {  	_ =	shalt  }
0x74: {  	_ =	shalt  }
0x75: {  	_ =	shalt  }
0x76: {  	_ =	shalt  }
0x77: {  	_ =	shalt  }
0x78: {  	_ =	shalt  }
0x79: {  	_ =	shalt  }
0x7a: {  	_ =	shalt  }
0x7b: {  	_ =	shalt  }
0x7c: {  	_ =	shalt  }
0x7d: {  	_ =	shalt  }
0x7e: {  	_ =	shalt  }
0x7f: {  	_ =	shalt  }
0x80: {  	_ =	shalt  }
0x81: {  	_ =	shalt  }
0x82: {  	_ =	shalt  }
0x83: {  	_ =	shalt  }
0x84: {  	_ =	shalt  }
0x85: {  	_ =	shalt  }
0x86: {  	_ =	shalt  }
0x87: {  	_ =	shalt  }
.Lfunc_end0:
.L_simem_size_0:
called_computation_lowered:
.L_overlay_start_0:
0x88: {  	s2 =	sld [smem:$0x3FD9]  }
0x89: {  	s3 =	sld [smem:$0x3FFE];
	_ =	sdelay $0x1  }
0x8a: {  	s1 =	srdreg.scid  }
0x8b: {  	s0 =	sand.u32 $0x1, s1  }
0x8c: {  	s17 =	sshll.u32 s0, $0xA;
	s2 =	sadd.s32 s3, s2  }
0x8d: {  	s2 =	sadd.s32 s2, s17  }
0x8e: {  	[smem:$0x3FC6] =	sst s2  }
0x8f: {  	_ = 	snop  }
0x90: {  	s2 =	sld [smem:$0x3FD0];
	(tm) =	ssettm $0x1  }
0x91: {  	s18 =	sld [smem:$0x3FFB];
	_ =	sdelay $0x3  }
0x92: {  	_ =	strace s18  }
0x93: {  	s3 =	sld [smem:$0x3FFC];
	_ =	sdelay $0x3  }
0x94: {  	_ =	strace s3  }
0x95: {  	s3 =	sld [smem:$0x3FFD];
	_ =	sdelay $0x3  }
0x96: {  	_ =	strace s3  }
0x97: {  	_ =	strace $0x8FFFFFFF  }
0x98: {  	s19 =	sld [smem:$0x3FDB];
	_ =	sdelay $0x1  }
0x99: {  	s4 =	simm.s32 $_scs_section_size  }
0x9a: {  	s5 =	simm.s32 $_size__tile_overlayer_lowered;
	s6 =	simm.s32 $_tile_overlayer_lowered  }
0x9b: {  	s22 =	simm.s32 $0x1BFF;
	s21 =	sshll.u32 s6, $0x1;
	s3 =	sadd.s32 s4, s19  }
0x9c: {  	s7 =	simm.s32 $0x0;
	s20 =	sshll.u32 s5, $0x1;
	s5 =	sadd.s32 s21, s3  }
0x9d: {  	[timem:s7], [sflag:s22] =	dma.local [hbm:s5], s20  }
0x9e: {  	_ =	swait.ge [sflag:s22], s20  }
0x9f: {  	s4 =	ssub.s32 $0x0, s20;
	[sflag:s22] =	ssyncset.done $0x0  }
0xa0: {  	[sflag:s22] =	ssyncadd.s32 s4;
	_ =	sdelay $0x1  }
0xa1: {  	s23 =	simm.s32 $0x1B8B  }
0xa2: {  	_ =	swait.ge [sflag:s23], $0x1  }
0xa3: {  	[sflag:s23] =	ssyncset.done $0x0  }
0xa4: {  	s25 =	simm.s32 $0x1B8E;
	s24 =	sld [smem:$0x3FFE];
	[sflag:s23] =	ssyncadd.s32 $0xFFFFFFFF  }
0xa5: {  	s26 =	simm.s32 $execute0_lowered;
	[smem:$0x3FD2] =	sst s25  }
0xa6: {  	s5 =	sshll.u32 s26, $0x1;
	_ =	strace $0x80000046;
	[dreg:$0x1] =	wrdreg $0xFFFFFFFF  }
0xa7: {  	s28 =	simm.s32 $_size_execute0_lowered;
	s3 =	sadd.s32 s3, s5;
	[dreg:$0x0] =	wrdreg $0x0  }
0xa8: {  	s5 =	sshll.u32 s28, $0x1;
	[dreg:$0x2] =	wrdreg s3  }
0xa9: {  	[dreg:$0x3] =	wrdreg s5  }
0xaa: {  	[dreg:$0x4] =	wrdreg $0xC0  }
0xab: {  	_ =	task [dreg:s7], $0x5FFFF  }
0xac: {  	[dreg:$0x1] =	wrdreg $0xFFFFFFFF  }
0xad: {  	[dreg:$0x0] =	wrdreg $0x60  }
0xae: {  	[dreg:$0x2] =	wrdreg s24  }
0xaf: {  	[dreg:$0x3] =	wrdreg s2  }
0xb0: {  	[dreg:$0x4] =	wrdreg $0x9  }
0xb1: {  	_ =	task.clear_ibuf [dreg:s7], $0x5FFFF;
	_ =	strace $0x90000046  }
0xb2: {  	s29 =	simm.s32 $0x9;
	_ =	strace $0x80000048  }
0xb3: {  	_ =	swait.ge [sflag:s29], $0x1  }
0xb4: {  	[sflag:s29] =	ssyncadd.s32 $0xFFFFFFFF  }
0xb5: {  	_ =	strace $0x90000048  }
0xb6: {  	_ =	sfence  }
0xb7: {  	s30 =	sld [smem:$0x0];
	_ =	sdelay $0x2  }
0xb8: {  	s31 =	sshll.u32 s1, $0xD;
	s1 =	sshrl.u32 s1, $0x2  }
0xb9: {  	s3 =	sand.u32 $0x4000, s31;
	s1 =	sadd.s32 s1, s30  }
0xba: {  	s0 =	sor.u32 s3, s0;
	s1 =	sshll.u32 s1, $0x11  }
0xbb: {  	s0 =	sor.u32 s1, s0  }
0xbc: {  	s0 =	sadd.s32 $0x8F2B, s0  }
0xbd: {  	[sflag:s0] =	ssyncadd.remote.s32 $0x1  }
0xbe: {  	_ =	sfence.sel $0xFFFF  }
0xbf: {  	[dreg:$0x0] =	wrdreg $0xFFFFFFFF;
	(pc) =	sbr.abs _section_cstart, $3  }
0xc0: {  	[dreg:$0x1] =	wrdreg $0xFFFFFFFF  }
0xc1: {  	_ =	task.clear_ibuf [dreg:s7], $0x2FFFF;
	_ =	strace $0x9FFFFFFF  }
0xc2: {  	(tm) =	ssettm $0x7FFFFFFF  }
0xc3: {  	_ =	shalt  }
tec
execute0_lowered:
.L_overlay_start_1:
0x0: {  	(tag) =	ssettag $0x1  }
0x1: {  	s1 =	rddreg [dreg:$0x0]  }
0x2: {  	s5 =	rddreg [dreg:$0x1];
	s2 =	srdreg.scid  }
0x3: {  	s0 =	rddreg [dreg:$0x2];
	s3 =	simm.s32 $0x0;
	s9 =	simm.s32 $0xEB80  }
0x4: {  	s10 =	simm.s32 $0x1;
	s11 =	simm.s32 $0x2;
	s12 =	simm.s32 $0x3  }
0x5: {  	s13 =	simm.s32 $0x4;
	s14 =	simm.s32 $0x13A00;
	s15 =	simm.s32 $0x5  }
0x6: {  	s16 =	simm.s32 $0x0;
	s4 =	sand.u32 $0x1, s2;
	[smem:$0x7FF] =	sst s3  }
0x7: {  	s2 =	stileid.u32;
	s6 =	ssub.s32 $0x2, s4;
	s4 =	sshll.u32 s4, $0x5  }
0x8: {  	s8 =	sshll.u32 s2, $0x1;
	_ =	strace $0x80000047;
	s7 =	sshrl.u32 s6, $0x1  }
0x9: {  	s4 =	sor.u32 s8, s4;
	s8 =	simm.s32 $0x9D00;
	s6 =	ssub.s32 s6, s7  }
0xa: {  	v0 =	vlaneseq.u32;
	s5 =	sadd.s32 s5, s4;
	s7 =	simm.s32 $0x4E80;
	s6 =	smax.u32 s6, $0x1  }
.LBB2_1:
0xb: {  	p1 =	por $0x1, $0x1;
	v1 =	vimm.s32 $0x0;
	s17 =	simm.s32 $0x0  }
.LBB2_2:
0xc: {  	s18 =	sor.u32 s4, s17  }
0xd: {  	s18 =	smul.u32 $0x186A0, s18;
	_ =	sdelay $0x1  }
0xe: {  	s18 =	sshrl.u32 s18, $0x3  }
0xf: {  	s18 =	sadd.s32 s1, s18  }
0x10: {  	[tilespmem:s3], [sflag:$0x1] =	stream.linear.gather [hbm4b:s18+s3], $0x4E20, $0x38;
	[tilespmem:$0x13A80] =	vst v63  }
0x11: {  	s19 =	sadd.s32 $0x9C4, s18  }
0x12: {  	[tilespmem:s7], [sflag:$0x2] =	stream.linear.gather [hbm4b:s19+s3], $0x4E20, $0x38;
	[tilespmem:$0x13A80] =	vst v63  }
0x13: {  	v6 =	vimm.f32 $-Inf;
	v8 =	vimm.s32 $0x0;
	s30 =	sadd.s32 $0x1388, s18  }
0x14: {  	v2 =	vimm.s32 $0x0;
	v3 =	vimm.f32 $-Inf;
	v9 =	vimm.s32 $0x0;
	[tilespmem:s8], [sflag:$0x3] =	stream.linear.gather [hbm4b:s30+s3], $0x4E20, $0x38;
	[tilespmem:$0x13A80] =	vst v63  }
0x15: {  	v12 =	vimm.f32 $-Inf;
	v11 =	vimm.s32 $0x0;
	v14 =	vimm.f32 $-Inf;
	s31 =	sadd.s32 $0x1D4C, s18  }
0x16: {  	v28 =	vimm.s32 $0x0;
	v33 =	vimm.f32 $-Inf;
	v13 =	vimm.s32 $0x0;
	[tilespmem:s9], [sflag:$0x4] =	stream.linear.gather [hbm4b:s31+s3], $0x4E20, $0x38;
	[tilespmem:$0x13A80] =	vst v63  }
0x17: {  	v30 =	vimm.f32 $-Inf;
	v31 =	vimm.s32 $0x0;
	v16 =	vimm.f32 $-Inf;
	_ =	swait.ge [sflag:s10], $0x4E20  }
0x18: {  	v4 =	vimm.s32 $0x0;
	v5 =	vimm.f32 $-Inf;
	v15 =	vimm.s32 $0x0;
	p0 =	por p1, p1;
	s20 =	simm.s32 $0x310;
	[sflag:s10] =	ssyncset.done $0x0  }
0x19: {  	s21 =	simm.s32 $0x190;
	v36 =	vimm.f32 $-Inf;
	v35 =	vimm.s32 $0x0;
	v7 =	vimm.f32 $-Inf;
	s19 =	simm.s32 $0xFFFFFFFB;
	[sflag:s10] =	ssyncadd.s32 $0xFFFFB1E0  }
.LBB2_3:
0x1a: {  	v10 =	vld [tilespmem:s21+$0xFFFFFE70];
	s22 =	sadd.s32 $0xFFFFFCF0, s20;
	s23 =	sadd.s32 $0xFFFFFD00, s20  }
0x1b: {  	v17 =	vld [tilespmem:s21+$0xFFFFFE80];
	s29 =	sadd.s32 $0xFFFFFD10, s20;
	s30 =	sadd.s32 $0xFFFFFD20, s20;
	s24 =	sadd.s32 $0xFFFFFD70, s20  }
0x1c: {  	v18 =	vld [tilespmem:s21+$0xFFFFFE90];
	s31 =	sadd.s32 $0xFFFFFD30, s20;
	s26 =	sadd.s32 $0xFFFFFD40, s20;
	s28 =	sadd.s32 $0xFFFFFD50, s20;
	v20 =	vor.u32 s22, v0;
	v22 =	vor.u32 s23, v0  }
0x1d: {  	v19 =	vld [tilespmem:s21+$0xFFFFFEA0];
	v59 =	vor.u32 s29, v0;
	v60 =	vor.u32 s30, v0;
	s25 =	sand.u32 $0xFF80, s24;
	s22 =	sand.u32 $0x60, s22;
	v24 =	vor.u32 s31, v0;
	s29 =	sadd.s32 $0xFFFFFD60, s20  }
0x1e: {  	v21 =	vld [tilespmem:s21+$0xFFFFFEB0];
	v62 =	vor.u32 s26, v0;
	v26 =	vor.u32 s28, v0;
	v32 =	vor.u32 s24, v0;
	s30 =	sadd.s32 $0xFFFFFD80, s20;
	s26 =	sadd.s32 $0xFFFFFDA0, s20;
	s28 =	sadd.s32 $0xFFFFFDB0, s20  }
0x1f: {  	v23 =	vld [tilespmem:s21+$0xFFFFFEE0];
	s25 =	sor.u32 s22, s25;
	v63 =	vor.u32 s29, v0;
	v34 =	vor.u32 s30, v0;
	v38 =	vor.u32 s26, v0;
	s29 =	sadd.s32 $0xFFFFFDC0, s20;
	s26 =	sadd.s32 $0xFFFFFDE0, s20  }
0x20: {  	v39 =	vor.u32 s28, v0;
	s28 =	sadd.s32 $0xFFFFFDF0, s20;
	v61 =	vld [tilespmem:s25+$0x0];
	s25 =	sadd.s32 $0xFFFFFE10, s20;
	v40 =	vor.u32 s29, v0;
	v45 =	vor.u32 s26, v0;
	s29 =	sadd.s32 $0xFFFFFE00, s20  }
0x21: {  	v25 =	vld [tilespmem:s21+$0xFFFFFF00];
	v47 =	vor.u32 s28, v0;
	s26 =	sadd.s32 $0xFFFFFE40, s20;
	s28 =	sadd.s32 $0xFFFFFE50, s20;
	v48 =	vor.u32 s29, v0;
	v50 =	vor.u32 s25, v0  }
0x22: {  	v54 =	vor.u32 s26, v0;
	v56 =	vor.u32 s28, v0;
	vm0 =	vgt.f32 v10, v7  }
0x23: {  	vm15 =	vgt.f32 v17, v36;
	v7 =	vmax.f32 v10, v7;
	v10 =	vmax.f32 v17, v36  }
0x24: {  	vm4 =	vgt.f32 v18, v5;
	v5 =	vmax.f32 v18, v5;
	vm5 =	vgt.f32 v19, v16  }
0x25: {  	v27 =	vld [tilespmem:s21+$0xFFFFFF10];
	vm6 =	vgt.f32 v21, v30;
	v16 =	vmax.f32 v19, v16;
	v19 =	vmax.f32 v21, v30  }
0x26: {  	v37 =	vld [tilespmem:s21+$0xFFFFFF50];
	s31 =	sadd.s32 $0xFFFFFD90, s20;
	s29 =	sadd.s32 $0xFFFFFE60, s20;
	vm9 =	vgt.f32 v23, v12;
	v12 =	vmax.f32 v23, v12;
	vm11 =	vgt.f32 v25, v6  }
0x27: {  	v46 =	vld [tilespmem:s21+$0xFFFFFFA0];
	v36 =	vor.u32 s31, v0;
	v6 =	vmax.f32 v25, v6;
	v57 =	vor.u32 s29, v0  }
0x28: {  	v20 =	vsel vm0, v20, v35;
	v15 =	vsel vm15, v22, v15;
	v4 =	vsel vm4, v59, v4  }
0x29: {  	v22 =	vsel vm5, v60, v31;
	v13 =	vsel vm6, v24, v13;
	v9 =	vsel vm9, v63, v9  }
0x2a: {  	v42 =	vld [tilespmem:s21+$0xFFFFFF80];
	s23 =	sand.u32 $0x60, s31;
	s30 =	sand.u32 $0xFF80, s25;
	s31 =	sadd.s32 $0xFFFFFDD0, s20;
	v8 =	vsel vm11, v34, v8;
	vm12 =	vgt.f32 v27, v7;
	v7 =	vmax.f32 v27, v7  }
0x2b: {  	v17 =	vld [tilespmem:s21+$0xFFFFFEC0];
	s23 =	sor.u32 s23, s30;
	s30 =	sadd.s32 $0xFFFFFE20, s20;
	v43 =	vor.u32 s31, v0;
	vm4 =	vgt.f32 v37, v19;
	v19 =	vmax.f32 v37, v19  }
0x2c: {  	s25 =	sadd.s32 $0xFFFFFEB0, s20;
	s28 =	sadd.s32 $0xFFFFFE90, s20;
	v18 =	vld [tilespmem:s21+$0xFFFFFED0];
	v51 =	vor.u32 s30, v0;
	vm9 =	vgt.f32 v46, v6;
	v6 =	vmax.f32 v46, v6  }
0x2d: {  	v35 =	vld [tilespmem:s21+$0xFFFFFF40];
	s31 =	sadd.s32 $0xFFFFFE30, s20;
	v63 =	vor.u32 s28, v0;
	v34 =	vor.u32 s25, v0;
	v20 =	vsel vm12, v36, v20  }
0x2e: {  	s26 =	sadd.s32 $0xFFFFFE80, s20;
	v27 =	vld [tilespmem:s21+$0xFFFFFF70];
	s28 =	sadd.s32 $0xFFFFFF10, s20;
	v13 =	vsel vm4, v43, v13;
	v8 =	vsel vm9, v51, v8;
	v53 =	vor.u32 s31, v0  }
0x2f: {  	v44 =	vld [tilespmem:s23+$0x0];
	s30 =	sand.u32 $0xFF80, s25;
	s23 =	sand.u32 $0x60, s31;
	s31 =	sadd.s32 $0xFFFFFE70, s20;
	v43 =	vor.u32 s28, v0;
	vm10 =	vgt.f32 v61, v3;
	v3 =	vmax.f32 v61, v3  }
0x30: {  	s23 =	sor.u32 s23, s30;
	v59 =	vor.u32 s31, v0;
	v61 =	vor.u32 s26, v0;
	s30 =	sadd.s32 $0xFFFFFEC0, s20;
	v2 =	vsel vm10, v32, v2  }
0x31: {  	v36 =	vor.u32 s30, v0;
	vm7 =	vgt.f32 v17, v33;
	v17 =	vmax.f32 v17, v33  }
0x32: {  	v60 =	vld [tilespmem:s23+$0x0];
	vm8 =	vgt.f32 v18, v14;
	v14 =	vmax.f32 v18, v14;
	v24 =	vsel vm7, v62, v28  }
0x33: {  	v18 =	vld [tilespmem:s21+$0xFFFFFF20];
	v11 =	vsel vm8, v26, v11;
	vm15 =	vgt.f32 v35, v16;
	v16 =	vmax.f32 v35, v16  }
0x34: {  	v33 =	vld [tilespmem:s21+$0xFFFFFF30];
	vm6 =	vgt.f32 v27, v14;
	v14 =	vmax.f32 v27, v14;
	vm7 =	vgt.f32 v42, v12  }
0x35: {  	v49 =	vld [tilespmem:s21+$0xFFFFFFC0];
	s25 =	sadd.s32 $0xFFFFFEF0, s20;
	v12 =	vmax.f32 v42, v12;
	vm8 =	vgt.f32 v44, v3;
	v3 =	vmax.f32 v44, v3  }
0x36: {  	v52 =	vld [tilespmem:s21+$0xFFFFFFE0];
	s31 =	sadd.s32 $0xFFFFFEE0, s20;
	v42 =	vor.u32 s25, v0;
	v41 =	vsel vm15, v40, v22;
	v11 =	vsel vm6, v47, v11  }
0x37: {  	v27 =	vld [tilespmem:s21+$0xFFFFFFD0];
	v9 =	vsel vm7, v48, v9;
	v2 =	vsel vm8, v50, v2;
	v40 =	vor.u32 s31, v0  }
0x38: {  	v62 =	vld [tilespmem:s21+$0x40];
	vm6 =	vgt.f32 v60, v3;
	v3 =	vmax.f32 v60, v3;
	vm13 =	vgt.f32 v18, v10  }
0x39: {  	s29 =	sadd.s32 $0xFFFFFEA0, s20;
	v10 =	vmax.f32 v18, v10;
	vm14 =	vgt.f32 v33, v5;
	v5 =	vmax.f32 v33, v5  }
0x3a: {  	v55 =	vld [tilespmem:s21+$0x0];
	v33 =	vor.u32 s29, v0;
	v2 =	vsel vm6, v34, v2;
	v15 =	vsel vm13, v38, v15  }
0x3b: {  	v37 =	vld [tilespmem:s21+$0x80];
	v4 =	vsel vm14, v39, v4;
	vm11 =	vgt.f32 v49, v10;
	v10 =	vmax.f32 v49, v10  }
0x3c: {  	v18 =	vld [tilespmem:s21+$0xFFFFFF60];
	vm12 =	vgt.f32 v27, v5;
	v5 =	vmax.f32 v27, v5;
	vm13 =	vgt.f32 v52, v16  }
0x3d: {  	v58 =	vld [tilespmem:s21+$0x20];
	s28 =	sadd.s32 $0xFFFFFF40, s20;
	s23 =	sadd.s32 $0xFFFFFED0, s20;
	s29 =	sadd.s32 $0xFFFFFF50, s20;
	v16 =	vmax.f32 v52, v16;
	vm7 =	vgt.f32 v62, v6;
	v6 =	vmax.f32 v62, v6  }
0x3e: {  	v27 =	vld [tilespmem:s21+$0x10];
	v38 =	vor.u32 s23, v0;
	v49 =	vor.u32 s28, v0;
	v51 =	vor.u32 s29, v0  }
0x3f: {  	v46 =	vld [tilespmem:s21+$0xE0];
	v15 =	vsel vm11, v54, v15;
	v4 =	vsel vm12, v56, v4;
	v21 =	vsel vm13, v57, v41  }
0x40: {  	s24 =	sadd.s32 $0xFFFFFF90, s20;
	s30 =	sand.u32 $0xFF80, s29;
	s23 =	sand.u32 $0x60, s23;
	v8 =	vsel vm7, v36, v8;
	v41 =	vld [tilespmem:s21+$0xA0];
	vm11 =	vgt.f32 v37, v16;
	v16 =	vmax.f32 v37, v16  }
0x41: {  	v32 =	vld [tilespmem:s21+$0x50];
	s23 =	sor.u32 s23, s30;
	s30 =	sadd.s32 $0xFFFFFF70, s20;
	v57 =	vor.u32 s24, v0;
	vm5 =	vgt.f32 v18, v17;
	v17 =	vmax.f32 v18, v17  }
0x42: {  	v44 =	vld [tilespmem:s23+$0x0];
	v54 =	vor.u32 s30, v0;
	v24 =	vsel vm5, v45, v24;
	vm15 =	vgt.f32 v55, v17  }
0x43: {  	s31 =	sadd.s32 $0xFFFFFF20, s20;
	v18 =	vld [tilespmem:s21+$0xFFFFFFB0];
	v17 =	vmax.f32 v55, v17;
	vm4 =	vgt.f32 v27, v14;
	v14 =	vmax.f32 v27, v14  }
0x44: {  	vm5 =	vgt.f32 v58, v12;
	v27 =	vld [tilespmem:s21+$0x60];
	v12 =	vmax.f32 v58, v12;
	v45 =	vor.u32 s31, v0  }
0x45: {  	v35 =	vld [tilespmem:s21+$0x70];
	v11 =	vsel vm4, v63, v11;
	v9 =	vsel vm5, v33, v9;
	vm13 =	vgt.f32 v41, v17  }
0x46: {  	s31 =	sadd.s32 $0xFFFFFF80, s20;
	v17 =	vmax.f32 v41, v17;
	vm5 =	vgt.f32 v46, v6;
	v6 =	vmax.f32 v46, v6  }
0x47: {  	v56 =	vor.u32 s31, v0;
	vm4 =	vgt.f32 v44, v3;
	v3 =	vmax.f32 v44, v3  }
0x48: {  	v48 =	vld [tilespmem:s21+$0xF0];
	v2 =	vsel vm4, v51, v2;
	vm10 =	vgt.f32 v18, v7;
	v7 =	vmax.f32 v18, v7  }
0x49: {  	v50 =	vld [tilespmem:s21+$0x100];
	v20 =	vsel vm10, v53, v20;
	vm8 =	vgt.f32 v32, v7;
	vm9 =	vgt.f32 v27, v10  }
0x4a: {  	s26 =	sadd.s32 $0xFFFFFF00, s20;
	s29 =	sadd.s32 $0xFFFFFF60, s20;
	v52 =	vld [tilespmem:s21+$0x110];
	v7 =	vmax.f32 v32, v7;
	v10 =	vmax.f32 v27, v10;
	vm10 =	vgt.f32 v35, v5  }
0x4b: {  	v29 =	vld [tilespmem:s21+$0xC0];
	v27 =	vor.u32 s26, v0;
	v5 =	vmax.f32 v35, v5;
	v53 =	vor.u32 s29, v0  }
0x4c: {  	v18 =	vld [tilespmem:s21+$0xFFFFFFF0];
	s26 =	sadd.s32 $0xFFFFFF30, s20;
	v20 =	vsel vm8, v38, v20;
	v15 =	vsel vm9, v40, v15;
	v4 =	vsel vm10, v42, v4  }
0x4d: {  	v28 =	vld [tilespmem:s21+$0xB0];
	v21 =	vsel vm11, v27, v21;
	v47 =	vor.u32 s26, v0;
	v8 =	vsel vm5, v53, v8  }
0x4e: {  	v39 =	vld [tilespmem:s21+$0x90];
	vm6 =	vgt.f32 v48, v7;
	v7 =	vmax.f32 v48, v7;
	vm7 =	vgt.f32 v50, v10  }
0x4f: {  	v60 =	vld [tilespmem:s21+$0x160];
	s29 =	sadd.s32 $0xFFFFFFC0, s20;
	v36 =	vmax.f32 v50, v10;
	vm8 =	vgt.f32 v52, v5;
	v5 =	vmax.f32 v52, v5  }
0x50: {  	v55 =	vld [tilespmem:s21+$0x130];
	v62 =	vor.u32 s29, v0;
	v35 =	vsel vm6, v54, v20;
	v15 =	vsel vm7, v56, v15  }
0x51: {  	v63 =	vld [tilespmem:s21+$0x180];
	v4 =	vsel vm8, v57, v4;
	vm14 =	vgt.f32 v18, v19;
	v18 =	vmax.f32 v18, v19  }
0x52: {  	s28 =	sadd.s32 $0xFFFFFFB0, s20;
	v58 =	vld [tilespmem:s21+$0x150];
	v19 =	vsel vm15, v61, v24;
	vm15 =	vgt.f32 v29, v12;
	v12 =	vmax.f32 v29, v12  }
0x53: {  	v27 =	vld [tilespmem:s21+$0x120];
	v61 =	vor.u32 s28, v0;
	v13 =	vsel vm14, v59, v13;
	vm12 =	vgt.f32 v39, v18  }
0x54: {  	s25 =	sadd.s32 $0xFFFFFFA0, s20;
	s24 =	sadd.s32 $0xFFFFFFF0, s20;
	v10 =	vld [tilespmem:s21+$0x140];
	v18 =	vmax.f32 v39, v18;
	v19 =	vsel vm13, v45, v19;
	vm14 =	vgt.f32 v28, v14  }
0x55: {  	s26 =	sand.u32 $0xFF80, s24;
	v14 =	vmax.f32 v28, v14;
	v9 =	vsel vm15, v49, v9;
	v59 =	vor.u32 s25, v0  }
0x56: {  	s22 =	sor.u32 s22, s26;
	vm13 =	vgt.f32 v60, v12;
	v12 =	vmax.f32 v60, v12;
	vm15 =	vgt.f32 v63, v6  }
0x57: {  	v6 =	vmax.f32 v63, v6;
	vm10 =	vgt.f32 v55, v18;
	v30 =	vmax.f32 v55, v18;
	v18 =	vld [tilespmem:s22+$0x0]  }
0x58: {  	s19 =	sadd.s32 $0x5, s19;
	v13 =	vsel vm12, v43, v13;
	v11 =	vsel vm14, v47, v11;
	vm9 =	vgt.f32 v27, v16  }
0x59: {  	p1 =	slt.u32 s19, $0x78;
	s31 =	sadd.s32 $0xFFFFFFE0, s20;
	v16 =	vmax.f32 v27, v16;
	vm11 =	vgt.f32 v10, v17;
	vm12 =	vgt.f32 v58, v14  }
.Ltmp0:
0x5a: {  	v33 =	vmax.f32 v10, v17;
	v14 =	vmax.f32 v58, v14;
	v10 =	vor.u32 s31, v0;
	(pc) =	sbr.rel @p1 .LBB2_3-.Ltmp0, $4  }
0x5b: {  	v31 =	vsel vm9, v59, v21;
	v13 =	vsel vm10, v61, v13;
	v28 =	vsel vm11, v62, v19  }
0x5c: {  	s30 =	sadd.s32 $0xFFFFFFD0, s20;
	v9 =	vsel vm13, v10, v9;
	v10 =	vor.u32 s24, v0;
	vm14 =	vgt.f32 v18, v3  }
0x5d: {  	v19 =	vor.u32 s30, v0;
	v2 =	vsel vm14, v10, v2;
	v10 =	vor.u32 s20, v0  }
0x5e: {  	s21 =	sadd.s32 $0x320, s21;
	v11 =	vsel vm12, v19, v11;
	v3 =	vmax.f32 v18, v3;
	s20 =	sadd.s32 $0x320, s20;
	v8 =	vsel vm15, v10, v8  }
0x5f: {  	s18 =	sadd.s32 $0x2710, s18  }
0x60: {  	s19 =	simm.s32 $0x4F80;
	s20 =	simm.s32 $0x4F70;
	s21 =	simm.s32 $0x5130  }
0x61: {  	[tilespmem:s3], [sflag:$0x1] =	stream.linear.gather [hbm4b:s18+s3], $0x4E20, $0x38;
	[tilespmem:$0x13A80] =	vst v63  }
0x62: {  	s22 =	simm.s32 $0x4E30;
	s30 =	simm.s32 $0x5040;
	_ =	swait.ge [sflag:s11], $0x4E20  }
0x63: {  	s31 =	simm.s32 $0x4F40;
	s23 =	simm.s32 $0x4FE0;
	v17 =	vor.u32 s20, v0;
	v20 =	vor.u32 s19, v0;
	[sflag:s11] =	ssyncset.done $0x0  }
0x64: {  	s24 =	simm.s32 $0x5120;
	s18 =	simm.s32 $0x5010;
	v18 =	vor.u32 s22, v0;
	v43 =	vor.u32 s30, v0;
	v32 =	vor.u32 s21, v0;
	[sflag:s11] =	ssyncadd.s32 $0xFFFFB1E0  }
0x65: {  	s25 =	simm.s32 $0x4F00;
	s26 =	simm.s32 $0x5010;
	s29 =	simm.s32 $0x4EA0;
	v27 =	vor.u32 s31, v0;
	v29 =	vor.u32 s23, v0;
	v24 =	vor.u32 s24, v0;
	v10 =	vld [tilespmem:s18+$0xFFFFFE70]  }
0x66: {  	s22 =	simm.s32 $0x5080;
	v41 =	vor.u32 s25, v0;
	v19 =	vor.u32 s26, v0;
	s31 =	simm.s32 $0x5100;
	v34 =	vor.u32 s29, v0;
	s25 =	simm.s32 $0x4F10;
	v38 =	vld [tilespmem:s18+$0xFFFFFEB0]  }
0x67: {  	s23 =	simm.s32 $0x4F90;
	s26 =	simm.s32 $0x4EF0;
	s24 =	simm.s32 $0x4E50;
	v25 =	vor.u32 s22, v0;
	v21 =	vor.u32 s31, v0;
	v42 =	vor.u32 s25, v0;
	v39 =	vld [tilespmem:s18+$0xFFFFFED0]  }
0x68: {  	s29 =	simm.s32 $0x4F20;
	s21 =	simm.s32 $0x5050;
	s22 =	simm.s32 $0x4ED0;
	v44 =	vor.u32 s23, v0;
	v46 =	vor.u32 s24, v0;
	v47 =	vor.u32 s26, v0;
	v40 =	vld [tilespmem:s18+$0xFFFFFEA0]  }
0x69: {  	s31 =	simm.s32 $0x4E80;
	v51 =	vor.u32 s29, v0;
	s24 =	simm.s32 $0x4E70;
	s29 =	simm.s32 $0x5060;
	v63 =	vor.u32 s21, v0;
	v22 =	vor.u32 s22, v0  }
0x6a: {  	s28 =	simm.s32 $0x50E0;
	v50 =	vor.u32 s31, v0;
	v56 =	vor.u32 s24, v0;
	v60 =	vor.u32 s29, v0;
	v45 =	vld [tilespmem:s18+$0xFFFFFF70]  }
0x6b: {  	s30 =	simm.s32 $0x50B0;
	v52 =	vld [tilespmem:s18+$0xFFFFFE80];
	vm0 =	vgt.f32 v10, v7;
	v23 =	vmax.f32 v10, v7;
	v7 =	vor.u32 s28, v0  }
0x6c: {  	s23 =	simm.s32 $0x50A0;
	v59 =	vld [tilespmem:s18+$0xFFFFFF40];
	v10 =	vor.u32 s30, v0;
	vm1 =	vgt.f32 v38, v30;
	v38 =	vmax.f32 v38, v30  }
0x6d: {  	s24 =	simm.s32 $0x50D0;
	v37 =	vld [tilespmem:s18+$0xFFFFFEC0];
	v30 =	vor.u32 s23, v0;
	vm2 =	vgt.f32 v40, v16;
	vm3 =	vgt.f32 v39, v14  }
0x6e: {  	v53 =	vld [tilespmem:s18+$0x10];
	s28 =	simm.s32 $0x4E40;
	s30 =	simm.s32 $0x4E20;
	v16 =	vmax.f32 v40, v16;
	v14 =	vmax.f32 v39, v14;
	v40 =	vor.u32 s24, v0  }
0x6f: {  	v26 =	vor.u32 s28, v0;
	v49 =	vor.u32 s30, v0;
	v46 =	vsel vm2, v46, v31  }
0x70: {  	vm4 =	vgt.f32 v45, v14;
	v14 =	vmax.f32 v45, v14;
	v31 =	vmax.f32 v52, v36  }
0x71: {  	v48 =	vld [tilespmem:s18+$0xFFFFFF60];
	v11 =	vsel vm3, v50, v11;
	vm6 =	vgt.f32 v59, v16;
	v16 =	vmax.f32 v59, v16  }
0x72: {  	s26 =	simm.s32 $0x5020;
	v58 =	vld [tilespmem:s18+$0xB0];
	s30 =	simm.s32 $0x4FC0;
	v35 =	vsel vm0, v49, v35;
	vm0 =	vgt.f32 v37, v33;
	v37 =	vmax.f32 v37, v33  }
0x73: {  	s31 =	simm.s32 $0x50F0;
	v33 =	vor.u32 s26, v0;
	vm5 =	vgt.f32 v53, v14;
	v61 =	vor.u32 s30, v0  }
0x74: {  	s25 =	simm.s32 $0x50C0;
	v57 =	vld [tilespmem:s18+$0x0];
	v14 =	vmax.f32 v53, v14;
	v53 =	vor.u32 s31, v0;
	v11 =	vsel vm4, v51, v11  }
0x75: {  	v59 =	vsel vm6, v47, v46;
	v54 =	vsel vm0, v56, v28;
	v28 =	vor.u32 s25, v0  }
0x76: {  	v62 =	vld [tilespmem:s18+$0xFFFFFF50];
	s28 =	simm.s32 $0x4FB0;
	vm2 =	vgt.f32 v48, v37;
	v37 =	vmax.f32 v48, v37;
	vm0 =	vgt.f32 v52, v36  }
0x77: {  	s23 =	simm.s32 $0x4E60;
	v45 =	vld [tilespmem:s18+$0xA0];
	s26 =	simm.s32 $0x5090;
	v48 =	vor.u32 s28, v0;
	vm15 =	vgt.f32 v58, v14;
	v14 =	vmax.f32 v58, v14  }
0x78: {  	s30 =	simm.s32 $0x4FF0;
	v52 =	vld [tilespmem:s18+$0xFFFFFFE0];
	v11 =	vsel vm5, v61, v11;
	v58 =	vor.u32 s23, v0;
	v47 =	vor.u32 s26, v0  }
0x79: {  	s22 =	simm.s32 $0x5030;
	v36 =	vld [tilespmem:s18+$0x140];
	v51 =	vor.u32 s30, v0;
	v42 =	vsel vm2, v42, v54;
	vm3 =	vgt.f32 v57, v37  }
0x7a: {  	v56 =	vld [tilespmem:s18+$0xFFFFFFF0];
	v37 =	vmax.f32 v57, v37;
	v57 =	vor.u32 s22, v0;
	v39 =	vsel vm15, v60, v11  }
0x7b: {  	s24 =	simm.s32 $0x4F30;
	v49 =	vld [tilespmem:s18+$0x80];
	s25 =	simm.s32 $0x4FA0;
	v13 =	vsel vm1, v58, v13;
	vm1 =	vgt.f32 v62, v38;
	v38 =	vmax.f32 v62, v38  }
0x7c: {  	v11 =	vld [tilespmem:s18+$0x150];
	v61 =	vor.u32 s25, v0;
	v54 =	vor.u32 s24, v0;
	v15 =	vsel vm0, v18, v15  }
0x7d: {  	v48 =	vsel vm3, v48, v42;
	v13 =	vsel vm1, v41, v13;
	vm2 =	vgt.f32 v45, v37  }
0x7e: {  	v37 =	vmax.f32 v45, v37;
	v55 =	vmax.f32 v52, v16;
	vm9 =	vgt.f32 v52, v16;
	v16 =	vld [tilespmem:s18+$0x90]  }
0x7f: {  	v50 =	vld [tilespmem:s18+$0x40];
	s31 =	simm.s32 $0x5070;
	vm3 =	vgt.f32 v36, v37;
	vm1 =	vgt.f32 v56, v38;
	v38 =	vmax.f32 v56, v38  }
0x80: {  	v62 =	vld [tilespmem:s18+$0xFFFFFEE0];
	v52 =	vor.u32 s31, v0;
	v37 =	vmax.f32 v36, v37;
	v60 =	vsel vm9, v44, v59  }
0x81: {  	v46 =	vld [tilespmem:s18+$0xFFFFFF00];
	s26 =	simm.s32 $0x4E90;
	s25 =	simm.s32 $0x4FD0;
	vm10 =	vgt.f32 v49, v55;
	v13 =	vsel vm1, v61, v13;
	vm1 =	vgt.f32 v11, v14  }
0x82: {  	v44 =	vld [tilespmem:s18+$0xFFFFFF80];
	v61 =	vor.u32 s26, v0;
	v41 =	vsel vm10, v57, v60;
	v60 =	vor.u32 s25, v0  }
0x83: {  	s29 =	simm.s32 $0x4F50;
	v57 =	vld [tilespmem:s18+$0xFFFFFF10];
	vm11 =	vgt.f32 v16, v38;
	v42 =	vmax.f32 v16, v38;
	v38 =	vmax.f32 v49, v55  }
0x84: {  	s20 =	simm.s32 $0x4EB0;
	s28 =	simm.s32 $0x5110;
	v49 =	vor.u32 s29, v0;
	v55 =	vld [tilespmem:s18+$0x20];
	v16 =	vsel vm11, v43, v13;
	v13 =	vsel vm2, v63, v48  }
0x85: {  	v43 =	vld [tilespmem:s18+$0xFFFFFFA0];
	v48 =	vor.u32 s28, v0;
	v63 =	vor.u32 s20, v0;
	vm2 =	vgt.f32 v62, v12  }
0x86: {  	v12 =	vmax.f32 v62, v12;
	v62 =	vld [tilespmem:s18+$0xC0];
	v13 =	vsel vm3, v53, v13;
	vm3 =	vgt.f32 v46, v6  }
0x87: {  	s28 =	simm.s32 $0x0;
	v6 =	vmax.f32 v46, v6;
	vm12 =	vgt.f32 v44, v12;
	v46 =	vld [tilespmem:s18+$0x180];
	v9 =	vsel vm2, v61, v9  }
0x88: {  	v12 =	vmax.f32 v44, v12;
	s29 =	sand.u32 $0x7FE0, s28;
	vm14 =	vgt.f32 v57, v23;
	v8 =	vsel vm3, v63, v8;
	v63 =	vld [tilespmem:s18+$0xE0]  }
0x89: {  	v23 =	vmax.f32 v57, v23;
	v9 =	vsel vm12, v54, v9;
	v59 =	vld [tilespmem:s29+$0x4F00];
	vm3 =	vgt.f32 v55, v12  }
0x8a: {  	s29 =	simm.s32 $0x5000;
	v12 =	vmax.f32 v55, v12;
	vm2 =	vgt.f32 v43, v6;
	v6 =	vmax.f32 v43, v6;
	v43 =	vld [tilespmem:s18+$0x160]  }
0x8b: {  	s30 =	simm.s32 $0xA0;
	v53 =	vld [tilespmem:s18+$0xFFFFFE90];
	v57 =	vor.u32 s29, v0;
	v9 =	vsel vm3, v60, v9;
	vm13 =	vgt.f32 v62, v12  }
0x8c: {  	s21 =	sand.u32 $0xFFE0, s30;
	v58 =	vmax.f32 v50, v6;
	vm3 =	vgt.f32 v50, v6;
	v6 =	vsel vm2, v49, v8  }
0x8d: {  	s31 =	simm.s32 $0x140;
	v60 =	vld [tilespmem:s21+$0x4F00];
	v8 =	vmax.f32 v62, v12;
	v6 =	vsel vm3, v51, v6;
	vm2 =	vgt.f32 v63, v58  }
0x8e: {  	s24 =	simm.s32 $0x280;
	s23 =	sand.u32 $0xFFE0, s31;
	s25 =	simm.s32 $0x1E0;
	v12 =	vsel vm13, v52, v9;
	v62 =	vmax.f32 v63, v58;
	v47 =	vsel vm2, v47, v6  }
0x8f: {  	s22 =	sand.u32 $0xFF80, s24;
	s26 =	sand.u32 $0xFFE0, s25;
	s19 =	sand.u32 $0x60, s28;
	v61 =	vld [tilespmem:s23+$0x4F00];
	vm3 =	vgt.f32 v46, v62;
	vm2 =	vgt.f32 v43, v8;
	v9 =	vmax.f32 v43, v8  }
0x90: {  	s19 =	sor.u32 s19, s22;
	v63 =	vld [tilespmem:s26+$0x4F00];
	v8 =	vsel vm3, v32, v47;
	vm3 =	vgt.f32 v53, v5;
	v5 =	vmax.f32 v53, v5  }
0x91: {  	v52 =	vld [tilespmem:s19+$0x4F00];
	v6 =	vsel vm2, v48, v12;
	vm2 =	vgt.f32 v59, v3;
	v3 =	vmax.f32 v59, v3  }
0x92: {  	v56 =	vld [tilespmem:s18+$0xFFFFFF30];
	v12 =	vmax.f32 v46, v62;
	v2 =	vsel vm2, v34, v2;
	vm2 =	vgt.f32 v60, v3  }
0x93: {  	s31 =	simm.s32 $0x4EE0;
	v4 =	vsel vm3, v26, v4;
	v3 =	vmax.f32 v60, v3;
	v2 =	vsel vm2, v27, v2;
	v27 =	vld [tilespmem:s18+$0xFFFFFFB0]  }
0x94: {  	v54 =	vld [tilespmem:s18+$0x50];
	v26 =	vor.u32 s31, v0;
	vm2 =	vgt.f32 v61, v3;
	v3 =	vmax.f32 v61, v3  }
0x95: {  	v55 =	vld [tilespmem:s18+$0xF0];
	v2 =	vsel vm2, v29, v2;
	vm2 =	vgt.f32 v63, v3;
	v3 =	vmax.f32 v63, v3  }
0x96: {  	s30 =	simm.s32 $0x4F60;
	s28 =	simm.s32 $0x4EC0;
	v62 =	vld [tilespmem:s18+$0xFFFFFF20];
	v25 =	vsel vm2, v25, v2;
	vm2 =	vgt.f32 v52, v3;
	v2 =	vmax.f32 v52, v3  }
0x97: {  	v61 =	vld [tilespmem:s18+$0x130];
	v3 =	vsel vm2, v24, v25;
	v24 =	vor.u32 s28, v0;
	v25 =	vor.u32 s30, v0  }
0x98: {  	v24 =	vsel vm14, v24, v35;
	vm2 =	vgt.f32 v27, v23;
	v23 =	vmax.f32 v27, v23;
	v27 =	vld [tilespmem:s18+$0xFFFFFFD0]  }
0x99: {  	v59 =	vld [tilespmem:s18+$0x70];
	vm3 =	vgt.f32 v56, v5;
	vm15 =	vgt.f32 v54, v23;
	v24 =	vsel vm2, v25, v24  }
0x9a: {  	v5 =	vmax.f32 v56, v5;
	v4 =	vsel vm3, v26, v4;
	v60 =	vsel vm15, v57, v24;
	v24 =	vld [tilespmem:s18+$0x110]  }
0x9b: {  	v63 =	vld [tilespmem:s18+$0xFFFFFFC0];
	vm0 =	vgt.f32 v62, v31;
	v18 =	vmax.f32 v62, v31;
	v23 =	vmax.f32 v54, v23  }
0x9c: {  	v58 =	vld [tilespmem:s18+$0x120];
	v15 =	vsel vm0, v22, v15;
	v32 =	vmax.f32 v61, v42;
	vm2 =	vgt.f32 v55, v23  }
0x9d: {  	v34 =	vsel vm2, v30, v60;
	vm3 =	vgt.f32 v27, v5;
	v5 =	vmax.f32 v27, v5  }
0x9e: {  	v27 =	vld [tilespmem:s18+$0x60];
	v4 =	vsel vm3, v20, v4;
	vm2 =	vgt.f32 v59, v5;
	v5 =	vmax.f32 v59, v5  }
0x9f: {  	v26 =	vsel vm2, v33, v4;
	vm2 =	vgt.f32 v24, v5;
	v4 =	vmax.f32 v24, v5;
	v24 =	vld [tilespmem:s18+$0x100]  }
0xa0: {  	vm0 =	vgt.f32 v63, v18;
	v18 =	vmax.f32 v63, v18;
	v25 =	vmax.f32 v55, v23  }
0xa1: {  	v15 =	vsel vm0, v17, v15;
	vm3 =	vgt.f32 v58, v38;
	v38 =	vmax.f32 v58, v38  }
0xa2: {  	v33 =	vsel vm3, v40, v41;
	v5 =	vsel vm2, v28, v26;
	vm2 =	vgt.f32 v61, v42  }
0xa3: {  	v26 =	vsel vm1, v21, v39;
	vm0 =	vgt.f32 v27, v18;
	v17 =	vmax.f32 v27, v18  }
0xa4: {  	s20 =	simm.s32 $0x5330;
	s19 =	simm.s32 $0x5450;
	s18 =	simm.s32 $0x0;
	v15 =	vsel vm0, v19, v15;
	vm0 =	vgt.f32 v24, v17;
	v39 =	vmax.f32 v24, v17  }
.LBB2_5:
0xa5: {  	s23 =	sadd.s32 $0xFFFFAED0, s19;
	v20 =	vld [tilespmem:s20+$0xFFFFFE70];
	s21 =	sadd.s32 $0xFFFFB010, s19;
	s26 =	sadd.s32 $0xFFFFFE50, s19;
	v15 =	vsel vm0, v10, v15;
	v44 =	vsel vm2, v7, v16;
	v14 =	vmax.f32 v11, v14  }
0xa6: {  	s24 =	sadd.s32 $0xFFFFFDC0, s19;
	s22 =	sand.u32 $0x7FE0, s23;
	v36 =	vld [tilespmem:s20+$0xFFFFFF70];
	s21 =	sand.u32 $0xFFE0, s21  }
0xa7: {  	s28 =	sadd.s32 $0xFFFFFD00, s19;
	s25 =	sadd.s32 $0xFFFFAF70, s19;
	s29 =	sadd.s32 $0xFFFFFE40, s19;
	v11 =	vld [tilespmem:s20+$0xFFFFFEC0]  }
0xa8: {  	s30 =	sadd.s32 $0xFFFFFE10, s19;
	v17 =	vor.u32 s29, v0;
	v22 =	vor.u32 s26, v0;
	s26 =	sadd.s32 $0xFFFFFF10, s19;
	s29 =	sadd.s32 $0xFFFFB150, s19;
	v41 =	vld [tilespmem:s20+$0xFFFFFEB0]  }
0xa9: {  	v35 =	vor.u32 s19, v0;
	v19 =	vor.u32 s28, v0;
	s23 =	sand.u32 $0x60, s23;
	v16 =	vor.u32 s26, v0;
	s26 =	sadd.s32 $0xFFFFFF50, s19;
	s28 =	sand.u32 $0xFF80, s29;
	v18 =	vld [tilespmem:s20+$0xFFFFFFC0]  }
0xaa: {  	v30 =	vor.u32 s30, v0;
	s29 =	sadd.s32 $0xFFFFFEB0, s19;
	s23 =	sor.u32 s23, s28;
	s28 =	sadd.s32 $0xFFFFFFF0, s19;
	vm0 =	vgt.f32 v20, v25;
	v25 =	vmax.f32 v20, v25;
	v20 =	vld [tilespmem:s20+$0xFFFFFF20]  }
0xab: {  	s30 =	sadd.s32 $0xFFFFFDD0, s19;
	v31 =	vor.u32 s29, v0;
	s29 =	sadd.s32 $0xFFFFFEE0, s19;
	v29 =	vor.u32 s26, v0;
	s26 =	sadd.s32 $0xFFFFFFB0, s19;
	v27 =	vor.u32 s28, v0;
	v42 =	vld [tilespmem:s20+$0xFFFFFED0]  }
0xac: {  	v45 =	vor.u32 s30, v0;
	s28 =	sadd.s32 $0xFFFFFD70, s19;
	v21 =	vor.u32 s29, v0;
	s29 =	sadd.s32 $0xFFFFFF80, s19;
	v7 =	vor.u32 s26, v0;
	s26 =	sadd.s32 $0xFFFFFFD0, s19;
	v43 =	vld [tilespmem:s20+$0xFFFFFFE0]  }
0xad: {  	s31 =	sadd.s32 $0xFFFFFE60, s19;
	s30 =	sadd.s32 $0xFFFFFDE0, s19;
	v40 =	vor.u32 s28, v0;
	s28 =	sadd.s32 $0xFFFFFDA0, s19;
	v10 =	vor.u32 s29, v0;
	v24 =	vor.u32 s26, v0;
	v46 =	vld [tilespmem:s20+$0xFFFFFF60]  }
0xae: {  	v49 =	vor.u32 s31, v0;
	v48 =	vor.u32 s30, v0;
	s26 =	sadd.s32 $0xFFFFFD10, s19;
	s29 =	sadd.s32 $0xFFFFFD20, s19;
	v23 =	vor.u32 s28, v0;
	s28 =	sadd.s32 $0xFFFFFDF0, s19;
	v47 =	vld [tilespmem:s20+$0xFFFFFEA0]  }
0xaf: {  	v52 =	vor.u32 s24, v0;
	s24 =	sand.u32 $0xFFE0, s25;
	s30 =	sadd.s32 $0xFFFFFCF0, s19;
	v28 =	vor.u32 s26, v0;
	v51 =	vor.u32 s29, v0;
	s26 =	sadd.s32 $0xFFFFFD50, s19;
	v50 =	vld [tilespmem:s20+$0xFFFFFE80]  }
0xb0: {  	s18 =	sadd.s32 $0x5, s18;
	s25 =	sadd.s32 $0xFFFFFD40, s19;
	v53 =	vor.u32 s30, v0;
	v54 =	vor.u32 s26, v0;
	v55 =	vor.u32 s28, v0;
	s26 =	sadd.s32 $0xFFFFFF70, s19;
	v56 =	vld [tilespmem:s20+$0x10]  }
0xb1: {  	p1 =	slt.u32 s18, $0x78;
	vm1 =	vgt.f32 v41, v32;
	v57 =	vmax.f32 v41, v32;
	v32 =	vor.u32 s26, v0;
	s26 =	sadd.s32 $0xFFFFFF90, s19;
	v41 =	vld [tilespmem:s20+$0xB0]  }
0xb2: {  	v34 =	vsel vm0, v53, v34;
	vm0 =	vgt.f32 v11, v37;
	v53 =	vmax.f32 v11, v37;
	s28 =	sadd.s32 $0xFFFFFEF0, s19;
	v58 =	vld [tilespmem:s20+$0x0]  }
0xb3: {  	v37 =	vor.u32 s25, v0;
	vm3 =	vgt.f32 v42, v14;
	vm2 =	vgt.f32 v47, v38;
	v11 =	vld [tilespmem:s20+$0x150]  }
0xb4: {  	v13 =	vsel vm0, v37, v13;
	v51 =	vsel vm2, v51, v33;
	v59 =	vld [tilespmem:s20+$0xA0];
	v33 =	vor.u32 s26, v0  }
0xb5: {  	v14 =	vmax.f32 v42, v14;
	v47 =	vmax.f32 v47, v38;
	vm2 =	vgt.f32 v46, v53;
	v37 =	vld [tilespmem:s20+$0x140]  }
0xb6: {  	vm4 =	vgt.f32 v36, v14;
	v14 =	vmax.f32 v36, v14;
	v38 =	vor.u32 s28, v0;
	v60 =	vld [tilespmem:s20+$0x80]  }
0xb7: {  	s25 =	sadd.s32 $0xFFFFFE80, s19;
	v36 =	vmax.f32 v50, v39;
	v46 =	vmax.f32 v46, v53;
	vm5 =	vgt.f32 v56, v14;
	v42 =	vld [tilespmem:s20+$0xFFFFFF40]  }
0xb8: {  	vm0 =	vgt.f32 v50, v39;
	v13 =	vsel vm2, v48, v13;
	v48 =	vor.u32 s25, v0;
	s25 =	sadd.s32 $0xFFFFFF30, s19  }
0xb9: {  	v26 =	vsel vm3, v54, v26;
	s28 =	sadd.s32 $0xFFFFFF00, s19;
	s26 =	sadd.s32 $0xFFFFFE90, s19;
	v39 =	vor.u32 s25, v0;
	s25 =	sadd.s32 $0xFFFFFFC0, s19;
	vm3 =	vgt.f32 v58, v46  }
0xba: {  	v50 =	vor.u32 s26, v0;
	v14 =	vmax.f32 v56, v14;
	v53 =	vor.u32 s25, v0  }
0xbb: {  	v54 =	vsel vm4, v55, v26;
	vm4 =	vgt.f32 v41, v14;
	v46 =	vmax.f32 v58, v46  }
0xbc: {  	v14 =	vmax.f32 v41, v14;
	s25 =	sadd.s32 $0xFFFFFF20, s19;
	vm6 =	vgt.f32 v42, v47;
	v42 =	vmax.f32 v42, v47;
	v26 =	vld [tilespmem:s20+$0x120]  }
0xbd: {  	v41 =	vsel vm5, v50, v54;
	v50 =	vor.u32 s25, v0;
	vm2 =	vgt.f32 v59, v46;
	v47 =	vld [tilespmem:s20+$0xFFFFFF50]  }
0xbe: {  	v56 =	vor.u32 s28, v0;
	v39 =	vsel vm4, v39, v41;
	v54 =	vmax.f32 v43, v42;
	v55 =	vld [tilespmem:s20+$0xFFFFFFF0]  }
0xbf: {  	s26 =	sadd.s32 $0xFFFFFFA0, s19;
	s25 =	sadd.s32 $0xFFFFFD30, s19;
	v13 =	vsel vm3, v48, v13;
	vm4 =	vgt.f32 v43, v42;
	v43 =	vmax.f32 v59, v46;
	v48 =	vld [tilespmem:s20+$0x90]  }
0xc0: {  	v46 =	vor.u32 s25, v0;
	v51 =	vsel vm6, v52, v51;
	v42 =	vor.u32 s26, v0;
	v41 =	vld [tilespmem:s20+$0x130]  }
0xc1: {  	s25 =	sadd.s32 $0xFFFFFE70, s19;
	v44 =	vsel vm1, v46, v44;
	v46 =	vsel vm4, v49, v51;
	vm3 =	vgt.f32 v37, v43  }
0xc2: {  	vm4 =	vgt.f32 v60, v54;
	vm1 =	vgt.f32 v47, v57;
	v47 =	vmax.f32 v47, v57  }
0xc3: {  	v44 =	vsel vm1, v45, v44;
	v45 =	vor.u32 s25, v0;
	vm1 =	vgt.f32 v55, v47  }
0xc4: {  	v47 =	vmax.f32 v55, v47;
	v49 =	vld [tilespmem:s20+$0xFFFFFF80];
	v51 =	vsel vm1, v45, v44;
	vm1 =	vgt.f32 v11, v14  }
0xc5: {  	v45 =	vsel vm4, v56, v46;
	vm4 =	vgt.f32 v48, v47;
	v44 =	vmax.f32 v48, v47;
	v52 =	vld [tilespmem:s20+$0xFFFFFEE0]  }
0xc6: {  	v13 =	vsel vm2, v50, v13;
	s26 =	sadd.s32 $0xFFFFFFE0, s19;
	s25 =	sadd.s32 $0xFFFFFF60, s19;
	v46 =	vmax.f32 v60, v54;
	v16 =	vsel vm4, v16, v51;
	v47 =	vld [tilespmem:s20+$0xFFFFFF00]  }
0xc7: {  	s30 =	sadd.s32 $0xFFFFFF40, s19;
	s29 =	sadd.s32 $0xFFFFFEC0, s19;
	s28 =	sadd.s32 $0xFFFFFE20, s19;
	v13 =	vsel vm3, v53, v13;
	v50 =	vor.u32 s25, v0;
	v51 =	vor.u32 s26, v0;
	v48 =	vld [tilespmem:s20+$0xFFFFFFA0]  }
0xc8: {  	v53 =	vor.u32 s28, v0;
	s28 =	sadd.s32 $0xFFFFFEA0, s19;
	v55 =	vor.u32 s29, v0;
	s25 =	sadd.s32 $0xFFFFFD80, s19;
	v56 =	vor.u32 s30, v0;
	s26 =	sadd.s32 $0xFFFFFE00, s19;
	v54 =	vld [tilespmem:s20+$0x40]  }
0xc9: {  	s29 =	sadd.s32 $0xFFFFFD60, s19;
	v60 =	vor.u32 s28, v0;
	v57 =	vor.u32 s25, v0;
	v58 =	vor.u32 s26, v0;
	v59 =	vld [tilespmem:s20+$0x20]  }
0xca: {  	v61 =	vor.u32 s29, v0;
	vm2 =	vgt.f32 v52, v9;
	v9 =	vmax.f32 v52, v9;
	v52 =	vld [tilespmem:s20+$0xC0]  }
0xcb: {  	vm3 =	vgt.f32 v47, v12;
	v12 =	vmax.f32 v47, v12;
	vm4 =	vgt.f32 v49, v9;
	v47 =	vld [tilespmem:s20+$0x180]  }
0xcc: {  	v6 =	vsel vm2, v61, v6;
	v8 =	vsel vm3, v57, v8;
	vm2 =	vgt.f32 v48, v12;
	v57 =	vld [tilespmem:s20+$0xE0]  }
0xcd: {  	v9 =	vmax.f32 v49, v9;
	v6 =	vsel vm4, v58, v6;
	v12 =	vmax.f32 v48, v12;
	v48 =	vld [tilespmem:s20+$0x160]  }
0xce: {  	v58 =	vmax.f32 v54, v12;
	v49 =	vld [tilespmem:s20+$0xFFFFFF10];
	vm3 =	vgt.f32 v59, v9;
	v9 =	vmax.f32 v59, v9  }
0xcf: {  	v59 =	vld [tilespmem:s22+$0x4F00];
	v6 =	vsel vm3, v60, v6;
	vm3 =	vgt.f32 v54, v12;
	vm4 =	vgt.f32 v52, v9  }
0xd0: {  	v8 =	vsel vm2, v53, v8;
	s22 =	sadd.s32 $0xFFFFB0B0, s19;
	v9 =	vmax.f32 v52, v9;
	v54 =	vld [tilespmem:s24+$0x4F00];
	v6 =	vsel vm4, v56, v6  }
0xd1: {  	v8 =	vsel vm3, v55, v8;
	v52 =	vld [tilespmem:s21+$0x4F00];
	s21 =	sand.u32 $0xFFE0, s22;
	vm2 =	vgt.f32 v57, v58;
	v12 =	vmax.f32 v57, v58  }
0xd2: {  	v53 =	vld [tilespmem:s21+$0x4F00];
	v8 =	vsel vm2, v50, v8;
	vm2 =	vgt.f32 v48, v9;
	vm3 =	vgt.f32 v47, v12  }
0xd3: {  	v9 =	vmax.f32 v48, v9;
	v6 =	vsel vm2, v51, v6;
	v48 =	vld [tilespmem:s23+$0x4F00];
	v8 =	vsel vm3, v35, v8  }
0xd4: {  	v12 =	vmax.f32 v47, v12;
	v35 =	vld [tilespmem:s20+$0xFFFFFE90];
	vm2 =	vgt.f32 v59, v2;
	v2 =	vmax.f32 v59, v2  }
0xd5: {  	v3 =	vsel vm2, v40, v3;
	vm2 =	vgt.f32 v54, v2;
	v2 =	vmax.f32 v54, v2  }
0xd6: {  	v3 =	vsel vm2, v30, v3;
	v30 =	vld [tilespmem:s20+$0xFFFFFFB0];
	vm2 =	vgt.f32 v52, v2;
	v2 =	vmax.f32 v52, v2  }
0xd7: {  	v3 =	vsel vm2, v31, v3;
	v31 =	vld [tilespmem:s20+$0x50];
	vm2 =	vgt.f32 v53, v2;
	v2 =	vmax.f32 v53, v2  }
0xd8: {  	v3 =	vsel vm2, v29, v3;
	v29 =	vld [tilespmem:s20+$0xF0];
	vm2 =	vgt.f32 v48, v2;
	v2 =	vmax.f32 v48, v2  }
0xd9: {  	s22 =	sadd.s32 $0xFFFFFED0, s19;
	s21 =	sadd.s32 $0xFFFFFD90, s19;
	vm4 =	vgt.f32 v49, v25;
	vm3 =	vgt.f32 v35, v4;
	v3 =	vsel vm2, v27, v3  }
0xda: {  	v47 =	vor.u32 s22, v0;
	v25 =	vmax.f32 v49, v25;
	v27 =	vor.u32 s21, v0;
	v40 =	vld [tilespmem:s20+$0xFFFFFF30]  }
0xdb: {  	s21 =	sadd.s32 $0xFFFFFE30, s19;
	v27 =	vsel vm4, v27, v34;
	vm2 =	vgt.f32 v30, v25;
	v25 =	vmax.f32 v30, v25;
	v30 =	vld [tilespmem:s20+$0xFFFFFFD0]  }
0xdc: {  	v34 =	vor.u32 s21, v0;
	vm4 =	vgt.f32 v31, v25;
	v25 =	vmax.f32 v31, v25  }
0xdd: {  	v27 =	vsel vm2, v34, v27;
	v31 =	vld [tilespmem:s20+$0x70];
	vm2 =	vgt.f32 v29, v25;
	v25 =	vmax.f32 v29, v25  }
0xde: {  	v4 =	vmax.f32 v35, v4;
	v5 =	vsel vm3, v28, v5;
	s21 =	sadd.s32 $0xFFFFFDB0, s19;
	v27 =	vsel vm4, v47, v27;
	v28 =	vld [tilespmem:s20+$0x110]  }
0xdf: {  	v29 =	vor.u32 s21, v0;
	vm3 =	vgt.f32 v40, v4;
	v4 =	vmax.f32 v40, v4  }
0xe0: {  	v34 =	vsel vm2, v32, v27;
	v5 =	vsel vm3, v29, v5;
	vm3 =	vgt.f32 v30, v4  }
0xe1: {  	v37 =	vmax.f32 v37, v43;
	v4 =	vmax.f32 v30, v4;
	v5 =	vsel vm3, v22, v5  }
0xe2: {  	vm3 =	vgt.f32 v26, v46;
	vm2 =	vgt.f32 v31, v4;
	v4 =	vmax.f32 v31, v4  }
0xe3: {  	v22 =	vld [tilespmem:s20+$0x60];
	v5 =	vsel vm2, v38, v5;
	vm2 =	vgt.f32 v28, v4;
	v4 =	vmax.f32 v28, v4  }
0xe4: {  	v38 =	vmax.f32 v26, v46;
	v27 =	vld [tilespmem:s20+$0x100];
	v5 =	vsel vm2, v33, v5;
	v33 =	vsel vm3, v42, v45  }
.Ltmp1:
0xe5: {  	v32 =	vmax.f32 v41, v44;
	v26 =	vsel vm1, v24, v39;
	vm2 =	vgt.f32 v41, v44;
	(pc) =	sbr.rel @p1 .LBB2_5-.Ltmp1, $4  }
0xe6: {  	v15 =	vsel vm0, v19, v15;
	vm0 =	vgt.f32 v20, v36;
	v19 =	vmax.f32 v20, v36  }
0xe7: {  	v15 =	vsel vm0, v23, v15;
	vm0 =	vgt.f32 v18, v19;
	v18 =	vmax.f32 v18, v19  }
0xe8: {  	v15 =	vsel vm0, v17, v15;
	vm0 =	vgt.f32 v22, v18;
	v17 =	vmax.f32 v22, v18  }
0xe9: {  	s19 =	sadd.s32 $0x320, s19;
	s20 =	sadd.s32 $0x320, s20;
	v15 =	vsel vm0, v21, v15;
	vm0 =	vgt.f32 v27, v17;
	v39 =	vmax.f32 v27, v17  }
0xea: {  	_ =	swait.ge [sflag:s12], $0x4E20;
	s18 =	simm.s32 $0x9E90;
	s19 =	simm.s32 $0x9DA0  }
0xeb: {  	v17 =	vsel vm0, v10, v15;
	v16 =	vsel vm2, v7, v16;
	s20 =	simm.s32 $0x9D90;
	s21 =	simm.s32 $0x9F50;
	s22 =	simm.s32 $0x9C50  }
0xec: {  	v14 =	vmax.f32 v11, v14;
	s30 =	simm.s32 $0x9E60;
	s31 =	simm.s32 $0x9D60;
	[sflag:s12] =	ssyncset.done $0x0;
	v18 =	vor.u32 s20, v0;
	v21 =	vor.u32 s19, v0  }
0xed: {  	s23 =	simm.s32 $0x9E00;
	s25 =	simm.s32 $0x9D20;
	v19 =	vor.u32 s22, v0;
	v10 =	vor.u32 s30, v0;
	v36 =	vor.u32 s21, v0;
	[sflag:s12] =	ssyncadd.s32 $0xFFFFB1E0  }
0xee: {  	s28 =	simm.s32 $0x9F00;
	s29 =	simm.s32 $0x9CC0;
	s22 =	simm.s32 $0x9EA0;
	v29 =	vor.u32 s31, v0;
	v31 =	vor.u32 s23, v0;
	v42 =	vor.u32 s25, v0;
	v20 =	vld [tilespmem:s18+$0xFFFFFE70]  }
0xef: {  	s30 =	simm.s32 $0x9ED0;
	v7 =	vor.u32 s28, v0;
	s31 =	simm.s32 $0x9F20;
	v40 =	vor.u32 s29, v0;
	s25 =	simm.s32 $0x9D30;
	v27 =	vor.u32 s22, v0;
	v30 =	vld [tilespmem:s18+$0xFFFFFEB0]  }
0xf0: {  	s23 =	simm.s32 $0x9DB0;
	s28 =	simm.s32 $0x9C60;
	s29 =	simm.s32 $0x9D40;
	v11 =	vor.u32 s30, v0;
	v22 =	vor.u32 s31, v0;
	v43 =	vor.u32 s25, v0;
	v41 =	vld [tilespmem:s18+$0xFFFFFEA0]  }
0xf1: {  	s22 =	simm.s32 $0x9CF0;
	v44 =	vor.u32 s23, v0;
	s30 =	simm.s32 $0x9C40;
	v28 =	vor.u32 s28, v0;
	s31 =	simm.s32 $0x9CA0;
	v51 =	vor.u32 s29, v0;
	v35 =	vld [tilespmem:s18+$0xFFFFFED0]  }
0xf2: {  	s29 =	simm.s32 $0x9E80;
	v23 =	vor.u32 s22, v0;
	v49 =	vor.u32 s30, v0;
	v50 =	vor.u32 s31, v0;
	v52 =	vld [tilespmem:s18+$0xFFFFFE80]  }
0xf3: {  	s24 =	simm.s32 $0x9F40;
	s26 =	simm.s32 $0x9E30;
	v15 =	vld [tilespmem:s18+$0xFFFFFEC0];
	v60 =	vor.u32 s29, v0;
	vm0 =	vgt.f32 v20, v25;
	v24 =	vmax.f32 v20, v25  }
0xf4: {  	s23 =	simm.s32 $0x9EC0;
	v45 =	vld [tilespmem:s18+$0xFFFFFF70];
	v25 =	vor.u32 s24, v0;
	v20 =	vor.u32 s26, v0;
	vm1 =	vgt.f32 v30, v32  }
0xf5: {  	s25 =	simm.s32 $0x9EE0;
	v58 =	vld [tilespmem:s18+$0xFFFFFF40];
	v53 =	vmax.f32 v30, v32;
	v32 =	vor.u32 s23, v0;
	vm2 =	vgt.f32 v41, v38  }
0xf6: {  	s24 =	simm.s32 $0x9C70;
	vm3 =	vgt.f32 v35, v14;
	v30 =	vor.u32 s25, v0;
	v63 =	vmax.f32 v41, v38  }
0xf7: {  	v48 =	vld [tilespmem:s18+$0xFFFFFF60];
	s26 =	simm.s32 $0x9D10;
	v14 =	vmax.f32 v35, v14;
	v35 =	vmax.f32 v52, v39;
	v46 =	vor.u32 s24, v0  }
0xf8: {  	v54 =	vld [tilespmem:s18+$0x10];
	v47 =	vor.u32 s26, v0;
	v34 =	vsel vm0, v49, v34;
	vm0 =	vgt.f32 v15, v37  }
0xf9: {  	v15 =	vmax.f32 v15, v37;
	vm4 =	vgt.f32 v45, v14;
	v14 =	vmax.f32 v45, v14  }
0xfa: {  	s21 =	simm.s32 $0x9E70;
	v62 =	vld [tilespmem:s18+$0x0];
	s23 =	simm.s32 $0x9C80;
	s24 =	simm.s32 $0x9C90;
	v59 =	vsel vm3, v50, v26;
	vm6 =	vgt.f32 v58, v63;
	v38 =	vmax.f32 v58, v63  }
0xfb: {  	v57 =	vld [tilespmem:s18+$0xB0];
	s26 =	simm.s32 $0x9E40;
	v63 =	vor.u32 s21, v0;
	v58 =	vor.u32 s23, v0;
	v61 =	vor.u32 s24, v0  }
0xfc: {  	v46 =	vsel vm2, v46, v33;
	vm2 =	vgt.f32 v48, v15;
	v33 =	vor.u32 s26, v0  }
0xfd: {  	s31 =	simm.s32 $0x9F10;
	v15 =	vmax.f32 v48, v15;
	vm5 =	vgt.f32 v54, v14;
	v14 =	vmax.f32 v54, v14  }
0xfe: {  	s30 =	simm.s32 $0x9DE0;
	v54 =	vor.u32 s31, v0;
	v16 =	vsel vm1, v58, v16;
	v13 =	vsel vm0, v61, v13  }
0xff: {  	v49 =	vld [tilespmem:s18+$0xFFFFFFE0];
	vm0 =	vgt.f32 v52, v39;
	vm3 =	vgt.f32 v62, v15;
	v61 =	vor.u32 s30, v0  }
0x100: {  	s22 =	simm.s32 $0x9E50;
	v26 =	vld [tilespmem:s18+$0x140];
	v39 =	vsel vm4, v51, v59;
	v37 =	vmax.f32 v62, v15;
	vm15 =	vgt.f32 v57, v14  }
0x101: {  	v48 =	vld [tilespmem:s18+$0xA0];
	s24 =	simm.s32 $0x9EF0;
	s31 =	simm.s32 $0x9E90;
	v15 =	vmax.f32 v57, v14;
	v57 =	vor.u32 s22, v0;
	v46 =	vsel vm6, v47, v46  }
0x102: {  	s28 =	simm.s32 $0x9DD0;
	s25 =	simm.s32 $0x9DC0;
	v58 =	vld [tilespmem:s18+$0xFFFFFF10];
	v41 =	vor.u32 s24, v0;
	v52 =	vor.u32 s31, v0;
	v13 =	vsel vm2, v43, v13  }
0x103: {  	v62 =	vld [tilespmem:s18+$0xFFFFFF50];
	v43 =	vor.u32 s28, v0;
	v14 =	vsel vm5, v61, v39;
	v61 =	vor.u32 s25, v0  }
0x104: {  	v51 =	vld [tilespmem:s18+$0x80];
	s28 =	simm.s32 $0x9F30;
	v17 =	vsel vm0, v19, v17;
	v39 =	vsel vm15, v60, v14;
	v13 =	vsel vm3, v43, v13  }
0x105: {  	v56 =	vld [tilespmem:s18+$0xFFFFFFF0];
	v55 =	vmax.f32 v49, v38;
	vm9 =	vgt.f32 v49, v38;
	v49 =	vor.u32 s28, v0  }
0x106: {  	s26 =	simm.s32 $0x9EB0;
	vm2 =	vgt.f32 v48, v37;
	v37 =	vmax.f32 v48, v37;
	v59 =	vsel vm9, v44, v46  }
0x107: {  	v50 =	vld [tilespmem:s18+$0x90];
	v48 =	vor.u32 s26, v0;
	vm14 =	vgt.f32 v58, v24;
	v24 =	vmax.f32 v58, v24  }
0x108: {  	s30 =	simm.s32 $0x9E10;
	v14 =	vld [tilespmem:s18+$0x150];
	vm3 =	vgt.f32 v26, v37;
	vm1 =	vgt.f32 v62, v53;
	v60 =	vmax.f32 v62, v53  }
0x109: {  	vm10 =	vgt.f32 v51, v55;
	v38 =	vmax.f32 v51, v55;
	v51 =	vor.u32 s30, v0  }
0x10a: {  	s25 =	simm.s32 $0x9DF0;
	v62 =	vld [tilespmem:s18+$0xFFFFFEE0];
	v37 =	vmax.f32 v26, v37;
	v16 =	vsel vm1, v42, v16;
	vm1 =	vgt.f32 v56, v60  }
0x10b: {  	v45 =	vld [tilespmem:s18+$0xFFFFFF80];
	v44 =	vmax.f32 v56, v60;
	v42 =	vsel vm10, v57, v59;
	v56 =	vor.u32 s25, v0  }
0x10c: {  	s26 =	simm.s32 $0x9CB0;
	v16 =	vsel vm1, v61, v16;
	vm11 =	vgt.f32 v50, v44;
	v43 =	vmax.f32 v50, v44;
	v44 =	vld [tilespmem:s18+$0xFFFFFF00]  }
0x10d: {  	s20 =	simm.s32 $0x9CD0;
	v47 =	vld [tilespmem:s18+$0xFFFFFFA0];
	vm1 =	vgt.f32 v14, v15;
	v61 =	vor.u32 s26, v0;
	v16 =	vsel vm11, v10, v16  }
0x10e: {  	v60 =	vld [tilespmem:s18+$0x20];
	v10 =	vsel vm2, v63, v13;
	v63 =	vor.u32 s20, v0;
	v26 =	vsel vm1, v22, v39  }
0x10f: {  	s29 =	simm.s32 $0x9D70;
	s24 =	simm.s32 $0x9D50;
	v50 =	vld [tilespmem:s18+$0x40];
	v13 =	vsel vm3, v54, v10;
	vm2 =	vgt.f32 v62, v9;
	v9 =	vmax.f32 v62, v9  }
0x110: {  	v57 =	vld [tilespmem:s18+$0x160];
	v10 =	vor.u32 s29, v0;
	v54 =	vor.u32 s24, v0;
	vm12 =	vgt.f32 v45, v9  }
0x111: {  	v62 =	vld [tilespmem:s18+$0xC0];
	v6 =	vsel vm2, v61, v6;
	v9 =	vmax.f32 v45, v9;
	vm3 =	vgt.f32 v44, v12  }
0x112: {  	s28 =	simm.s32 $0x0;
	v12 =	vmax.f32 v44, v12;
	v6 =	vsel vm12, v54, v6;
	v8 =	vsel vm3, v63, v8;
	v63 =	vld [tilespmem:s18+$0xE0]  }
0x113: {  	s29 =	sand.u32 $0x7FE0, s28;
	v44 =	vld [tilespmem:s18+$0x180];
	vm2 =	vgt.f32 v47, v12;
	v12 =	vmax.f32 v47, v12;
	vm3 =	vgt.f32 v60, v9  }
0x114: {  	s30 =	simm.s32 $0xA0;
	v9 =	vmax.f32 v60, v9;
	v60 =	vld [tilespmem:s29+$0x9D80];
	s29 =	simm.s32 $0x9E20;
	v59 =	vmax.f32 v50, v12;
	v6 =	vsel vm3, v56, v6  }
0x115: {  	s31 =	simm.s32 $0x140;
	s21 =	sand.u32 $0xFFE0, s30;
	vm3 =	vgt.f32 v50, v12;
	v8 =	vsel vm2, v10, v8;
	v56 =	vor.u32 s29, v0  }
0x116: {  	s23 =	sand.u32 $0xFFE0, s31;
	s25 =	simm.s32 $0x1E0;
	s24 =	simm.s32 $0x280;
	v61 =	vld [tilespmem:s21+$0x9D80];
	vm13 =	vgt.f32 v62, v9;
	v9 =	vmax.f32 v62, v9;
	v8 =	vsel vm3, v51, v8  }
0x117: {  	s19 =	sand.u32 $0x60, s28;
	s26 =	sand.u32 $0xFFE0, s25;
	s22 =	sand.u32 $0xFF80, s24;
	v62 =	vld [tilespmem:s23+$0x9D80];
	v6 =	vsel vm13, v52, v6;
	v10 =	vmax.f32 v57, v9;
	vm2 =	vgt.f32 v63, v59  }
0x118: {  	s30 =	simm.s32 $0x9D80;
	s19 =	sor.u32 s19, s22;
	v12 =	vmax.f32 v63, v59;
	v63 =	vld [tilespmem:s26+$0x9D80];
	v8 =	vsel vm2, v48, v8;
	vm2 =	vgt.f32 v57, v9  }
0x119: {  	v52 =	vld [tilespmem:s19+$0x9D80];
	v59 =	vor.u32 s30, v0;
	vm3 =	vgt.f32 v44, v12;
	v6 =	vsel vm2, v49, v6  }
0x11a: {  	v9 =	vsel vm3, v36, v8;
	v8 =	vld [tilespmem:s18+$0xFFFFFE90];
	vm2 =	vgt.f32 v60, v2;
	v2 =	vmax.f32 v60, v2  }
0x11b: {  	v53 =	vld [tilespmem:s18+$0xFFFFFFB0];
	v3 =	vsel vm2, v40, v3;
	vm2 =	vgt.f32 v61, v2;
	v2 =	vmax.f32 v61, v2  }
0x11c: {  	v54 =	vld [tilespmem:s18+$0x50];
	v3 =	vsel vm2, v29, v3;
	vm2 =	vgt.f32 v62, v2;
	v2 =	vmax.f32 v62, v2  }
0x11d: {  	v55 =	vld [tilespmem:s18+$0xFFFFFF30];
	v3 =	vsel vm2, v31, v3;
	vm2 =	vgt.f32 v63, v2;
	v2 =	vmax.f32 v63, v2  }
0x11e: {  	v12 =	vmax.f32 v44, v12;
	v3 =	vsel vm2, v27, v3;
	v27 =	vld [tilespmem:s18+$0xF0];
	vm2 =	vgt.f32 v52, v2  }
0x11f: {  	v58 =	vld [tilespmem:s18+$0x120];
	s28 =	simm.s32 $0x9CE0;
	v2 =	vmax.f32 v52, v2;
	vm3 =	vgt.f32 v8, v4;
	v3 =	vsel vm2, v25, v3  }
0x120: {  	v57 =	vld [tilespmem:s18+$0xFFFFFFD0];
	v25 =	vor.u32 s28, v0;
	vm2 =	vgt.f32 v53, v24;
	v24 =	vmax.f32 v53, v24  }
0x121: {  	v62 =	vld [tilespmem:s18+$0x130];
	v4 =	vmax.f32 v8, v4;
	v25 =	vsel vm14, v25, v34;
	vm15 =	vgt.f32 v54, v24  }
0x122: {  	v61 =	vld [tilespmem:s18+$0x70];
	v24 =	vmax.f32 v54, v24;
	v5 =	vsel vm3, v28, v5;
	vm3 =	vgt.f32 v55, v4  }
0x123: {  	s31 =	simm.s32 $0x9D00;
	v60 =	vsel vm2, v59, v25;
	vm2 =	vgt.f32 v27, v24;
	v25 =	vmax.f32 v27, v24;
	v24 =	vld [tilespmem:s18+$0x110]  }
0x124: {  	v4 =	vmax.f32 v55, v4;
	v8 =	vsel vm15, v56, v60;
	v27 =	vor.u32 s31, v0  }
0x125: {  	v5 =	vsel vm3, v27, v5;
	vm3 =	vgt.f32 v57, v4;
	v34 =	vsel vm2, v32, v8;
	v8 =	vld [tilespmem:s18+$0xFFFFFF20]  }
0x126: {  	v63 =	vld [tilespmem:s18+$0xFFFFFFC0];
	v4 =	vmax.f32 v57, v4;
	v32 =	vmax.f32 v62, v43;
	v5 =	vsel vm3, v21, v5  }
0x127: {  	v27 =	vld [tilespmem:s18+$0x60];
	vm2 =	vgt.f32 v61, v4;
	v4 =	vmax.f32 v61, v4;
	vm3 =	vgt.f32 v58, v38  }
0x128: {  	v5 =	vsel vm2, v33, v5;
	vm2 =	vgt.f32 v24, v4;
	v4 =	vmax.f32 v24, v4;
	v24 =	vld [tilespmem:s18+$0x100]  }
0x129: {  	v38 =	vmax.f32 v58, v38;
	v33 =	vsel vm3, v41, v42;
	v5 =	vsel vm2, v30, v5  }
0x12a: {  	vm2 =	vgt.f32 v62, v43;
	vm0 =	vgt.f32 v8, v35;
	v8 =	vmax.f32 v8, v35  }
0x12b: {  	v17 =	vsel vm0, v23, v17;
	vm0 =	vgt.f32 v63, v8;
	v8 =	vmax.f32 v63, v8  }
0x12c: {  	v17 =	vsel vm0, v18, v17;
	vm0 =	vgt.f32 v27, v8;
	v18 =	vmax.f32 v27, v8  }
0x12d: {  	s20 =	simm.s32 $0xA1B0;
	s19 =	simm.s32 $0xA270;
	s18 =	simm.s32 $0x0;
	v8 =	vsel vm0, v20, v17;
	vm0 =	vgt.f32 v24, v18;
	v39 =	vmax.f32 v24, v18  }
.LBB2_7:
0x12e: {  	s23 =	sadd.s32 $0xFFFF60B0, s19;
	v20 =	vld [tilespmem:s20+$0xFFFFFE70];
	s21 =	sadd.s32 $0xFFFF61F0, s19;
	s26 =	sadd.s32 $0xFFFFFE50, s19;
	v8 =	vsel vm0, v11, v8;
	v44 =	vsel vm2, v7, v16;
	v15 =	vmax.f32 v14, v15  }
0x12f: {  	s24 =	sadd.s32 $0xFFFFFDC0, s19;
	s22 =	sand.u32 $0x7FE0, s23;
	v36 =	vld [tilespmem:s20+$0xFFFFFF70];
	s21 =	sand.u32 $0xFFE0, s21  }
0x130: {  	s28 =	sadd.s32 $0xFFFFFD00, s19;
	s25 =	sadd.s32 $0xFFFF6150, s19;
	s29 =	sadd.s32 $0xFFFFFE40, s19;
	v14 =	vld [tilespmem:s20+$0xFFFFFEC0]  }
0x131: {  	s30 =	sadd.s32 $0xFFFFFE10, s19;
	v17 =	vor.u32 s29, v0;
	v22 =	vor.u32 s26, v0;
	s26 =	sadd.s32 $0xFFFFFF10, s19;
	s29 =	sadd.s32 $0xFFFF6330, s19;
	v41 =	vld [tilespmem:s20+$0xFFFFFEB0]  }
0x132: {  	v35 =	vor.u32 s19, v0;
	v19 =	vor.u32 s28, v0;
	s23 =	sand.u32 $0x60, s23;
	v16 =	vor.u32 s26, v0;
	s26 =	sadd.s32 $0xFFFFFF50, s19;
	s28 =	sand.u32 $0xFF80, s29;
	v18 =	vld [tilespmem:s20+$0xFFFFFFC0]  }
0x133: {  	v30 =	vor.u32 s30, v0;
	s29 =	sadd.s32 $0xFFFFFEB0, s19;
	s23 =	sor.u32 s23, s28;
	s28 =	sadd.s32 $0xFFFFFFF0, s19;
	vm0 =	vgt.f32 v20, v25;
	v25 =	vmax.f32 v20, v25;
	v20 =	vld [tilespmem:s20+$0xFFFFFF20]  }
0x134: {  	s30 =	sadd.s32 $0xFFFFFDD0, s19;
	v31 =	vor.u32 s29, v0;
	s29 =	sadd.s32 $0xFFFFFEE0, s19;
	v29 =	vor.u32 s26, v0;
	s26 =	sadd.s32 $0xFFFFFFB0, s19;
	v27 =	vor.u32 s28, v0;
	v42 =	vld [tilespmem:s20+$0xFFFFFED0]  }
0x135: {  	v45 =	vor.u32 s30, v0;
	s28 =	sadd.s32 $0xFFFFFD70, s19;
	v21 =	vor.u32 s29, v0;
	s29 =	sadd.s32 $0xFFFFFF80, s19;
	v7 =	vor.u32 s26, v0;
	s26 =	sadd.s32 $0xFFFFFFD0, s19;
	v43 =	vld [tilespmem:s20+$0xFFFFFFE0]  }
0x136: {  	s31 =	sadd.s32 $0xFFFFFE60, s19;
	s30 =	sadd.s32 $0xFFFFFDE0, s19;
	v40 =	vor.u32 s28, v0;
	s28 =	sadd.s32 $0xFFFFFDA0, s19;
	v11 =	vor.u32 s29, v0;
	v24 =	vor.u32 s26, v0;
	v46 =	vld [tilespmem:s20+$0xFFFFFF60]  }
0x137: {  	v49 =	vor.u32 s31, v0;
	v48 =	vor.u32 s30, v0;
	s26 =	sadd.s32 $0xFFFFFD10, s19;
	s29 =	sadd.s32 $0xFFFFFD20, s19;
	v23 =	vor.u32 s28, v0;
	s28 =	sadd.s32 $0xFFFFFDF0, s19;
	v47 =	vld [tilespmem:s20+$0xFFFFFEA0]  }
0x138: {  	v52 =	vor.u32 s24, v0;
	s24 =	sand.u32 $0xFFE0, s25;
	s30 =	sadd.s32 $0xFFFFFCF0, s19;
	v28 =	vor.u32 s26, v0;
	v51 =	vor.u32 s29, v0;
	s26 =	sadd.s32 $0xFFFFFD50, s19;
	v50 =	vld [tilespmem:s20+$0xFFFFFE80]  }
0x139: {  	s18 =	sadd.s32 $0x5, s18;
	s25 =	sadd.s32 $0xFFFFFD40, s19;
	v53 =	vor.u32 s30, v0;
	v54 =	vor.u32 s26, v0;
	v55 =	vor.u32 s28, v0;
	s26 =	sadd.s32 $0xFFFFFF70, s19;
	v56 =	vld [tilespmem:s20+$0x10]  }
0x13a: {  	p1 =	slt.u32 s18, $0x78;
	vm1 =	vgt.f32 v41, v32;
	v57 =	vmax.f32 v41, v32;
	v32 =	vor.u32 s26, v0;
	s26 =	sadd.s32 $0xFFFFFF90, s19;
	v41 =	vld [tilespmem:s20+$0xB0]  }
0x13b: {  	v34 =	vsel vm0, v53, v34;
	vm0 =	vgt.f32 v14, v37;
	v53 =	vmax.f32 v14, v37;
	s28 =	sadd.s32 $0xFFFFFEF0, s19;
	v58 =	vld [tilespmem:s20+$0x0]  }
0x13c: {  	v37 =	vor.u32 s25, v0;
	vm3 =	vgt.f32 v42, v15;
	vm2 =	vgt.f32 v47, v38;
	v14 =	vld [tilespmem:s20+$0x150]  }
0x13d: {  	v13 =	vsel vm0, v37, v13;
	v51 =	vsel vm2, v51, v33;
	v59 =	vld [tilespmem:s20+$0xA0];
	v33 =	vor.u32 s26, v0  }
0x13e: {  	v15 =	vmax.f32 v42, v15;
	v47 =	vmax.f32 v47, v38;
	vm2 =	vgt.f32 v46, v53;
	v37 =	vld [tilespmem:s20+$0x140]  }
0x13f: {  	vm4 =	vgt.f32 v36, v15;
	v15 =	vmax.f32 v36, v15;
	v38 =	vor.u32 s28, v0;
	v60 =	vld [tilespmem:s20+$0x80]  }
0x140: {  	s25 =	sadd.s32 $0xFFFFFE80, s19;
	v36 =	vmax.f32 v50, v39;
	v46 =	vmax.f32 v46, v53;
	vm5 =	vgt.f32 v56, v15;
	v42 =	vld [tilespmem:s20+$0xFFFFFF40]  }
0x141: {  	vm0 =	vgt.f32 v50, v39;
	v13 =	vsel vm2, v48, v13;
	v48 =	vor.u32 s25, v0;
	s25 =	sadd.s32 $0xFFFFFF30, s19  }
0x142: {  	v26 =	vsel vm3, v54, v26;
	s28 =	sadd.s32 $0xFFFFFF00, s19;
	s26 =	sadd.s32 $0xFFFFFE90, s19;
	v39 =	vor.u32 s25, v0;
	s25 =	sadd.s32 $0xFFFFFFC0, s19;
	vm3 =	vgt.f32 v58, v46  }
0x143: {  	v50 =	vor.u32 s26, v0;
	v15 =	vmax.f32 v56, v15;
	v53 =	vor.u32 s25, v0  }
0x144: {  	v54 =	vsel vm4, v55, v26;
	vm4 =	vgt.f32 v41, v15;
	v46 =	vmax.f32 v58, v46  }
0x145: {  	v15 =	vmax.f32 v41, v15;
	s25 =	sadd.s32 $0xFFFFFF20, s19;
	vm6 =	vgt.f32 v42, v47;
	v42 =	vmax.f32 v42, v47;
	v26 =	vld [tilespmem:s20+$0x120]  }
0x146: {  	v41 =	vsel vm5, v50, v54;
	v50 =	vor.u32 s25, v0;
	vm2 =	vgt.f32 v59, v46;
	v47 =	vld [tilespmem:s20+$0xFFFFFF50]  }
0x147: {  	v56 =	vor.u32 s28, v0;
	v39 =	vsel vm4, v39, v41;
	v54 =	vmax.f32 v43, v42;
	v55 =	vld [tilespmem:s20+$0xFFFFFFF0]  }
0x148: {  	s26 =	sadd.s32 $0xFFFFFFA0, s19;
	s25 =	sadd.s32 $0xFFFFFD30, s19;
	v13 =	vsel vm3, v48, v13;
	vm4 =	vgt.f32 v43, v42;
	v43 =	vmax.f32 v59, v46;
	v48 =	vld [tilespmem:s20+$0x90]  }
0x149: {  	v46 =	vor.u32 s25, v0;
	v51 =	vsel vm6, v52, v51;
	v42 =	vor.u32 s26, v0;
	v41 =	vld [tilespmem:s20+$0x130]  }
0x14a: {  	s25 =	sadd.s32 $0xFFFFFE70, s19;
	v44 =	vsel vm1, v46, v44;
	v46 =	vsel vm4, v49, v51;
	vm3 =	vgt.f32 v37, v43  }
0x14b: {  	vm4 =	vgt.f32 v60, v54;
	vm1 =	vgt.f32 v47, v57;
	v47 =	vmax.f32 v47, v57  }
0x14c: {  	v44 =	vsel vm1, v45, v44;
	v45 =	vor.u32 s25, v0;
	vm1 =	vgt.f32 v55, v47  }
0x14d: {  	v47 =	vmax.f32 v55, v47;
	v49 =	vld [tilespmem:s20+$0xFFFFFF80];
	v51 =	vsel vm1, v45, v44;
	vm1 =	vgt.f32 v14, v15  }
0x14e: {  	v45 =	vsel vm4, v56, v46;
	vm4 =	vgt.f32 v48, v47;
	v44 =	vmax.f32 v48, v47;
	v52 =	vld [tilespmem:s20+$0xFFFFFEE0]  }
0x14f: {  	v13 =	vsel vm2, v50, v13;
	s26 =	sadd.s32 $0xFFFFFFE0, s19;
	s25 =	sadd.s32 $0xFFFFFF60, s19;
	v46 =	vmax.f32 v60, v54;
	v16 =	vsel vm4, v16, v51;
	v47 =	vld [tilespmem:s20+$0xFFFFFF00]  }
0x150: {  	s30 =	sadd.s32 $0xFFFFFF40, s19;
	s29 =	sadd.s32 $0xFFFFFEC0, s19;
	s28 =	sadd.s32 $0xFFFFFE20, s19;
	v13 =	vsel vm3, v53, v13;
	v50 =	vor.u32 s25, v0;
	v51 =	vor.u32 s26, v0;
	v48 =	vld [tilespmem:s20+$0xFFFFFFA0]  }
0x151: {  	v53 =	vor.u32 s28, v0;
	s28 =	sadd.s32 $0xFFFFFEA0, s19;
	v55 =	vor.u32 s29, v0;
	s25 =	sadd.s32 $0xFFFFFD80, s19;
	v56 =	vor.u32 s30, v0;
	s26 =	sadd.s32 $0xFFFFFE00, s19;
	v54 =	vld [tilespmem:s20+$0x40]  }
0x152: {  	s29 =	sadd.s32 $0xFFFFFD60, s19;
	v60 =	vor.u32 s28, v0;
	v57 =	vor.u32 s25, v0;
	v58 =	vor.u32 s26, v0;
	v59 =	vld [tilespmem:s20+$0x20]  }
0x153: {  	v61 =	vor.u32 s29, v0;
	vm2 =	vgt.f32 v52, v10;
	v10 =	vmax.f32 v52, v10;
	v52 =	vld [tilespmem:s20+$0xC0]  }
0x154: {  	vm3 =	vgt.f32 v47, v12;
	v12 =	vmax.f32 v47, v12;
	vm4 =	vgt.f32 v49, v10;
	v47 =	vld [tilespmem:s20+$0x180]  }
0x155: {  	v6 =	vsel vm2, v61, v6;
	v9 =	vsel vm3, v57, v9;
	vm2 =	vgt.f32 v48, v12;
	v57 =	vld [tilespmem:s20+$0xE0]  }
0x156: {  	v10 =	vmax.f32 v49, v10;
	v6 =	vsel vm4, v58, v6;
	v12 =	vmax.f32 v48, v12;
	v48 =	vld [tilespmem:s20+$0x160]  }
0x157: {  	v58 =	vmax.f32 v54, v12;
	v49 =	vld [tilespmem:s20+$0xFFFFFF10];
	vm3 =	vgt.f32 v59, v10;
	v10 =	vmax.f32 v59, v10  }
0x158: {  	v59 =	vld [tilespmem:s22+$0x9D80];
	v6 =	vsel vm3, v60, v6;
	vm3 =	vgt.f32 v54, v12;
	vm4 =	vgt.f32 v52, v10  }
0x159: {  	v9 =	vsel vm2, v53, v9;
	s22 =	sadd.s32 $0xFFFF6290, s19;
	v10 =	vmax.f32 v52, v10;
	v54 =	vld [tilespmem:s24+$0x9D80];
	v6 =	vsel vm4, v56, v6  }
0x15a: {  	v9 =	vsel vm3, v55, v9;
	v52 =	vld [tilespmem:s21+$0x9D80];
	s21 =	sand.u32 $0xFFE0, s22;
	vm2 =	vgt.f32 v57, v58;
	v12 =	vmax.f32 v57, v58  }
0x15b: {  	v53 =	vld [tilespmem:s21+$0x9D80];
	v9 =	vsel vm2, v50, v9;
	vm2 =	vgt.f32 v48, v10;
	vm3 =	vgt.f32 v47, v12  }
0x15c: {  	v10 =	vmax.f32 v48, v10;
	v6 =	vsel vm2, v51, v6;
	v48 =	vld [tilespmem:s23+$0x9D80];
	v9 =	vsel vm3, v35, v9  }
0x15d: {  	v12 =	vmax.f32 v47, v12;
	v35 =	vld [tilespmem:s20+$0xFFFFFE90];
	vm2 =	vgt.f32 v59, v2;
	v2 =	vmax.f32 v59, v2  }
0x15e: {  	v3 =	vsel vm2, v40, v3;
	vm2 =	vgt.f32 v54, v2;
	v2 =	vmax.f32 v54, v2  }
0x15f: {  	v3 =	vsel vm2, v30, v3;
	v30 =	vld [tilespmem:s20+$0xFFFFFFB0];
	vm2 =	vgt.f32 v52, v2;
	v2 =	vmax.f32 v52, v2  }
0x160: {  	v3 =	vsel vm2, v31, v3;
	v31 =	vld [tilespmem:s20+$0x50];
	vm2 =	vgt.f32 v53, v2;
	v2 =	vmax.f32 v53, v2  }
0x161: {  	v3 =	vsel vm2, v29, v3;
	v29 =	vld [tilespmem:s20+$0xF0];
	vm2 =	vgt.f32 v48, v2;
	v2 =	vmax.f32 v48, v2  }
0x162: {  	s22 =	sadd.s32 $0xFFFFFED0, s19;
	s21 =	sadd.s32 $0xFFFFFD90, s19;
	vm4 =	vgt.f32 v49, v25;
	vm3 =	vgt.f32 v35, v4;
	v3 =	vsel vm2, v27, v3  }
0x163: {  	v47 =	vor.u32 s22, v0;
	v25 =	vmax.f32 v49, v25;
	v27 =	vor.u32 s21, v0;
	v40 =	vld [tilespmem:s20+$0xFFFFFF30]  }
0x164: {  	s21 =	sadd.s32 $0xFFFFFE30, s19;
	v27 =	vsel vm4, v27, v34;
	vm2 =	vgt.f32 v30, v25;
	v25 =	vmax.f32 v30, v25;
	v30 =	vld [tilespmem:s20+$0xFFFFFFD0]  }
0x165: {  	v34 =	vor.u32 s21, v0;
	vm4 =	vgt.f32 v31, v25;
	v25 =	vmax.f32 v31, v25  }
0x166: {  	v27 =	vsel vm2, v34, v27;
	v31 =	vld [tilespmem:s20+$0x70];
	vm2 =	vgt.f32 v29, v25;
	v25 =	vmax.f32 v29, v25  }
0x167: {  	v4 =	vmax.f32 v35, v4;
	v5 =	vsel vm3, v28, v5;
	s21 =	sadd.s32 $0xFFFFFDB0, s19;
	v27 =	vsel vm4, v47, v27;
	v28 =	vld [tilespmem:s20+$0x110]  }
0x168: {  	v29 =	vor.u32 s21, v0;
	vm3 =	vgt.f32 v40, v4;
	v4 =	vmax.f32 v40, v4  }
0x169: {  	v34 =	vsel vm2, v32, v27;
	v5 =	vsel vm3, v29, v5;
	vm3 =	vgt.f32 v30, v4  }
0x16a: {  	v37 =	vmax.f32 v37, v43;
	v4 =	vmax.f32 v30, v4;
	v5 =	vsel vm3, v22, v5  }
0x16b: {  	vm3 =	vgt.f32 v26, v46;
	vm2 =	vgt.f32 v31, v4;
	v4 =	vmax.f32 v31, v4  }
0x16c: {  	v22 =	vld [tilespmem:s20+$0x60];
	v5 =	vsel vm2, v38, v5;
	vm2 =	vgt.f32 v28, v4;
	v4 =	vmax.f32 v28, v4  }
0x16d: {  	v38 =	vmax.f32 v26, v46;
	v27 =	vld [tilespmem:s20+$0x100];
	v5 =	vsel vm2, v33, v5;
	v33 =	vsel vm3, v42, v45  }
.Ltmp2:
0x16e: {  	v32 =	vmax.f32 v41, v44;
	v26 =	vsel vm1, v24, v39;
	vm2 =	vgt.f32 v41, v44;
	(pc) =	sbr.rel @p1 .LBB2_7-.Ltmp2, $4  }
0x16f: {  	v8 =	vsel vm0, v19, v8;
	vm0 =	vgt.f32 v20, v36;
	v19 =	vmax.f32 v20, v36  }
0x170: {  	v8 =	vsel vm0, v23, v8;
	vm0 =	vgt.f32 v18, v19;
	v18 =	vmax.f32 v18, v19  }
0x171: {  	v8 =	vsel vm0, v17, v8;
	vm0 =	vgt.f32 v22, v18;
	v17 =	vmax.f32 v22, v18  }
0x172: {  	s19 =	sadd.s32 $0x320, s19;
	s20 =	sadd.s32 $0x320, s20;
	v8 =	vsel vm0, v21, v8;
	vm0 =	vgt.f32 v27, v17;
	v39 =	vmax.f32 v27, v17  }
0x173: {  	_ =	swait.ge [sflag:s13], $0x4E20;
	s18 =	simm.s32 $0xED10;
	s19 =	simm.s32 $0xEBC0  }
0x174: {  	v17 =	vsel vm0, v11, v8;
	v16 =	vsel vm2, v7, v16;
	s20 =	simm.s32 $0xEBB0;
	s21 =	simm.s32 $0xED70;
	s22 =	simm.s32 $0xEA70  }
0x175: {  	v14 =	vmax.f32 v14, v15;
	s30 =	simm.s32 $0xEC80;
	s31 =	simm.s32 $0xEB80;
	[sflag:s13] =	ssyncset.done $0x0;
	v18 =	vor.u32 s20, v0;
	v21 =	vor.u32 s19, v0  }
0x176: {  	s23 =	simm.s32 $0xEC20;
	s25 =	simm.s32 $0xEB40;
	v19 =	vor.u32 s22, v0;
	v7 =	vor.u32 s30, v0;
	v36 =	vor.u32 s21, v0;
	[sflag:s13] =	ssyncadd.s32 $0xFFFFB1E0  }
0x177: {  	s28 =	simm.s32 $0xED20;
	s29 =	simm.s32 $0xEAE0;
	s22 =	simm.s32 $0xECC0;
	v29 =	vor.u32 s31, v0;
	v31 =	vor.u32 s23, v0;
	v42 =	vor.u32 s25, v0;
	v20 =	vld [tilespmem:s18+$0xFFFFFE70]  }
0x178: {  	s30 =	simm.s32 $0xECF0;
	v8 =	vor.u32 s28, v0;
	s31 =	simm.s32 $0xED40;
	v40 =	vor.u32 s29, v0;
	s25 =	simm.s32 $0xEB50;
	v27 =	vor.u32 s22, v0;
	v30 =	vld [tilespmem:s18+$0xFFFFFEB0]  }
0x179: {  	s23 =	simm.s32 $0xEBD0;
	s28 =	simm.s32 $0xEA80;
	s29 =	simm.s32 $0xEB60;
	v11 =	vor.u32 s30, v0;
	v22 =	vor.u32 s31, v0;
	v43 =	vor.u32 s25, v0;
	v41 =	vld [tilespmem:s18+$0xFFFFFEA0]  }
0x17a: {  	s22 =	simm.s32 $0xEB10;
	v44 =	vor.u32 s23, v0;
	s30 =	simm.s32 $0xEA60;
	v28 =	vor.u32 s28, v0;
	s31 =	simm.s32 $0xEAC0;
	v51 =	vor.u32 s29, v0;
	v35 =	vld [tilespmem:s18+$0xFFFFFED0]  }
0x17b: {  	v23 =	vor.u32 s22, v0;
	v49 =	vor.u32 s30, v0;
	v50 =	vor.u32 s31, v0;
	v52 =	vld [tilespmem:s18+$0xFFFFFE80];
	s30 =	simm.s32 $0xEC00  }
0x17c: {  	s24 =	simm.s32 $0xED60;
	s26 =	simm.s32 $0xEC50;
	v15 =	vld [tilespmem:s18+$0xFFFFFEC0];
	v59 =	vor.u32 s30, v0;
	vm0 =	vgt.f32 v20, v25;
	v24 =	vmax.f32 v20, v25  }
0x17d: {  	s23 =	simm.s32 $0xECE0;
	v45 =	vld [tilespmem:s18+$0xFFFFFF70];
	v25 =	vor.u32 s24, v0;
	v20 =	vor.u32 s26, v0;
	vm1 =	vgt.f32 v30, v32  }
0x17e: {  	s25 =	simm.s32 $0xED00;
	v57 =	vld [tilespmem:s18+$0xFFFFFF40];
	v53 =	vmax.f32 v30, v32;
	v32 =	vor.u32 s23, v0;
	vm2 =	vgt.f32 v41, v38  }
0x17f: {  	s24 =	simm.s32 $0xEA90;
	vm3 =	vgt.f32 v35, v14;
	v30 =	vor.u32 s25, v0;
	v62 =	vmax.f32 v41, v38  }
0x180: {  	v48 =	vld [tilespmem:s18+$0xFFFFFF60];
	s26 =	simm.s32 $0xEB30;
	v14 =	vmax.f32 v35, v14;
	v35 =	vmax.f32 v52, v39;
	v46 =	vor.u32 s24, v0  }
0x181: {  	v54 =	vld [tilespmem:s18+$0x10];
	v47 =	vor.u32 s26, v0;
	v34 =	vsel vm0, v49, v34;
	vm0 =	vgt.f32 v15, v37  }
0x182: {  	s29 =	simm.s32 $0xECA0;
	v61 =	vld [tilespmem:s18+$0x0];
	v15 =	vmax.f32 v15, v37;
	vm4 =	vgt.f32 v45, v14;
	v14 =	vmax.f32 v45, v14  }
0x183: {  	s22 =	simm.s32 $0xEC70;
	s24 =	simm.s32 $0xEAB0;
	v58 =	vsel vm3, v50, v26;
	v50 =	vor.u32 s29, v0;
	vm6 =	vgt.f32 v57, v62  }
0x184: {  	v63 =	vld [tilespmem:s18+$0xB0];
	s26 =	simm.s32 $0xEC60;
	v38 =	vmax.f32 v57, v62;
	v57 =	vor.u32 s22, v0;
	v60 =	vor.u32 s24, v0  }
0x185: {  	v46 =	vsel vm2, v46, v33;
	vm2 =	vgt.f32 v48, v15;
	v33 =	vor.u32 s26, v0  }
0x186: {  	v15 =	vmax.f32 v48, v15;
	vm5 =	vgt.f32 v54, v14;
	v14 =	vmax.f32 v54, v14  }
0x187: {  	s31 =	simm.s32 $0xED30;
	v56 =	vld [tilespmem:s18+$0xFFFFFFF0];
	v13 =	vsel vm0, v60, v13;
	vm0 =	vgt.f32 v52, v39;
	vm3 =	vgt.f32 v61, v15  }
0x188: {  	s21 =	simm.s32 $0xEC90;
	v49 =	vld [tilespmem:s18+$0xFFFFFFE0];
	v60 =	vor.u32 s31, v0;
	v39 =	vsel vm4, v51, v58;
	v37 =	vmax.f32 v61, v15  }
0x189: {  	s30 =	simm.s32 $0xEC30;
	v62 =	vld [tilespmem:s18+$0xFFFFFF50];
	s24 =	simm.s32 $0xED10;
	vm15 =	vgt.f32 v63, v14;
	v15 =	vmax.f32 v63, v14;
	v63 =	vor.u32 s21, v0  }
0x18a: {  	s28 =	simm.s32 $0xEBF0;
	v48 =	vld [tilespmem:s18+$0xA0];
	v46 =	vsel vm6, v47, v46;
	v41 =	vor.u32 s24, v0;
	v51 =	vor.u32 s30, v0  }
0x18b: {  	s25 =	simm.s32 $0xEBE0;
	v26 =	vld [tilespmem:s18+$0x140];
	s31 =	simm.s32 $0xECB0;
	v13 =	vsel vm2, v43, v13;
	v43 =	vor.u32 s28, v0;
	v14 =	vsel vm5, v59, v39  }
0x18c: {  	v61 =	vld [tilespmem:s18+$0x80];
	v59 =	vor.u32 s25, v0;
	v52 =	vor.u32 s31, v0;
	v17 =	vsel vm0, v19, v17  }
0x18d: {  	s23 =	simm.s32 $0xEAA0;
	v39 =	vsel vm15, v50, v14;
	v13 =	vsel vm3, v43, v13;
	v55 =	vmax.f32 v49, v38  }
0x18e: {  	vm9 =	vgt.f32 v49, v38;
	v49 =	vor.u32 s23, v0;
	v58 =	vmax.f32 v62, v53  }
0x18f: {  	v14 =	vld [tilespmem:s18+$0x150];
	vm2 =	vgt.f32 v48, v37;
	v37 =	vmax.f32 v48, v37;
	v16 =	vsel vm1, v49, v16  }
0x190: {  	s29 =	simm.s32 $0xEB90;
	v48 =	vld [tilespmem:s18+$0x90];
	v50 =	vsel vm9, v44, v46;
	vm1 =	vgt.f32 v62, v53;
	v44 =	vmax.f32 v56, v58  }
0x191: {  	v49 =	vor.u32 s29, v0;
	vm3 =	vgt.f32 v26, v37;
	vm10 =	vgt.f32 v61, v55  }
0x192: {  	s24 =	simm.s32 $0xEB70;
	s25 =	simm.s32 $0xEC10;
	v46 =	vld [tilespmem:s18+$0xFFFFFEE0];
	v16 =	vsel vm1, v42, v16;
	vm1 =	vgt.f32 v56, v58;
	v38 =	vmax.f32 v61, v55  }
0x193: {  	v45 =	vld [tilespmem:s18+$0xFFFFFF80];
	v61 =	vor.u32 s24, v0;
	v56 =	vor.u32 s25, v0;
	v37 =	vmax.f32 v26, v37  }
0x194: {  	v47 =	vld [tilespmem:s18+$0xFFFFFFA0];
	v16 =	vsel vm1, v59, v16;
	v42 =	vsel vm10, v57, v50;
	vm1 =	vgt.f32 v14, v15  }
0x195: {  	s26 =	simm.s32 $0xECD0;
	v26 =	vsel vm1, v22, v39;
	vm11 =	vgt.f32 v48, v44;
	v43 =	vmax.f32 v48, v44;
	v44 =	vld [tilespmem:s18+$0xFFFFFF00]  }
0x196: {  	v62 =	vld [tilespmem:s18+$0x20];
	v48 =	vor.u32 s26, v0;
	s26 =	simm.s32 $0xEAD0;
	v16 =	vsel vm11, v7, v16;
	v7 =	vsel vm2, v63, v13  }
0x197: {  	s20 =	simm.s32 $0xEAF0;
	s28 =	simm.s32 $0xED50;
	v50 =	vld [tilespmem:s18+$0x40];
	v63 =	vor.u32 s26, v0;
	vm2 =	vgt.f32 v46, v10;
	v10 =	vmax.f32 v46, v10  }
0x198: {  	v46 =	vld [tilespmem:s18+$0xC0];
	v13 =	vsel vm3, v60, v7;
	v7 =	vor.u32 s28, v0;
	v60 =	vor.u32 s20, v0  }
0x199: {  	v54 =	vld [tilespmem:s18+$0xFFFFFE90];
	vm12 =	vgt.f32 v45, v10;
	v6 =	vsel vm2, v63, v6;
	v10 =	vmax.f32 v45, v10  }
0x19a: {  	v58 =	vld [tilespmem:s18+$0xE0];
	v6 =	vsel vm12, v61, v6;
	vm3 =	vgt.f32 v44, v12;
	v12 =	vmax.f32 v44, v12  }
0x19b: {  	v59 =	vld [tilespmem:s18+$0x160];
	s28 =	simm.s32 $0x0;
	v9 =	vsel vm3, v60, v9;
	vm2 =	vgt.f32 v47, v12;
	v12 =	vmax.f32 v47, v12  }
0x19c: {  	s29 =	sand.u32 $0x7FE0, s28;
	v44 =	vld [tilespmem:s18+$0x180];
	vm3 =	vgt.f32 v62, v10;
	v10 =	vmax.f32 v62, v10;
	v61 =	vmax.f32 v50, v12  }
0x19d: {  	s30 =	simm.s32 $0xA0;
	v62 =	vld [tilespmem:s29+$0xEC00];
	v6 =	vsel vm3, v56, v6;
	vm3 =	vgt.f32 v50, v12;
	vm13 =	vgt.f32 v46, v10  }
0x19e: {  	s31 =	simm.s32 $0x140;
	s21 =	sand.u32 $0xFFE0, s30;
	v60 =	vld [tilespmem:s18+$0xFFFFFF10];
	v9 =	vsel vm2, v49, v9;
	v10 =	vmax.f32 v46, v10;
	v6 =	vsel vm13, v52, v6  }
0x19f: {  	s23 =	sand.u32 $0xFFE0, s31;
	s25 =	simm.s32 $0x1E0;
	v63 =	vld [tilespmem:s21+$0xEC00];
	s29 =	simm.s32 $0xEC40;
	v9 =	vsel vm3, v51, v9;
	vm2 =	vgt.f32 v58, v61;
	v12 =	vmax.f32 v58, v61  }
0x1a0: {  	s24 =	simm.s32 $0x280;
	s26 =	sand.u32 $0xFFE0, s25;
	v52 =	vld [tilespmem:s23+$0xEC00];
	v58 =	vor.u32 s29, v0;
	v9 =	vsel vm2, v48, v9;
	vm2 =	vgt.f32 v59, v10  }
0x1a1: {  	s22 =	sand.u32 $0xFF80, s24;
	v53 =	vld [tilespmem:s26+$0xEC00];
	s19 =	sand.u32 $0x60, s28;
	v10 =	vmax.f32 v59, v10;
	vm3 =	vgt.f32 v44, v12;
	v7 =	vsel vm2, v7, v6  }
0x1a2: {  	v57 =	vld [tilespmem:s18+$0xFFFFFF30];
	s19 =	sor.u32 s19, s22;
	v12 =	vmax.f32 v44, v12;
	v9 =	vsel vm3, v36, v9;
	vm2 =	vgt.f32 v62, v2  }
0x1a3: {  	v6 =	vld [tilespmem:s19+$0xEC00];
	v2 =	vmax.f32 v62, v2;
	vm3 =	vgt.f32 v54, v4;
	vm14 =	vgt.f32 v60, v24  }
0x1a4: {  	v3 =	vsel vm2, v40, v3;
	vm2 =	vgt.f32 v63, v2;
	v2 =	vmax.f32 v63, v2  }
0x1a5: {  	v55 =	vld [tilespmem:s18+$0xFFFFFFB0];
	v3 =	vsel vm2, v29, v3;
	vm2 =	vgt.f32 v52, v2;
	v2 =	vmax.f32 v52, v2  }
0x1a6: {  	v56 =	vld [tilespmem:s18+$0x50];
	v24 =	vmax.f32 v60, v24;
	v3 =	vsel vm2, v31, v3;
	vm2 =	vgt.f32 v53, v2  }
0x1a7: {  	v4 =	vmax.f32 v54, v4;
	v2 =	vmax.f32 v53, v2;
	v3 =	vsel vm2, v27, v3;
	v27 =	vld [tilespmem:s18+$0xF0]  }
0x1a8: {  	s28 =	simm.s32 $0xEB00;
	v61 =	vld [tilespmem:s18+$0x70];
	v5 =	vsel vm3, v28, v5;
	vm3 =	vgt.f32 v57, v4;
	vm2 =	vgt.f32 v6, v2  }
0x1a9: {  	v59 =	vld [tilespmem:s18+$0xFFFFFFD0];
	v2 =	vmax.f32 v6, v2;
	v6 =	vor.u32 s28, v0;
	v3 =	vsel vm2, v25, v3  }
0x1aa: {  	s30 =	simm.s32 $0xEBA0;
	v62 =	vld [tilespmem:s18+$0x130];
	v6 =	vsel vm14, v6, v34;
	vm2 =	vgt.f32 v55, v24;
	v24 =	vmax.f32 v55, v24  }
0x1ab: {  	v60 =	vld [tilespmem:s18+$0x120];
	v25 =	vor.u32 s30, v0;
	vm15 =	vgt.f32 v56, v24;
	v24 =	vmax.f32 v56, v24  }
0x1ac: {  	s31 =	simm.s32 $0xEB20;
	v6 =	vsel vm2, v25, v6;
	vm2 =	vgt.f32 v27, v24;
	v25 =	vmax.f32 v27, v24;
	v24 =	vld [tilespmem:s18+$0x110]  }
0x1ad: {  	v4 =	vmax.f32 v57, v4;
	v6 =	vsel vm15, v58, v6;
	v27 =	vor.u32 s31, v0  }
0x1ae: {  	v5 =	vsel vm3, v27, v5;
	vm3 =	vgt.f32 v59, v4;
	v34 =	vsel vm2, v32, v6;
	v6 =	vld [tilespmem:s18+$0xFFFFFF20]  }
0x1af: {  	v63 =	vld [tilespmem:s18+$0xFFFFFFC0];
	v4 =	vmax.f32 v59, v4;
	v32 =	vmax.f32 v62, v43;
	v5 =	vsel vm3, v21, v5  }
0x1b0: {  	v27 =	vld [tilespmem:s18+$0x60];
	vm2 =	vgt.f32 v61, v4;
	v4 =	vmax.f32 v61, v4;
	vm3 =	vgt.f32 v60, v38  }
0x1b1: {  	v5 =	vsel vm2, v33, v5;
	vm2 =	vgt.f32 v24, v4;
	v4 =	vmax.f32 v24, v4;
	v24 =	vld [tilespmem:s18+$0x100]  }
0x1b2: {  	v38 =	vmax.f32 v60, v38;
	v33 =	vsel vm3, v41, v42;
	v5 =	vsel vm2, v30, v5  }
0x1b3: {  	vm2 =	vgt.f32 v62, v43;
	vm0 =	vgt.f32 v6, v35;
	v6 =	vmax.f32 v6, v35  }
0x1b4: {  	v17 =	vsel vm0, v23, v17;
	vm0 =	vgt.f32 v63, v6;
	v6 =	vmax.f32 v63, v6  }
0x1b5: {  	v17 =	vsel vm0, v18, v17;
	vm0 =	vgt.f32 v27, v6;
	v18 =	vmax.f32 v27, v6  }
0x1b6: {  	s20 =	simm.s32 $0xF030;
	s19 =	simm.s32 $0xF090;
	s18 =	simm.s32 $0x0;
	v6 =	vsel vm0, v20, v17;
	vm0 =	vgt.f32 v24, v18;
	v39 =	vmax.f32 v24, v18  }
.LBB2_9:
0x1b7: {  	s23 =	sadd.s32 $0xFFFF1290, s19;
	v20 =	vld [tilespmem:s20+$0xFFFFFE70];
	s21 =	sadd.s32 $0xFFFF13D0, s19;
	s26 =	sadd.s32 $0xFFFFFE50, s19;
	v6 =	vsel vm0, v11, v6;
	v44 =	vsel vm2, v8, v16;
	v15 =	vmax.f32 v14, v15  }
0x1b8: {  	s24 =	sadd.s32 $0xFFFFFDC0, s19;
	s22 =	sand.u32 $0x7FE0, s23;
	v36 =	vld [tilespmem:s20+$0xFFFFFF70];
	s21 =	sand.u32 $0xFFE0, s21  }
0x1b9: {  	s28 =	sadd.s32 $0xFFFFFD00, s19;
	s25 =	sadd.s32 $0xFFFF1330, s19;
	s29 =	sadd.s32 $0xFFFFFE40, s19;
	v14 =	vld [tilespmem:s20+$0xFFFFFEC0]  }
0x1ba: {  	s30 =	sadd.s32 $0xFFFFFE10, s19;
	v17 =	vor.u32 s29, v0;
	v22 =	vor.u32 s26, v0;
	s26 =	sadd.s32 $0xFFFFFF10, s19;
	s29 =	sadd.s32 $0xFFFF1510, s19;
	v41 =	vld [tilespmem:s20+$0xFFFFFEB0]  }
0x1bb: {  	v35 =	vor.u32 s19, v0;
	v19 =	vor.u32 s28, v0;
	s23 =	sand.u32 $0x60, s23;
	v16 =	vor.u32 s26, v0;
	s26 =	sadd.s32 $0xFFFFFF50, s19;
	s28 =	sand.u32 $0xFF80, s29;
	v18 =	vld [tilespmem:s20+$0xFFFFFFC0]  }
0x1bc: {  	v30 =	vor.u32 s30, v0;
	s29 =	sadd.s32 $0xFFFFFEB0, s19;
	s23 =	sor.u32 s23, s28;
	s28 =	sadd.s32 $0xFFFFFFF0, s19;
	vm0 =	vgt.f32 v20, v25;
	v25 =	vmax.f32 v20, v25;
	v20 =	vld [tilespmem:s20+$0xFFFFFF20]  }
0x1bd: {  	s30 =	sadd.s32 $0xFFFFFDD0, s19;
	v31 =	vor.u32 s29, v0;
	s29 =	sadd.s32 $0xFFFFFEE0, s19;
	v29 =	vor.u32 s26, v0;
	s26 =	sadd.s32 $0xFFFFFFB0, s19;
	v27 =	vor.u32 s28, v0;
	v42 =	vld [tilespmem:s20+$0xFFFFFED0]  }
0x1be: {  	v45 =	vor.u32 s30, v0;
	s28 =	sadd.s32 $0xFFFFFD70, s19;
	v21 =	vor.u32 s29, v0;
	s29 =	sadd.s32 $0xFFFFFF80, s19;
	v8 =	vor.u32 s26, v0;
	s26 =	sadd.s32 $0xFFFFFFD0, s19;
	v43 =	vld [tilespmem:s20+$0xFFFFFFE0]  }
0x1bf: {  	s31 =	sadd.s32 $0xFFFFFE60, s19;
	s30 =	sadd.s32 $0xFFFFFDE0, s19;
	v40 =	vor.u32 s28, v0;
	s28 =	sadd.s32 $0xFFFFFDA0, s19;
	v11 =	vor.u32 s29, v0;
	v24 =	vor.u32 s26, v0;
	v46 =	vld [tilespmem:s20+$0xFFFFFF60]  }
0x1c0: {  	v49 =	vor.u32 s31, v0;
	v48 =	vor.u32 s30, v0;
	s26 =	sadd.s32 $0xFFFFFD10, s19;
	s29 =	sadd.s32 $0xFFFFFD20, s19;
	v23 =	vor.u32 s28, v0;
	s28 =	sadd.s32 $0xFFFFFDF0, s19;
	v47 =	vld [tilespmem:s20+$0xFFFFFEA0]  }
0x1c1: {  	v52 =	vor.u32 s24, v0;
	s24 =	sand.u32 $0xFFE0, s25;
	s30 =	sadd.s32 $0xFFFFFCF0, s19;
	v28 =	vor.u32 s26, v0;
	v51 =	vor.u32 s29, v0;
	s26 =	sadd.s32 $0xFFFFFD50, s19;
	v50 =	vld [tilespmem:s20+$0xFFFFFE80]  }
0x1c2: {  	s18 =	sadd.s32 $0x5, s18;
	s25 =	sadd.s32 $0xFFFFFD40, s19;
	v53 =	vor.u32 s30, v0;
	v54 =	vor.u32 s26, v0;
	v55 =	vor.u32 s28, v0;
	s26 =	sadd.s32 $0xFFFFFF70, s19;
	v56 =	vld [tilespmem:s20+$0x10]  }
0x1c3: {  	p1 =	slt.u32 s18, $0x78;
	vm1 =	vgt.f32 v41, v32;
	v57 =	vmax.f32 v41, v32;
	v32 =	vor.u32 s26, v0;
	s26 =	sadd.s32 $0xFFFFFF90, s19;
	v41 =	vld [tilespmem:s20+$0xB0]  }
0x1c4: {  	v34 =	vsel vm0, v53, v34;
	vm0 =	vgt.f32 v14, v37;
	v53 =	vmax.f32 v14, v37;
	s28 =	sadd.s32 $0xFFFFFEF0, s19;
	v58 =	vld [tilespmem:s20+$0x0]  }
0x1c5: {  	v37 =	vor.u32 s25, v0;
	vm3 =	vgt.f32 v42, v15;
	vm2 =	vgt.f32 v47, v38;
	v14 =	vld [tilespmem:s20+$0x150]  }
0x1c6: {  	v13 =	vsel vm0, v37, v13;
	v51 =	vsel vm2, v51, v33;
	v59 =	vld [tilespmem:s20+$0xA0];
	v33 =	vor.u32 s26, v0  }
0x1c7: {  	v15 =	vmax.f32 v42, v15;
	v47 =	vmax.f32 v47, v38;
	vm2 =	vgt.f32 v46, v53;
	v37 =	vld [tilespmem:s20+$0x140]  }
0x1c8: {  	vm4 =	vgt.f32 v36, v15;
	v15 =	vmax.f32 v36, v15;
	v38 =	vor.u32 s28, v0;
	v60 =	vld [tilespmem:s20+$0x80]  }
0x1c9: {  	s25 =	sadd.s32 $0xFFFFFE80, s19;
	v36 =	vmax.f32 v50, v39;
	v46 =	vmax.f32 v46, v53;
	vm5 =	vgt.f32 v56, v15;
	v42 =	vld [tilespmem:s20+$0xFFFFFF40]  }
0x1ca: {  	vm0 =	vgt.f32 v50, v39;
	v13 =	vsel vm2, v48, v13;
	v48 =	vor.u32 s25, v0;
	s25 =	sadd.s32 $0xFFFFFF30, s19  }
0x1cb: {  	v26 =	vsel vm3, v54, v26;
	s28 =	sadd.s32 $0xFFFFFF00, s19;
	s26 =	sadd.s32 $0xFFFFFE90, s19;
	v39 =	vor.u32 s25, v0;
	s25 =	sadd.s32 $0xFFFFFFC0, s19;
	vm3 =	vgt.f32 v58, v46  }
0x1cc: {  	v50 =	vor.u32 s26, v0;
	v15 =	vmax.f32 v56, v15;
	v53 =	vor.u32 s25, v0  }
0x1cd: {  	v54 =	vsel vm4, v55, v26;
	vm4 =	vgt.f32 v41, v15;
	v46 =	vmax.f32 v58, v46  }
0x1ce: {  	v15 =	vmax.f32 v41, v15;
	s25 =	sadd.s32 $0xFFFFFF20, s19;
	vm6 =	vgt.f32 v42, v47;
	v42 =	vmax.f32 v42, v47;
	v26 =	vld [tilespmem:s20+$0x120]  }
0x1cf: {  	v41 =	vsel vm5, v50, v54;
	v50 =	vor.u32 s25, v0;
	vm2 =	vgt.f32 v59, v46;
	v47 =	vld [tilespmem:s20+$0xFFFFFF50]  }
0x1d0: {  	v56 =	vor.u32 s28, v0;
	v39 =	vsel vm4, v39, v41;
	v54 =	vmax.f32 v43, v42;
	v55 =	vld [tilespmem:s20+$0xFFFFFFF0]  }
0x1d1: {  	s26 =	sadd.s32 $0xFFFFFFA0, s19;
	s25 =	sadd.s32 $0xFFFFFD30, s19;
	v13 =	vsel vm3, v48, v13;
	vm4 =	vgt.f32 v43, v42;
	v43 =	vmax.f32 v59, v46;
	v48 =	vld [tilespmem:s20+$0x90]  }
0x1d2: {  	v46 =	vor.u32 s25, v0;
	v51 =	vsel vm6, v52, v51;
	v42 =	vor.u32 s26, v0;
	v41 =	vld [tilespmem:s20+$0x130]  }
0x1d3: {  	s25 =	sadd.s32 $0xFFFFFE70, s19;
	v44 =	vsel vm1, v46, v44;
	v46 =	vsel vm4, v49, v51;
	vm3 =	vgt.f32 v37, v43  }
0x1d4: {  	vm4 =	vgt.f32 v60, v54;
	vm1 =	vgt.f32 v47, v57;
	v47 =	vmax.f32 v47, v57  }
0x1d5: {  	v44 =	vsel vm1, v45, v44;
	v45 =	vor.u32 s25, v0;
	vm1 =	vgt.f32 v55, v47  }
0x1d6: {  	v47 =	vmax.f32 v55, v47;
	v49 =	vld [tilespmem:s20+$0xFFFFFF80];
	v51 =	vsel vm1, v45, v44;
	vm1 =	vgt.f32 v14, v15  }
0x1d7: {  	v45 =	vsel vm4, v56, v46;
	vm4 =	vgt.f32 v48, v47;
	v44 =	vmax.f32 v48, v47;
	v52 =	vld [tilespmem:s20+$0xFFFFFEE0]  }
0x1d8: {  	v13 =	vsel vm2, v50, v13;
	s26 =	sadd.s32 $0xFFFFFFE0, s19;
	s25 =	sadd.s32 $0xFFFFFF60, s19;
	v46 =	vmax.f32 v60, v54;
	v16 =	vsel vm4, v16, v51;
	v47 =	vld [tilespmem:s20+$0xFFFFFF00]  }
0x1d9: {  	s30 =	sadd.s32 $0xFFFFFF40, s19;
	s29 =	sadd.s32 $0xFFFFFEC0, s19;
	s28 =	sadd.s32 $0xFFFFFE20, s19;
	v13 =	vsel vm3, v53, v13;
	v50 =	vor.u32 s25, v0;
	v51 =	vor.u32 s26, v0;
	v48 =	vld [tilespmem:s20+$0xFFFFFFA0]  }
0x1da: {  	v53 =	vor.u32 s28, v0;
	s28 =	sadd.s32 $0xFFFFFEA0, s19;
	v55 =	vor.u32 s29, v0;
	s25 =	sadd.s32 $0xFFFFFD80, s19;
	v56 =	vor.u32 s30, v0;
	s26 =	sadd.s32 $0xFFFFFE00, s19;
	v54 =	vld [tilespmem:s20+$0x40]  }
0x1db: {  	s29 =	sadd.s32 $0xFFFFFD60, s19;
	v60 =	vor.u32 s28, v0;
	v57 =	vor.u32 s25, v0;
	v58 =	vor.u32 s26, v0;
	v59 =	vld [tilespmem:s20+$0x20]  }
0x1dc: {  	v61 =	vor.u32 s29, v0;
	vm2 =	vgt.f32 v52, v10;
	v10 =	vmax.f32 v52, v10;
	v52 =	vld [tilespmem:s20+$0xC0]  }
0x1dd: {  	vm3 =	vgt.f32 v47, v12;
	v12 =	vmax.f32 v47, v12;
	vm4 =	vgt.f32 v49, v10;
	v47 =	vld [tilespmem:s20+$0x180]  }
0x1de: {  	v7 =	vsel vm2, v61, v7;
	v9 =	vsel vm3, v57, v9;
	vm2 =	vgt.f32 v48, v12;
	v57 =	vld [tilespmem:s20+$0xE0]  }
0x1df: {  	v10 =	vmax.f32 v49, v10;
	v7 =	vsel vm4, v58, v7;
	v12 =	vmax.f32 v48, v12;
	v48 =	vld [tilespmem:s20+$0x160]  }
0x1e0: {  	v58 =	vmax.f32 v54, v12;
	v49 =	vld [tilespmem:s20+$0xFFFFFF10];
	vm3 =	vgt.f32 v59, v10;
	v10 =	vmax.f32 v59, v10  }
0x1e1: {  	v59 =	vld [tilespmem:s22+$0xEC00];
	v7 =	vsel vm3, v60, v7;
	vm3 =	vgt.f32 v54, v12;
	vm4 =	vgt.f32 v52, v10  }
0x1e2: {  	v9 =	vsel vm2, v53, v9;
	s22 =	sadd.s32 $0xFFFF1470, s19;
	v10 =	vmax.f32 v52, v10;
	v54 =	vld [tilespmem:s24+$0xEC00];
	v7 =	vsel vm4, v56, v7  }
0x1e3: {  	v9 =	vsel vm3, v55, v9;
	v52 =	vld [tilespmem:s21+$0xEC00];
	s21 =	sand.u32 $0xFFE0, s22;
	vm2 =	vgt.f32 v57, v58;
	v12 =	vmax.f32 v57, v58  }
0x1e4: {  	v53 =	vld [tilespmem:s21+$0xEC00];
	v9 =	vsel vm2, v50, v9;
	vm2 =	vgt.f32 v48, v10;
	vm3 =	vgt.f32 v47, v12  }
0x1e5: {  	v10 =	vmax.f32 v48, v10;
	v7 =	vsel vm2, v51, v7;
	v48 =	vld [tilespmem:s23+$0xEC00];
	v9 =	vsel vm3, v35, v9  }
0x1e6: {  	v12 =	vmax.f32 v47, v12;
	v35 =	vld [tilespmem:s20+$0xFFFFFE90];
	vm2 =	vgt.f32 v59, v2;
	v2 =	vmax.f32 v59, v2  }
0x1e7: {  	v3 =	vsel vm2, v40, v3;
	vm2 =	vgt.f32 v54, v2;
	v2 =	vmax.f32 v54, v2  }
0x1e8: {  	v3 =	vsel vm2, v30, v3;
	v30 =	vld [tilespmem:s20+$0xFFFFFFB0];
	vm2 =	vgt.f32 v52, v2;
	v2 =	vmax.f32 v52, v2  }
0x1e9: {  	v3 =	vsel vm2, v31, v3;
	v31 =	vld [tilespmem:s20+$0x50];
	vm2 =	vgt.f32 v53, v2;
	v2 =	vmax.f32 v53, v2  }
0x1ea: {  	v3 =	vsel vm2, v29, v3;
	v29 =	vld [tilespmem:s20+$0xF0];
	vm2 =	vgt.f32 v48, v2;
	v2 =	vmax.f32 v48, v2  }
0x1eb: {  	s22 =	sadd.s32 $0xFFFFFED0, s19;
	s21 =	sadd.s32 $0xFFFFFD90, s19;
	vm4 =	vgt.f32 v49, v25;
	vm3 =	vgt.f32 v35, v4;
	v3 =	vsel vm2, v27, v3  }
0x1ec: {  	v47 =	vor.u32 s22, v0;
	v25 =	vmax.f32 v49, v25;
	v27 =	vor.u32 s21, v0;
	v40 =	vld [tilespmem:s20+$0xFFFFFF30]  }
0x1ed: {  	s21 =	sadd.s32 $0xFFFFFE30, s19;
	v27 =	vsel vm4, v27, v34;
	vm2 =	vgt.f32 v30, v25;
	v25 =	vmax.f32 v30, v25;
	v30 =	vld [tilespmem:s20+$0xFFFFFFD0]  }
0x1ee: {  	v34 =	vor.u32 s21, v0;
	vm4 =	vgt.f32 v31, v25;
	v25 =	vmax.f32 v31, v25  }
0x1ef: {  	v27 =	vsel vm2, v34, v27;
	v31 =	vld [tilespmem:s20+$0x70];
	vm2 =	vgt.f32 v29, v25;
	v25 =	vmax.f32 v29, v25  }
0x1f0: {  	v4 =	vmax.f32 v35, v4;
	v5 =	vsel vm3, v28, v5;
	s21 =	sadd.s32 $0xFFFFFDB0, s19;
	v27 =	vsel vm4, v47, v27;
	v28 =	vld [tilespmem:s20+$0x110]  }
0x1f1: {  	v29 =	vor.u32 s21, v0;
	vm3 =	vgt.f32 v40, v4;
	v4 =	vmax.f32 v40, v4  }
0x1f2: {  	v34 =	vsel vm2, v32, v27;
	v5 =	vsel vm3, v29, v5;
	vm3 =	vgt.f32 v30, v4  }
0x1f3: {  	v37 =	vmax.f32 v37, v43;
	v4 =	vmax.f32 v30, v4;
	v5 =	vsel vm3, v22, v5  }
0x1f4: {  	vm3 =	vgt.f32 v26, v46;
	vm2 =	vgt.f32 v31, v4;
	v4 =	vmax.f32 v31, v4  }
0x1f5: {  	v22 =	vld [tilespmem:s20+$0x60];
	v5 =	vsel vm2, v38, v5;
	vm2 =	vgt.f32 v28, v4;
	v4 =	vmax.f32 v28, v4  }
0x1f6: {  	v38 =	vmax.f32 v26, v46;
	v27 =	vld [tilespmem:s20+$0x100];
	v5 =	vsel vm2, v33, v5;
	v33 =	vsel vm3, v42, v45  }
.Ltmp3:
0x1f7: {  	v32 =	vmax.f32 v41, v44;
	v26 =	vsel vm1, v24, v39;
	vm2 =	vgt.f32 v41, v44;
	(pc) =	sbr.rel @p1 .LBB2_9-.Ltmp3, $4  }
0x1f8: {  	v6 =	vsel vm0, v19, v6;
	vm0 =	vgt.f32 v20, v36;
	v19 =	vmax.f32 v20, v36  }
0x1f9: {  	v6 =	vsel vm0, v23, v6;
	vm0 =	vgt.f32 v18, v19;
	v18 =	vmax.f32 v18, v19  }
0x1fa: {  	v6 =	vsel vm0, v17, v6;
	vm0 =	vgt.f32 v22, v18;
	v17 =	vmax.f32 v22, v18  }
0x1fb: {  	s19 =	sadd.s32 $0x320, s19;
	s20 =	sadd.s32 $0x320, s20;
	v6 =	vsel vm0, v21, v6;
	vm0 =	vgt.f32 v27, v17;
	v39 =	vmax.f32 v27, v17  }
0x1fc: {  	_ =	swait.ge [sflag:s10], $0x4E20;
	s18 =	simm.s32 $0x190;
	s19 =	simm.s32 $0x139E0  }
0x1fd: {  	v17 =	vsel vm0, v11, v6;
	v41 =	vsel vm2, v8, v16;
	s20 =	simm.s32 $0x139D0;
	s21 =	simm.s32 $0x13B90;
	s22 =	simm.s32 $0x13890  }
0x1fe: {  	v11 =	vmax.f32 v14, v15;
	s30 =	simm.s32 $0x13AA0;
	s31 =	simm.s32 $0x139A0;
	[sflag:s10] =	ssyncset.done $0x0;
	v16 =	vor.u32 s20, v0;
	v20 =	vor.u32 s19, v0  }
0x1ff: {  	s23 =	simm.s32 $0x13A40;
	s24 =	simm.s32 $0x13B80;
	v18 =	vor.u32 s22, v0;
	v14 =	vor.u32 s30, v0;
	v35 =	vor.u32 s21, v0;
	[sflag:s10] =	ssyncadd.s32 $0xFFFFB1E0  }
0x200: {  	s25 =	simm.s32 $0x13960;
	s28 =	simm.s32 $0x13B40;
	s29 =	simm.s32 $0x13900;
	v28 =	vor.u32 s31, v0;
	v30 =	vor.u32 s23, v0;
	v24 =	vor.u32 s24, v0;
	v19 =	vld [tilespmem:s18+$0xFFFFFE70]  }
0x201: {  	v42 =	vor.u32 s25, v0;
	s30 =	simm.s32 $0x13B10;
	v6 =	vor.u32 s28, v0;
	s31 =	simm.s32 $0x13B60;
	v36 =	vor.u32 s29, v0;
	s25 =	simm.s32 $0x13970;
	v29 =	vld [tilespmem:s18+$0xFFFFFEB0]  }
0x202: {  	s23 =	simm.s32 $0x139F0;
	s28 =	simm.s32 $0x138A0;
	s24 =	simm.s32 $0x138B0;
	v8 =	vor.u32 s30, v0;
	v21 =	vor.u32 s31, v0;
	v44 =	vor.u32 s25, v0;
	v40 =	vld [tilespmem:s18+$0xFFFFFED0]  }
0x203: {  	s29 =	simm.s32 $0x13980;
	v45 =	vor.u32 s23, v0;
	s30 =	simm.s32 $0x13880;
	v27 =	vor.u32 s28, v0;
	v47 =	vor.u32 s24, v0;
	s31 =	simm.s32 $0x138E0;
	v43 =	vld [tilespmem:s18+$0xFFFFFEA0]  }
0x204: {  	v52 =	vor.u32 s29, v0;
	s23 =	simm.s32 $0x13B00;
	s29 =	simm.s32 $0x13AC0;
	v50 =	vor.u32 s30, v0;
	v51 =	vor.u32 s31, v0;
	v53 =	vld [tilespmem:s18+$0xFFFFFE80];
	s30 =	simm.s32 $0x13A20  }
0x205: {  	s22 =	simm.s32 $0x13AE0;
	v15 =	vld [tilespmem:s18+$0xFFFFFEC0];
	v31 =	vor.u32 s23, v0;
	v60 =	vor.u32 s29, v0;
	v61 =	vor.u32 s30, v0  }
0x206: {  	s26 =	simm.s32 $0x13A70;
	v46 =	vld [tilespmem:s18+$0xFFFFFF70];
	vm0 =	vgt.f32 v19, v25;
	v23 =	vmax.f32 v19, v25;
	v25 =	vor.u32 s22, v0  }
0x207: {  	s24 =	simm.s32 $0x138D0;
	v59 =	vld [tilespmem:s18+$0xFFFFFF40];
	v19 =	vor.u32 s26, v0;
	vm1 =	vgt.f32 v29, v32;
	v54 =	vmax.f32 v29, v32  }
0x208: {  	v62 =	vld [tilespmem:s18+$0xFFFFFF50];
	vm2 =	vgt.f32 v43, v38;
	v29 =	vor.u32 s24, v0;
	vm3 =	vgt.f32 v40, v11  }
0x209: {  	v49 =	vld [tilespmem:s18+$0xFFFFFF60];
	s22 =	simm.s32 $0x13930;
	s26 =	simm.s32 $0x13950;
	v57 =	vmax.f32 v43, v38;
	v11 =	vmax.f32 v40, v11;
	v32 =	vmax.f32 v53, v39  }
0x20a: {  	v55 =	vld [tilespmem:s18+$0x10];
	v22 =	vor.u32 s22, v0;
	v48 =	vor.u32 s26, v0;
	v34 =	vsel vm0, v50, v34  }
0x20b: {  	vm0 =	vgt.f32 v15, v37;
	v15 =	vmax.f32 v15, v37;
	v47 =	vsel vm2, v47, v33  }
0x20c: {  	s23 =	simm.s32 $0x138C0;
	vm4 =	vgt.f32 v46, v11;
	v11 =	vmax.f32 v46, v11;
	vm6 =	vgt.f32 v59, v57  }
0x20d: {  	s25 =	simm.s32 $0x13B20;
	v56 =	vld [tilespmem:s18+$0x0];
	v38 =	vmax.f32 v59, v57;
	v50 =	vor.u32 s23, v0;
	v43 =	vmax.f32 v62, v54  }
0x20e: {  	v58 =	vld [tilespmem:s18+$0xB0];
	s26 =	simm.s32 $0x13A80;
	v13 =	vsel vm0, v29, v13;
	v29 =	vor.u32 s25, v0;
	vm2 =	vgt.f32 v49, v15  }
0x20f: {  	s31 =	simm.s32 $0x13B50;
	v33 =	vor.u32 s26, v0;
	v15 =	vmax.f32 v49, v15;
	vm5 =	vgt.f32 v55, v11  }
0x210: {  	s22 =	simm.s32 $0x13A90;
	vm0 =	vgt.f32 v53, v39;
	v11 =	vmax.f32 v55, v11;
	v53 =	vor.u32 s31, v0  }
0x211: {  	s28 =	simm.s32 $0x13A10;
	v57 =	vor.u32 s22, v0;
	v41 =	vsel vm1, v50, v41;
	vm1 =	vgt.f32 v62, v54  }
0x212: {  	v46 =	vld [tilespmem:s18+$0xA0];
	v39 =	vsel vm2, v44, v13;
	v44 =	vor.u32 s28, v0;
	v13 =	vsel vm3, v51, v26  }
0x213: {  	s21 =	simm.s32 $0x13AB0;
	v49 =	vld [tilespmem:s18+$0xFFFFFFE0];
	vm3 =	vgt.f32 v56, v15;
	v15 =	vmax.f32 v56, v15;
	vm15 =	vgt.f32 v58, v11  }
0x214: {  	v55 =	vld [tilespmem:s18+$0x80];
	v51 =	vor.u32 s21, v0;
	v41 =	vsel vm1, v42, v41;
	v17 =	vsel vm0, v18, v17  }
0x215: {  	s31 =	simm.s32 $0x13AD0;
	v26 =	vld [tilespmem:s18+$0x140];
	s28 =	simm.s32 $0x13B70;
	v52 =	vsel vm4, v52, v13;
	v13 =	vmax.f32 v58, v11;
	v58 =	vsel vm6, v48, v47  }
0x216: {  	v56 =	vld [tilespmem:s18+$0xFFFFFFF0];
	v48 =	vor.u32 s28, v0;
	v11 =	vsel vm5, v61, v52;
	v52 =	vor.u32 s31, v0  }
0x217: {  	s25 =	simm.s32 $0x13A00;
	s26 =	simm.s32 $0x13AF0;
	vm2 =	vgt.f32 v46, v15;
	v37 =	vsel vm15, v60, v11;
	v40 =	vmax.f32 v46, v15  }
0x218: {  	s24 =	simm.s32 $0x13B30;
	v15 =	vld [tilespmem:s18+$0x90];
	v60 =	vor.u32 s25, v0;
	v46 =	vor.u32 s26, v0;
	v63 =	vmax.f32 v49, v38  }
0x219: {  	v11 =	vld [tilespmem:s18+$0x150];
	vm9 =	vgt.f32 v49, v38;
	v49 =	vsel vm3, v44, v39;
	v39 =	vor.u32 s24, v0  }
0x21a: {  	v62 =	vld [tilespmem:s18+$0xFFFFFEE0];
	v59 =	vsel vm9, v45, v58;
	vm3 =	vgt.f32 v26, v40;
	vm10 =	vgt.f32 v55, v63  }
0x21b: {  	s20 =	simm.s32 $0x13910;
	v50 =	vld [tilespmem:s18+$0x40];
	s24 =	simm.s32 $0x13990;
	vm1 =	vgt.f32 v56, v43;
	v43 =	vmax.f32 v56, v43;
	v42 =	vmax.f32 v55, v63  }
0x21c: {  	s25 =	simm.s32 $0x13A30;
	v44 =	vld [tilespmem:s18+$0xFFFFFF00];
	v63 =	vor.u32 s20, v0;
	v54 =	vor.u32 s24, v0;
	v61 =	vsel vm1, v60, v41  }
0x21d: {  	v45 =	vld [tilespmem:s18+$0xFFFFFF80];
	v41 =	vsel vm10, v57, v59;
	v60 =	vor.u32 s25, v0;
	vm11 =	vgt.f32 v15, v43  }
0x21e: {  	s29 =	simm.s32 $0x139B0;
	s30 =	simm.s32 $0x13A50;
	v38 =	vld [tilespmem:s18+$0xFFFFFFA0];
	vm1 =	vgt.f32 v11, v13;
	v43 =	vmax.f32 v15, v43;
	v15 =	vsel vm11, v14, v61  }
0x21f: {  	s26 =	simm.s32 $0x138F0;
	v55 =	vld [tilespmem:s18+$0x20];
	v14 =	vsel vm2, v51, v49;
	v49 =	vor.u32 s29, v0;
	v51 =	vor.u32 s30, v0  }
0x220: {  	s28 =	simm.s32 $0x0;
	v57 =	vld [tilespmem:s18+$0xFFFFFF10];
	v61 =	vor.u32 s26, v0;
	vm2 =	vgt.f32 v62, v10;
	v10 =	vmax.f32 v62, v10  }
0x221: {  	v62 =	vld [tilespmem:s18+$0xC0];
	s29 =	sand.u32 $0x7FE0, s28;
	v14 =	vsel vm3, v53, v14;
	vm3 =	vgt.f32 v44, v12;
	v12 =	vmax.f32 v44, v12  }
0x222: {  	vm12 =	vgt.f32 v45, v10;
	v7 =	vsel vm2, v61, v7;
	v10 =	vmax.f32 v45, v10;
	v59 =	vld [tilespmem:s29+$0x80]  }
0x223: {  	v9 =	vsel vm3, v63, v9;
	vm2 =	vgt.f32 v38, v12;
	v63 =	vld [tilespmem:s18+$0xE0];
	v7 =	vsel vm12, v54, v7  }
0x224: {  	s29 =	simm.s32 $0x13A60;
	v12 =	vmax.f32 v38, v12;
	v38 =	vld [tilespmem:s18+$0x160];
	vm3 =	vgt.f32 v55, v10;
	v10 =	vmax.f32 v55, v10  }
0x225: {  	v44 =	vld [tilespmem:s18+$0x180];
	vm14 =	vgt.f32 v57, v23;
	v23 =	vmax.f32 v57, v23;
	v57 =	vor.u32 s29, v0  }
0x226: {  	s30 =	simm.s32 $0xA0;
	v7 =	vsel vm3, v60, v7;
	vm3 =	vgt.f32 v50, v12;
	v9 =	vsel vm2, v49, v9  }
0x227: {  	s31 =	simm.s32 $0x140;
	s21 =	sand.u32 $0xFFE0, s30;
	v54 =	vld [tilespmem:s18+$0xFFFFFE90];
	v58 =	vmax.f32 v50, v12;
	v9 =	vsel vm3, v51, v9;
	vm13 =	vgt.f32 v62, v10  }
0x228: {  	s23 =	sand.u32 $0xFFE0, s31;
	v60 =	vld [tilespmem:s21+$0x80];
	v10 =	vmax.f32 v62, v10;
	v7 =	vsel vm13, v52, v7;
	vm2 =	vgt.f32 v63, v58  }
0x229: {  	s24 =	simm.s32 $0x280;
	s25 =	simm.s32 $0x1E0;
	v61 =	vld [tilespmem:s23+$0x80];
	v62 =	vmax.f32 v63, v58;
	v12 =	vmax.f32 v38, v10;
	v46 =	vsel vm2, v46, v9  }
0x22a: {  	s19 =	sand.u32 $0x60, s28;
	v56 =	vld [tilespmem:s18+$0xFFFFFF30];
	s22 =	sand.u32 $0xFF80, s24;
	s26 =	sand.u32 $0xFFE0, s25;
	vm2 =	vgt.f32 v38, v10;
	vm3 =	vgt.f32 v44, v62;
	v10 =	vmax.f32 v44, v62  }
0x22b: {  	s19 =	sor.u32 s19, s22;
	s30 =	simm.s32 $0x139C0;
	v63 =	vld [tilespmem:s26+$0x80];
	v9 =	vsel vm2, v48, v7;
	v7 =	vsel vm3, v35, v46;
	vm2 =	vgt.f32 v59, v2  }
0x22c: {  	v53 =	vld [tilespmem:s19+$0x80];
	v2 =	vmax.f32 v59, v2;
	vm3 =	vgt.f32 v54, v4;
	v59 =	vor.u32 s30, v0  }
0x22d: {  	v3 =	vsel vm2, v36, v3;
	vm2 =	vgt.f32 v60, v2;
	v2 =	vmax.f32 v60, v2  }
0x22e: {  	v4 =	vmax.f32 v54, v4;
	v3 =	vsel vm2, v28, v3;
	v28 =	vld [tilespmem:s18+$0xFFFFFFB0];
	vm2 =	vgt.f32 v61, v2  }
0x22f: {  	s31 =	simm.s32 $0x13940;
	v5 =	vsel vm3, v27, v5;
	v2 =	vmax.f32 v61, v2;
	v3 =	vsel vm2, v30, v3;
	v30 =	vld [tilespmem:s18+$0x50]  }
0x230: {  	v58 =	vld [tilespmem:s18+$0x120];
	v27 =	vor.u32 s31, v0;
	vm2 =	vgt.f32 v63, v2;
	v2 =	vmax.f32 v63, v2  }
0x231: {  	s28 =	simm.s32 $0x13920;
	v62 =	vld [tilespmem:s18+$0xFFFFFF20];
	vm3 =	vgt.f32 v56, v4;
	v3 =	vsel vm2, v25, v3;
	vm2 =	vgt.f32 v53, v2  }
0x232: {  	v4 =	vmax.f32 v56, v4;
	v25 =	vld [tilespmem:s18+$0xF0];
	v3 =	vsel vm2, v24, v3;
	v24 =	vor.u32 s28, v0  }
0x233: {  	v24 =	vsel vm14, v24, v34;
	vm2 =	vgt.f32 v28, v23;
	v23 =	vmax.f32 v28, v23;
	v28 =	vld [tilespmem:s18+$0xFFFFFFD0]  }
0x234: {  	vm15 =	vgt.f32 v30, v23;
	v23 =	vmax.f32 v30, v23;
	v24 =	vsel vm2, v59, v24;
	v30 =	vld [tilespmem:s18+$0x70]  }
0x235: {  	v36 =	vmax.f32 v26, v40;
	v5 =	vsel vm3, v27, v5;
	v60 =	vsel vm15, v57, v24;
	v24 =	vld [tilespmem:s18+$0x110]  }
0x236: {  	v63 =	vld [tilespmem:s18+$0xFFFFFFC0];
	v35 =	vmax.f32 v58, v42;
	v2 =	vmax.f32 v53, v2;
	vm0 =	vgt.f32 v62, v32  }
0x237: {  	v26 =	vld [tilespmem:s18+$0x60];
	v18 =	vmax.f32 v62, v32;
	v17 =	vsel vm0, v22, v17;
	vm2 =	vgt.f32 v25, v23  }
0x238: {  	v61 =	vld [tilespmem:s18+$0x130];
	v38 =	vsel vm2, v31, v60;
	vm3 =	vgt.f32 v28, v4;
	v4 =	vmax.f32 v28, v4  }
0x239: {  	v5 =	vsel vm3, v20, v5;
	vm2 =	vgt.f32 v30, v4;
	v4 =	vmax.f32 v30, v4  }
0x23a: {  	v5 =	vsel vm2, v33, v5;
	vm2 =	vgt.f32 v24, v4;
	v4 =	vmax.f32 v24, v4;
	v24 =	vld [tilespmem:s18+$0x100]  }
0x23b: {  	vm0 =	vgt.f32 v63, v18;
	v18 =	vmax.f32 v63, v18;
	v25 =	vmax.f32 v25, v23  }
0x23c: {  	v16 =	vsel vm0, v16, v17;
	vm0 =	vgt.f32 v26, v18;
	v17 =	vmax.f32 v26, v18  }
0x23d: {  	v31 =	vmax.f32 v61, v43;
	v16 =	vsel vm0, v19, v16;
	vm3 =	vgt.f32 v58, v42  }
0x23e: {  	v42 =	vsel vm3, v39, v41;
	v39 =	vsel vm1, v21, v37;
	v5 =	vsel vm2, v29, v5  }
0x23f: {  	s20 =	simm.s32 $0x4B0;
	s19 =	simm.s32 $0x13EB0;
	s18 =	simm.s32 $0x0;
	vm2 =	vgt.f32 v61, v43;
	vm0 =	vgt.f32 v24, v17;
	v40 =	vmax.f32 v24, v17  }
.LBB2_11:
0x240: {  	s23 =	sadd.s32 $0xFFFEC470, s19;
	v20 =	vld [tilespmem:s20+$0xFFFFFE70];
	s21 =	sadd.s32 $0xFFFEC5B0, s19;
	s26 =	sadd.s32 $0xFFFFFE50, s19;
	v16 =	vsel vm0, v8, v16;
	v44 =	vsel vm2, v6, v15;
	v13 =	vmax.f32 v11, v13  }
0x241: {  	s24 =	sadd.s32 $0xFFFFFDC0, s19;
	s22 =	sand.u32 $0x7FE0, s23;
	v34 =	vld [tilespmem:s20+$0xFFFFFF70];
	s21 =	sand.u32 $0xFFE0, s21  }
0x242: {  	s28 =	sadd.s32 $0xFFFFFD00, s19;
	s25 =	sadd.s32 $0xFFFEC510, s19;
	s29 =	sadd.s32 $0xFFFFFE40, s19;
	v11 =	vld [tilespmem:s20+$0xFFFFFEC0]  }
0x243: {  	s30 =	sadd.s32 $0xFFFFFE10, s19;
	v17 =	vor.u32 s29, v0;
	v22 =	vor.u32 s26, v0;
	s26 =	sadd.s32 $0xFFFFFF10, s19;
	s29 =	sadd.s32 $0xFFFEC6F0, s19;
	v32 =	vld [tilespmem:s20+$0xFFFFFEB0]  }
0x244: {  	v33 =	vor.u32 s19, v0;
	v19 =	vor.u32 s28, v0;
	s23 =	sand.u32 $0x60, s23;
	v15 =	vor.u32 s26, v0;
	s26 =	sadd.s32 $0xFFFFFF50, s19;
	s28 =	sand.u32 $0xFF80, s29;
	v18 =	vld [tilespmem:s20+$0xFFFFFFC0]  }
0x245: {  	v29 =	vor.u32 s30, v0;
	s29 =	sadd.s32 $0xFFFFFEB0, s19;
	s23 =	sor.u32 s23, s28;
	s28 =	sadd.s32 $0xFFFFFFF0, s19;
	vm0 =	vgt.f32 v20, v25;
	v25 =	vmax.f32 v20, v25;
	v20 =	vld [tilespmem:s20+$0xFFFFFF20]  }
0x246: {  	s30 =	sadd.s32 $0xFFFFFDD0, s19;
	v30 =	vor.u32 s29, v0;
	s29 =	sadd.s32 $0xFFFFFEE0, s19;
	v28 =	vor.u32 s26, v0;
	s26 =	sadd.s32 $0xFFFFFFB0, s19;
	v26 =	vor.u32 s28, v0;
	v41 =	vld [tilespmem:s20+$0xFFFFFED0]  }
0x247: {  	v45 =	vor.u32 s30, v0;
	s28 =	sadd.s32 $0xFFFFFD70, s19;
	v21 =	vor.u32 s29, v0;
	s29 =	sadd.s32 $0xFFFFFF80, s19;
	v6 =	vor.u32 s26, v0;
	s26 =	sadd.s32 $0xFFFFFFD0, s19;
	v43 =	vld [tilespmem:s20+$0xFFFFFFE0]  }
0x248: {  	s31 =	sadd.s32 $0xFFFFFE60, s19;
	s30 =	sadd.s32 $0xFFFFFDE0, s19;
	v37 =	vor.u32 s28, v0;
	s28 =	sadd.s32 $0xFFFFFDA0, s19;
	v8 =	vor.u32 s29, v0;
	v24 =	vor.u32 s26, v0;
	v46 =	vld [tilespmem:s20+$0xFFFFFF60]  }
0x249: {  	v49 =	vor.u32 s31, v0;
	v48 =	vor.u32 s30, v0;
	s26 =	sadd.s32 $0xFFFFFD10, s19;
	s29 =	sadd.s32 $0xFFFFFD20, s19;
	v23 =	vor.u32 s28, v0;
	s28 =	sadd.s32 $0xFFFFFDF0, s19;
	v47 =	vld [tilespmem:s20+$0xFFFFFEA0]  }
0x24a: {  	v52 =	vor.u32 s24, v0;
	s24 =	sand.u32 $0xFFE0, s25;
	s30 =	sadd.s32 $0xFFFFFCF0, s19;
	v27 =	vor.u32 s26, v0;
	v51 =	vor.u32 s29, v0;
	s26 =	sadd.s32 $0xFFFFFD50, s19;
	v50 =	vld [tilespmem:s20+$0xFFFFFE80]  }
0x24b: {  	s18 =	sadd.s32 $0x5, s18;
	s25 =	sadd.s32 $0xFFFFFD40, s19;
	v53 =	vor.u32 s30, v0;
	v54 =	vor.u32 s26, v0;
	v55 =	vor.u32 s28, v0;
	s26 =	sadd.s32 $0xFFFFFF70, s19;
	v56 =	vld [tilespmem:s20+$0x10]  }
0x24c: {  	p1 =	slt.u32 s18, $0x78;
	vm1 =	vgt.f32 v32, v31;
	v57 =	vmax.f32 v32, v31;
	v31 =	vor.u32 s26, v0;
	s26 =	sadd.s32 $0xFFFFFF90, s19;
	v58 =	vld [tilespmem:s20+$0xB0]  }
0x24d: {  	v38 =	vsel vm0, v53, v38;
	vm0 =	vgt.f32 v11, v36;
	v53 =	vmax.f32 v11, v36;
	s28 =	sadd.s32 $0xFFFFFEF0, s19;
	v59 =	vld [tilespmem:s20+$0x0]  }
0x24e: {  	v32 =	vor.u32 s25, v0;
	vm3 =	vgt.f32 v41, v13;
	vm2 =	vgt.f32 v47, v35;
	v11 =	vld [tilespmem:s20+$0x150]  }
0x24f: {  	v14 =	vsel vm0, v32, v14;
	v32 =	vor.u32 s26, v0;
	v42 =	vsel vm2, v51, v42;
	v51 =	vld [tilespmem:s20+$0xA0]  }
0x250: {  	v13 =	vmax.f32 v41, v13;
	v47 =	vmax.f32 v47, v35;
	vm2 =	vgt.f32 v46, v53;
	v36 =	vld [tilespmem:s20+$0x140]  }
0x251: {  	vm4 =	vgt.f32 v34, v13;
	v13 =	vmax.f32 v34, v13;
	v35 =	vor.u32 s28, v0;
	v60 =	vld [tilespmem:s20+$0x80]  }
0x252: {  	s25 =	sadd.s32 $0xFFFFFE80, s19;
	v34 =	vmax.f32 v50, v40;
	v46 =	vmax.f32 v46, v53;
	vm5 =	vgt.f32 v56, v13;
	v41 =	vld [tilespmem:s20+$0xFFFFFF40]  }
0x253: {  	vm0 =	vgt.f32 v50, v40;
	v14 =	vsel vm2, v48, v14;
	v48 =	vor.u32 s25, v0;
	s25 =	sadd.s32 $0xFFFFFF30, s19  }
0x254: {  	s26 =	sadd.s32 $0xFFFFFE90, s19;
	v39 =	vsel vm3, v54, v39;
	s28 =	sadd.s32 $0xFFFFFF00, s19;
	v40 =	vor.u32 s25, v0;
	s25 =	sadd.s32 $0xFFFFFFC0, s19;
	vm3 =	vgt.f32 v59, v46  }
0x255: {  	v50 =	vor.u32 s26, v0;
	v13 =	vmax.f32 v56, v13;
	v53 =	vor.u32 s25, v0  }
0x256: {  	v54 =	vsel vm4, v55, v39;
	vm4 =	vgt.f32 v58, v13;
	v46 =	vmax.f32 v59, v46  }
0x257: {  	v13 =	vmax.f32 v58, v13;
	s25 =	sadd.s32 $0xFFFFFF20, s19;
	vm6 =	vgt.f32 v41, v47;
	v41 =	vmax.f32 v41, v47;
	v39 =	vld [tilespmem:s20+$0x120]  }
0x258: {  	v50 =	vsel vm5, v50, v54;
	v54 =	vor.u32 s25, v0;
	vm2 =	vgt.f32 v51, v46;
	v47 =	vld [tilespmem:s20+$0xFFFFFF50]  }
0x259: {  	v58 =	vor.u32 s28, v0;
	v40 =	vsel vm4, v40, v50;
	v55 =	vmax.f32 v43, v41;
	v56 =	vld [tilespmem:s20+$0xFFFFFFF0]  }
0x25a: {  	s26 =	sadd.s32 $0xFFFFFFA0, s19;
	s25 =	sadd.s32 $0xFFFFFD30, s19;
	v14 =	vsel vm3, v48, v14;
	vm4 =	vgt.f32 v43, v41;
	v43 =	vmax.f32 v51, v46;
	v48 =	vld [tilespmem:s20+$0x90]  }
0x25b: {  	v46 =	vor.u32 s25, v0;
	v50 =	vsel vm6, v52, v42;
	v42 =	vor.u32 s26, v0;
	v41 =	vld [tilespmem:s20+$0x130]  }
0x25c: {  	s25 =	sadd.s32 $0xFFFFFE70, s19;
	v44 =	vsel vm1, v46, v44;
	v46 =	vsel vm4, v49, v50;
	vm3 =	vgt.f32 v36, v43  }
0x25d: {  	vm4 =	vgt.f32 v60, v55;
	vm1 =	vgt.f32 v47, v57;
	v47 =	vmax.f32 v47, v57  }
0x25e: {  	v44 =	vsel vm1, v45, v44;
	v45 =	vor.u32 s25, v0;
	vm1 =	vgt.f32 v56, v47  }
0x25f: {  	v47 =	vmax.f32 v56, v47;
	v49 =	vld [tilespmem:s20+$0xFFFFFF80];
	v50 =	vsel vm1, v45, v44;
	vm1 =	vgt.f32 v11, v13  }
0x260: {  	v45 =	vsel vm4, v58, v46;
	vm4 =	vgt.f32 v48, v47;
	v44 =	vmax.f32 v48, v47;
	v51 =	vld [tilespmem:s20+$0xFFFFFEE0]  }
0x261: {  	v14 =	vsel vm2, v54, v14;
	s26 =	sadd.s32 $0xFFFFFFE0, s19;
	s25 =	sadd.s32 $0xFFFFFF60, s19;
	v46 =	vmax.f32 v60, v55;
	v15 =	vsel vm4, v15, v50;
	v47 =	vld [tilespmem:s20+$0xFFFFFF00]  }
0x262: {  	s30 =	sadd.s32 $0xFFFFFF40, s19;
	s29 =	sadd.s32 $0xFFFFFEC0, s19;
	s28 =	sadd.s32 $0xFFFFFE20, s19;
	v52 =	vor.u32 s26, v0;
	v14 =	vsel vm3, v53, v14;
	v50 =	vor.u32 s25, v0;
	v48 =	vld [tilespmem:s20+$0xFFFFFFA0]  }
0x263: {  	s26 =	sadd.s32 $0xFFFFFE00, s19;
	v53 =	vor.u32 s28, v0;
	s28 =	sadd.s32 $0xFFFFFEA0, s19;
	v56 =	vor.u32 s30, v0;
	v55 =	vor.u32 s29, v0;
	s25 =	sadd.s32 $0xFFFFFD80, s19;
	v54 =	vld [tilespmem:s20+$0x40]  }
0x264: {  	s29 =	sadd.s32 $0xFFFFFD60, s19;
	v58 =	vor.u32 s26, v0;
	v60 =	vor.u32 s28, v0;
	v57 =	vor.u32 s25, v0;
	v59 =	vld [tilespmem:s20+$0x20]  }
0x265: {  	v61 =	vor.u32 s29, v0;
	vm2 =	vgt.f32 v51, v12;
	v12 =	vmax.f32 v51, v12;
	v51 =	vld [tilespmem:s20+$0xC0]  }
0x266: {  	vm3 =	vgt.f32 v47, v10;
	v10 =	vmax.f32 v47, v10;
	vm4 =	vgt.f32 v49, v12;
	v47 =	vld [tilespmem:s20+$0x180]  }
0x267: {  	v9 =	vsel vm2, v61, v9;
	v7 =	vsel vm3, v57, v7;
	vm2 =	vgt.f32 v48, v10;
	v57 =	vld [tilespmem:s20+$0xE0]  }
0x268: {  	v12 =	vmax.f32 v49, v12;
	v9 =	vsel vm4, v58, v9;
	v10 =	vmax.f32 v48, v10;
	v48 =	vld [tilespmem:s20+$0x160]  }
0x269: {  	v58 =	vmax.f32 v54, v10;
	v49 =	vld [tilespmem:s20+$0xFFFFFF10];
	vm3 =	vgt.f32 v59, v12;
	v12 =	vmax.f32 v59, v12  }
0x26a: {  	v59 =	vld [tilespmem:s22+$0x80];
	v9 =	vsel vm3, v60, v9;
	vm3 =	vgt.f32 v54, v10;
	vm4 =	vgt.f32 v51, v12  }
0x26b: {  	v7 =	vsel vm2, v53, v7;
	s22 =	sadd.s32 $0xFFFEC650, s19;
	v10 =	vmax.f32 v51, v12;
	v54 =	vld [tilespmem:s24+$0x80];
	v9 =	vsel vm4, v56, v9  }
0x26c: {  	v7 =	vsel vm3, v55, v7;
	v51 =	vld [tilespmem:s21+$0x80];
	s21 =	sand.u32 $0xFFE0, s22;
	vm2 =	vgt.f32 v57, v58;
	v53 =	vmax.f32 v57, v58  }
0x26d: {  	v55 =	vld [tilespmem:s21+$0x80];
	v7 =	vsel vm2, v50, v7;
	vm2 =	vgt.f32 v48, v10;
	vm3 =	vgt.f32 v47, v53  }
0x26e: {  	v12 =	vmax.f32 v48, v10;
	v9 =	vsel vm2, v52, v9;
	v48 =	vld [tilespmem:s23+$0x80];
	v7 =	vsel vm3, v33, v7  }
0x26f: {  	v10 =	vmax.f32 v47, v53;
	v33 =	vld [tilespmem:s20+$0xFFFFFE90];
	vm2 =	vgt.f32 v59, v2;
	v2 =	vmax.f32 v59, v2  }
0x270: {  	v3 =	vsel vm2, v37, v3;
	vm2 =	vgt.f32 v54, v2;
	v2 =	vmax.f32 v54, v2  }
0x271: {  	v3 =	vsel vm2, v29, v3;
	v29 =	vld [tilespmem:s20+$0xFFFFFFB0];
	vm2 =	vgt.f32 v51, v2;
	v2 =	vmax.f32 v51, v2  }
0x272: {  	v3 =	vsel vm2, v30, v3;
	v30 =	vld [tilespmem:s20+$0x50];
	vm2 =	vgt.f32 v55, v2;
	v2 =	vmax.f32 v55, v2  }
0x273: {  	v3 =	vsel vm2, v28, v3;
	v28 =	vld [tilespmem:s20+$0xF0];
	vm2 =	vgt.f32 v48, v2;
	v2 =	vmax.f32 v48, v2  }
0x274: {  	s22 =	sadd.s32 $0xFFFFFED0, s19;
	s21 =	sadd.s32 $0xFFFFFD90, s19;
	vm4 =	vgt.f32 v49, v25;
	vm3 =	vgt.f32 v33, v4;
	v3 =	vsel vm2, v26, v3  }
0x275: {  	v47 =	vor.u32 s22, v0;
	v25 =	vmax.f32 v49, v25;
	v26 =	vor.u32 s21, v0;
	v37 =	vld [tilespmem:s20+$0xFFFFFF30]  }
0x276: {  	s21 =	sadd.s32 $0xFFFFFE30, s19;
	v26 =	vsel vm4, v26, v38;
	vm2 =	vgt.f32 v29, v25;
	v25 =	vmax.f32 v29, v25;
	v29 =	vld [tilespmem:s20+$0xFFFFFFD0]  }
0x277: {  	v38 =	vor.u32 s21, v0;
	vm4 =	vgt.f32 v30, v25;
	v25 =	vmax.f32 v30, v25  }
0x278: {  	v26 =	vsel vm2, v38, v26;
	v30 =	vld [tilespmem:s20+$0x70];
	vm2 =	vgt.f32 v28, v25;
	v25 =	vmax.f32 v28, v25  }
0x279: {  	v4 =	vmax.f32 v33, v4;
	v5 =	vsel vm3, v27, v5;
	s21 =	sadd.s32 $0xFFFFFDB0, s19;
	v26 =	vsel vm4, v47, v26;
	v27 =	vld [tilespmem:s20+$0x110]  }
0x27a: {  	v28 =	vor.u32 s21, v0;
	vm3 =	vgt.f32 v37, v4;
	v4 =	vmax.f32 v37, v4  }
0x27b: {  	v38 =	vsel vm2, v31, v26;
	v5 =	vsel vm3, v28, v5;
	vm3 =	vgt.f32 v29, v4  }
0x27c: {  	v36 =	vmax.f32 v36, v43;
	v4 =	vmax.f32 v29, v4;
	v5 =	vsel vm3, v22, v5  }
0x27d: {  	vm3 =	vgt.f32 v39, v46;
	vm2 =	vgt.f32 v30, v4;
	v4 =	vmax.f32 v30, v4  }
0x27e: {  	v22 =	vld [tilespmem:s20+$0x60];
	v5 =	vsel vm2, v35, v5;
	vm2 =	vgt.f32 v27, v4;
	v4 =	vmax.f32 v27, v4  }
0x27f: {  	v42 =	vsel vm3, v42, v45;
	v35 =	vmax.f32 v39, v46;
	v26 =	vld [tilespmem:s20+$0x100];
	v5 =	vsel vm2, v32, v5  }
.Ltmp4:
0x280: {  	v31 =	vmax.f32 v41, v44;
	v39 =	vsel vm1, v24, v40;
	vm2 =	vgt.f32 v41, v44;
	(pc) =	sbr.rel @p1 .LBB2_11-.Ltmp4, $4  }
0x281: {  	v16 =	vsel vm0, v19, v16;
	vm0 =	vgt.f32 v20, v34;
	v19 =	vmax.f32 v20, v34  }
0x282: {  	v16 =	vsel vm0, v23, v16;
	vm0 =	vgt.f32 v18, v19;
	v18 =	vmax.f32 v18, v19  }
0x283: {  	v16 =	vsel vm0, v17, v16;
	vm0 =	vgt.f32 v22, v18;
	v17 =	vmax.f32 v22, v18  }
0x284: {  	s19 =	sadd.s32 $0x320, s19;
	s20 =	sadd.s32 $0x320, s20;
	v16 =	vsel vm0, v21, v16;
	vm0 =	vgt.f32 v26, v17;
	v40 =	vmax.f32 v26, v17  }
0x285: {  	v8 =	vsel vm0, v8, v16  }
0x286: {  	vm13 =	veq.f32 v40, v25;
	vm1 =	vlt.s32 v8, v38  }
0x287: {  	vm14 =	vgt.f32 v40, v25;
	vm0 =	vmand vm13, vm1  }
0x288: {  	vm0 =	vmor vm14, vm0  }
0x289: {  	v59 =	vsel vm0, v40, v25;
	v8 =	vsel vm0, v8, v38  }
0x28a: {  	vm15 =	veq.f32 v4, v59;
	vm4 =	vlt.s32 v5, v8  }
0x28b: {  	vm5 =	vgt.f32 v4, v59;
	vm0 =	vmand vm15, vm4  }
0x28c: {  	vm0 =	vmor vm5, vm0  }
0x28d: {  	v60 =	vsel vm0, v4, v59;
	v61 =	vsel vm0, v5, v8  }
0x28e: {  	vm6 =	veq.f32 v35, v60;
	vm7 =	vlt.s32 v42, v61  }
0x28f: {  	vm8 =	vgt.f32 v35, v60;
	vm0 =	vmand vm6, vm7  }
0x290: {  	vm0 =	vmor vm8, vm0  }
0x291: {  	v6 =	vsel vm2, v6, v15;
	v4 =	vsel vm0, v35, v60;
	v5 =	vsel vm0, v42, v61  }
0x292: {  	vm9 =	veq.f32 v31, v4;
	vm10 =	vlt.s32 v6, v5  }
0x293: {  	vm11 =	vgt.f32 v31, v4;
	vm0 =	vmand vm9, vm10  }
0x294: {  	vm0 =	vmor vm11, vm0  }
0x295: {  	v4 =	vsel vm0, v31, v4;
	v5 =	vsel vm0, v6, v5  }
0x296: {  	vm12 =	veq.f32 v36, v4;
	vm13 =	vlt.s32 v14, v5  }
0x297: {  	vm14 =	vgt.f32 v36, v4;
	vm0 =	vmand vm12, vm13  }
0x298: {  	vm0 =	vmor vm14, vm0  }
0x299: {  	v62 =	vmax.f32 v11, v13;
	v4 =	vsel vm0, v36, v4;
	v5 =	vsel vm0, v14, v5  }
0x29a: {  	vm15 =	veq.f32 v62, v4;
	vm4 =	vlt.s32 v39, v5  }
0x29b: {  	vm5 =	vgt.f32 v62, v4;
	vm0 =	vmand vm15, vm4  }
0x29c: {  	vm0 =	vmor vm5, vm0  }
0x29d: {  	v4 =	vsel vm0, v62, v4;
	v5 =	vsel vm0, v39, v5  }
0x29e: {  	vm6 =	veq.f32 v12, v4;
	vm7 =	vlt.s32 v9, v5  }
0x29f: {  	vm8 =	vgt.f32 v12, v4;
	vm0 =	vmand vm6, vm7  }
0x2a0: {  	vm0 =	vmor vm8, vm0  }
0x2a1: {  	v4 =	vsel vm0, v12, v4;
	v5 =	vsel vm0, v9, v5  }
0x2a2: {  	vm9 =	veq.f32 v2, v4;
	vm10 =	vlt.s32 v3, v5  }
0x2a3: {  	vm11 =	vgt.f32 v2, v4;
	vm0 =	vmand vm9, vm10  }
0x2a4: {  	vm0 =	vmor vm11, vm0  }
0x2a5: {  	v2 =	vsel vm0, v2, v4;
	v63 =	vsel vm0, v3, v5  }
0x2a6: {  	vm12 =	veq.f32 v10, v2;
	vm13 =	vlt.s32 v7, v63  }
0x2a7: {  	vm14 =	vgt.f32 v10, v2;
	vm0 =	vmand vm12, vm13  }
0x2a8: {  	vm0 =	vmor vm14, vm0  }
0x2a9: {  	v3 =	vsel vm0, v10, v2  }
0x2aa: {  	(v2sf) =	vpush v3, $0x0;
	_ =	sdelay $0x1  }
0x2ab: {  	v2 =	vsel vm0, v7, v63  }
0x2ac: {  	(v2sf) =	vpush v2, $0x0;
	_ =	sdelay $0x2  }
0x2ad: {  	(v2sf) =	vpush v3, $0x1;
	_ =	sdelay $0x2  }
0x2ae: {  	(v2sf) =	vpush v2, $0x1;
	_ =	sdelay $0x4  }
0x2af: {  	(v2sf) =	vpush v3, $0x2  }
0x2b0: {  	s19 =	spop (v2sf);
	(v2sf) =	vpush v2, $0x2;
	_ =	sdelay $0x2  }
0x2b1: {  	s18 =	spop (v2sf);
	p1 =	seq.f32 s19, $-Inf  }
0x2b2: {  	p2 =	sne.s32 s18, $0x7FFFFFFF  }
0x2b3: {  	p3 =	sgt.f32 s19, $-Inf;
	(v2sf) =	vpush v3, $0x3;
	p1 =	por !p1, !p2  }
0x2b4: {  	s20 =	spop (v2sf);
	(v2sf) =	vpush v2, $0x3;
	p1 =	por !p1, !p1  }
0x2b5: {  	p1 =	por p3, p1  }
0x2b6: {  	s19 =	simm.s32 @!p1 $0xFF800000  }
0x2b7: {  	s21 =	spop (v2sf);
	s18 =	simm.s32 @!p1 $0x7FFFFFFF;
	p4 =	seq.f32 s20, s19  }
0x2b8: {  	p5 =	slt.s32 s21, s18  }
0x2b9: {  	(v2sf) =	vpush v3, $0x4;
	p6 =	sgt.f32 s20, s19;
	p1 =	por !p4, !p5  }
0x2ba: {  	p1 =	por !p1, !p1  }
0x2bb: {  	p1 =	por p6, p1  }
0x2bc: {  	s19 =	smov.u32 @p1 s20;
	s20 =	spop (v2sf);
	(v2sf) =	vpush v2, $0x4  }
0x2bd: {  	s18 =	smov.u32 @p1 s21;
	p4 =	seq.f32 s20, s19;
	s21 =	spop (v2sf)  }
0x2be: {  	p5 =	slt.s32 s21, s18  }
0x2bf: {  	p6 =	sgt.f32 s20, s19;
	p1 =	por !p4, !p5  }
0x2c0: {  	p1 =	por !p1, !p1  }
0x2c1: {  	(v2sf) =	vpush v3, $0x5;
	p1 =	por p6, p1  }
0x2c2: {  	s19 =	smov.u32 @p1 s20;
	s20 =	spop (v2sf);
	(v2sf) =	vpush v2, $0x5  }
0x2c3: {  	s18 =	smov.u32 @p1 s21;
	s21 =	spop (v2sf);
	p4 =	seq.f32 s20, s19  }
0x2c4: {  	p5 =	slt.s32 s21, s18  }
0x2c5: {  	p6 =	sgt.f32 s20, s19;
	p1 =	por !p4, !p5  }
0x2c6: {  	p1 =	por !p1, !p1  }
0x2c7: {  	(v2sf) =	vpush v3, $0x6;
	p1 =	por p6, p1  }
0x2c8: {  	s19 =	smov.u32 @p1 s20;
	s20 =	spop (v2sf);
	(v2sf) =	vpush v2, $0x6;
	_ =	sdelay $0x2  }
0x2c9: {  	s18 =	smov.u32 @p1 s21;
	s21 =	spop (v2sf);
	p4 =	seq.f32 s20, s19  }
0x2ca: {  	p5 =	slt.s32 s21, s18  }
0x2cb: {  	p6 =	sgt.f32 s20, s19;
	(v2sf) =	vpush v3, $0x7;
	p1 =	por !p4, !p5  }
0x2cc: {  	p1 =	por !p1, !p1  }
0x2cd: {  	p1 =	por p6, p1  }
0x2ce: {  	s19 =	smov.u32 @p1 s20;
	s20 =	spop (v2sf);
	(v2sf) =	vpush v2, $0x7  }
0x2cf: {  	s18 =	smov.u32 @p1 s21;
	p4 =	seq.f32 s20, s19;
	s21 =	spop (v2sf)  }
0x2d0: {  	p5 =	slt.s32 s21, s18  }
0x2d1: {  	p6 =	sgt.f32 s20, s19;
	p1 =	por !p4, !p5  }
0x2d2: {  	p1 =	por !p1, !p1  }
0x2d3: {  	(v2sf) =	vpush v3, $0x8;
	p1 =	por p6, p1  }
0x2d4: {  	s19 =	smov.u32 @p1 s20;
	s20 =	spop (v2sf);
	(v2sf) =	vpush v2, $0x8  }
0x2d5: {  	s18 =	smov.u32 @p1 s21;
	s21 =	spop (v2sf);
	p4 =	seq.f32 s20, s19  }
0x2d6: {  	p5 =	slt.s32 s21, s18  }
0x2d7: {  	p6 =	sgt.f32 s20, s19;
	p1 =	por !p4, !p5  }
0x2d8: {  	p1 =	por !p1, !p1  }
0x2d9: {  	(v2sf) =	vpush v3, $0x9;
	p1 =	por p6, p1  }
0x2da: {  	s19 =	smov.u32 @p1 s20;
	s20 =	spop (v2sf);
	(v2sf) =	vpush v2, $0x9;
	_ =	sdelay $0x2  }
0x2db: {  	s18 =	smov.u32 @p1 s21;
	s21 =	spop (v2sf);
	p4 =	seq.f32 s20, s19  }
0x2dc: {  	p5 =	slt.s32 s21, s18  }
0x2dd: {  	p6 =	sgt.f32 s20, s19;
	(v2sf) =	vpush v3, $0xA;
	p1 =	por !p4, !p5  }
0x2de: {  	p1 =	por !p1, !p1  }
0x2df: {  	p1 =	por p6, p1  }
0x2e0: {  	s19 =	smov.u32 @p1 s20;
	s20 =	spop (v2sf);
	(v2sf) =	vpush v2, $0xA  }
0x2e1: {  	s18 =	smov.u32 @p1 s21;
	p4 =	seq.f32 s20, s19;
	s21 =	spop (v2sf)  }
0x2e2: {  	p5 =	slt.s32 s21, s18  }
0x2e3: {  	p6 =	sgt.f32 s20, s19;
	p1 =	por !p4, !p5  }
0x2e4: {  	p1 =	por !p1, !p1  }
0x2e5: {  	(v2sf) =	vpush v3, $0xB;
	p1 =	por p6, p1  }
0x2e6: {  	s19 =	smov.u32 @p1 s20;
	s20 =	spop (v2sf);
	(v2sf) =	vpush v2, $0xB  }
0x2e7: {  	s18 =	smov.u32 @p1 s21;
	s21 =	spop (v2sf);
	p4 =	seq.f32 s20, s19  }
0x2e8: {  	p5 =	slt.s32 s21, s18  }
0x2e9: {  	p6 =	sgt.f32 s20, s19;
	p1 =	por !p4, !p5  }
0x2ea: {  	p1 =	por !p1, !p1  }
0x2eb: {  	(v2sf) =	vpush v3, $0xC;
	p1 =	por p6, p1  }
0x2ec: {  	s19 =	smov.u32 @p1 s20;
	s20 =	spop (v2sf);
	(v2sf) =	vpush v2, $0xC;
	_ =	sdelay $0x2  }
0x2ed: {  	s18 =	smov.u32 @p1 s21;
	s21 =	spop (v2sf);
	p4 =	seq.f32 s20, s19  }
0x2ee: {  	p5 =	slt.s32 s21, s18  }
0x2ef: {  	p6 =	sgt.f32 s20, s19;
	(v2sf) =	vpush v3, $0xD;
	p1 =	por !p4, !p5  }
0x2f0: {  	(v2sf) =	vpush v2, $0xD;
	p1 =	por !p1, !p1  }
0x2f1: {  	p1 =	por p6, p1  }
0x2f2: {  	s19 =	smov.u32 @p1 s20;
	s20 =	spop (v2sf)  }
0x2f3: {  	s18 =	smov.u32 @p1 s21;
	p4 =	seq.f32 s20, s19;
	s21 =	spop (v2sf)  }
0x2f4: {  	p5 =	slt.s32 s21, s18  }
0x2f5: {  	(v2sf) =	vpush v3, $0xE;
	p6 =	sgt.f32 s20, s19;
	p1 =	por !p4, !p5  }
0x2f6: {  	(v2sf) =	vpush v2, $0xE;
	p1 =	por !p1, !p1  }
0x2f7: {  	p1 =	por p6, p1  }
0x2f8: {  	s19 =	smov.u32 @p1 s20;
	s20 =	spop (v2sf)  }
0x2f9: {  	s18 =	smov.u32 @p1 s21;
	s21 =	spop (v2sf);
	p4 =	seq.f32 s20, s19  }
0x2fa: {  	p5 =	slt.s32 s21, s18  }
0x2fb: {  	p6 =	sgt.f32 s20, s19;
	(v2sf) =	vpush v3, $0xF;
	p1 =	por !p4, !p5  }
0x2fc: {  	(v2sf) =	vpush v2, $0xF;
	p1 =	por !p1, !p1  }
0x2fd: {  	p1 =	por p6, p1  }
0x2fe: {  	s22 =	spop (v2sf);
	s19 =	smov.u32 @p1 s20  }
0x2ff: {  	s20 =	spop (v2sf);
	s18 =	smov.u32 @p1 s21;
	p4 =	seq.f32 s22, s19  }
0x300: {  	p5 =	slt.s32 s20, s18  }
0x301: {  	p6 =	sgt.f32 s22, s19;
	p1 =	por !p4, !p5  }
0x302: {  	p1 =	por !p1, !p1  }
0x303: {  	p1 =	por p6, p1  }
0x304: {  	s21 =	spop (v2sf);
	s19 =	smov.u32 @p1 s22  }
0x305: {  	s22 =	spop (v2sf);
	s18 =	smov.u32 @p1 s20;
	p4 =	seq.f32 s21, s19  }
0x306: {  	p5 =	slt.s32 s22, s18  }
0x307: {  	p6 =	sgt.f32 s21, s19;
	p1 =	por !p4, !p5  }
0x308: {  	p1 =	por !p1, !p1  }
0x309: {  	p1 =	por p6, p1  }
0x30a: {  	s31 =	spop (v2sf);
	s19 =	smov.u32 @p1 s21  }
0x30b: {  	s18 =	smov.u32 @p1 s22;
	s21 =	spop (v2sf);
	p1 =	seq.f32 s31, s19  }
.Ltmp5:
0x30c: {  	p2 =	slt.s32 s21, s18;
	s22 =	smov.u32 s18;
	(pc) =	sbr.rel @p0 .LBB2_2-.Ltmp5, $4  }
0x30d: {  	p3 =	sgt.f32 s31, s19;
	s22 =	smov.u32 @p2 s21  }
0x30e: {  	v2 =	vmov s17;
	s18 =	smov.u32 @p1 s22  }
0x30f: {  	vm15 =	veq.s32 v2, v0;
	s18 =	smov.u32 @p3 s21  }
0x310: {  	s17 =	simm.s32 $0x1;
	p1 =	por $0x0, $0x0;
	v1 =	vsel vm15, s18, v1  }
0x311: {  	s16 =	sadd.s32 $0x1, s16  }
0x312: {  	p0 =	sne.s32 s16, s6  }
.Ltmp6:
0x313: {  	[tilespmem:$0x13A00] =	vst v1;
	(pc) =	sbr.rel @p0 .LBB2_1-.Ltmp6, $4  }
0x314: {  	[hbm4b:s5+s3] =	stream.linear.scatter [tilespmem:s14], [sflag:$0x5], $0x10, $0x38;
	[tilespmem:$0x13A80] =	vst v63  }
0x315: {  	_ =	swait.ge [sflag:s15], $0x10  }
0x316: {  	[sflag:s15] =	ssyncset.done $0x0  }
0x317: {  	[sflag:s15] =	ssyncadd.s32 $0xFFFFFFF0  }
0x318: {  	_ =	sfence.sel $0x180000  }
0x319: {  	[bflag:$0x0] =	sbarrier.arrive $0xFFFF  }
0x31a: {  	p0 =	sne.s32 s2, $0x0;
	_ =	strace $0x90000047  }
0x31b: {  	s0 =	sadd.s32 @!p0 $0x100000, s0;
	[bflag:$0x2] =	sbarrier.arrive $0xFFFF  }
0x31c: {  	[sflag:s0] =	ssyncadd.tile.s32 @!p0 $0x1;
	_ =	shalt  }
.Lfunc_end2:
_tile_overlayer_lowered:
.L_overlay_start_2:
0x31d: {  	(tag) =	ssettag $0x2  }
0x31e: {  	s0 =	rddreg [dreg:$0x0];
	s2 =	stileid.u32  }
0x31f: {  	s1 =	rddreg [dreg:$0x1];
	p0 =	sne.s32 s2, $0x0  }
0x320: {  	s3 =	rddreg [dreg:$0x2];
	[bflag:$0x3] =	sbarrier.arrive $0xFFFF;
	s2 =	simm.s32 @!p0 $0x1C05  }
0x321: {  	[timem:s3], [sflag:s2] =	dma.local @!p0 [hbm:s0], s1  }
0x322: {  	s0 =	simm.s32 @!p0 $0x5  }
0x323: {  	_ =	swait.ge @!p0 [sflag:s0], s1  }
0x324: {  	s1 =	ssub.s32 @!p0 $0x0, s1;
	[sflag:s0] =	ssyncset.done @!p0 $0x0  }
0x325: {  	[sflag:s0] =	ssyncadd.s32 @!p0 s1  }
0x326: {  	[bflag:$0x3] =	sbarrier.arrive $0xFFFF  }
0x327: {  	_ =	shalt  }

</sc_bundles>
